<compile_context>
chip_gen: v7x
topology: tpu7x:2x2x1
jax: 0.10.2.dev20260603
libtpu: 0.0.44.dev20260713+nightly
codegen_flags: <defaults>
</compile_context>

<pallas_src>
import functools
import math

import jax
import jax.numpy as jnp
from jax import lax
from jax.experimental import pallas as pl
from jax.experimental.pallas import tpu as pltpu
from jax.experimental.pallas import tpu_sc as plsc

B, T, N, C = 16, 50, 55, 6
NT = T * N
NTP = NT + 2
MP = B * NTP
RT = 1024
S_BN = 1.0 / math.sqrt(1.0 + 1e-5)
NSUB = 16

_f32 = jnp.float32
_i32 = jnp.int32


def _row(i):
    return (i, 0)


def _rep(i):
    return (0, 0)


def _gelu(v):
    return 0.5 * v * (1.0 + jax.lax.erf(v * (1.0 / math.sqrt(2.0))))


def _ka_body(x_ref, Wp_ref, bp_ref, g1W_ref, r1W_ref, r1b_ref, dis_ref,
             up1_ref, res1_ref):
    h0 = jnp.dot(x_ref[...], Wp_ref[...],
                 preferred_element_type=_f32) + bp_ref[...]
    up1_ref[...] = jnp.dot(h0, g1W_ref[...],
                           preferred_element_type=_f32) * dis_ref[...]
    res1_ref[...] = jnp.dot(h0, r1W_ref[...],
                            preferred_element_type=_f32) + r1b_ref[...]


def _ka(x, Wp, bp, g1W, r1W, r1b, dis_s_col):
    return pl.pallas_call(
        _ka_body,
        grid=(MP // RT,),
        in_specs=[
            pl.BlockSpec((RT, 8), _row),
            pl.BlockSpec((8, 64), _rep),
            pl.BlockSpec((1, 64), _rep),
            pl.BlockSpec((64, 128), _rep),
            pl.BlockSpec((64, 128), _rep),
            pl.BlockSpec((1, 128), _rep),
            pl.BlockSpec((RT, 1), _row),
        ],
        out_specs=[pl.BlockSpec((RT, 128), _row),
                   pl.BlockSpec((RT, 128), _row)],
        out_shape=[jax.ShapeDtypeStruct((MP, 128), _f32),
                   jax.ShapeDtypeStruct((MP, 128), _f32)],
    )(x, Wp, bp, g1W, r1W, r1b, dis_s_col)


def _post_pre_body(acc_ref, up_ref, res_ref, disa_ref, gb_ref, bng_ref,
                   bnb_ref, W_ref, disb_ref, h_ref, upn_ref):
    v = disa_ref[...] * (acc_ref[...] + up_ref[...]) + gb_ref[...]
    h = _gelu(v * bng_ref[...] + bnb_ref[...] + res_ref[...])
    h_ref[...] = h
    upn_ref[...] = jnp.dot(h, W_ref[...],
                           preferred_element_type=_f32) * disb_ref[...]


def _post_pre(acc, up, res, dis_a, gb, bng_eff, bnb, W, dis_b):
    Fin = up.shape[1]
    Fout = W.shape[1]
    return pl.pallas_call(
        _post_pre_body,
        grid=(MP // RT,),
        in_specs=[
            pl.BlockSpec((RT, Fin), _row),
            pl.BlockSpec((RT, Fin), _row),
            pl.BlockSpec((RT, Fin), _row),
            pl.BlockSpec((RT, 1), _row),
            pl.BlockSpec((1, Fin), _rep),
            pl.BlockSpec((1, Fin), _rep),
            pl.BlockSpec((1, Fin), _rep),
            pl.BlockSpec((Fin, Fout), _rep),
            pl.BlockSpec((RT, 1), _row),
        ],
        out_specs=[pl.BlockSpec((RT, Fin), _row),
                   pl.BlockSpec((RT, Fout), _row)],
        out_shape=[jax.ShapeDtypeStruct((MP, Fin), _f32),
                   jax.ShapeDtypeStruct((MP, Fout), _f32)],
    )(acc, up, res, dis_a, gb, bng_eff, bnb, W, dis_b)


def _post_pre2_body(acc_ref, up_ref, res_ref, disa_ref, gb_ref, bng_ref,
                    bnb_ref, W_ref, rW_ref, rb_ref, disb_ref,
                    upn_ref, resn_ref):
    v = disa_ref[...] * (acc_ref[...] + up_ref[...]) + gb_ref[...]
    h = _gelu(v * bng_ref[...] + bnb_ref[...] + res_ref[...])
    upn_ref[...] = jnp.dot(h, W_ref[...],
                           preferred_element_type=_f32) * disb_ref[...]
    resn_ref[...] = jnp.dot(h, rW_ref[...],
                            preferred_element_type=_f32) + rb_ref[...]


def _post_pre2(acc, up, res, dis_a, gb, bng_eff, bnb, W, rW, rb, dis_b):
    Fin = up.shape[1]
    Fout = W.shape[1]
    return pl.pallas_call(
        _post_pre2_body,
        grid=(MP // RT,),
        in_specs=[
            pl.BlockSpec((RT, Fin), _row),
            pl.BlockSpec((RT, Fin), _row),
            pl.BlockSpec((RT, Fin), _row),
            pl.BlockSpec((RT, 1), _row),
            pl.BlockSpec((1, Fin), _rep),
            pl.BlockSpec((1, Fin), _rep),
            pl.BlockSpec((1, Fin), _rep),
            pl.BlockSpec((Fin, Fout), _rep),
            pl.BlockSpec((Fin, Fout), _rep),
            pl.BlockSpec((1, Fout), _rep),
            pl.BlockSpec((RT, 1), _row),
        ],
        out_specs=[pl.BlockSpec((RT, Fout), _row),
                   pl.BlockSpec((RT, Fout), _row)],
        out_shape=[jax.ShapeDtypeStruct((MP, Fout), _f32),
                   jax.ShapeDtypeStruct((MP, Fout), _f32)],
    )(acc, up, res, dis_a, gb, bng_eff, bnb, W, rW, rb, dis_b)


def _kpool_body(acc_ref, up_ref, res_ref, dis_ref, gb_ref, bng_ref, bnb_ref,
                out_ref):
    v = dis_ref[...] * (acc_ref[...] + up_ref[...]) + gb_ref[...]
    h4 = _gelu(v * bng_ref[...] + bnb_ref[...] + res_ref[...])
    ti = jax.lax.broadcasted_iota(_i32, (56, NTP), 0)
    ri = jax.lax.broadcasted_iota(_i32, (56, NTP), 1)
    sel = jnp.where((ri // N == ti) & (ri < NT), 1.0 / N, 0.0).astype(_f32)
    out_ref[0] = jnp.dot(sel, h4, preferred_element_type=_f32)


def _kpool(acc, up, res, dis_t_col, gb, bng_eff, bnb):
    return pl.pallas_call(
        _kpool_body,
        grid=(B,),
        in_specs=[
            pl.BlockSpec((NTP, 256), _row),
            pl.BlockSpec((NTP, 256), _row),
            pl.BlockSpec((NTP, 256), _row),
            pl.BlockSpec((NTP, 1), _row),
            pl.BlockSpec((1, 256), _rep),
            pl.BlockSpec((1, 256), _rep),
            pl.BlockSpec((1, 256), _rep),
        ],
        out_specs=pl.BlockSpec((1, 56, 256), lambda i: (i, 0, 0)),
        out_shape=jax.ShapeDtypeStruct((B, 56, 256), _f32),
    )(acc, up, res, dis_t_col, gb, bng_eff, bnb)


def _khead_body(hT_ref, a1_ref, a1b_ref, a2_ref, lng_ref, lnb_ref,
                c1_ref, c1b_ref, c2_ref, c2b_ref, out_ref):
    ti = jax.lax.broadcasted_iota(_i32, (56, 1), 0)
    tmask = ti < T
    for b in range(B):
        x = hT_ref[b]
        t = jnp.tanh(jnp.dot(x, a1_ref[...],
                             preferred_element_type=_f32) + a1b_ref[...])
        logits = jnp.dot(t, a2_ref[...], preferred_element_type=_f32)
        logits = jnp.where(tmask, logits, -1e30)
        e = jnp.exp(logits - jnp.max(logits, axis=0, keepdims=True))
        e = jnp.where(tmask, e, 0.0)
        w = e / jnp.sum(e, axis=0, keepdims=True)
        pooled = jnp.sum(x * w, axis=0, keepdims=True)
        mu = jnp.mean(pooled, axis=1, keepdims=True)
        var = jnp.mean((pooled - mu) ** 2, axis=1, keepdims=True)
        z = (pooled - mu) * jax.lax.rsqrt(var + 1e-5) * lng_ref[...] \
            + lnb_ref[...]
        z1 = _gelu(jnp.dot(z, c1_ref[...],
                           preferred_element_type=_f32) + c1b_ref[...])
        out_ref[pl.ds(b, 1), :] = jnp.dot(
            z1, c2_ref[...], preferred_element_type=_f32) + c2b_ref[...]


def _khead(hT, a1, a1b, a2, lng, lnb, c1, c1b, c2, c2b):
    return pl.pallas_call(
        _khead_body,
        grid=(1,),
        in_specs=[
            pl.BlockSpec((B, 56, 256), lambda i: (0, 0, 0)),
            pl.BlockSpec((256, 64), _rep),
            pl.BlockSpec((1, 64), _rep),
            pl.BlockSpec((64, 1), _rep),
            pl.BlockSpec((1, 256), _rep),
            pl.BlockSpec((1, 256), _rep),
            pl.BlockSpec((256, 256), _rep),
            pl.BlockSpec((1, 256), _rep),
            pl.BlockSpec((256, 104), _rep),
            pl.BlockSpec((1, 104), _rep),
        ],
        out_specs=pl.BlockSpec((B, 104), _rep),
        out_shape=jax.ShapeDtypeStruct((B, 104), _f32),
    )(hT, a1, a1b, a2, lng, lnb, c1, c1b, c2, c2b)


RT2 = 344


def _tmm_body(A_ref, up_ref, out_ref):
    out_ref[0] = jnp.dot(A_ref[...], up_ref[0],
                         preferred_element_type=_f32)


def _tmm(A, up):
    up3 = up.reshape(B, NTP, 256)
    out = pl.pallas_call(
        _tmm_body,
        grid=(B, NTP // RT2),
        in_specs=[
            pl.BlockSpec((RT2, NTP), lambda b, i: (i, 0)),
            pl.BlockSpec((1, NTP, 256), lambda b, i: (b, 0, 0)),
        ],
        out_specs=pl.BlockSpec((1, RT2, 256), lambda b, i: (b, i, 0)),
        out_shape=jax.ShapeDtypeStruct((B, NTP, 256), _f32),
    )(A, up3)
    return out.reshape(MP, 256)


def _flat_edges(s_ei, t_ei):
    goffs = (jnp.arange(T, dtype=_i32) * N)[:, None]
    sr0 = (s_ei[0][None, :] + goffs).reshape(-1)
    sc0 = (s_ei[1][None, :] + goffs).reshape(-1)
    offs = jnp.arange(B, dtype=_i32) * NTP
    sri = (sr0[None, :] + offs[:, None]).reshape(-1)
    sci = (sc0[None, :] + offs[:, None]).reshape(-1)
    tri = (t_ei[0][None, :] + offs[:, None]).reshape(-1)
    tci = (t_ei[1][None, :] + offs[:, None]).reshape(-1)
    return sri, sci, tri, tci


def kernel(x, s_ei, t_ei, Wp, bp, g1_W, g1_b, bn1_g, bn1_b, r1_W, r1_b,
           g2_W, g2_b, bn2_g, bn2_b, g3_W, g3_b, bn3_g, bn3_b, r3_W, r3_b,
           g4_W, g4_b, bn4_g, bn4_b, a1_W, a1_b, a2_W, a2_b, ln_g, ln_b,
           c1_W, c1_b, c2_W, c2_b):
    xf = jnp.pad(x.reshape(B, NT, C), ((0, 0), (0, 2), (0, 2)))
    xf = xf.reshape(MP, 8)

    deg_s = jnp.zeros((N,), _f32).at[s_ei[1]].add(1.0)
    deg_t = jnp.zeros((NT,), _f32).at[t_ei[1]].add(1.0)
    dis_s = jax.lax.rsqrt(deg_s + 1.0)
    dis_t = jax.lax.rsqrt(deg_t + 1.0)
    pad1 = jnp.ones((2,), _f32)
    dis_s_col = jnp.tile(jnp.concatenate([jnp.tile(dis_s, T), pad1]),
                         B)[:, None]
    dis_t_col = jnp.tile(jnp.concatenate([dis_t, pad1]), B)[:, None]

    sri, sci, tri, tci = _flat_edges(s_ei, t_ei)
    At = jnp.zeros((NTP, NTP), _f32).at[t_ei[1], t_ei[0]].add(1.0)

    def scat(up, r, c):
        return jnp.zeros(up.shape, _f32).at[c].add(up[r])

    def r2(v):
        return v[None, :]

    up1, res1 = _ka(xf, jnp.pad(Wp, ((0, 2), (0, 0))), r2(bp),
                    g1_W, r1_W, r2(r1_b), dis_s_col)
    acc1 = scat(up1, sri, sci)
    h1, up2 = _post_pre(acc1, up1, res1, dis_s_col, r2(g1_b),
                        r2(bn1_g) * S_BN, r2(bn1_b), g2_W, dis_s_col)
    acc2 = scat(up2, sri, sci)
    up3, res3 = _post_pre2(acc2, up2, h1, dis_s_col, r2(g2_b),
                           r2(bn2_g) * S_BN, r2(bn2_b), g3_W, r3_W,
                           r2(r3_b), dis_t_col)
    acc3 = _tmm(At, up3)
    h3, up4 = _post_pre(acc3, up3, res3, dis_t_col, r2(g3_b),
                        r2(bn3_g) * S_BN, r2(bn3_b), g4_W, dis_t_col)
    acc4 = _tmm(At, up4)
    hT = _kpool(acc4, up4, h3, dis_t_col, r2(g4_b),
                r2(bn4_g) * S_BN, r2(bn4_b))

    out = _khead(hT, a1_W, r2(a1_b), a2_W, r2(ln_g), r2(ln_b),
                 c1_W, r2(c1_b), jnp.pad(c2_W, ((0, 0), (0, 4))),
                 jnp.pad(r2(c2_b), ((0, 0), (0, 4))))
    return out[:, :100]

# --- scband reference (transcript-rebuilt; emitter-appended) ---
"""Pipeline reference for scband-pure-stgcn-83580063580899 (READ-ONLY COPY).

The authoritative reference and input builder live on the scoring server;
editing this copy changes nothing except your own understanding.
"""

import jax, jax.numpy as jnp
import numpy as np


def _batch_ei(ei, B, N):
    offs = jnp.arange(B, dtype=ei.dtype) * N
    blocks = ei[None, :, :] + offs[:, None, None]
    return jnp.transpose(blocks, (1, 0, 2)).reshape(2, -1)


def _gcn(x, ei, W, b):
    # PyG GCNConv: x @ W, add self loops, sym-normalize, scatter-add, + bias
    n = x.shape[0]
    h = x @ W
    loop = jnp.arange(n, dtype=ei.dtype)
    row = jnp.concatenate([ei[0], loop])
    col = jnp.concatenate([ei[1], loop])
    deg = jnp.zeros((n,), h.dtype).at[col].add(1.0)
    dis = jnp.where(deg > 0, 1.0 / jnp.sqrt(deg), 0.0)
    norm = dis[row] * dis[col]
    out = jnp.zeros_like(h).at[col].add(h[row] * norm[:, None])
    return out + b


def _bn(x, g, b):
    # BatchNorm1d in eval mode with default running stats (mean=0, var=1), eps=1e-5
    return x / jnp.sqrt(1.0 + 1e-5) * g + b


def _block(x, ei, gW, gb, bg, bb, rW=None, rb=None):
    res = x if rW is None else x @ rW + rb
    return jax.nn.gelu(_bn(_gcn(x, ei, gW, gb), bg, bb) + res, approximate=False)


def _forward(s_ei, t_ei, x, Wp, bp, g1_W, g1_b, bn1_g, bn1_b, r1_W, r1_b, g2_W, g2_b, bn2_g, bn2_b, g3_W, g3_b, bn3_g, bn3_b, r3_W, r3_b, g4_W, g4_b, bn4_g, bn4_b, a1_W, a1_b, a2_W, a2_b, ln_g, ln_b, c1_W, c1_b, c2_W, c2_b):
    B, T, N, C = x.shape
    h = x.reshape(B * T * N, C) @ Wp + bp
    sei = _batch_ei(s_ei, B * T, N)
    h = _block(h, sei, g1_W, g1_b, bn1_g, bn1_b, r1_W, r1_b)
    h = _block(h, sei, g2_W, g2_b, bn2_g, bn2_b)
    tei = _batch_ei(t_ei, B, T * N)
    h = _block(h, tei, g3_W, g3_b, bn3_g, bn3_b, r3_W, r3_b)
    h = _block(h, tei, g4_W, g4_b, bn4_g, bn4_b)
    h = h.reshape(B, T, N, -1).mean(axis=2)
    a = jnp.tanh(h @ a1_W + a1_b) @ a2_W + a2_b
    w = jax.nn.softmax(a, axis=1)
    pooled = (h * w).sum(axis=1)
    mu = pooled.mean(axis=-1, keepdims=True)
    var = ((pooled - mu) ** 2).mean(axis=-1, keepdims=True)
    z = (pooled - mu) / jnp.sqrt(var + 1e-5) * ln_g + ln_b
    z = jax.nn.gelu(z @ c1_W + c1_b, approximate=False)
    return z @ c2_W + c2_b


def setup_inputs(seed: int = 0):
    key = jax.random.key(seed)
    ks = jax.random.split(key, 16)
    def lin(k, i, o, s=0.05):
        return jax.random.normal(k, (i, o), dtype=jnp.float32) * s
    inp = {}
    inp['x'] = jax.random.normal(ks[0], (16, 50, 55, 6), dtype=jnp.float32)
    inp['s_ei'] = jax.random.randint(ks[1], (2, 110), 0, 55, dtype=jnp.int32)
    inp['t_ei'] = jax.random.randint(ks[2], (2, 15730), 0, 2750, dtype=jnp.int32)
    inp['Wp'] = lin(ks[3], 6, 64); inp['bp'] = jnp.zeros((64,), jnp.float32)
    inp['g1_W'] = lin(ks[4], 64, 128); inp['g1_b'] = jnp.zeros((128,), jnp.float32)
    inp['bn1_g'] = jnp.ones((128,), jnp.float32); inp['bn1_b'] = jnp.zeros((128,), jnp.float32)
    inp['r1_W'] = lin(ks[5], 64, 128); inp['r1_b'] = jnp.zeros((128,), jnp.float32)
    inp['g2_W'] = lin(ks[6], 128, 128); inp['g2_b'] = jnp.zeros((128,), jnp.float32)
    inp['bn2_g'] = jnp.ones((128,), jnp.float32); inp['bn2_b'] = jnp.zeros((128,), jnp.float32)
    inp['g3_W'] = lin(ks[7], 128, 256); inp['g3_b'] = jnp.zeros((256,), jnp.float32)
    inp['bn3_g'] = jnp.ones((256,), jnp.float32); inp['bn3_b'] = jnp.zeros((256,), jnp.float32)
    inp['r3_W'] = lin(ks[8], 128, 256); inp['r3_b'] = jnp.zeros((256,), jnp.float32)
    inp['g4_W'] = lin(ks[9], 256, 256); inp['g4_b'] = jnp.zeros((256,), jnp.float32)
    inp['bn4_g'] = jnp.ones((256,), jnp.float32); inp['bn4_b'] = jnp.zeros((256,), jnp.float32)
    inp['a1_W'] = lin(ks[10], 256, 64); inp['a1_b'] = jnp.zeros((64,), jnp.float32)
    inp['a2_W'] = lin(ks[11], 64, 1); inp['a2_b'] = jnp.zeros((1,), jnp.float32)
    inp['ln_g'] = jnp.ones((256,), jnp.float32); inp['ln_b'] = jnp.zeros((256,), jnp.float32)
    inp['c1_W'] = lin(ks[12], 256, 256); inp['c1_b'] = jnp.zeros((256,), jnp.float32)
    inp['c2_W'] = lin(ks[13], 256, 100); inp['c2_b'] = jnp.zeros((100,), jnp.float32)
    return inp


def reference(x, s_ei, t_ei, Wp, bp, g1_W, g1_b, bn1_g, bn1_b, r1_W, r1_b, g2_W, g2_b, bn2_g, bn2_b, g3_W, g3_b, bn3_g, bn3_b, r3_W, r3_b, g4_W, g4_b, bn4_g, bn4_b, a1_W, a1_b, a2_W, a2_b, ln_g, ln_b, c1_W, c1_b, c2_W, c2_b):
    return _forward(s_ei, t_ei, x, Wp, bp, g1_W, g1_b, bn1_g, bn1_b, r1_W, r1_b, g2_W, g2_b, bn2_g, bn2_b, g3_W, g3_b, bn3_g, bn3_b, r3_W, r3_b, g4_W, g4_b, bn4_g, bn4_b, a1_W, a1_b, a2_W, a2_b, ln_g, ln_b, c1_W, c1_b, c2_W, c2_b)

if __name__ == "__main__":
    import jax
    _d = setup_inputs()
    print(jax.jit(kernel)(*tuple(_d.values())))

</pallas_src>

<mosaic_0001>
module attributes {stable_mosaic.version = 14 : i64} {
  func.func @_ka_body(%arg0: i32, %arg1: memref<1024x8xf32, #tpu.memory_space<vmem>>, %arg2: memref<8x64xf32, #tpu.memory_space<vmem>>, %arg3: memref<1x64xf32, #tpu.memory_space<vmem>>, %arg4: memref<64x128xf32, #tpu.memory_space<vmem>>, %arg5: memref<64x128xf32, #tpu.memory_space<vmem>>, %arg6: memref<1x128xf32, #tpu.memory_space<vmem>>, %arg7: memref<1024x1xf32, #tpu.memory_space<vmem>>, %arg8: memref<1024x128xf32, #tpu.memory_space<vmem>>, %arg9: memref<1024x128xf32, #tpu.memory_space<vmem>>) attributes {dimension_semantics = [#tpu.dimension_semantics<arbitrary>], iteration_bounds = array<i64: 43>, scalar_prefetch = 0 : i64, scratch_operands = 0 : i64, tpu.core_type = #tpu.core_type<tc>, window_params = [{transform_indices = @transform_0, window_bounds = array<i64: 1024, 8>}, {pipeline_mode = #tpu.pipeline_mode<synchronous>, transform_indices = @transform_1, window_bounds = array<i64: 8, 64>}, {pipeline_mode = #tpu.pipeline_mode<synchronous>, transform_indices = @transform_2, window_bounds = array<i64: 1, 64>}, {pipeline_mode = #tpu.pipeline_mode<synchronous>, transform_indices = @transform_3, window_bounds = array<i64: 64, 128>}, {pipeline_mode = #tpu.pipeline_mode<synchronous>, transform_indices = @transform_4, window_bounds = array<i64: 64, 128>}, {pipeline_mode = #tpu.pipeline_mode<synchronous>, transform_indices = @transform_5, window_bounds = array<i64: 1, 128>}, {transform_indices = @transform_6, window_bounds = array<i64: 1024, 1>}, {transform_indices = @transform_7, window_bounds = array<i64: 1024, 128>}, {transform_indices = @transform_8, window_bounds = array<i64: 1024, 128>}]} {
    %get3A = arith.constant 0 : index
    %get3A_0 = arith.constant 0 : index
    %get3A_1 = vector.load %arg1[%get3A, %get3A_0] : memref<1024x8xf32, #tpu.memory_space<vmem>>, vector<1024x8xf32>
    %get3A_2 = arith.constant 0 : index
    %get3A_3 = arith.constant 0 : index
    %get3A_4 = vector.load %arg2[%get3A_2, %get3A_3] : memref<8x64xf32, #tpu.memory_space<vmem>>, vector<8x64xf32>
    %dot_general3A = arith.constant dense<0.000000e+00> : vector<1024x64xf32>
    %dot_general3A_5 = tpu.matmul %get3A_1, %get3A_4, %dot_general3A {dimension_numbers = #tpu.dot_dimension_numbers<[1], [0], [0], [1], [0, 0, 1, 1], [], []>, transpose_lhs_hint = false} : vector<1024x8xf32>, vector<8x64xf32>, vector<1024x64xf32> -> vector<1024x64xf32>
    %get3A_6 = arith.constant 0 : index
    %get3A_7 = arith.constant 0 : index
    %get3A_8 = vector.load %arg3[%get3A_6, %get3A_7] : memref<1x64xf32, #tpu.memory_space<vmem>>, vector<1x64xf32>
    %add3A = vector.broadcast %get3A_8 : vector<1x64xf32> to vector<1024x64xf32>
    %add3A_9 = arith.addf %dot_general3A_5, %add3A : vector<1024x64xf32>
    %get3A_10 = arith.constant 0 : index
    %get3A_11 = arith.constant 0 : index
    %get3A_12 = vector.load %arg4[%get3A_10, %get3A_11] : memref<64x128xf32, #tpu.memory_space<vmem>>, vector<64x128xf32>
    %dot_general3A_13 = arith.constant dense<0.000000e+00> : vector<1024x128xf32>
    %dot_general3A_14 = tpu.matmul %add3A_9, %get3A_12, %dot_general3A_13 {dimension_numbers = #tpu.dot_dimension_numbers<[1], [0], [0], [1], [0, 0, 1, 1], [], []>, transpose_lhs_hint = false} : vector<1024x64xf32>, vector<64x128xf32>, vector<1024x128xf32> -> vector<1024x128xf32>
    %get3A_15 = arith.constant 0 : index
    %get3A_16 = arith.constant 0 : index
    %get3A_17 = vector.load %arg7[%get3A_15, %get3A_16] : memref<1024x1xf32, #tpu.memory_space<vmem>>, vector<1024x1xf32>
    %mul3A = vector.broadcast %get3A_17 : vector<1024x1xf32> to vector<1024x128xf32>
    %mul3A_18 = arith.mulf %dot_general3A_14, %mul3A : vector<1024x128xf32>
    %swap3A = arith.constant 0 : index
    %swap3A_19 = arith.constant 0 : index
    %swap3A_20 = vector.load %arg8[%swap3A, %swap3A_19] : memref<1024x128xf32, #tpu.memory_space<vmem>>, vector<1024x128xf32>
    tpu.vector_store %arg8[%swap3A, %swap3A_19], %mul3A_18 {strides = array<i32>} : memref<1024x128xf32, #tpu.memory_space<vmem>>, vector<1024x128xf32>,
    %get3A_21 = arith.constant 0 : index
    %get3A_22 = arith.constant 0 : index
    %get3A_23 = vector.load %arg5[%get3A_21, %get3A_22] : memref<64x128xf32, #tpu.memory_space<vmem>>, vector<64x128xf32>
    %dot_general3A_24 = arith.constant dense<0.000000e+00> : vector<1024x128xf32>
    %dot_general3A_25 = tpu.matmul %add3A_9, %get3A_23, %dot_general3A_24 {dimension_numbers = #tpu.dot_dimension_numbers<[1], [0], [0], [1], [0, 0, 1, 1], [], []>, transpose_lhs_hint = false} : vector<1024x64xf32>, vector<64x128xf32>, vector<1024x128xf32> -> vector<1024x128xf32>
    %get3A_26 = arith.constant 0 : index
    %get3A_27 = arith.constant 0 : index
    %get3A_28 = vector.load %arg6[%get3A_26, %get3A_27] : memref<1x128xf32, #tpu.memory_space<vmem>>, vector<1x128xf32>
    %add3A_29 = vector.broadcast %get3A_28 : vector<1x128xf32> to vector<1024x128xf32>
    %add3A_30 = arith.addf %dot_general3A_25, %add3A_29 : vector<1024x128xf32>
    %swap3A_31 = arith.constant 0 : index
    %swap3A_32 = arith.constant 0 : index
    %swap3A_33 = vector.load %arg9[%swap3A_31, %swap3A_32] : memref<1024x128xf32, #tpu.memory_space<vmem>>, vector<1024x128xf32>
    tpu.vector_store %arg9[%swap3A_31, %swap3A_32], %add3A_30 {strides = array<i32>} : memref<1024x128xf32, #tpu.memory_space<vmem>>, vector<1024x128xf32>,
    return
  }
  func.func @transform_0(%arg0: i32) -> (i32, i32) {
    %c0_i32 = arith.constant 0 : i32
    %c0_i32_0 = arith.constant 0 : i32
    return %arg0, %c0_i32 : i32, i32
  }
  func.func @transform_1(%arg0: i32) -> (i32, i32) {
    %c0_i32 = arith.constant 0 : i32
    %c0_i32_0 = arith.constant 0 : i32
    %c0_i32_1 = arith.constant 0 : i32
    return %c0_i32, %c0_i32_0 : i32, i32
  }
  func.func @transform_2(%arg0: i32) -> (i32, i32) {
    %c0_i32 = arith.constant 0 : i32
    %c0_i32_0 = arith.constant 0 : i32
    %c0_i32_1 = arith.constant 0 : i32
    return %c0_i32, %c0_i32_0 : i32, i32
  }
  func.func @transform_3(%arg0: i32) -> (i32, i32) {
    %c0_i32 = arith.constant 0 : i32
    %c0_i32_0 = arith.constant 0 : i32
    %c0_i32_1 = arith.constant 0 : i32
    return %c0_i32, %c0_i32_0 : i32, i32
  }
  func.func @transform_4(%arg0: i32) -> (i32, i32) {
    %c0_i32 = arith.constant 0 : i32
    %c0_i32_0 = arith.constant 0 : i32
    %c0_i32_1 = arith.constant 0 : i32
    return %c0_i32, %c0_i32_0 : i32, i32
  }
  func.func @transform_5(%arg0: i32) -> (i32, i32) {
    %c0_i32 = arith.constant 0 : i32
    %c0_i32_0 = arith.constant 0 : i32
    %c0_i32_1 = arith.constant 0 : i32
    return %c0_i32, %c0_i32_0 : i32, i32
  }
  func.func @transform_6(%arg0: i32) -> (i32, i32) {
    %c0_i32 = arith.constant 0 : i32
    %c0_i32_0 = arith.constant 0 : i32
    return %arg0, %c0_i32 : i32, i32
  }
  func.func @transform_7(%arg0: i32) -> (i32, i32) {
    %c0_i32 = arith.constant 0 : i32
    %c0_i32_0 = arith.constant 0 : i32
    return %arg0, %c0_i32 : i32, i32
  }
  func.func @transform_8(%arg0: i32) -> (i32, i32) {
    %c0_i32 = arith.constant 0 : i32
    %c0_i32_0 = arith.constant 0 : i32
    return %arg0, %c0_i32 : i32, i32
  }
}

module attributes {stable_mosaic.version = 14 : i64} {
  func.func @_post_pre_body(%arg0: i32, %arg1: memref<1024x128xf32, #tpu.memory_space<vmem>>, %arg2: memref<1024x128xf32, #tpu.memory_space<vmem>>, %arg3: memref<1024x128xf32, #tpu.memory_space<vmem>>, %arg4: memref<1024x1xf32, #tpu.memory_space<vmem>>, %arg5: memref<1x128xf32, #tpu.memory_space<vmem>>, %arg6: memref<1x128xf32, #tpu.memory_space<vmem>>, %arg7: memref<1x128xf32, #tpu.memory_space<vmem>>, %arg8: memref<128x128xf32, #tpu.memory_space<vmem>>, %arg9: memref<1024x1xf32, #tpu.memory_space<vmem>>, %arg10: memref<1024x128xf32, #tpu.memory_space<vmem>>, %arg11: memref<1024x128xf32, #tpu.memory_space<vmem>>) attributes {dimension_semantics = [#tpu.dimension_semantics<arbitrary>], iteration_bounds = array<i64: 43>, scalar_prefetch = 0 : i64, scratch_operands = 0 : i64, tpu.core_type = #tpu.core_type<tc>, window_params = [{transform_indices = @transform_0, window_bounds = array<i64: 1024, 128>}, {transform_indices = @transform_1, window_bounds = array<i64: 1024, 128>}, {transform_indices = @transform_2, window_bounds = array<i64: 1024, 128>}, {transform_indices = @transform_3, window_bounds = array<i64: 1024, 1>}, {pipeline_mode = #tpu.pipeline_mode<synchronous>, transform_indices = @transform_4, window_bounds = array<i64: 1, 128>}, {pipeline_mode = #tpu.pipeline_mode<synchronous>, transform_indices = @transform_5, window_bounds = array<i64: 1, 128>}, {pipeline_mode = #tpu.pipeline_mode<synchronous>, transform_indices = @transform_6, window_bounds = array<i64: 1, 128>}, {pipeline_mode = #tpu.pipeline_mode<synchronous>, transform_indices = @transform_7, window_bounds = array<i64: 128, 128>}, {transform_indices = @transform_8, window_bounds = array<i64: 1024, 1>}, {transform_indices = @transform_9, window_bounds = array<i64: 1024, 128>}, {transform_indices = @transform_10, window_bounds = array<i64: 1024, 128>}]} {
    %get3A = arith.constant 0 : index
    %get3A_0 = arith.constant 0 : index
    %get3A_1 = vector.load %arg4[%get3A, %get3A_0] : memref<1024x1xf32, #tpu.memory_space<vmem>>, vector<1024x1xf32>
    %get3A_2 = arith.constant 0 : index
    %get3A_3 = arith.constant 0 : index
    %get3A_4 = vector.load %arg1[%get3A_2, %get3A_3] : memref<1024x128xf32, #tpu.memory_space<vmem>>, vector<1024x128xf32>
    %get3A_5 = arith.constant 0 : index
    %get3A_6 = arith.constant 0 : index
    %get3A_7 = vector.load %arg2[%get3A_5, %get3A_6] : memref<1024x128xf32, #tpu.memory_space<vmem>>, vector<1024x128xf32>
    %add3A = arith.addf %get3A_4, %get3A_7 : vector<1024x128xf32>
    %mul3A = vector.broadcast %get3A_1 : vector<1024x1xf32> to vector<1024x128xf32>
    %mul3A_8 = arith.mulf %mul3A, %add3A : vector<1024x128xf32>
    %get3A_9 = arith.constant 0 : index
    %get3A_10 = arith.constant 0 : index
    %get3A_11 = vector.load %arg5[%get3A_9, %get3A_10] : memref<1x128xf32, #tpu.memory_space<vmem>>, vector<1x128xf32>
    %add3A_12 = vector.broadcast %get3A_11 : vector<1x128xf32> to vector<1024x128xf32>
    %add3A_13 = arith.addf %mul3A_8, %add3A_12 : vector<1024x128xf32>
    %get3A_14 = arith.constant 0 : index
    %get3A_15 = arith.constant 0 : index
    %get3A_16 = vector.load %arg6[%get3A_14, %get3A_15] : memref<1x128xf32, #tpu.memory_space<vmem>>, vector<1x128xf32>
    %mul3A_17 = vector.broadcast %get3A_16 : vector<1x128xf32> to vector<1024x128xf32>
    %mul3A_18 = arith.mulf %add3A_13, %mul3A_17 : vector<1024x128xf32>
    %get3A_19 = arith.constant 0 : index
    %get3A_20 = arith.constant 0 : index
    %get3A_21 = vector.load %arg7[%get3A_19, %get3A_20] : memref<1x128xf32, #tpu.memory_space<vmem>>, vector<1x128xf32>
    %add3A_22 = vector.broadcast %get3A_21 : vector<1x128xf32> to vector<1024x128xf32>
    %add3A_23 = arith.addf %mul3A_18, %add3A_22 : vector<1024x128xf32>
    %get3A_24 = arith.constant 0 : index
    %get3A_25 = arith.constant 0 : index
    %get3A_26 = vector.load %arg3[%get3A_24, %get3A_25] : memref<1024x128xf32, #tpu.memory_space<vmem>>, vector<1024x128xf32>
    %add3A_27 = arith.addf %add3A_23, %get3A_26 : vector<1024x128xf32>
    %mul3A_28 = arith.constant 5.000000e-01 : f32
    %mul3A_29 = vector.broadcast %mul3A_28 : f32 to vector<1024x128xf32>
    %mul3A_30 = arith.mulf %mul3A_29, %add3A_27 : vector<1024x128xf32>
    %mul3A_31 = arith.constant 0.707106769 : f32
    %mul3A_32 = vector.broadcast %mul3A_31 : f32 to vector<1024x128xf32>
    %mul3A_33 = arith.mulf %add3A_27, %mul3A_32 : vector<1024x128xf32>
    %erf3A = math.erf %mul3A_33 : vector<1024x128xf32>
    %add3A_34 = arith.constant 1.000000e+00 : f32
    %add3A_35 = vector.broadcast %add3A_34 : f32 to vector<1024x128xf32>
    %add3A_36 = arith.addf %add3A_35, %erf3A : vector<1024x128xf32>
    %mul3A_37 = arith.mulf %mul3A_30, %add3A_36 : vector<1024x128xf32>
    %swap3A = arith.constant 0 : index
    %swap3A_38 = arith.constant 0 : index
    %swap3A_39 = vector.load %arg10[%swap3A, %swap3A_38] : memref<1024x128xf32, #tpu.memory_space<vmem>>, vector<1024x128xf32>
    tpu.vector_store %arg10[%swap3A, %swap3A_38], %mul3A_37 {strides = array<i32>} : memref<1024x128xf32, #tpu.memory_space<vmem>>, vector<1024x128xf32>,
    %get3A_40 = arith.constant 0 : index
    %get3A_41 = arith.constant 0 : index
    %get3A_42 = vector.load %arg8[%get3A_40, %get3A_41] : memref<128x128xf32, #tpu.memory_space<vmem>>, vector<128x128xf32>
    %dot_general3A = arith.constant dense<0.000000e+00> : vector<1024x128xf32>
    %dot_general3A_43 = tpu.matmul %mul3A_37, %get3A_42, %dot_general3A {dimension_numbers = #tpu.dot_dimension_numbers<[1], [0], [0], [1], [0, 0, 1, 1], [], []>, transpose_lhs_hint = false} : vector<1024x128xf32>, vector<128x128xf32>, vector<1024x128xf32> -> vector<1024x128xf32>
    %get3A_44 = arith.constant 0 : index
    %get3A_45 = arith.constant 0 : index
    %get3A_46 = vector.load %arg9[%get3A_44, %get3A_45] : memref<1024x1xf32, #tpu.memory_space<vmem>>, vector<1024x1xf32>
    %mul3A_47 = vector.broadcast %get3A_46 : vector<1024x1xf32> to vector<1024x128xf32>
    %mul3A_48 = arith.mulf %dot_general3A_43, %mul3A_47 : vector<1024x128xf32>
    %swap3A_49 = arith.constant 0 : index
    %swap3A_50 = arith.constant 0 : index
    %swap3A_51 = vector.load %arg11[%swap3A_49, %swap3A_50] : memref<1024x128xf32, #tpu.memory_space<vmem>>, vector<1024x128xf32>
    tpu.vector_store %arg11[%swap3A_49, %swap3A_50], %mul3A_48 {strides = array<i32>} : memref<1024x128xf32, #tpu.memory_space<vmem>>, vector<1024x128xf32>,
    return
  }
  func.func @transform_0(%arg0: i32) -> (i32, i32) {
    %c0_i32 = arith.constant 0 : i32
    %c0_i32_0 = arith.constant 0 : i32
    return %arg0, %c0_i32 : i32, i32
  }
  func.func @transform_1(%arg0: i32) -> (i32, i32) {
    %c0_i32 = arith.constant 0 : i32
    %c0_i32_0 = arith.constant 0 : i32
    return %arg0, %c0_i32 : i32, i32
  }
  func.func @transform_2(%arg0: i32) -> (i32, i32) {
    %c0_i32 = arith.constant 0 : i32
    %c0_i32_0 = arith.constant 0 : i32
    return %arg0, %c0_i32 : i32, i32
  }
  func.func @transform_3(%arg0: i32) -> (i32, i32) {
    %c0_i32 = arith.constant 0 : i32
    %c0_i32_0 = arith.constant 0 : i32
    return %arg0, %c0_i32 : i32, i32
  }
  func.func @transform_4(%arg0: i32) -> (i32, i32) {
    %c0_i32 = arith.constant 0 : i32
    %c0_i32_0 = arith.constant 0 : i32
    %c0_i32_1 = arith.constant 0 : i32
    return %c0_i32, %c0_i32_0 : i32, i32
  }
  func.func @transform_5(%arg0: i32) -> (i32, i32) {
    %c0_i32 = arith.constant 0 : i32
    %c0_i32_0 = arith.constant 0 : i32
    %c0_i32_1 = arith.constant 0 : i32
    return %c0_i32, %c0_i32_0 : i32, i32
  }
  func.func @transform_6(%arg0: i32) -> (i32, i32) {
    %c0_i32 = arith.constant 0 : i32
    %c0_i32_0 = arith.constant 0 : i32
    %c0_i32_1 = arith.constant 0 : i32
    return %c0_i32, %c0_i32_0 : i32, i32
  }
  func.func @transform_7(%arg0: i32) -> (i32, i32) {
    %c0_i32 = arith.constant 0 : i32
    %c0_i32_0 = arith.constant 0 : i32
    %c0_i32_1 = arith.constant 0 : i32
    return %c0_i32, %c0_i32_0 : i32, i32
  }
  func.func @transform_8(%arg0: i32) -> (i32, i32) {
    %c0_i32 = arith.constant 0 : i32
    %c0_i32_0 = arith.constant 0 : i32
    return %arg0, %c0_i32 : i32, i32
  }
  func.func @transform_9(%arg0: i32) -> (i32, i32) {
    %c0_i32 = arith.constant 0 : i32
    %c0_i32_0 = arith.constant 0 : i32
    return %arg0, %c0_i32 : i32, i32
  }
  func.func @transform_10(%arg0: i32) -> (i32, i32) {
    %c0_i32 = arith.constant 0 : i32
    %c0_i32_0 = arith.constant 0 : i32
    return %arg0, %c0_i32 : i32, i32
  }
}

module attributes {stable_mosaic.version = 14 : i64} {
  func.func @_post_pre2_body(%arg0: i32, %arg1: memref<1024x128xf32, #tpu.memory_space<vmem>>, %arg2: memref<1024x128xf32, #tpu.memory_space<vmem>>, %arg3: memref<1024x128xf32, #tpu.memory_space<vmem>>, %arg4: memref<1024x1xf32, #tpu.memory_space<vmem>>, %arg5: memref<1x128xf32, #tpu.memory_space<vmem>>, %arg6: memref<1x128xf32, #tpu.memory_space<vmem>>, %arg7: memref<1x128xf32, #tpu.memory_space<vmem>>, %arg8: memref<128x256xf32, #tpu.memory_space<vmem>>, %arg9: memref<128x256xf32, #tpu.memory_space<vmem>>, %arg10: memref<1x256xf32, #tpu.memory_space<vmem>>, %arg11: memref<1024x1xf32, #tpu.memory_space<vmem>>, %arg12: memref<1024x256xf32, #tpu.memory_space<vmem>>, %arg13: memref<1024x256xf32, #tpu.memory_space<vmem>>) attributes {dimension_semantics = [#tpu.dimension_semantics<arbitrary>], iteration_bounds = array<i64: 43>, scalar_prefetch = 0 : i64, scratch_operands = 0 : i64, tpu.core_type = #tpu.core_type<tc>, window_params = [{transform_indices = @transform_0, window_bounds = array<i64: 1024, 128>}, {transform_indices = @transform_1, window_bounds = array<i64: 1024, 128>}, {transform_indices = @transform_2, window_bounds = array<i64: 1024, 128>}, {transform_indices = @transform_3, window_bounds = array<i64: 1024, 1>}, {pipeline_mode = #tpu.pipeline_mode<synchronous>, transform_indices = @transform_4, window_bounds = array<i64: 1, 128>}, {pipeline_mode = #tpu.pipeline_mode<synchronous>, transform_indices = @transform_5, window_bounds = array<i64: 1, 128>}, {pipeline_mode = #tpu.pipeline_mode<synchronous>, transform_indices = @transform_6, window_bounds = array<i64: 1, 128>}, {pipeline_mode = #tpu.pipeline_mode<synchronous>, transform_indices = @transform_7, window_bounds = array<i64: 128, 256>}, {pipeline_mode = #tpu.pipeline_mode<synchronous>, transform_indices = @transform_8, window_bounds = array<i64: 128, 256>}, {pipeline_mode = #tpu.pipeline_mode<synchronous>, transform_indices = @transform_9, window_bounds = array<i64: 1, 256>}, {transform_indices = @transform_10, window_bounds = array<i64: 1024, 1>}, {transform_indices = @transform_11, window_bounds = array<i64: 1024, 256>}, {transform_indices = @transform_12, window_bounds = array<i64: 1024, 256>}]} {
    %get3A = arith.constant 0 : index
    %get3A_0 = arith.constant 0 : index
    %get3A_1 = vector.load %arg4[%get3A, %get3A_0] : memref<1024x1xf32, #tpu.memory_space<vmem>>, vector<1024x1xf32>
    %get3A_2 = arith.constant 0 : index
    %get3A_3 = arith.constant 0 : index
    %get3A_4 = vector.load %arg1[%get3A_2, %get3A_3] : memref<1024x128xf32, #tpu.memory_space<vmem>>, vector<1024x128xf32>
    %get3A_5 = arith.constant 0 : index
    %get3A_6 = arith.constant 0 : index
    %get3A_7 = vector.load %arg2[%get3A_5, %get3A_6] : memref<1024x128xf32, #tpu.memory_space<vmem>>, vector<1024x128xf32>
    %add3A = arith.addf %get3A_4, %get3A_7 : vector<1024x128xf32>
    %mul3A = vector.broadcast %get3A_1 : vector<1024x1xf32> to vector<1024x128xf32>
    %mul3A_8 = arith.mulf %mul3A, %add3A : vector<1024x128xf32>
    %get3A_9 = arith.constant 0 : index
    %get3A_10 = arith.constant 0 : index
    %get3A_11 = vector.load %arg5[%get3A_9, %get3A_10] : memref<1x128xf32, #tpu.memory_space<vmem>>, vector<1x128xf32>
    %add3A_12 = vector.broadcast %get3A_11 : vector<1x128xf32> to vector<1024x128xf32>
    %add3A_13 = arith.addf %mul3A_8, %add3A_12 : vector<1024x128xf32>
    %get3A_14 = arith.constant 0 : index
    %get3A_15 = arith.constant 0 : index
    %get3A_16 = vector.load %arg6[%get3A_14, %get3A_15] : memref<1x128xf32, #tpu.memory_space<vmem>>, vector<1x128xf32>
    %mul3A_17 = vector.broadcast %get3A_16 : vector<1x128xf32> to vector<1024x128xf32>
    %mul3A_18 = arith.mulf %add3A_13, %mul3A_17 : vector<1024x128xf32>
    %get3A_19 = arith.constant 0 : index
    %get3A_20 = arith.constant 0 : index
    %get3A_21 = vector.load %arg7[%get3A_19, %get3A_20] : memref<1x128xf32, #tpu.memory_space<vmem>>, vector<1x128xf32>
    %add3A_22 = vector.broadcast %get3A_21 : vector<1x128xf32> to vector<1024x128xf32>
    %add3A_23 = arith.addf %mul3A_18, %add3A_22 : vector<1024x128xf32>
    %get3A_24 = arith.constant 0 : index
    %get3A_25 = arith.constant 0 : index
    %get3A_26 = vector.load %arg3[%get3A_24, %get3A_25] : memref<1024x128xf32, #tpu.memory_space<vmem>>, vector<1024x128xf32>
    %add3A_27 = arith.addf %add3A_23, %get3A_26 : vector<1024x128xf32>
    %mul3A_28 = arith.constant 5.000000e-01 : f32
    %mul3A_29 = vector.broadcast %mul3A_28 : f32 to vector<1024x128xf32>
    %mul3A_30 = arith.mulf %mul3A_29, %add3A_27 : vector<1024x128xf32>
    %mul3A_31 = arith.constant 0.707106769 : f32
    %mul3A_32 = vector.broadcast %mul3A_31 : f32 to vector<1024x128xf32>
    %mul3A_33 = arith.mulf %add3A_27, %mul3A_32 : vector<1024x128xf32>
    %erf3A = math.erf %mul3A_33 : vector<1024x128xf32>
    %add3A_34 = arith.constant 1.000000e+00 : f32
    %add3A_35 = vector.broadcast %add3A_34 : f32 to vector<1024x128xf32>
    %add3A_36 = arith.addf %add3A_35, %erf3A : vector<1024x128xf32>
    %mul3A_37 = arith.mulf %mul3A_30, %add3A_36 : vector<1024x128xf32>
    %get3A_38 = arith.constant 0 : index
    %get3A_39 = arith.constant 0 : index
    %get3A_40 = vector.load %arg8[%get3A_38, %get3A_39] : memref<128x256xf32, #tpu.memory_space<vmem>>, vector<128x256xf32>
    %dot_general3A = arith.constant dense<0.000000e+00> : vector<1024x256xf32>
    %dot_general3A_41 = tpu.matmul %mul3A_37, %get3A_40, %dot_general3A {dimension_numbers = #tpu.dot_dimension_numbers<[1], [0], [0], [1], [0, 0, 1, 1], [], []>, transpose_lhs_hint = false} : vector<1024x128xf32>, vector<128x256xf32>, vector<1024x256xf32> -> vector<1024x256xf32>
    %get3A_42 = arith.constant 0 : index
    %get3A_43 = arith.constant 0 : index
    %get3A_44 = vector.load %arg11[%get3A_42, %get3A_43] : memref<1024x1xf32, #tpu.memory_space<vmem>>, vector<1024x1xf32>
    %mul3A_45 = vector.broadcast %get3A_44 : vector<1024x1xf32> to vector<1024x256xf32>
    %mul3A_46 = arith.mulf %dot_general3A_41, %mul3A_45 : vector<1024x256xf32>
    %swap3A = arith.constant 0 : index
    %swap3A_47 = arith.constant 0 : index
    %swap3A_48 = vector.load %arg12[%swap3A, %swap3A_47] : memref<1024x256xf32, #tpu.memory_space<vmem>>, vector<1024x256xf32>
    tpu.vector_store %arg12[%swap3A, %swap3A_47], %mul3A_46 {strides = array<i32>} : memref<1024x256xf32, #tpu.memory_space<vmem>>, vector<1024x256xf32>,
    %get3A_49 = arith.constant 0 : index
    %get3A_50 = arith.constant 0 : index
    %get3A_51 = vector.load %arg9[%get3A_49, %get3A_50] : memref<128x256xf32, #tpu.memory_space<vmem>>, vector<128x256xf32>
    %dot_general3A_52 = arith.constant dense<0.000000e+00> : vector<1024x256xf32>
    %dot_general3A_53 = tpu.matmul %mul3A_37, %get3A_51, %dot_general3A_52 {dimension_numbers = #tpu.dot_dimension_numbers<[1], [0], [0], [1], [0, 0, 1, 1], [], []>, transpose_lhs_hint = false} : vector<1024x128xf32>, vector<128x256xf32>, vector<1024x256xf32> -> vector<1024x256xf32>
    %get3A_54 = arith.constant 0 : index
    %get3A_55 = arith.constant 0 : index
    %get3A_56 = vector.load %arg10[%get3A_54, %get3A_55] : memref<1x256xf32, #tpu.memory_space<vmem>>, vector<1x256xf32>
    %add3A_57 = vector.broadcast %get3A_56 : vector<1x256xf32> to vector<1024x256xf32>
    %add3A_58 = arith.addf %dot_general3A_53, %add3A_57 : vector<1024x256xf32>
    %swap3A_59 = arith.constant 0 : index
    %swap3A_60 = arith.constant 0 : index
    %swap3A_61 = vector.load %arg13[%swap3A_59, %swap3A_60] : memref<1024x256xf32, #tpu.memory_space<vmem>>, vector<1024x256xf32>
    tpu.vector_store %arg13[%swap3A_59, %swap3A_60], %add3A_58 {strides = array<i32>} : memref<1024x256xf32, #tpu.memory_space<vmem>>, vector<1024x256xf32>,
    return
  }
  func.func @transform_0(%arg0: i32) -> (i32, i32) {
    %c0_i32 = arith.constant 0 : i32
    %c0_i32_0 = arith.constant 0 : i32
    return %arg0, %c0_i32 : i32, i32
  }
  func.func @transform_1(%arg0: i32) -> (i32, i32) {
    %c0_i32 = arith.constant 0 : i32
    %c0_i32_0 = arith.constant 0 : i32
    return %arg0, %c0_i32 : i32, i32
  }
  func.func @transform_2(%arg0: i32) -> (i32, i32) {
    %c0_i32 = arith.constant 0 : i32
    %c0_i32_0 = arith.constant 0 : i32
    return %arg0, %c0_i32 : i32, i32
  }
  func.func @transform_3(%arg0: i32) -> (i32, i32) {
    %c0_i32 = arith.constant 0 : i32
    %c0_i32_0 = arith.constant 0 : i32
    return %arg0, %c0_i32 : i32, i32
  }
  func.func @transform_4(%arg0: i32) -> (i32, i32) {
    %c0_i32 = arith.constant 0 : i32
    %c0_i32_0 = arith.constant 0 : i32
    %c0_i32_1 = arith.constant 0 : i32
    return %c0_i32, %c0_i32_0 : i32, i32
  }
  func.func @transform_5(%arg0: i32) -> (i32, i32) {
    %c0_i32 = arith.constant 0 : i32
    %c0_i32_0 = arith.constant 0 : i32
    %c0_i32_1 = arith.constant 0 : i32
    return %c0_i32, %c0_i32_0 : i32, i32
  }
  func.func @transform_6(%arg0: i32) -> (i32, i32) {
    %c0_i32 = arith.constant 0 : i32
    %c0_i32_0 = arith.constant 0 : i32
    %c0_i32_1 = arith.constant 0 : i32
    return %c0_i32, %c0_i32_0 : i32, i32
  }
  func.func @transform_7(%arg0: i32) -> (i32, i32) {
    %c0_i32 = arith.constant 0 : i32
    %c0_i32_0 = arith.constant 0 : i32
    %c0_i32_1 = arith.constant 0 : i32
    return %c0_i32, %c0_i32_0 : i32, i32
  }
  func.func @transform_8(%arg0: i32) -> (i32, i32) {
    %c0_i32 = arith.constant 0 : i32
    %c0_i32_0 = arith.constant 0 : i32
    %c0_i32_1 = arith.constant 0 : i32
    return %c0_i32, %c0_i32_0 : i32, i32
  }
  func.func @transform_9(%arg0: i32) -> (i32, i32) {
    %c0_i32 = arith.constant 0 : i32
    %c0_i32_0 = arith.constant 0 : i32
    %c0_i32_1 = arith.constant 0 : i32
    return %c0_i32, %c0_i32_0 : i32, i32
  }
  func.func @transform_10(%arg0: i32) -> (i32, i32) {
    %c0_i32 = arith.constant 0 : i32
    %c0_i32_0 = arith.constant 0 : i32
    return %arg0, %c0_i32 : i32, i32
  }
  func.func @transform_11(%arg0: i32) -> (i32, i32) {
    %c0_i32 = arith.constant 0 : i32
    %c0_i32_0 = arith.constant 0 : i32
    return %arg0, %c0_i32 : i32, i32
  }
  func.func @transform_12(%arg0: i32) -> (i32, i32) {
    %c0_i32 = arith.constant 0 : i32
    %c0_i32_0 = arith.constant 0 : i32
    return %arg0, %c0_i32 : i32, i32
  }
}

module attributes {stable_mosaic.version = 14 : i64} {
  func.func @_tmm_body(%arg0: i32, %arg1: i32, %arg2: memref<344x2752xf32, #tpu.memory_space<vmem>>, %arg3: memref<1x2752x256xf32, #tpu.memory_space<vmem>>, %arg4: memref<1x344x256xf32, #tpu.memory_space<vmem>>) attributes {dimension_semantics = [#tpu.dimension_semantics<arbitrary>, #tpu.dimension_semantics<arbitrary>], iteration_bounds = array<i64: 16, 8>, scalar_prefetch = 0 : i64, scratch_operands = 0 : i64, tpu.core_type = #tpu.core_type<tc>, window_params = [{transform_indices = @transform_0, window_bounds = array<i64: 344, 2752>}, {transform_indices = @transform_1, window_bounds = array<i64: 1, 2752, 256>}, {transform_indices = @transform_2, window_bounds = array<i64: 1, 344, 256>}]} {
    %get3A = arith.constant 0 : index
    %get3A_0 = arith.constant 0 : index
    %get3A_1 = vector.load %arg2[%get3A, %get3A_0] : memref<344x2752xf32, #tpu.memory_space<vmem>>, vector<344x2752xf32>
    %get3A_2 = arith.constant 0 : index
    %get3A_3 = arith.constant 0 : index
    %get3A_4 = arith.constant 0 : index
    %get3A_5 = vector.load %arg3[%get3A_2, %get3A_3, %get3A_4] : memref<1x2752x256xf32, #tpu.memory_space<vmem>>, vector<1x2752x256xf32>
    %get3A_6 = vector.shape_cast %get3A_5 : vector<1x2752x256xf32> to vector<2752x256xf32>
    %dot_general3A = arith.constant dense<0.000000e+00> : vector<344x256xf32>
    %dot_general3A_7 = tpu.matmul %get3A_1, %get3A_6, %dot_general3A {dimension_numbers = #tpu.dot_dimension_numbers<[1], [0], [0], [1], [0, 0, 1, 1], [], []>, transpose_lhs_hint = false} : vector<344x2752xf32>, vector<2752x256xf32>, vector<344x256xf32> -> vector<344x256xf32>
    %swap3A = arith.constant 0 : index
    %swap3A_8 = arith.constant 0 : index
    %swap3A_9 = arith.constant 0 : index
    %swap3A_10 = vector.load %arg4[%swap3A, %swap3A_8, %swap3A_9] : memref<1x344x256xf32, #tpu.memory_space<vmem>>, vector<1x344x256xf32>
    %swap3A_11 = vector.shape_cast %swap3A_10 : vector<1x344x256xf32> to vector<344x256xf32>
    %swap3A_12 = vector.shape_cast %dot_general3A_7 : vector<344x256xf32> to vector<1x344x256xf32>
    tpu.vector_store %arg4[%swap3A, %swap3A_8, %swap3A_9], %swap3A_12 {strides = array<i32>} : memref<1x344x256xf32, #tpu.memory_space<vmem>>, vector<1x344x256xf32>,
    return
  }
  func.func @transform_0(%arg0: i32, %arg1: i32) -> (i32, i32) {
    %c0_i32 = arith.constant 0 : i32
    %c0_i32_0 = arith.constant 0 : i32
    return %arg1, %c0_i32 : i32, i32
  }
  func.func @transform_1(%arg0: i32, %arg1: i32) -> (i32, i32, i32) {
    %c0_i32 = arith.constant 0 : i32
    %c0_i32_0 = arith.constant 0 : i32
    %c0_i32_1 = arith.constant 0 : i32
    return %arg0, %c0_i32, %c0_i32_0 : i32, i32, i32
  }
  func.func @transform_2(%arg0: i32, %arg1: i32) -> (i32, i32, i32) {
    %c0_i32 = arith.constant 0 : i32
    %c0_i32_0 = arith.constant 0 : i32
    return %arg0, %arg1, %c0_i32 : i32, i32, i32
  }
}

module attributes {stable_mosaic.version = 14 : i64} {
  func.func @_post_pre_body(%arg0: i32, %arg1: memref<1024x256xf32, #tpu.memory_space<vmem>>, %arg2: memref<1024x256xf32, #tpu.memory_space<vmem>>, %arg3: memref<1024x256xf32, #tpu.memory_space<vmem>>, %arg4: memref<1024x1xf32, #tpu.memory_space<vmem>>, %arg5: memref<1x256xf32, #tpu.memory_space<vmem>>, %arg6: memref<1x256xf32, #tpu.memory_space<vmem>>, %arg7: memref<1x256xf32, #tpu.memory_space<vmem>>, %arg8: memref<256x256xf32, #tpu.memory_space<vmem>>, %arg9: memref<1024x1xf32, #tpu.memory_space<vmem>>, %arg10: memref<1024x256xf32, #tpu.memory_space<vmem>>, %arg11: memref<1024x256xf32, #tpu.memory_space<vmem>>) attributes {dimension_semantics = [#tpu.dimension_semantics<arbitrary>], iteration_bounds = array<i64: 43>, scalar_prefetch = 0 : i64, scratch_operands = 0 : i64, tpu.core_type = #tpu.core_type<tc>, window_params = [{transform_indices = @transform_0, window_bounds = array<i64: 1024, 256>}, {transform_indices = @transform_1, window_bounds = array<i64: 1024, 256>}, {transform_indices = @transform_2, window_bounds = array<i64: 1024, 256>}, {transform_indices = @transform_3, window_bounds = array<i64: 1024, 1>}, {pipeline_mode = #tpu.pipeline_mode<synchronous>, transform_indices = @transform_4, window_bounds = array<i64: 1, 256>}, {pipeline_mode = #tpu.pipeline_mode<synchronous>, transform_indices = @transform_5, window_bounds = array<i64: 1, 256>}, {pipeline_mode = #tpu.pipeline_mode<synchronous>, transform_indices = @transform_6, window_bounds = array<i64: 1, 256>}, {pipeline_mode = #tpu.pipeline_mode<synchronous>, transform_indices = @transform_7, window_bounds = array<i64: 256, 256>}, {transform_indices = @transform_8, window_bounds = array<i64: 1024, 1>}, {transform_indices = @transform_9, window_bounds = array<i64: 1024, 256>}, {transform_indices = @transform_10, window_bounds = array<i64: 1024, 256>}]} {
    %get3A = arith.constant 0 : index
    %get3A_0 = arith.constant 0 : index
    %get3A_1 = vector.load %arg4[%get3A, %get3A_0] : memref<1024x1xf32, #tpu.memory_space<vmem>>, vector<1024x1xf32>
    %get3A_2 = arith.constant 0 : index
    %get3A_3 = arith.constant 0 : index
    %get3A_4 = vector.load %arg1[%get3A_2, %get3A_3] : memref<1024x256xf32, #tpu.memory_space<vmem>>, vector<1024x256xf32>
    %get3A_5 = arith.constant 0 : index
    %get3A_6 = arith.constant 0 : index
    %get3A_7 = vector.load %arg2[%get3A_5, %get3A_6] : memref<1024x256xf32, #tpu.memory_space<vmem>>, vector<1024x256xf32>
    %add3A = arith.addf %get3A_4, %get3A_7 : vector<1024x256xf32>
    %mul3A = vector.broadcast %get3A_1 : vector<1024x1xf32> to vector<1024x256xf32>
    %mul3A_8 = arith.mulf %mul3A, %add3A : vector<1024x256xf32>
    %get3A_9 = arith.constant 0 : index
    %get3A_10 = arith.constant 0 : index
    %get3A_11 = vector.load %arg5[%get3A_9, %get3A_10] : memref<1x256xf32, #tpu.memory_space<vmem>>, vector<1x256xf32>
    %add3A_12 = vector.broadcast %get3A_11 : vector<1x256xf32> to vector<1024x256xf32>
    %add3A_13 = arith.addf %mul3A_8, %add3A_12 : vector<1024x256xf32>
    %get3A_14 = arith.constant 0 : index
    %get3A_15 = arith.constant 0 : index
    %get3A_16 = vector.load %arg6[%get3A_14, %get3A_15] : memref<1x256xf32, #tpu.memory_space<vmem>>, vector<1x256xf32>
    %mul3A_17 = vector.broadcast %get3A_16 : vector<1x256xf32> to vector<1024x256xf32>
    %mul3A_18 = arith.mulf %add3A_13, %mul3A_17 : vector<1024x256xf32>
    %get3A_19 = arith.constant 0 : index
    %get3A_20 = arith.constant 0 : index
    %get3A_21 = vector.load %arg7[%get3A_19, %get3A_20] : memref<1x256xf32, #tpu.memory_space<vmem>>, vector<1x256xf32>
    %add3A_22 = vector.broadcast %get3A_21 : vector<1x256xf32> to vector<1024x256xf32>
    %add3A_23 = arith.addf %mul3A_18, %add3A_22 : vector<1024x256xf32>
    %get3A_24 = arith.constant 0 : index
    %get3A_25 = arith.constant 0 : index
    %get3A_26 = vector.load %arg3[%get3A_24, %get3A_25] : memref<1024x256xf32, #tpu.memory_space<vmem>>, vector<1024x256xf32>
    %add3A_27 = arith.addf %add3A_23, %get3A_26 : vector<1024x256xf32>
    %mul3A_28 = arith.constant 5.000000e-01 : f32
    %mul3A_29 = vector.broadcast %mul3A_28 : f32 to vector<1024x256xf32>
    %mul3A_30 = arith.mulf %mul3A_29, %add3A_27 : vector<1024x256xf32>
    %mul3A_31 = arith.constant 0.707106769 : f32
    %mul3A_32 = vector.broadcast %mul3A_31 : f32 to vector<1024x256xf32>
    %mul3A_33 = arith.mulf %add3A_27, %mul3A_32 : vector<1024x256xf32>
    %erf3A = math.erf %mul3A_33 : vector<1024x256xf32>
    %add3A_34 = arith.constant 1.000000e+00 : f32
    %add3A_35 = vector.broadcast %add3A_34 : f32 to vector<1024x256xf32>
    %add3A_36 = arith.addf %add3A_35, %erf3A : vector<1024x256xf32>
    %mul3A_37 = arith.mulf %mul3A_30, %add3A_36 : vector<1024x256xf32>
    %swap3A = arith.constant 0 : index
    %swap3A_38 = arith.constant 0 : index
    %swap3A_39 = vector.load %arg10[%swap3A, %swap3A_38] : memref<1024x256xf32, #tpu.memory_space<vmem>>, vector<1024x256xf32>
    tpu.vector_store %arg10[%swap3A, %swap3A_38], %mul3A_37 {strides = array<i32>} : memref<1024x256xf32, #tpu.memory_space<vmem>>, vector<1024x256xf32>,
    %get3A_40 = arith.constant 0 : index
    %get3A_41 = arith.constant 0 : index
    %get3A_42 = vector.load %arg8[%get3A_40, %get3A_41] : memref<256x256xf32, #tpu.memory_space<vmem>>, vector<256x256xf32>
    %dot_general3A = arith.constant dense<0.000000e+00> : vector<1024x256xf32>
    %dot_general3A_43 = tpu.matmul %mul3A_37, %get3A_42, %dot_general3A {dimension_numbers = #tpu.dot_dimension_numbers<[1], [0], [0], [1], [0, 0, 1, 1], [], []>, transpose_lhs_hint = false} : vector<1024x256xf32>, vector<256x256xf32>, vector<1024x256xf32> -> vector<1024x256xf32>
    %get3A_44 = arith.constant 0 : index
    %get3A_45 = arith.constant 0 : index
    %get3A_46 = vector.load %arg9[%get3A_44, %get3A_45] : memref<1024x1xf32, #tpu.memory_space<vmem>>, vector<1024x1xf32>
    %mul3A_47 = vector.broadcast %get3A_46 : vector<1024x1xf32> to vector<1024x256xf32>
    %mul3A_48 = arith.mulf %dot_general3A_43, %mul3A_47 : vector<1024x256xf32>
    %swap3A_49 = arith.constant 0 : index
    %swap3A_50 = arith.constant 0 : index
    %swap3A_51 = vector.load %arg11[%swap3A_49, %swap3A_50] : memref<1024x256xf32, #tpu.memory_space<vmem>>, vector<1024x256xf32>
    tpu.vector_store %arg11[%swap3A_49, %swap3A_50], %mul3A_48 {strides = array<i32>} : memref<1024x256xf32, #tpu.memory_space<vmem>>, vector<1024x256xf32>,
    return
  }
  func.func @transform_0(%arg0: i32) -> (i32, i32) {
    %c0_i32 = arith.constant 0 : i32
    %c0_i32_0 = arith.constant 0 : i32
    return %arg0, %c0_i32 : i32, i32
  }
  func.func @transform_1(%arg0: i32) -> (i32, i32) {
    %c0_i32 = arith.constant 0 : i32
    %c0_i32_0 = arith.constant 0 : i32
    return %arg0, %c0_i32 : i32, i32
  }
  func.func @transform_2(%arg0: i32) -> (i32, i32) {
    %c0_i32 = arith.constant 0 : i32
    %c0_i32_0 = arith.constant 0 : i32
    return %arg0, %c0_i32 : i32, i32
  }
  func.func @transform_3(%arg0: i32) -> (i32, i32) {
    %c0_i32 = arith.constant 0 : i32
    %c0_i32_0 = arith.constant 0 : i32
    return %arg0, %c0_i32 : i32, i32
  }
  func.func @transform_4(%arg0: i32) -> (i32, i32) {
    %c0_i32 = arith.constant 0 : i32
    %c0_i32_0 = arith.constant 0 : i32
    %c0_i32_1 = arith.constant 0 : i32
    return %c0_i32, %c0_i32_0 : i32, i32
  }
  func.func @transform_5(%arg0: i32) -> (i32, i32) {
    %c0_i32 = arith.constant 0 : i32
    %c0_i32_0 = arith.constant 0 : i32
    %c0_i32_1 = arith.constant 0 : i32
    return %c0_i32, %c0_i32_0 : i32, i32
  }
  func.func @transform_6(%arg0: i32) -> (i32, i32) {
    %c0_i32 = arith.constant 0 : i32
    %c0_i32_0 = arith.constant 0 : i32
    %c0_i32_1 = arith.constant 0 : i32
    return %c0_i32, %c0_i32_0 : i32, i32
  }
  func.func @transform_7(%arg0: i32) -> (i32, i32) {
    %c0_i32 = arith.constant 0 : i32
    %c0_i32_0 = arith.constant 0 : i32
    %c0_i32_1 = arith.constant 0 : i32
    return %c0_i32, %c0_i32_0 : i32, i32
  }
  func.func @transform_8(%arg0: i32) -> (i32, i32) {
    %c0_i32 = arith.constant 0 : i32
    %c0_i32_0 = arith.constant 0 : i32
    return %arg0, %c0_i32 : i32, i32
  }
  func.func @transform_9(%arg0: i32) -> (i32, i32) {
    %c0_i32 = arith.constant 0 : i32
    %c0_i32_0 = arith.constant 0 : i32
    return %arg0, %c0_i32 : i32, i32
  }
  func.func @transform_10(%arg0: i32) -> (i32, i32) {
    %c0_i32 = arith.constant 0 : i32
    %c0_i32_0 = arith.constant 0 : i32
    return %arg0, %c0_i32 : i32, i32
  }
}

module attributes {stable_mosaic.version = 14 : i64} {
  func.func @_kpool_body(%arg0: i32, %arg1: memref<2752x256xf32, #tpu.memory_space<vmem>>, %arg2: memref<2752x256xf32, #tpu.memory_space<vmem>>, %arg3: memref<2752x256xf32, #tpu.memory_space<vmem>>, %arg4: memref<2752x1xf32, #tpu.memory_space<vmem>>, %arg5: memref<1x256xf32, #tpu.memory_space<vmem>>, %arg6: memref<1x256xf32, #tpu.memory_space<vmem>>, %arg7: memref<1x256xf32, #tpu.memory_space<vmem>>, %arg8: memref<1x56x256xf32, #tpu.memory_space<vmem>>) attributes {dimension_semantics = [#tpu.dimension_semantics<arbitrary>], iteration_bounds = array<i64: 16>, scalar_prefetch = 0 : i64, scratch_operands = 0 : i64, tpu.core_type = #tpu.core_type<tc>, window_params = [{transform_indices = @transform_0, window_bounds = array<i64: 2752, 256>}, {transform_indices = @transform_1, window_bounds = array<i64: 2752, 256>}, {transform_indices = @transform_2, window_bounds = array<i64: 2752, 256>}, {transform_indices = @transform_3, window_bounds = array<i64: 2752, 1>}, {pipeline_mode = #tpu.pipeline_mode<synchronous>, transform_indices = @transform_4, window_bounds = array<i64: 1, 256>}, {pipeline_mode = #tpu.pipeline_mode<synchronous>, transform_indices = @transform_5, window_bounds = array<i64: 1, 256>}, {pipeline_mode = #tpu.pipeline_mode<synchronous>, transform_indices = @transform_6, window_bounds = array<i64: 1, 256>}, {transform_indices = @transform_7, window_bounds = array<i64: 1, 56, 256>}]} {
    %get3A = arith.constant 0 : index
    %get3A_0 = arith.constant 0 : index
    %get3A_1 = vector.load %arg4[%get3A, %get3A_0] : memref<2752x1xf32, #tpu.memory_space<vmem>>, vector<2752x1xf32>
    %get3A_2 = arith.constant 0 : index
    %get3A_3 = arith.constant 0 : index
    %get3A_4 = vector.load %arg1[%get3A_2, %get3A_3] : memref<2752x256xf32, #tpu.memory_space<vmem>>, vector<2752x256xf32>
    %get3A_5 = arith.constant 0 : index
    %get3A_6 = arith.constant 0 : index
    %get3A_7 = vector.load %arg2[%get3A_5, %get3A_6] : memref<2752x256xf32, #tpu.memory_space<vmem>>, vector<2752x256xf32>
    %add3A = arith.addf %get3A_4, %get3A_7 : vector<2752x256xf32>
    %mul3A = vector.broadcast %get3A_1 : vector<2752x1xf32> to vector<2752x256xf32>
    %mul3A_8 = arith.mulf %mul3A, %add3A : vector<2752x256xf32>
    %get3A_9 = arith.constant 0 : index
    %get3A_10 = arith.constant 0 : index
    %get3A_11 = vector.load %arg5[%get3A_9, %get3A_10] : memref<1x256xf32, #tpu.memory_space<vmem>>, vector<1x256xf32>
    %add3A_12 = vector.broadcast %get3A_11 : vector<1x256xf32> to vector<2752x256xf32>
    %add3A_13 = arith.addf %mul3A_8, %add3A_12 : vector<2752x256xf32>
    %get3A_14 = arith.constant 0 : index
    %get3A_15 = arith.constant 0 : index
    %get3A_16 = vector.load %arg6[%get3A_14, %get3A_15] : memref<1x256xf32, #tpu.memory_space<vmem>>, vector<1x256xf32>
    %mul3A_17 = vector.broadcast %get3A_16 : vector<1x256xf32> to vector<2752x256xf32>
    %mul3A_18 = arith.mulf %add3A_13, %mul3A_17 : vector<2752x256xf32>
    %get3A_19 = arith.constant 0 : index
    %get3A_20 = arith.constant 0 : index
    %get3A_21 = vector.load %arg7[%get3A_19, %get3A_20] : memref<1x256xf32, #tpu.memory_space<vmem>>, vector<1x256xf32>
    %add3A_22 = vector.broadcast %get3A_21 : vector<1x256xf32> to vector<2752x256xf32>
    %add3A_23 = arith.addf %mul3A_18, %add3A_22 : vector<2752x256xf32>
    %get3A_24 = arith.constant 0 : index
    %get3A_25 = arith.constant 0 : index
    %get3A_26 = vector.load %arg3[%get3A_24, %get3A_25] : memref<2752x256xf32, #tpu.memory_space<vmem>>, vector<2752x256xf32>
    %add3A_27 = arith.addf %add3A_23, %get3A_26 : vector<2752x256xf32>
    %mul3A_28 = arith.constant 5.000000e-01 : f32
    %mul3A_29 = vector.broadcast %mul3A_28 : f32 to vector<2752x256xf32>
    %mul3A_30 = arith.mulf %mul3A_29, %add3A_27 : vector<2752x256xf32>
    %mul3A_31 = arith.constant 0.707106769 : f32
    %mul3A_32 = vector.broadcast %mul3A_31 : f32 to vector<2752x256xf32>
    %mul3A_33 = arith.mulf %add3A_27, %mul3A_32 : vector<2752x256xf32>
    %erf3A = math.erf %mul3A_33 : vector<2752x256xf32>
    %add3A_34 = arith.constant 1.000000e+00 : f32
    %add3A_35 = vector.broadcast %add3A_34 : f32 to vector<2752x256xf32>
    %add3A_36 = arith.addf %add3A_35, %erf3A : vector<2752x256xf32>
    %mul3A_37 = arith.mulf %mul3A_30, %add3A_36 : vector<2752x256xf32>
    %iota3A = tpu.iota {dimensions = array<i32: 0>} : vector<56x2752xi32>
    %iota3A_38 = tpu.iota {dimensions = array<i32: 1>} : vector<56x2752xi32>
    %jit3A = arith.constant 55 : i32
    %div3A = vector.broadcast %jit3A : i32 to vector<56x2752xi32>
    %div3A_39 = arith.divsi %iota3A_38, %div3A : vector<56x2752xi32>
    %sign3A = arith.constant 0 : i32
    %sign3A_40 = vector.broadcast %sign3A : i32 to vector<56x2752xi32>
    %sign3A_41 = arith.cmpi sgt, %iota3A_38, %sign3A_40 : vector<56x2752xi32>
    %sign3A_42 = arith.extui %sign3A_41 : vector<56x2752xi1> to vector<56x2752xi32>
    %sign3A_43 = arith.constant 0 : i32
    %sign3A_44 = vector.broadcast %sign3A_43 : i32 to vector<56x2752xi32>
    %sign3A_45 = arith.cmpi slt, %iota3A_38, %sign3A_44 : vector<56x2752xi32>
    %sign3A_46 = arith.extui %sign3A_45 : vector<56x2752xi1> to vector<56x2752xi32>
    %sign3A_47 = arith.subi %sign3A_42, %sign3A_46 : vector<56x2752xi32>
    %sign3A_48 = arith.constant 0 : i32
    %sign3A_49 = arith.cmpi sgt, %jit3A, %sign3A_48 : i32
    %sign3A_50 = arith.extui %sign3A_49 : i1 to i32
    %sign3A_51 = arith.constant 0 : i32
    %sign3A_52 = arith.cmpi slt, %jit3A, %sign3A_51 : i32
    %sign3A_53 = arith.extui %sign3A_52 : i1 to i32
    %sign3A_54 = arith.subi %sign3A_50, %sign3A_53 : i32
    %ne3A = vector.broadcast %sign3A_54 : i32 to vector<56x2752xi32>
    %ne3A_55 = arith.cmpi ne, %sign3A_47, %ne3A : vector<56x2752xi32>
    %rem3A = vector.broadcast %jit3A : i32 to vector<56x2752xi32>
    %rem3A_56 = arith.remsi %iota3A_38, %rem3A : vector<56x2752xi32>
    %ne3A_57 = arith.constant 0 : i32
    %ne3A_58 = vector.broadcast %ne3A_57 : i32 to vector<56x2752xi32>
    %ne3A_59 = arith.cmpi ne, %rem3A_56, %ne3A_58 : vector<56x2752xi32>
    %and3A = arith.andi %ne3A_55, %ne3A_59 : vector<56x2752xi1>
    %sub3A = arith.constant 1 : i32
    %sub3A_60 = vector.broadcast %sub3A : i32 to vector<56x2752xi32>
    %sub3A_61 = arith.subi %div3A_39, %sub3A_60 : vector<56x2752xi32>
    %select_n3A = arith.select %and3A, %sub3A_61, %div3A_39 : vector<56x2752xi1>, vector<56x2752xi32>
    %eq3A = arith.cmpi eq, %select_n3A, %iota3A : vector<56x2752xi32>
    %lt3A = arith.constant 2750 : i32
    %lt3A_62 = vector.broadcast %lt3A : i32 to vector<56x2752xi32>
    %lt3A_63 = arith.cmpi slt, %iota3A_38, %lt3A_62 : vector<56x2752xi32>
    %and3A_64 = arith.andi %eq3A, %lt3A_63 : vector<56x2752xi1>
    %jit3A_65 = arith.constant 0.0181818176 : f32
    %jit3A_66 = arith.constant 0.000000e+00 : f32
    %broadcast_in_dim3A = vector.broadcast %jit3A_65 : f32 to vector<56x2752xf32>
    %broadcast_in_dim3A_67 = vector.broadcast %jit3A_66 : f32 to vector<56x2752xf32>
    %select_n3A_68 = arith.select %and3A_64, %broadcast_in_dim3A, %broadcast_in_dim3A_67 : vector<56x2752xi1>, vector<56x2752xf32>
    %dot_general3A = arith.constant dense<0.000000e+00> : vector<56x256xf32>
    %dot_general3A_69 = tpu.matmul %select_n3A_68, %mul3A_37, %dot_general3A {dimension_numbers = #tpu.dot_dimension_numbers<[1], [0], [0], [1], [0, 0, 1, 1], [], []>, transpose_lhs_hint = false} : vector<56x2752xf32>, vector<2752x256xf32>, vector<56x256xf32> -> vector<56x256xf32>
    %swap3A = arith.constant 0 : index
    %swap3A_70 = arith.constant 0 : index
    %swap3A_71 = arith.constant 0 : index
    %swap3A_72 = vector.load %arg8[%swap3A, %swap3A_70, %swap3A_71] : memref<1x56x256xf32, #tpu.memory_space<vmem>>, vector<1x56x256xf32>
    %swap3A_73 = vector.shape_cast %swap3A_72 : vector<1x56x256xf32> to vector<56x256xf32>
    %swap3A_74 = vector.shape_cast %dot_general3A_69 : vector<56x256xf32> to vector<1x56x256xf32>
    tpu.vector_store %arg8[%swap3A, %swap3A_70, %swap3A_71], %swap3A_74 {strides = array<i32>} : memref<1x56x256xf32, #tpu.memory_space<vmem>>, vector<1x56x256xf32>,
    return
  }
  func.func @transform_0(%arg0: i32) -> (i32, i32) {
    %c0_i32 = arith.constant 0 : i32
    %c0_i32_0 = arith.constant 0 : i32
    return %arg0, %c0_i32 : i32, i32
  }
  func.func @transform_1(%arg0: i32) -> (i32, i32) {
    %c0_i32 = arith.constant 0 : i32
    %c0_i32_0 = arith.constant 0 : i32
    return %arg0, %c0_i32 : i32, i32
  }
  func.func @transform_2(%arg0: i32) -> (i32, i32) {
    %c0_i32 = arith.constant 0 : i32
    %c0_i32_0 = arith.constant 0 : i32
    return %arg0, %c0_i32 : i32, i32
  }
  func.func @transform_3(%arg0: i32) -> (i32, i32) {
    %c0_i32 = arith.constant 0 : i32
    %c0_i32_0 = arith.constant 0 : i32
    return %arg0, %c0_i32 : i32, i32
  }
  func.func @transform_4(%arg0: i32) -> (i32, i32) {
    %c0_i32 = arith.constant 0 : i32
    %c0_i32_0 = arith.constant 0 : i32
    %c0_i32_1 = arith.constant 0 : i32
    return %c0_i32, %c0_i32_0 : i32, i32
  }
  func.func @transform_5(%arg0: i32) -> (i32, i32) {
    %c0_i32 = arith.constant 0 : i32
    %c0_i32_0 = arith.constant 0 : i32
    %c0_i32_1 = arith.constant 0 : i32
    return %c0_i32, %c0_i32_0 : i32, i32
  }
  func.func @transform_6(%arg0: i32) -> (i32, i32) {
    %c0_i32 = arith.constant 0 : i32
    %c0_i32_0 = arith.constant 0 : i32
    %c0_i32_1 = arith.constant 0 : i32
    return %c0_i32, %c0_i32_0 : i32, i32
  }
  func.func @transform_7(%arg0: i32) -> (i32, i32, i32) {
    %c0_i32 = arith.constant 0 : i32
    %c0_i32_0 = arith.constant 0 : i32
    %c0_i32_1 = arith.constant 0 : i32
    return %arg0, %c0_i32, %c0_i32_0 : i32, i32, i32
  }
}

module attributes {stable_mosaic.version = 14 : i64} {
  func.func @_khead_body(%arg0: i32, %arg1: memref<16x56x256xf32, #tpu.memory_space<vmem>>, %arg2: memref<256x64xf32, #tpu.memory_space<vmem>>, %arg3: memref<1x64xf32, #tpu.memory_space<vmem>>, %arg4: memref<64x1xf32, #tpu.memory_space<vmem>>, %arg5: memref<1x256xf32, #tpu.memory_space<vmem>>, %arg6: memref<1x256xf32, #tpu.memory_space<vmem>>, %arg7: memref<256x256xf32, #tpu.memory_space<vmem>>, %arg8: memref<1x256xf32, #tpu.memory_space<vmem>>, %arg9: memref<256x104xf32, #tpu.memory_space<vmem>>, %arg10: memref<1x104xf32, #tpu.memory_space<vmem>>, %arg11: memref<16x104xf32, #tpu.memory_space<vmem>>) attributes {dimension_semantics = [#tpu.dimension_semantics<arbitrary>], iteration_bounds = array<i64: 1>, scalar_prefetch = 0 : i64, scratch_operands = 0 : i64, tpu.core_type = #tpu.core_type<tc>, window_params = [{pipeline_mode = #tpu.pipeline_mode<synchronous>, transform_indices = @transform_0, window_bounds = array<i64: 16, 56, 256>}, {pipeline_mode = #tpu.pipeline_mode<synchronous>, transform_indices = @transform_1, window_bounds = array<i64: 256, 64>}, {pipeline_mode = #tpu.pipeline_mode<synchronous>, transform_indices = @transform_2, window_bounds = array<i64: 1, 64>}, {pipeline_mode = #tpu.pipeline_mode<synchronous>, transform_indices = @transform_3, window_bounds = array<i64: 64, 1>}, {pipeline_mode = #tpu.pipeline_mode<synchronous>, transform_indices = @transform_4, window_bounds = array<i64: 1, 256>}, {pipeline_mode = #tpu.pipeline_mode<synchronous>, transform_indices = @transform_5, window_bounds = array<i64: 1, 256>}, {pipeline_mode = #tpu.pipeline_mode<synchronous>, transform_indices = @transform_6, window_bounds = array<i64: 256, 256>}, {pipeline_mode = #tpu.pipeline_mode<synchronous>, transform_indices = @transform_7, window_bounds = array<i64: 1, 256>}, {pipeline_mode = #tpu.pipeline_mode<synchronous>, transform_indices = @transform_8, window_bounds = array<i64: 256, 104>}, {pipeline_mode = #tpu.pipeline_mode<synchronous>, transform_indices = @transform_9, window_bounds = array<i64: 1, 104>}, {pipeline_mode = #tpu.pipeline_mode<synchronous>, transform_indices = @transform_10, window_bounds = array<i64: 16, 104>}]} {
    %iota3A = tpu.iota {dimensions = array<i32: 0>} : vector<56x1xi32>
    %lt3A = arith.constant 50 : i32
    %lt3A_0 = vector.broadcast %lt3A : i32 to vector<56x1xi32>
    %lt3A_1 = arith.cmpi slt, %iota3A, %lt3A_0 : vector<56x1xi32>
    %get3A = arith.constant 0 : index
    %get3A_2 = arith.constant 0 : index
    %get3A_3 = arith.constant 0 : index
    %get3A_4 = vector.load %arg1[%get3A, %get3A_2, %get3A_3] : memref<16x56x256xf32, #tpu.memory_space<vmem>>, vector<1x56x256xf32>
    %get3A_5 = vector.shape_cast %get3A_4 : vector<1x56x256xf32> to vector<56x256xf32>
    %get3A_6 = arith.constant 0 : index
    %get3A_7 = arith.constant 0 : index
    %get3A_8 = vector.load %arg2[%get3A_6, %get3A_7] : memref<256x64xf32, #tpu.memory_space<vmem>>, vector<256x64xf32>
    %dot_general3A = arith.constant dense<0.000000e+00> : vector<56x64xf32>
    %dot_general3A_9 = tpu.matmul %get3A_5, %get3A_8, %dot_general3A {dimension_numbers = #tpu.dot_dimension_numbers<[1], [0], [0], [1], [0, 0, 1, 1], [], []>, transpose_lhs_hint = false} : vector<56x256xf32>, vector<256x64xf32>, vector<56x64xf32> -> vector<56x64xf32>
    %get3A_10 = arith.constant 0 : index
    %get3A_11 = arith.constant 0 : index
    %get3A_12 = vector.load %arg3[%get3A_10, %get3A_11] : memref<1x64xf32, #tpu.memory_space<vmem>>, vector<1x64xf32>
    %add3A = vector.broadcast %get3A_12 : vector<1x64xf32> to vector<56x64xf32>
    %add3A_13 = arith.addf %dot_general3A_9, %add3A : vector<56x64xf32>
    %tanh3A = math.tanh %add3A_13 : vector<56x64xf32>
    %get3A_14 = arith.constant 0 : index
    %get3A_15 = arith.constant 0 : index
    %get3A_16 = vector.load %arg4[%get3A_14, %get3A_15] : memref<64x1xf32, #tpu.memory_space<vmem>>, vector<64x1xf32>
    %dot_general3A_17 = arith.constant dense<0.000000e+00> : vector<56x1xf32>
    %dot_general3A_18 = tpu.matmul %tanh3A, %get3A_16, %dot_general3A_17 {dimension_numbers = #tpu.dot_dimension_numbers<[1], [0], [0], [1], [0, 0, 1, 1], [], []>, transpose_lhs_hint = false} : vector<56x64xf32>, vector<64x1xf32>, vector<56x1xf32> -> vector<56x1xf32>
    %jit3A = arith.constant -1.000000e+30 : f32
    %broadcast_in_dim3A = vector.broadcast %jit3A : f32 to vector<56x1xf32>
    %select_n3A = arith.select %lt3A_1, %dot_general3A_18, %broadcast_in_dim3A : vector<56x1xi1>, vector<56x1xf32>
    %reduce_max3A = arith.constant dense<0xFF800000> : vector<1xf32>
    %reduce_max3A_19 = vector.multi_reduction <maximumf>, %select_n3A, %reduce_max3A [0] : vector<56x1xf32> to vector<1xf32>
    %broadcast_in_dim3A_20 = vector.shape_cast %reduce_max3A_19 : vector<1xf32> to vector<1x1xf32>
    %sub3A = vector.broadcast %broadcast_in_dim3A_20 : vector<1x1xf32> to vector<56x1xf32>
    %sub3A_21 = arith.subf %select_n3A, %sub3A : vector<56x1xf32>
    %exp3A = math.exp %sub3A_21 : vector<56x1xf32>
    %jit3A_22 = arith.constant 0.000000e+00 : f32
    %broadcast_in_dim3A_23 = vector.broadcast %jit3A_22 : f32 to vector<56x1xf32>
    %select_n3A_24 = arith.select %lt3A_1, %exp3A, %broadcast_in_dim3A_23 : vector<56x1xi1>, vector<56x1xf32>
    %reduce_sum3A = arith.constant dense<0.000000e+00> : vector<1xf32>
    %reduce_sum3A_25 = vector.multi_reduction <add>, %select_n3A_24, %reduce_sum3A [0] : vector<56x1xf32> to vector<1xf32>
    %broadcast_in_dim3A_26 = vector.shape_cast %reduce_sum3A_25 : vector<1xf32> to vector<1x1xf32>
    %div3A = vector.broadcast %broadcast_in_dim3A_26 : vector<1x1xf32> to vector<56x1xf32>
    %div3A_27 = arith.divf %select_n3A_24, %div3A : vector<56x1xf32>
    %mul3A = vector.broadcast %div3A_27 : vector<56x1xf32> to vector<56x256xf32>
    %mul3A_28 = arith.mulf %get3A_5, %mul3A : vector<56x256xf32>
    %reduce_sum3A_29 = arith.constant dense<0.000000e+00> : vector<256xf32>
    %reduce_sum3A_30 = vector.multi_reduction <add>, %mul3A_28, %reduce_sum3A_29 [0] : vector<56x256xf32> to vector<256xf32>
    %broadcast_in_dim3A_31 = vector.shape_cast %reduce_sum3A_30 : vector<256xf32> to vector<1x256xf32>
    %reduce_sum3A_32 = arith.constant dense<0.000000e+00> : vector<1xf32>
    %reduce_sum3A_33 = vector.multi_reduction <add>, %broadcast_in_dim3A_31, %reduce_sum3A_32 [1] : vector<1x256xf32> to vector<1xf32>
    %broadcast_in_dim3A_34 = vector.shape_cast %reduce_sum3A_33 : vector<1xf32> to vector<1x1xf32>
    %div3A_35 = arith.constant 2.560000e+02 : f32
    %div3A_36 = vector.broadcast %div3A_35 : f32 to vector<1x1xf32>
    %div3A_37 = arith.divf %broadcast_in_dim3A_34, %div3A_36 : vector<1x1xf32>
    %sub3A_38 = vector.broadcast %div3A_37 : vector<1x1xf32> to vector<1x256xf32>
    %sub3A_39 = arith.subf %broadcast_in_dim3A_31, %sub3A_38 : vector<1x256xf32>
    %integer_pow3A = arith.mulf %sub3A_39, %sub3A_39 : vector<1x256xf32>
    %reduce_sum3A_40 = arith.constant dense<0.000000e+00> : vector<1xf32>
    %reduce_sum3A_41 = vector.multi_reduction <add>, %integer_pow3A, %reduce_sum3A_40 [1] : vector<1x256xf32> to vector<1xf32>
    %broadcast_in_dim3A_42 = vector.shape_cast %reduce_sum3A_41 : vector<1xf32> to vector<1x1xf32>
    %div3A_43 = arith.constant 2.560000e+02 : f32
    %div3A_44 = vector.broadcast %div3A_43 : f32 to vector<1x1xf32>
    %div3A_45 = arith.divf %broadcast_in_dim3A_42, %div3A_44 : vector<1x1xf32>
    %sub3A_46 = vector.broadcast %div3A_37 : vector<1x1xf32> to vector<1x256xf32>
    %sub3A_47 = arith.subf %broadcast_in_dim3A_31, %sub3A_46 : vector<1x256xf32>
    %add3A_48 = arith.constant 9.99999974E-6 : f32
    %add3A_49 = vector.broadcast %add3A_48 : f32 to vector<1x1xf32>
    %add3A_50 = arith.addf %div3A_45, %add3A_49 : vector<1x1xf32>
    %rsqrt3A = math.rsqrt %add3A_50 : vector<1x1xf32>
    %mul3A_51 = vector.broadcast %rsqrt3A : vector<1x1xf32> to vector<1x256xf32>
    %mul3A_52 = arith.mulf %sub3A_47, %mul3A_51 : vector<1x256xf32>
    %get3A_53 = arith.constant 0 : index
    %get3A_54 = arith.constant 0 : index
    %get3A_55 = vector.load %arg5[%get3A_53, %get3A_54] : memref<1x256xf32, #tpu.memory_space<vmem>>, vector<1x256xf32>
    %mul3A_56 = arith.mulf %mul3A_52, %get3A_55 : vector<1x256xf32>
    %get3A_57 = arith.constant 0 : index
    %get3A_58 = arith.constant 0 : index
    %get3A_59 = vector.load %arg6[%get3A_57, %get3A_58] : memref<1x256xf32, #tpu.memory_space<vmem>>, vector<1x256xf32>
    %add3A_60 = arith.addf %mul3A_56, %get3A_59 : vector<1x256xf32>
    %get3A_61 = arith.constant 0 : index
    %get3A_62 = arith.constant 0 : index
    %get3A_63 = vector.load %arg7[%get3A_61, %get3A_62] : memref<256x256xf32, #tpu.memory_space<vmem>>, vector<256x256xf32>
    %dot_general3A_64 = arith.constant dense<0.000000e+00> : vector<1x256xf32>
    %dot_general3A_65 = tpu.matmul %add3A_60, %get3A_63, %dot_general3A_64 {dimension_numbers = #tpu.dot_dimension_numbers<[1], [0], [0], [1], [0, 0, 1, 1], [], []>, transpose_lhs_hint = false} : vector<1x256xf32>, vector<256x256xf32>, vector<1x256xf32> -> vector<1x256xf32>
    %get3A_66 = arith.constant 0 : index
    %get3A_67 = arith.constant 0 : index
    %get3A_68 = vector.load %arg8[%get3A_66, %get3A_67] : memref<1x256xf32, #tpu.memory_space<vmem>>, vector<1x256xf32>
    %add3A_69 = arith.addf %dot_general3A_65, %get3A_68 : vector<1x256xf32>
    %mul3A_70 = arith.constant 5.000000e-01 : f32
    %mul3A_71 = vector.broadcast %mul3A_70 : f32 to vector<1x256xf32>
    %mul3A_72 = arith.mulf %mul3A_71, %add3A_69 : vector<1x256xf32>
    %mul3A_73 = arith.constant 0.707106769 : f32
    %mul3A_74 = vector.broadcast %mul3A_73 : f32 to vector<1x256xf32>
    %mul3A_75 = arith.mulf %add3A_69, %mul3A_74 : vector<1x256xf32>
    %erf3A = math.erf %mul3A_75 : vector<1x256xf32>
    %add3A_76 = arith.constant 1.000000e+00 : f32
    %add3A_77 = vector.broadcast %add3A_76 : f32 to vector<1x256xf32>
    %add3A_78 = arith.addf %add3A_77, %erf3A : vector<1x256xf32>
    %mul3A_79 = arith.mulf %mul3A_72, %add3A_78 : vector<1x256xf32>
    %get3A_80 = arith.constant 0 : index
    %get3A_81 = arith.constant 0 : index
    %get3A_82 = vector.load %arg9[%get3A_80, %get3A_81] : memref<256x104xf32, #tpu.memory_space<vmem>>, vector<256x104xf32>
    %dot_general3A_83 = arith.constant dense<0.000000e+00> : vector<1x104xf32>
    %dot_general3A_84 = tpu.matmul %mul3A_79, %get3A_82, %dot_general3A_83 {dimension_numbers = #tpu.dot_dimension_numbers<[1], [0], [0], [1], [0, 0, 1, 1], [], []>, transpose_lhs_hint = false} : vector<1x256xf32>, vector<256x104xf32>, vector<1x104xf32> -> vector<1x104xf32>
    %get3A_85 = arith.constant 0 : index
    %get3A_86 = arith.constant 0 : index
    %get3A_87 = vector.load %arg10[%get3A_85, %get3A_86] : memref<1x104xf32, #tpu.memory_space<vmem>>, vector<1x104xf32>
    %add3A_88 = arith.addf %dot_general3A_84, %get3A_87 : vector<1x104xf32>
    %swap3A = arith.constant 0 : index
    %swap3A_89 = arith.constant 0 : index
    %swap3A_90 = vector.load %arg11[%swap3A, %swap3A_89] : memref<16x104xf32, #tpu.memory_space<vmem>>, vector<1x104xf32>
    tpu.vector_store %arg11[%swap3A, %swap3A_89], %add3A_88 {strides = array<i32>} : memref<16x104xf32, #tpu.memory_space<vmem>>, vector<1x104xf32>,
    %get3A_91 = arith.constant 1 : index
    %get3A_92 = arith.constant 0 : index
    %get3A_93 = arith.constant 0 : index
    %get3A_94 = vector.load %arg1[%get3A_91, %get3A_92, %get3A_93] : memref<16x56x256xf32, #tpu.memory_space<vmem>>, vector<1x56x256xf32>
    %get3A_95 = vector.shape_cast %get3A_94 : vector<1x56x256xf32> to vector<56x256xf32>
    %get3A_96 = arith.constant 0 : index
    %get3A_97 = arith.constant 0 : index
    %get3A_98 = vector.load %arg2[%get3A_96, %get3A_97] : memref<256x64xf32, #tpu.memory_space<vmem>>, vector<256x64xf32>
    %dot_general3A_99 = arith.constant dense<0.000000e+00> : vector<56x64xf32>
    %dot_general3A_100 = tpu.matmul %get3A_95, %get3A_98, %dot_general3A_99 {dimension_numbers = #tpu.dot_dimension_numbers<[1], [0], [0], [1], [0, 0, 1, 1], [], []>, transpose_lhs_hint = false} : vector<56x256xf32>, vector<256x64xf32>, vector<56x64xf32> -> vector<56x64xf32>
    %get3A_101 = arith.constant 0 : index
    %get3A_102 = arith.constant 0 : index
    %get3A_103 = vector.load %arg3[%get3A_101, %get3A_102] : memref<1x64xf32, #tpu.memory_space<vmem>>, vector<1x64xf32>
    %add3A_104 = vector.broadcast %get3A_103 : vector<1x64xf32> to vector<56x64xf32>
    %add3A_105 = arith.addf %dot_general3A_100, %add3A_104 : vector<56x64xf32>
    %tanh3A_106 = math.tanh %add3A_105 : vector<56x64xf32>
    %get3A_107 = arith.constant 0 : index
    %get3A_108 = arith.constant 0 : index
    %get3A_109 = vector.load %arg4[%get3A_107, %get3A_108] : memref<64x1xf32, #tpu.memory_space<vmem>>, vector<64x1xf32>
    %dot_general3A_110 = arith.constant dense<0.000000e+00> : vector<56x1xf32>
    %dot_general3A_111 = tpu.matmul %tanh3A_106, %get3A_109, %dot_general3A_110 {dimension_numbers = #tpu.dot_dimension_numbers<[1], [0], [0], [1], [0, 0, 1, 1], [], []>, transpose_lhs_hint = false} : vector<56x64xf32>, vector<64x1xf32>, vector<56x1xf32> -> vector<56x1xf32>
    %jit3A_112 = arith.constant -1.000000e+30 : f32
    %broadcast_in_dim3A_113 = vector.broadcast %jit3A_112 : f32 to vector<56x1xf32>
    %select_n3A_114 = arith.select %lt3A_1, %dot_general3A_111, %broadcast_in_dim3A_113 : vector<56x1xi1>, vector<56x1xf32>
    %reduce_max3A_115 = arith.constant dense<0xFF800000> : vector<1xf32>
    %reduce_max3A_116 = vector.multi_reduction <maximumf>, %select_n3A_114, %reduce_max3A_115 [0] : vector<56x1xf32> to vector<1xf32>
    %broadcast_in_dim3A_117 = vector.shape_cast %reduce_max3A_116 : vector<1xf32> to vector<1x1xf32>
    %sub3A_118 = vector.broadcast %broadcast_in_dim3A_117 : vector<1x1xf32> to vector<56x1xf32>
    %sub3A_119 = arith.subf %select_n3A_114, %sub3A_118 : vector<56x1xf32>
    %exp3A_120 = math.exp %sub3A_119 : vector<56x1xf32>
    %jit3A_121 = arith.constant 0.000000e+00 : f32
    %broadcast_in_dim3A_122 = vector.broadcast %jit3A_121 : f32 to vector<56x1xf32>
    %select_n3A_123 = arith.select %lt3A_1, %exp3A_120, %broadcast_in_dim3A_122 : vector<56x1xi1>, vector<56x1xf32>
    %reduce_sum3A_124 = arith.constant dense<0.000000e+00> : vector<1xf32>
    %reduce_sum3A_125 = vector.multi_reduction <add>, %select_n3A_123, %reduce_sum3A_124 [0] : vector<56x1xf32> to vector<1xf32>
    %broadcast_in_dim3A_126 = vector.shape_cast %reduce_sum3A_125 : vector<1xf32> to vector<1x1xf32>
    %div3A_127 = vector.broadcast %broadcast_in_dim3A_126 : vector<1x1xf32> to vector<56x1xf32>
    %div3A_128 = arith.divf %select_n3A_123, %div3A_127 : vector<56x1xf32>
    %mul3A_129 = vector.broadcast %div3A_128 : vector<56x1xf32> to vector<56x256xf32>
    %mul3A_130 = arith.mulf %get3A_95, %mul3A_129 : vector<56x256xf32>
    %reduce_sum3A_131 = arith.constant dense<0.000000e+00> : vector<256xf32>
    %reduce_sum3A_132 = vector.multi_reduction <add>, %mul3A_130, %reduce_sum3A_131 [0] : vector<56x256xf32> to vector<256xf32>
    %broadcast_in_dim3A_133 = vector.shape_cast %reduce_sum3A_132 : vector<256xf32> to vector<1x256xf32>
    %reduce_sum3A_134 = arith.constant dense<0.000000e+00> : vector<1xf32>
    %reduce_sum3A_135 = vector.multi_reduction <add>, %broadcast_in_dim3A_133, %reduce_sum3A_134 [1] : vector<1x256xf32> to vector<1xf32>
    %broadcast_in_dim3A_136 = vector.shape_cast %reduce_sum3A_135 : vector<1xf32> to vector<1x1xf32>
    %div3A_137 = arith.constant 2.560000e+02 : f32
    %div3A_138 = vector.broadcast %div3A_137 : f32 to vector<1x1xf32>
    %div3A_139 = arith.divf %broadcast_in_dim3A_136, %div3A_138 : vector<1x1xf32>
    %sub3A_140 = vector.broadcast %div3A_139 : vector<1x1xf32> to vector<1x256xf32>
    %sub3A_141 = arith.subf %broadcast_in_dim3A_133, %sub3A_140 : vector<1x256xf32>
    %integer_pow3A_142 = arith.mulf %sub3A_141, %sub3A_141 : vector<1x256xf32>
    %reduce_sum3A_143 = arith.constant dense<0.000000e+00> : vector<1xf32>
    %reduce_sum3A_144 = vector.multi_reduction <add>, %integer_pow3A_142, %reduce_sum3A_143 [1] : vector<1x256xf32> to vector<1xf32>
    %broadcast_in_dim3A_145 = vector.shape_cast %reduce_sum3A_144 : vector<1xf32> to vector<1x1xf32>
    %div3A_146 = arith.constant 2.560000e+02 : f32
    %div3A_147 = vector.broadcast %div3A_146 : f32 to vector<1x1xf32>
    %div3A_148 = arith.divf %broadcast_in_dim3A_145, %div3A_147 : vector<1x1xf32>
    %sub3A_149 = vector.broadcast %div3A_139 : vector<1x1xf32> to vector<1x256xf32>
    %sub3A_150 = arith.subf %broadcast_in_dim3A_133, %sub3A_149 : vector<1x256xf32>
    %add3A_151 = arith.constant 9.99999974E-6 : f32
    %add3A_152 = vector.broadcast %add3A_151 : f32 to vector<1x1xf32>
    %add3A_153 = arith.addf %div3A_148, %add3A_152 : vector<1x1xf32>
    %rsqrt3A_154 = math.rsqrt %add3A_153 : vector<1x1xf32>
    %mul3A_155 = vector.broadcast %rsqrt3A_154 : vector<1x1xf32> to vector<1x256xf32>
    %mul3A_156 = arith.mulf %sub3A_150, %mul3A_155 : vector<1x256xf32>
    %get3A_157 = arith.constant 0 : index
    %get3A_158 = arith.constant 0 : index
    %get3A_159 = vector.load %arg5[%get3A_157, %get3A_158] : memref<1x256xf32, #tpu.memory_space<vmem>>, vector<1x256xf32>
    %mul3A_160 = arith.mulf %mul3A_156, %get3A_159 : vector<1x256xf32>
    %get3A_161 = arith.constant 0 : index
    %get3A_162 = arith.constant 0 : index
    %get3A_163 = vector.load %arg6[%get3A_161, %get3A_162] : memref<1x256xf32, #tpu.memory_space<vmem>>, vector<1x256xf32>
    %add3A_164 = arith.addf %mul3A_160, %get3A_163 : vector<1x256xf32>
    %get3A_165 = arith.constant 0 : index
    %get3A_166 = arith.constant 0 : index
    %get3A_167 = vector.load %arg7[%get3A_165, %get3A_166] : memref<256x256xf32, #tpu.memory_space<vmem>>, vector<256x256xf32>
    %dot_general3A_168 = arith.constant dense<0.000000e+00> : vector<1x256xf32>
    %dot_general3A_169 = tpu.matmul %add3A_164, %get3A_167, %dot_general3A_168 {dimension_numbers = #tpu.dot_dimension_numbers<[1], [0], [0], [1], [0, 0, 1, 1], [], []>, transpose_lhs_hint = false} : vector<1x256xf32>, vector<256x256xf32>, vector<1x256xf32> -> vector<1x256xf32>
    %get3A_170 = arith.constant 0 : index
    %get3A_171 = arith.constant 0 : index
    %get3A_172 = vector.load %arg8[%get3A_170, %get3A_171] : memref<1x256xf32, #tpu.memory_space<vmem>>, vector<1x256xf32>
    %add3A_173 = arith.addf %dot_general3A_169, %get3A_172 : vector<1x256xf32>
    %mul3A_174 = arith.constant 5.000000e-01 : f32
    %mul3A_175 = vector.broadcast %mul3A_174 : f32 to vector<1x256xf32>
    %mul3A_176 = arith.mulf %mul3A_175, %add3A_173 : vector<1x256xf32>
    %mul3A_177 = arith.constant 0.707106769 : f32
    %mul3A_178 = vector.broadcast %mul3A_177 : f32 to vector<1x256xf32>
    %mul3A_179 = arith.mulf %add3A_173, %mul3A_178 : vector<1x256xf32>
    %erf3A_180 = math.erf %mul3A_179 : vector<1x256xf32>
    %add3A_181 = arith.constant 1.000000e+00 : f32
    %add3A_182 = vector.broadcast %add3A_181 : f32 to vector<1x256xf32>
    %add3A_183 = arith.addf %add3A_182, %erf3A_180 : vector<1x256xf32>
    %mul3A_184 = arith.mulf %mul3A_176, %add3A_183 : vector<1x256xf32>
    %get3A_185 = arith.constant 0 : index
    %get3A_186 = arith.constant 0 : index
    %get3A_187 = vector.load %arg9[%get3A_185, %get3A_186] : memref<256x104xf32, #tpu.memory_space<vmem>>, vector<256x104xf32>
    %dot_general3A_188 = arith.constant dense<0.000000e+00> : vector<1x104xf32>
    %dot_general3A_189 = tpu.matmul %mul3A_184, %get3A_187, %dot_general3A_188 {dimension_numbers = #tpu.dot_dimension_numbers<[1], [0], [0], [1], [0, 0, 1, 1], [], []>, transpose_lhs_hint = false} : vector<1x256xf32>, vector<256x104xf32>, vector<1x104xf32> -> vector<1x104xf32>
    %get3A_190 = arith.constant 0 : index
    %get3A_191 = arith.constant 0 : index
    %get3A_192 = vector.load %arg10[%get3A_190, %get3A_191] : memref<1x104xf32, #tpu.memory_space<vmem>>, vector<1x104xf32>
    %add3A_193 = arith.addf %dot_general3A_189, %get3A_192 : vector<1x104xf32>
    %swap3A_194 = arith.constant 1 : index
    %swap3A_195 = arith.constant 0 : index
    %swap3A_196 = vector.load %arg11[%swap3A_194, %swap3A_195] : memref<16x104xf32, #tpu.memory_space<vmem>>, vector<1x104xf32>
    tpu.vector_store %arg11[%swap3A_194, %swap3A_195], %add3A_193 {strides = array<i32>} : memref<16x104xf32, #tpu.memory_space<vmem>>, vector<1x104xf32>,
    %get3A_197 = arith.constant 2 : index
    %get3A_198 = arith.constant 0 : index
    %get3A_199 = arith.constant 0 : index
    %get3A_200 = vector.load %arg1[%get3A_197, %get3A_198, %get3A_199] : memref<16x56x256xf32, #tpu.memory_space<vmem>>, vector<1x56x256xf32>
    %get3A_201 = vector.shape_cast %get3A_200 : vector<1x56x256xf32> to vector<56x256xf32>
    %get3A_202 = arith.constant 0 : index
    %get3A_203 = arith.constant 0 : index
    %get3A_204 = vector.load %arg2[%get3A_202, %get3A_203] : memref<256x64xf32, #tpu.memory_space<vmem>>, vector<256x64xf32>
    %dot_general3A_205 = arith.constant dense<0.000000e+00> : vector<56x64xf32>
    %dot_general3A_206 = tpu.matmul %get3A_201, %get3A_204, %dot_general3A_205 {dimension_numbers = #tpu.dot_dimension_numbers<[1], [0], [0], [1], [0, 0, 1, 1], [], []>, transpose_lhs_hint = false} : vector<56x256xf32>, vector<256x64xf32>, vector<56x64xf32> -> vector<56x64xf32>
    %get3A_207 = arith.constant 0 : index
    %get3A_208 = arith.constant 0 : index
    %get3A_209 = vector.load %arg3[%get3A_207, %get3A_208] : memref<1x64xf32, #tpu.memory_space<vmem>>, vector<1x64xf32>
    %add3A_210 = vector.broadcast %get3A_209 : vector<1x64xf32> to vector<56x64xf32>
    %add3A_211 = arith.addf %dot_general3A_206, %add3A_210 : vector<56x64xf32>
    %tanh3A_212 = math.tanh %add3A_211 : vector<56x64xf32>
    %get3A_213 = arith.constant 0 : index
    %get3A_214 = arith.constant 0 : index
    %get3A_215 = vector.load %arg4[%get3A_213, %get3A_214] : memref<64x1xf32, #tpu.memory_space<vmem>>, vector<64x1xf32>
    %dot_general3A_216 = arith.constant dense<0.000000e+00> : vector<56x1xf32>
    %dot_general3A_217 = tpu.matmul %tanh3A_212, %get3A_215, %dot_general3A_216 {dimension_numbers = #tpu.dot_dimension_numbers<[1], [0], [0], [1], [0, 0, 1, 1], [], []>, transpose_lhs_hint = false} : vector<56x64xf32>, vector<64x1xf32>, vector<56x1xf32> -> vector<56x1xf32>
    %jit3A_218 = arith.constant -1.000000e+30 : f32
    %broadcast_in_dim3A_219 = vector.broadcast %jit3A_218 : f32 to vector<56x1xf32>
    %select_n3A_220 = arith.select %lt3A_1, %dot_general3A_217, %broadcast_in_dim3A_219 : vector<56x1xi1>, vector<56x1xf32>
    %reduce_max3A_221 = arith.constant dense<0xFF800000> : vector<1xf32>
    %reduce_max3A_222 = vector.multi_reduction <maximumf>, %select_n3A_220, %reduce_max3A_221 [0] : vector<56x1xf32> to vector<1xf32>
    %broadcast_in_dim3A_223 = vector.shape_cast %reduce_max3A_222 : vector<1xf32> to vector<1x1xf32>
    %sub3A_224 = vector.broadcast %broadcast_in_dim3A_223 : vector<1x1xf32> to vector<56x1xf32>
    %sub3A_225 = arith.subf %select_n3A_220, %sub3A_224 : vector<56x1xf32>
    %exp3A_226 = math.exp %sub3A_225 : vector<56x1xf32>
    %jit3A_227 = arith.constant 0.000000e+00 : f32
    %broadcast_in_dim3A_228 = vector.broadcast %jit3A_227 : f32 to vector<56x1xf32>
    %select_n3A_229 = arith.select %lt3A_1, %exp3A_226, %broadcast_in_dim3A_228 : vector<56x1xi1>, vector<56x1xf32>
    %reduce_sum3A_230 = arith.constant dense<0.000000e+00> : vector<1xf32>
    %reduce_sum3A_231 = vector.multi_reduction <add>, %select_n3A_229, %reduce_sum3A_230 [0] : vector<56x1xf32> to vector<1xf32>
    %broadcast_in_dim3A_232 = vector.shape_cast %reduce_sum3A_231 : vector<1xf32> to vector<1x1xf32>
    %div3A_233 = vector.broadcast %broadcast_in_dim3A_232 : vector<1x1xf32> to vector<56x1xf32>
    %div3A_234 = arith.divf %select_n3A_229, %div3A_233 : vector<56x1xf32>
    %mul3A_235 = vector.broadcast %div3A_234 : vector<56x1xf32> to vector<56x256xf32>
    %mul3A_236 = arith.mulf %get3A_201, %mul3A_235 : vector<56x256xf32>
    %reduce_sum3A_237 = arith.constant dense<0.000000e+00> : vector<256xf32>
    %reduce_sum3A_238 = vector.multi_reduction <add>, %mul3A_236, %reduce_sum3A_237 [0] : vector<56x256xf32> to vector<256xf32>
    %broadcast_in_dim3A_239 = vector.shape_cast %reduce_sum3A_238 : vector<256xf32> to vector<1x256xf32>
    %reduce_sum3A_240 = arith.constant dense<0.000000e+00> : vector<1xf32>
    %reduce_sum3A_241 = vector.multi_reduction <add>, %broadcast_in_dim3A_239, %reduce_sum3A_240 [1] : vector<1x256xf32> to vector<1xf32>
    %broadcast_in_dim3A_242 = vector.shape_cast %reduce_sum3A_241 : vector<1xf32> to vector<1x1xf32>
    %div3A_243 = arith.constant 2.560000e+02 : f32
    %div3A_244 = vector.broadcast %div3A_243 : f32 to vector<1x1xf32>
    %div3A_245 = arith.divf %broadcast_in_dim3A_242, %div3A_244 : vector<1x1xf32>
    %sub3A_246 = vector.broadcast %div3A_245 : vector<1x1xf32> to vector<1x256xf32>
    %sub3A_247 = arith.subf %broadcast_in_dim3A_239, %sub3A_246 : vector<1x256xf32>
    %integer_pow3A_248 = arith.mulf %sub3A_247, %sub3A_247 : vector<1x256xf32>
    %reduce_sum3A_249 = arith.constant dense<0.000000e+00> : vector<1xf32>
    %reduce_sum3A_250 = vector.multi_reduction <add>, %integer_pow3A_248, %reduce_sum3A_249 [1] : vector<1x256xf32> to vector<1xf32>
    %broadcast_in_dim3A_251 = vector.shape_cast %reduce_sum3A_250 : vector<1xf32> to vector<1x1xf32>
    %div3A_252 = arith.constant 2.560000e+02 : f32
    %div3A_253 = vector.broadcast %div3A_252 : f32 to vector<1x1xf32>
    %div3A_254 = arith.divf %broadcast_in_dim3A_251, %div3A_253 : vector<1x1xf32>
    %sub3A_255 = vector.broadcast %div3A_245 : vector<1x1xf32> to vector<1x256xf32>
    %sub3A_256 = arith.subf %broadcast_in_dim3A_239, %sub3A_255 : vector<1x256xf32>
    %add3A_257 = arith.constant 9.99999974E-6 : f32
    %add3A_258 = vector.broadcast %add3A_257 : f32 to vector<1x1xf32>
    %add3A_259 = arith.addf %div3A_254, %add3A_258 : vector<1x1xf32>
    %rsqrt3A_260 = math.rsqrt %add3A_259 : vector<1x1xf32>
    %mul3A_261 = vector.broadcast %rsqrt3A_260 : vector<1x1xf32> to vector<1x256xf32>
    %mul3A_262 = arith.mulf %sub3A_256, %mul3A_261 : vector<1x256xf32>
    %get3A_263 = arith.constant 0 : index
    %get3A_264 = arith.constant 0 : index
    %get3A_265 = vector.load %arg5[%get3A_263, %get3A_264] : memref<1x256xf32, #tpu.memory_space<vmem>>, vector<1x256xf32>
    %mul3A_266 = arith.mulf %mul3A_262, %get3A_265 : vector<1x256xf32>
    %get3A_267 = arith.constant 0 : index
    %get3A_268 = arith.constant 0 : index
    %get3A_269 = vector.load %arg6[%get3A_267, %get3A_268] : memref<1x256xf32, #tpu.memory_space<vmem>>, vector<1x256xf32>
    %add3A_270 = arith.addf %mul3A_266, %get3A_269 : vector<1x256xf32>
    %get3A_271 = arith.constant 0 : index
    %get3A_272 = arith.constant 0 : index
    %get3A_273 = vector.load %arg7[%get3A_271, %get3A_272] : memref<256x256xf32, #tpu.memory_space<vmem>>, vector<256x256xf32>
    %dot_general3A_274 = arith.constant dense<0.000000e+00> : vector<1x256xf32>
    %dot_general3A_275 = tpu.matmul %add3A_270, %get3A_273, %dot_general3A_274 {dimension_numbers = #tpu.dot_dimension_numbers<[1], [0], [0], [1], [0, 0, 1, 1], [], []>, transpose_lhs_hint = false} : vector<1x256xf32>, vector<256x256xf32>, vector<1x256xf32> -> vector<1x256xf32>
    %get3A_276 = arith.constant 0 : index
    %get3A_277 = arith.constant 0 : index
    %get3A_278 = vector.load %arg8[%get3A_276, %get3A_277] : memref<1x256xf32, #tpu.memory_space<vmem>>, vector<1x256xf32>
    %add3A_279 = arith.addf %dot_general3A_275, %get3A_278 : vector<1x256xf32>
    %mul3A_280 = arith.constant 5.000000e-01 : f32
    %mul3A_281 = vector.broadcast %mul3A_280 : f32 to vector<1x256xf32>
    %mul3A_282 = arith.mulf %mul3A_281, %add3A_279 : vector<1x256xf32>
    %mul3A_283 = arith.constant 0.707106769 : f32
    %mul3A_284 = vector.broadcast %mul3A_283 : f32 to vector<1x256xf32>
    %mul3A_285 = arith.mulf %add3A_279, %mul3A_284 : vector<1x256xf32>
    %erf3A_286 = math.erf %mul3A_285 : vector<1x256xf32>
    %add3A_287 = arith.constant 1.000000e+00 : f32
    %add3A_288 = vector.broadcast %add3A_287 : f32 to vector<1x256xf32>
    %add3A_289 = arith.addf %add3A_288, %erf3A_286 : vector<1x256xf32>
    %mul3A_290 = arith.mulf %mul3A_282, %add3A_289 : vector<1x256xf32>
    %get3A_291 = arith.constant 0 : index
    %get3A_292 = arith.constant 0 : index
    %get3A_293 = vector.load %arg9[%get3A_291, %get3A_292] : memref<256x104xf32, #tpu.memory_space<vmem>>, vector<256x104xf32>
    %dot_general3A_294 = arith.constant dense<0.000000e+00> : vector<1x104xf32>
    %dot_general3A_295 = tpu.matmul %mul3A_290, %get3A_293, %dot_general3A_294 {dimension_numbers = #tpu.dot_dimension_numbers<[1], [0], [0], [1], [0, 0, 1, 1], [], []>, transpose_lhs_hint = false} : vector<1x256xf32>, vector<256x104xf32>, vector<1x104xf32> -> vector<1x104xf32>
    %get3A_296 = arith.constant 0 : index
    %get3A_297 = arith.constant 0 : index
    %get3A_298 = vector.load %arg10[%get3A_296, %get3A_297] : memref<1x104xf32, #tpu.memory_space<vmem>>, vector<1x104xf32>
    %add3A_299 = arith.addf %dot_general3A_295, %get3A_298 : vector<1x104xf32>
    %swap3A_300 = arith.constant 2 : index
    %swap3A_301 = arith.constant 0 : index
    %swap3A_302 = vector.load %arg11[%swap3A_300, %swap3A_301] : memref<16x104xf32, #tpu.memory_space<vmem>>, vector<1x104xf32>
    tpu.vector_store %arg11[%swap3A_300, %swap3A_301], %add3A_299 {strides = array<i32>} : memref<16x104xf32, #tpu.memory_space<vmem>>, vector<1x104xf32>,
    %get3A_303 = arith.constant 3 : index
    %get3A_304 = arith.constant 0 : index
    %get3A_305 = arith.constant 0 : index
    %get3A_306 = vector.load %arg1[%get3A_303, %get3A_304, %get3A_305] : memref<16x56x256xf32, #tpu.memory_space<vmem>>, vector<1x56x256xf32>
    %get3A_307 = vector.shape_cast %get3A_306 : vector<1x56x256xf32> to vector<56x256xf32>
    %get3A_308 = arith.constant 0 : index
    %get3A_309 = arith.constant 0 : index
    %get3A_310 = vector.load %arg2[%get3A_308, %get3A_309] : memref<256x64xf32, #tpu.memory_space<vmem>>, vector<256x64xf32>
    %dot_general3A_311 = arith.constant dense<0.000000e+00> : vector<56x64xf32>
    %dot_general3A_312 = tpu.matmul %get3A_307, %get3A_310, %dot_general3A_311 {dimension_numbers = #tpu.dot_dimension_numbers<[1], [0], [0], [1], [0, 0, 1, 1], [], []>, transpose_lhs_hint = false} : vector<56x256xf32>, vector<256x64xf32>, vector<56x64xf32> -> vector<56x64xf32>
    %get3A_313 = arith.constant 0 : index
    %get3A_314 = arith.constant 0 : index
    %get3A_315 = vector.load %arg3[%get3A_313, %get3A_314] : memref<1x64xf32, #tpu.memory_space<vmem>>, vector<1x64xf32>
    %add3A_316 = vector.broadcast %get3A_315 : vector<1x64xf32> to vector<56x64xf32>
    %add3A_317 = arith.addf %dot_general3A_312, %add3A_316 : vector<56x64xf32>
    %tanh3A_318 = math.tanh %add3A_317 : vector<56x64xf32>
    %get3A_319 = arith.constant 0 : index
    %get3A_320 = arith.constant 0 : index
    %get3A_321 = vector.load %arg4[%get3A_319, %get3A_320] : memref<64x1xf32, #tpu.memory_space<vmem>>, vector<64x1xf32>
    %dot_general3A_322 = arith.constant dense<0.000000e+00> : vector<56x1xf32>
    %dot_general3A_323 = tpu.matmul %tanh3A_318, %get3A_321, %dot_general3A_322 {dimension_numbers = #tpu.dot_dimension_numbers<[1], [0], [0], [1], [0, 0, 1, 1], [], []>, transpose_lhs_hint = false} : vector<56x64xf32>, vector<64x1xf32>, vector<56x1xf32> -> vector<56x1xf32>
    %jit3A_324 = arith.constant -1.000000e+30 : f32
    %broadcast_in_dim3A_325 = vector.broadcast %jit3A_324 : f32 to vector<56x1xf32>
    %select_n3A_326 = arith.select %lt3A_1, %dot_general3A_323, %broadcast_in_dim3A_325 : vector<56x1xi1>, vector<56x1xf32>
    %reduce_max3A_327 = arith.constant dense<0xFF800000> : vector<1xf32>
    %reduce_max3A_328 = vector.multi_reduction <maximumf>, %select_n3A_326, %reduce_max3A_327 [0] : vector<56x1xf32> to vector<1xf32>
    %broadcast_in_dim3A_329 = vector.shape_cast %reduce_max3A_328 : vector<1xf32> to vector<1x1xf32>
    %sub3A_330 = vector.broadcast %broadcast_in_dim3A_329 : vector<1x1xf32> to vector<56x1xf32>
    %sub3A_331 = arith.subf %select_n3A_326, %sub3A_330 : vector<56x1xf32>
    %exp3A_332 = math.exp %sub3A_331 : vector<56x1xf32>
    %jit3A_333 = arith.constant 0.000000e+00 : f32
    %broadcast_in_dim3A_334 = vector.broadcast %jit3A_333 : f32 to vector<56x1xf32>
    %select_n3A_335 = arith.select %lt3A_1, %exp3A_332, %broadcast_in_dim3A_334 : vector<56x1xi1>, vector<56x1xf32>
    %reduce_sum3A_336 = arith.constant dense<0.000000e+00> : vector<1xf32>
    %reduce_sum3A_337 = vector.multi_reduction <add>, %select_n3A_335, %reduce_sum3A_336 [0] : vector<56x1xf32> to vector<1xf32>
    %broadcast_in_dim3A_338 = vector.shape_cast %reduce_sum3A_337 : vector<1xf32> to vector<1x1xf32>
    %div3A_339 = vector.broadcast %broadcast_in_dim3A_338 : vector<1x1xf32> to vector<56x1xf32>
    %div3A_340 = arith.divf %select_n3A_335, %div3A_339 : vector<56x1xf32>
    %mul3A_341 = vector.broadcast %div3A_340 : vector<56x1xf32> to vector<56x256xf32>
    %mul3A_342 = arith.mulf %get3A_307, %mul3A_341 : vector<56x256xf32>
    %reduce_sum3A_343 = arith.constant dense<0.000000e+00> : vector<256xf32>
    %reduce_sum3A_344 = vector.multi_reduction <add>, %mul3A_342, %reduce_sum3A_343 [0] : vector<56x256xf32> to vector<256xf32>
    %broadcast_in_dim3A_345 = vector.shape_cast %reduce_sum3A_344 : vector<256xf32> to vector<1x256xf32>
    %reduce_sum3A_346 = arith.constant dense<0.000000e+00> : vector<1xf32>
    %reduce_sum3A_347 = vector.multi_reduction <add>, %broadcast_in_dim3A_345, %reduce_sum3A_346 [1] : vector<1x256xf32> to vector<1xf32>
    %broadcast_in_dim3A_348 = vector.shape_cast %reduce_sum3A_347 : vector<1xf32> to vector<1x1xf32>
    %div3A_349 = arith.constant 2.560000e+02 : f32
    %div3A_350 = vector.broadcast %div3A_349 : f32 to vector<1x1xf32>
    %div3A_351 = arith.divf %broadcast_in_dim3A_348, %div3A_350 : vector<1x1xf32>
    %sub3A_352 = vector.broadcast %div3A_351 : vector<1x1xf32> to vector<1x256xf32>
    %sub3A_353 = arith.subf %broadcast_in_dim3A_345, %sub3A_352 : vector<1x256xf32>
    %integer_pow3A_354 = arith.mulf %sub3A_353, %sub3A_353 : vector<1x256xf32>
    %reduce_sum3A_355 = arith.constant dense<0.000000e+00> : vector<1xf32>
    %reduce_sum3A_356 = vector.multi_reduction <add>, %integer_pow3A_354, %reduce_sum3A_355 [1] : vector<1x256xf32> to vector<1xf32>
    %broadcast_in_dim3A_357 = vector.shape_cast %reduce_sum3A_356 : vector<1xf32> to vector<1x1xf32>
    %div3A_358 = arith.constant 2.560000e+02 : f32
    %div3A_359 = vector.broadcast %div3A_358 : f32 to vector<1x1xf32>
    %div3A_360 = arith.divf %broadcast_in_dim3A_357, %div3A_359 : vector<1x1xf32>
    %sub3A_361 = vector.broadcast %div3A_351 : vector<1x1xf32> to vector<1x256xf32>
    %sub3A_362 = arith.subf %broadcast_in_dim3A_345, %sub3A_361 : vector<1x256xf32>
    %add3A_363 = arith.constant 9.99999974E-6 : f32
    %add3A_364 = vector.broadcast %add3A_363 : f32 to vector<1x1xf32>
    %add3A_365 = arith.addf %div3A_360, %add3A_364 : vector<1x1xf32>
    %rsqrt3A_366 = math.rsqrt %add3A_365 : vector<1x1xf32>
    %mul3A_367 = vector.broadcast %rsqrt3A_366 : vector<1x1xf32> to vector<1x256xf32>
    %mul3A_368 = arith.mulf %sub3A_362, %mul3A_367 : vector<1x256xf32>
    %get3A_369 = arith.constant 0 : index
    %get3A_370 = arith.constant 0 : index
    %get3A_371 = vector.load %arg5[%get3A_369, %get3A_370] : memref<1x256xf32, #tpu.memory_space<vmem>>, vector<1x256xf32>
    %mul3A_372 = arith.mulf %mul3A_368, %get3A_371 : vector<1x256xf32>
    %get3A_373 = arith.constant 0 : index
    %get3A_374 = arith.constant 0 : index
    %get3A_375 = vector.load %arg6[%get3A_373, %get3A_374] : memref<1x256xf32, #tpu.memory_space<vmem>>, vector<1x256xf32>
    %add3A_376 = arith.addf %mul3A_372, %get3A_375 : vector<1x256xf32>
    %get3A_377 = arith.constant 0 : index
    %get3A_378 = arith.constant 0 : index
    %get3A_379 = vector.load %arg7[%get3A_377, %get3A_378] : memref<256x256xf32, #tpu.memory_space<vmem>>, vector<256x256xf32>
    %dot_general3A_380 = arith.constant dense<0.000000e+00> : vector<1x256xf32>
    %dot_general3A_381 = tpu.matmul %add3A_376, %get3A_379, %dot_general3A_380 {dimension_numbers = #tpu.dot_dimension_numbers<[1], [0], [0], [1], [0, 0, 1, 1], [], []>, transpose_lhs_hint = false} : vector<1x256xf32>, vector<256x256xf32>, vector<1x256xf32> -> vector<1x256xf32>
    %get3A_382 = arith.constant 0 : index
    %get3A_383 = arith.constant 0 : index
    %get3A_384 = vector.load %arg8[%get3A_382, %get3A_383] : memref<1x256xf32, #tpu.memory_space<vmem>>, vector<1x256xf32>
    %add3A_385 = arith.addf %dot_general3A_381, %get3A_384 : vector<1x256xf32>
    %mul3A_386 = arith.constant 5.000000e-01 : f32
    %mul3A_387 = vector.broadcast %mul3A_386 : f32 to vector<1x256xf32>
    %mul3A_388 = arith.mulf %mul3A_387, %add3A_385 : vector<1x256xf32>
    %mul3A_389 = arith.constant 0.707106769 : f32
    %mul3A_390 = vector.broadcast %mul3A_389 : f32 to vector<1x256xf32>
    %mul3A_391 = arith.mulf %add3A_385, %mul3A_390 : vector<1x256xf32>
    %erf3A_392 = math.erf %mul3A_391 : vector<1x256xf32>
    %add3A_393 = arith.constant 1.000000e+00 : f32
    %add3A_394 = vector.broadcast %add3A_393 : f32 to vector<1x256xf32>
    %add3A_395 = arith.addf %add3A_394, %erf3A_392 : vector<1x256xf32>
    %mul3A_396 = arith.mulf %mul3A_388, %add3A_395 : vector<1x256xf32>
    %get3A_397 = arith.constant 0 : index
    %get3A_398 = arith.constant 0 : index
    %get3A_399 = vector.load %arg9[%get3A_397, %get3A_398] : memref<256x104xf32, #tpu.memory_space<vmem>>, vector<256x104xf32>
    %dot_general3A_400 = arith.constant dense<0.000000e+00> : vector<1x104xf32>
    %dot_general3A_401 = tpu.matmul %mul3A_396, %get3A_399, %dot_general3A_400 {dimension_numbers = #tpu.dot_dimension_numbers<[1], [0], [0], [1], [0, 0, 1, 1], [], []>, transpose_lhs_hint = false} : vector<1x256xf32>, vector<256x104xf32>, vector<1x104xf32> -> vector<1x104xf32>
    %get3A_402 = arith.constant 0 : index
    %get3A_403 = arith.constant 0 : index
    %get3A_404 = vector.load %arg10[%get3A_402, %get3A_403] : memref<1x104xf32, #tpu.memory_space<vmem>>, vector<1x104xf32>
    %add3A_405 = arith.addf %dot_general3A_401, %get3A_404 : vector<1x104xf32>
    %swap3A_406 = arith.constant 3 : index
    %swap3A_407 = arith.constant 0 : index
    %swap3A_408 = vector.load %arg11[%swap3A_406, %swap3A_407] : memref<16x104xf32, #tpu.memory_space<vmem>>, vector<1x104xf32>
    tpu.vector_store %arg11[%swap3A_406, %swap3A_407], %add3A_405 {strides = array<i32>} : memref<16x104xf32, #tpu.memory_space<vmem>>, vector<1x104xf32>,
    %get3A_409 = arith.constant 4 : index
    %get3A_410 = arith.constant 0 : index
    %get3A_411 = arith.constant 0 : index
    %get3A_412 = vector.load %arg1[%get3A_409, %get3A_410, %get3A_411] : memref<16x56x256xf32, #tpu.memory_space<vmem>>, vector<1x56x256xf32>
    %get3A_413 = vector.shape_cast %get3A_412 : vector<1x56x256xf32> to vector<56x256xf32>
    %get3A_414 = arith.constant 0 : index
    %get3A_415 = arith.constant 0 : index
    %get3A_416 = vector.load %arg2[%get3A_414, %get3A_415] : memref<256x64xf32, #tpu.memory_space<vmem>>, vector<256x64xf32>
    %dot_general3A_417 = arith.constant dense<0.000000e+00> : vector<56x64xf32>
    %dot_general3A_418 = tpu.matmul %get3A_413, %get3A_416, %dot_general3A_417 {dimension_numbers = #tpu.dot_dimension_numbers<[1], [0], [0], [1], [0, 0, 1, 1], [], []>, transpose_lhs_hint = false} : vector<56x256xf32>, vector<256x64xf32>, vector<56x64xf32> -> vector<56x64xf32>
    %get3A_419 = arith.constant 0 : index
    %get3A_420 = arith.constant 0 : index
    %get3A_421 = vector.load %arg3[%get3A_419, %get3A_420] : memref<1x64xf32, #tpu.memory_space<vmem>>, vector<1x64xf32>
    %add3A_422 = vector.broadcast %get3A_421 : vector<1x64xf32> to vector<56x64xf32>
    %add3A_423 = arith.addf %dot_general3A_418, %add3A_422 : vector<56x64xf32>
    %tanh3A_424 = math.tanh %add3A_423 : vector<56x64xf32>
    %get3A_425 = arith.constant 0 : index
    %get3A_426 = arith.constant 0 : index
    %get3A_427 = vector.load %arg4[%get3A_425, %get3A_426] : memref<64x1xf32, #tpu.memory_space<vmem>>, vector<64x1xf32>
    %dot_general3A_428 = arith.constant dense<0.000000e+00> : vector<56x1xf32>
    %dot_general3A_429 = tpu.matmul %tanh3A_424, %get3A_427, %dot_general3A_428 {dimension_numbers = #tpu.dot_dimension_numbers<[1], [0], [0], [1], [0, 0, 1, 1], [], []>, transpose_lhs_hint = false} : vector<56x64xf32>, vector<64x1xf32>, vector<56x1xf32> -> vector<56x1xf32>
    %jit3A_430 = arith.constant -1.000000e+30 : f32
    %broadcast_in_dim3A_431 = vector.broadcast %jit3A_430 : f32 to vector<56x1xf32>
    %select_n3A_432 = arith.select %lt3A_1, %dot_general3A_429, %broadcast_in_dim3A_431 : vector<56x1xi1>, vector<56x1xf32>
    %reduce_max3A_433 = arith.constant dense<0xFF800000> : vector<1xf32>
    %reduce_max3A_434 = vector.multi_reduction <maximumf>, %select_n3A_432, %reduce_max3A_433 [0] : vector<56x1xf32> to vector<1xf32>
    %broadcast_in_dim3A_435 = vector.shape_cast %reduce_max3A_434 : vector<1xf32> to vector<1x1xf32>
    %sub3A_436 = vector.broadcast %broadcast_in_dim3A_435 : vector<1x1xf32> to vector<56x1xf32>
    %sub3A_437 = arith.subf %select_n3A_432, %sub3A_436 : vector<56x1xf32>
    %exp3A_438 = math.exp %sub3A_437 : vector<56x1xf32>
    %jit3A_439 = arith.constant 0.000000e+00 : f32
    %broadcast_in_dim3A_440 = vector.broadcast %jit3A_439 : f32 to vector<56x1xf32>
    %select_n3A_441 = arith.select %lt3A_1, %exp3A_438, %broadcast_in_dim3A_440 : vector<56x1xi1>, vector<56x1xf32>
    %reduce_sum3A_442 = arith.constant dense<0.000000e+00> : vector<1xf32>
    %reduce_sum3A_443 = vector.multi_reduction <add>, %select_n3A_441, %reduce_sum3A_442 [0] : vector<56x1xf32> to vector<1xf32>
    %broadcast_in_dim3A_444 = vector.shape_cast %reduce_sum3A_443 : vector<1xf32> to vector<1x1xf32>
    %div3A_445 = vector.broadcast %broadcast_in_dim3A_444 : vector<1x1xf32> to vector<56x1xf32>
    %div3A_446 = arith.divf %select_n3A_441, %div3A_445 : vector<56x1xf32>
    %mul3A_447 = vector.broadcast %div3A_446 : vector<56x1xf32> to vector<56x256xf32>
    %mul3A_448 = arith.mulf %get3A_413, %mul3A_447 : vector<56x256xf32>
    %reduce_sum3A_449 = arith.constant dense<0.000000e+00> : vector<256xf32>
    %reduce_sum3A_450 = vector.multi_reduction <add>, %mul3A_448, %reduce_sum3A_449 [0] : vector<56x256xf32> to vector<256xf32>
    %broadcast_in_dim3A_451 = vector.shape_cast %reduce_sum3A_450 : vector<256xf32> to vector<1x256xf32>
    %reduce_sum3A_452 = arith.constant dense<0.000000e+00> : vector<1xf32>
    %reduce_sum3A_453 = vector.multi_reduction <add>, %broadcast_in_dim3A_451, %reduce_sum3A_452 [1] : vector<1x256xf32> to vector<1xf32>
    %broadcast_in_dim3A_454 = vector.shape_cast %reduce_sum3A_453 : vector<1xf32> to vector<1x1xf32>
    %div3A_455 = arith.constant 2.560000e+02 : f32
    %div3A_456 = vector.broadcast %div3A_455 : f32 to vector<1x1xf32>
    %div3A_457 = arith.divf %broadcast_in_dim3A_454, %div3A_456 : vector<1x1xf32>
    %sub3A_458 = vector.broadcast %div3A_457 : vector<1x1xf32> to vector<1x256xf32>
    %sub3A_459 = arith.subf %broadcast_in_dim3A_451, %sub3A_458 : vector<1x256xf32>
    %integer_pow3A_460 = arith.mulf %sub3A_459, %sub3A_459 : vector<1x256xf32>
    %reduce_sum3A_461 = arith.constant dense<0.000000e+00> : vector<1xf32>
    %reduce_sum3A_462 = vector.multi_reduction <add>, %integer_pow3A_460, %reduce_sum3A_461 [1] : vector<1x256xf32> to vector<1xf32>
    %broadcast_in_dim3A_463 = vector.shape_cast %reduce_sum3A_462 : vector<1xf32> to vector<1x1xf32>
    %div3A_464 = arith.constant 2.560000e+02 : f32
    %div3A_465 = vector.broadcast %div3A_464 : f32 to vector<1x1xf32>
    %div3A_466 = arith.divf %broadcast_in_dim3A_463, %div3A_465 : vector<1x1xf32>
    %sub3A_467 = vector.broadcast %div3A_457 : vector<1x1xf32> to vector<1x256xf32>
    %sub3A_468 = arith.subf %broadcast_in_dim3A_451, %sub3A_467 : vector<1x256xf32>
    %add3A_469 = arith.constant 9.99999974E-6 : f32
    %add3A_470 = vector.broadcast %add3A_469 : f32 to vector<1x1xf32>
    %add3A_471 = arith.addf %div3A_466, %add3A_470 : vector<1x1xf32>
    %rsqrt3A_472 = math.rsqrt %add3A_471 : vector<1x1xf32>
    %mul3A_473 = vector.broadcast %rsqrt3A_472 : vector<1x1xf32> to vector<1x256xf32>
    %mul3A_474 = arith.mulf %sub3A_468, %mul3A_473 : vector<1x256xf32>
    %get3A_475 = arith.constant 0 : index
    %get3A_476 = arith.constant 0 : index
    %get3A_477 = vector.load %arg5[%get3A_475, %get3A_476] : memref<1x256xf32, #tpu.memory_space<vmem>>, vector<1x256xf32>
    %mul3A_478 = arith.mulf %mul3A_474, %get3A_477 : vector<1x256xf32>
    %get3A_479 = arith.constant 0 : index
    %get3A_480 = arith.constant 0 : index
    %get3A_481 = vector.load %arg6[%get3A_479, %get3A_480] : memref<1x256xf32, #tpu.memory_space<vmem>>, vector<1x256xf32>
    %add3A_482 = arith.addf %mul3A_478, %get3A_481 : vector<1x256xf32>
    %get3A_483 = arith.constant 0 : index
    %get3A_484 = arith.constant 0 : index
    %get3A_485 = vector.load %arg7[%get3A_483, %get3A_484] : memref<256x256xf32, #tpu.memory_space<vmem>>, vector<256x256xf32>
    %dot_general3A_486 = arith.constant dense<0.000000e+00> : vector<1x256xf32>
    %dot_general3A_487 = tpu.matmul %add3A_482, %get3A_485, %dot_general3A_486 {dimension_numbers = #tpu.dot_dimension_numbers<[1], [0], [0], [1], [0, 0, 1, 1], [], []>, transpose_lhs_hint = false} : vector<1x256xf32>, vector<256x256xf32>, vector<1x256xf32> -> vector<1x256xf32>
    %get3A_488 = arith.constant 0 : index
    %get3A_489 = arith.constant 0 : index
    %get3A_490 = vector.load %arg8[%get3A_488, %get3A_489] : memref<1x256xf32, #tpu.memory_space<vmem>>, vector<1x256xf32>
    %add3A_491 = arith.addf %dot_general3A_487, %get3A_490 : vector<1x256xf32>
    %mul3A_492 = arith.constant 5.000000e-01 : f32
    %mul3A_493 = vector.broadcast %mul3A_492 : f32 to vector<1x256xf32>
    %mul3A_494 = arith.mulf %mul3A_493, %add3A_491 : vector<1x256xf32>
    %mul3A_495 = arith.constant 0.707106769 : f32
    %mul3A_496 = vector.broadcast %mul3A_495 : f32 to vector<1x256xf32>
    %mul3A_497 = arith.mulf %add3A_491, %mul3A_496 : vector<1x256xf32>
    %erf3A_498 = math.erf %mul3A_497 : vector<1x256xf32>
    %add3A_499 = arith.constant 1.000000e+00 : f32
    %add3A_500 = vector.broadcast %add3A_499 : f32 to vector<1x256xf32>
    %add3A_501 = arith.addf %add3A_500, %erf3A_498 : vector<1x256xf32>
    %mul3A_502 = arith.mulf %mul3A_494, %add3A_501 : vector<1x256xf32>
    %get3A_503 = arith.constant 0 : index
    %get3A_504 = arith.constant 0 : index
    %get3A_505 = vector.load %arg9[%get3A_503, %get3A_504] : memref<256x104xf32, #tpu.memory_space<vmem>>, vector<256x104xf32>
    %dot_general3A_506 = arith.constant dense<0.000000e+00> : vector<1x104xf32>
    %dot_general3A_507 = tpu.matmul %mul3A_502, %get3A_505, %dot_general3A_506 {dimension_numbers = #tpu.dot_dimension_numbers<[1], [0], [0], [1], [0, 0, 1, 1], [], []>, transpose_lhs_hint = false} : vector<1x256xf32>, vector<256x104xf32>, vector<1x104xf32> -> vector<1x104xf32>
    %get3A_508 = arith.constant 0 : index
    %get3A_509 = arith.constant 0 : index
    %get3A_510 = vector.load %arg10[%get3A_508, %get3A_509] : memref<1x104xf32, #tpu.memory_space<vmem>>, vector<1x104xf32>
    %add3A_511 = arith.addf %dot_general3A_507, %get3A_510 : vector<1x104xf32>
    %swap3A_512 = arith.constant 4 : index
    %swap3A_513 = arith.constant 0 : index
    %swap3A_514 = vector.load %arg11[%swap3A_512, %swap3A_513] : memref<16x104xf32, #tpu.memory_space<vmem>>, vector<1x104xf32>
    tpu.vector_store %arg11[%swap3A_512, %swap3A_513], %add3A_511 {strides = array<i32>} : memref<16x104xf32, #tpu.memory_space<vmem>>, vector<1x104xf32>,
    %get3A_515 = arith.constant 5 : index
    %get3A_516 = arith.constant 0 : index
    %get3A_517 = arith.constant 0 : index
    %get3A_518 = vector.load %arg1[%get3A_515, %get3A_516, %get3A_517] : memref<16x56x256xf32, #tpu.memory_space<vmem>>, vector<1x56x256xf32>
    %get3A_519 = vector.shape_cast %get3A_518 : vector<1x56x256xf32> to vector<56x256xf32>
    %get3A_520 = arith.constant 0 : index
    %get3A_521 = arith.constant 0 : index
    %get3A_522 = vector.load %arg2[%get3A_520, %get3A_521] : memref<256x64xf32, #tpu.memory_space<vmem>>, vector<256x64xf32>
    %dot_general3A_523 = arith.constant dense<0.000000e+00> : vector<56x64xf32>
    %dot_general3A_524 = tpu.matmul %get3A_519, %get3A_522, %dot_general3A_523 {dimension_numbers = #tpu.dot_dimension_numbers<[1], [0], [0], [1], [0, 0, 1, 1], [], []>, transpose_lhs_hint = false} : vector<56x256xf32>, vector<256x64xf32>, vector<56x64xf32> -> vector<56x64xf32>
    %get3A_525 = arith.constant 0 : index
    %get3A_526 = arith.constant 0 : index
    %get3A_527 = vector.load %arg3[%get3A_525, %get3A_526] : memref<1x64xf32, #tpu.memory_space<vmem>>, vector<1x64xf32>
    %add3A_528 = vector.broadcast %get3A_527 : vector<1x64xf32> to vector<56x64xf32>
    %add3A_529 = arith.addf %dot_general3A_524, %add3A_528 : vector<56x64xf32>
    %tanh3A_530 = math.tanh %add3A_529 : vector<56x64xf32>
    %get3A_531 = arith.constant 0 : index
    %get3A_532 = arith.constant 0 : index
    %get3A_533 = vector.load %arg4[%get3A_531, %get3A_532] : memref<64x1xf32, #tpu.memory_space<vmem>>, vector<64x1xf32>
    %dot_general3A_534 = arith.constant dense<0.000000e+00> : vector<56x1xf32>
    %dot_general3A_535 = tpu.matmul %tanh3A_530, %get3A_533, %dot_general3A_534 {dimension_numbers = #tpu.dot_dimension_numbers<[1], [0], [0], [1], [0, 0, 1, 1], [], []>, transpose_lhs_hint = false} : vector<56x64xf32>, vector<64x1xf32>, vector<56x1xf32> -> vector<56x1xf32>
    %jit3A_536 = arith.constant -1.000000e+30 : f32
    %broadcast_in_dim3A_537 = vector.broadcast %jit3A_536 : f32 to vector<56x1xf32>
    %select_n3A_538 = arith.select %lt3A_1, %dot_general3A_535, %broadcast_in_dim3A_537 : vector<56x1xi1>, vector<56x1xf32>
    %reduce_max3A_539 = arith.constant dense<0xFF800000> : vector<1xf32>
    %reduce_max3A_540 = vector.multi_reduction <maximumf>, %select_n3A_538, %reduce_max3A_539 [0] : vector<56x1xf32> to vector<1xf32>
    %broadcast_in_dim3A_541 = vector.shape_cast %reduce_max3A_540 : vector<1xf32> to vector<1x1xf32>
    %sub3A_542 = vector.broadcast %broadcast_in_dim3A_541 : vector<1x1xf32> to vector<56x1xf32>
    %sub3A_543 = arith.subf %select_n3A_538, %sub3A_542 : vector<56x1xf32>
    %exp3A_544 = math.exp %sub3A_543 : vector<56x1xf32>
    %jit3A_545 = arith.constant 0.000000e+00 : f32
    %broadcast_in_dim3A_546 = vector.broadcast %jit3A_545 : f32 to vector<56x1xf32>
    %select_n3A_547 = arith.select %lt3A_1, %exp3A_544, %broadcast_in_dim3A_546 : vector<56x1xi1>, vector<56x1xf32>
    %reduce_sum3A_548 = arith.constant dense<0.000000e+00> : vector<1xf32>
    %reduce_sum3A_549 = vector.multi_reduction <add>, %select_n3A_547, %reduce_sum3A_548 [0] : vector<56x1xf32> to vector<1xf32>
    %broadcast_in_dim3A_550 = vector.shape_cast %reduce_sum3A_549 : vector<1xf32> to vector<1x1xf32>
    %div3A_551 = vector.broadcast %broadcast_in_dim3A_550 : vector<1x1xf32> to vector<56x1xf32>
    %div3A_552 = arith.divf %select_n3A_547, %div3A_551 : vector<56x1xf32>
    %mul3A_553 = vector.broadcast %div3A_552 : vector<56x1xf32> to vector<56x256xf32>
    %mul3A_554 = arith.mulf %get3A_519, %mul3A_553 : vector<56x256xf32>
    %reduce_sum3A_555 = arith.constant dense<0.000000e+00> : vector<256xf32>
    %reduce_sum3A_556 = vector.multi_reduction <add>, %mul3A_554, %reduce_sum3A_555 [0] : vector<56x256xf32> to vector<256xf32>
    %broadcast_in_dim3A_557 = vector.shape_cast %reduce_sum3A_556 : vector<256xf32> to vector<1x256xf32>
    %reduce_sum3A_558 = arith.constant dense<0.000000e+00> : vector<1xf32>
    %reduce_sum3A_559 = vector.multi_reduction <add>, %broadcast_in_dim3A_557, %reduce_sum3A_558 [1] : vector<1x256xf32> to vector<1xf32>
    %broadcast_in_dim3A_560 = vector.shape_cast %reduce_sum3A_559 : vector<1xf32> to vector<1x1xf32>
    %div3A_561 = arith.constant 2.560000e+02 : f32
    %div3A_562 = vector.broadcast %div3A_561 : f32 to vector<1x1xf32>
    %div3A_563 = arith.divf %broadcast_in_dim3A_560, %div3A_562 : vector<1x1xf32>
    %sub3A_564 = vector.broadcast %div3A_563 : vector<1x1xf32> to vector<1x256xf32>
    %sub3A_565 = arith.subf %broadcast_in_dim3A_557, %sub3A_564 : vector<1x256xf32>
    %integer_pow3A_566 = arith.mulf %sub3A_565, %sub3A_565 : vector<1x256xf32>
    %reduce_sum3A_567 = arith.constant dense<0.000000e+00> : vector<1xf32>
    %reduce_sum3A_568 = vector.multi_reduction <add>, %integer_pow3A_566, %reduce_sum3A_567 [1] : vector<1x256xf32> to vector<1xf32>
    %broadcast_in_dim3A_569 = vector.shape_cast %reduce_sum3A_568 : vector<1xf32> to vector<1x1xf32>
    %div3A_570 = arith.constant 2.560000e+02 : f32
    %div3A_571 = vector.broadcast %div3A_570 : f32 to vector<1x1xf32>
    %div3A_572 = arith.divf %broadcast_in_dim3A_569, %div3A_571 : vector<1x1xf32>
    %sub3A_573 = vector.broadcast %div3A_563 : vector<1x1xf32> to vector<1x256xf32>
    %sub3A_574 = arith.subf %broadcast_in_dim3A_557, %sub3A_573 : vector<1x256xf32>
    %add3A_575 = arith.constant 9.99999974E-6 : f32
    %add3A_576 = vector.broadcast %add3A_575 : f32 to vector<1x1xf32>
    %add3A_577 = arith.addf %div3A_572, %add3A_576 : vector<1x1xf32>
    %rsqrt3A_578 = math.rsqrt %add3A_577 : vector<1x1xf32>
    %mul3A_579 = vector.broadcast %rsqrt3A_578 : vector<1x1xf32> to vector<1x256xf32>
    %mul3A_580 = arith.mulf %sub3A_574, %mul3A_579 : vector<1x256xf32>
    %get3A_581 = arith.constant 0 : index
    %get3A_582 = arith.constant 0 : index
    %get3A_583 = vector.load %arg5[%get3A_581, %get3A_582] : memref<1x256xf32, #tpu.memory_space<vmem>>, vector<1x256xf32>
    %mul3A_584 = arith.mulf %mul3A_580, %get3A_583 : vector<1x256xf32>
    %get3A_585 = arith.constant 0 : index
    %get3A_586 = arith.constant 0 : index
    %get3A_587 = vector.load %arg6[%get3A_585, %get3A_586] : memref<1x256xf32, #tpu.memory_space<vmem>>, vector<1x256xf32>
    %add3A_588 = arith.addf %mul3A_584, %get3A_587 : vector<1x256xf32>
    %get3A_589 = arith.constant 0 : index
    %get3A_590 = arith.constant 0 : index
    %get3A_591 = vector.load %arg7[%get3A_589, %get3A_590] : memref<256x256xf32, #tpu.memory_space<vmem>>, vector<256x256xf32>
    %dot_general3A_592 = arith.constant dense<0.000000e+00> : vector<1x256xf32>
    %dot_general3A_593 = tpu.matmul %add3A_588, %get3A_591, %dot_general3A_592 {dimension_numbers = #tpu.dot_dimension_numbers<[1], [0], [0], [1], [0, 0, 1, 1], [], []>, transpose_lhs_hint = false} : vector<1x256xf32>, vector<256x256xf32>, vector<1x256xf32> -> vector<1x256xf32>
    %get3A_594 = arith.constant 0 : index
    %get3A_595 = arith.constant 0 : index
    %get3A_596 = vector.load %arg8[%get3A_594, %get3A_595] : memref<1x256xf32, #tpu.memory_space<vmem>>, vector<1x256xf32>
    %add3A_597 = arith.addf %dot_general3A_593, %get3A_596 : vector<1x256xf32>
    %mul3A_598 = arith.constant 5.000000e-01 : f32
    %mul3A_599 = vector.broadcast %mul3A_598 : f32 to vector<1x256xf32>
    %mul3A_600 = arith.mulf %mul3A_599, %add3A_597 : vector<1x256xf32>
    %mul3A_601 = arith.constant 0.707106769 : f32
    %mul3A_602 = vector.broadcast %mul3A_601 : f32 to vector<1x256xf32>
    %mul3A_603 = arith.mulf %add3A_597, %mul3A_602 : vector<1x256xf32>
    %erf3A_604 = math.erf %mul3A_603 : vector<1x256xf32>
    %add3A_605 = arith.constant 1.000000e+00 : f32
    %add3A_606 = vector.broadcast %add3A_605 : f32 to vector<1x256xf32>
    %add3A_607 = arith.addf %add3A_606, %erf3A_604 : vector<1x256xf32>
    %mul3A_608 = arith.mulf %mul3A_600, %add3A_607 : vector<1x256xf32>
    %get3A_609 = arith.constant 0 : index
    %get3A_610 = arith.constant 0 : index
    %get3A_611 = vector.load %arg9[%get3A_609, %get3A_610] : memref<256x104xf32, #tpu.memory_space<vmem>>, vector<256x104xf32>
    %dot_general3A_612 = arith.constant dense<0.000000e+00> : vector<1x104xf32>
    %dot_general3A_613 = tpu.matmul %mul3A_608, %get3A_611, %dot_general3A_612 {dimension_numbers = #tpu.dot_dimension_numbers<[1], [0], [0], [1], [0, 0, 1, 1], [], []>, transpose_lhs_hint = false} : vector<1x256xf32>, vector<256x104xf32>, vector<1x104xf32> -> vector<1x104xf32>
    %get3A_614 = arith.constant 0 : index
    %get3A_615 = arith.constant 0 : index
    %get3A_616 = vector.load %arg10[%get3A_614, %get3A_615] : memref<1x104xf32, #tpu.memory_space<vmem>>, vector<1x104xf32>
    %add3A_617 = arith.addf %dot_general3A_613, %get3A_616 : vector<1x104xf32>
    %swap3A_618 = arith.constant 5 : index
    %swap3A_619 = arith.constant 0 : index
    %swap3A_620 = vector.load %arg11[%swap3A_618, %swap3A_619] : memref<16x104xf32, #tpu.memory_space<vmem>>, vector<1x104xf32>
    tpu.vector_store %arg11[%swap3A_618, %swap3A_619], %add3A_617 {strides = array<i32>} : memref<16x104xf32, #tpu.memory_space<vmem>>, vector<1x104xf32>,
    %get3A_621 = arith.constant 6 : index
    %get3A_622 = arith.constant 0 : index
    %get3A_623 = arith.constant 0 : index
    %get3A_624 = vector.load %arg1[%get3A_621, %get3A_622, %get3A_623] : memref<16x56x256xf32, #tpu.memory_space<vmem>>, vector<1x56x256xf32>
    %get3A_625 = vector.shape_cast %get3A_624 : vector<1x56x256xf32> to vector<56x256xf32>
    %get3A_626 = arith.constant 0 : index
    %get3A_627 = arith.constant 0 : index
    %get3A_628 = vector.load %arg2[%get3A_626, %get3A_627] : memref<256x64xf32, #tpu.memory_space<vmem>>, vector<256x64xf32>
    %dot_general3A_629 = arith.constant dense<0.000000e+00> : vector<56x64xf32>
    %dot_general3A_630 = tpu.matmul %get3A_625, %get3A_628, %dot_general3A_629 {dimension_numbers = #tpu.dot_dimension_numbers<[1], [0], [0], [1], [0, 0, 1, 1], [], []>, transpose_lhs_hint = false} : vector<56x256xf32>, vector<256x64xf32>, vector<56x64xf32> -> vector<56x64xf32>
    %get3A_631 = arith.constant 0 : index
    %get3A_632 = arith.constant 0 : index
    %get3A_633 = vector.load %arg3[%get3A_631, %get3A_632] : memref<1x64xf32, #tpu.memory_space<vmem>>, vector<1x64xf32>
    %add3A_634 = vector.broadcast %get3A_633 : vector<1x64xf32> to vector<56x64xf32>
    %add3A_635 = arith.addf %dot_general3A_630, %add3A_634 : vector<56x64xf32>
    %tanh3A_636 = math.tanh %add3A_635 : vector<56x64xf32>
    %get3A_637 = arith.constant 0 : index
    %get3A_638 = arith.constant 0 : index
    %get3A_639 = vector.load %arg4[%get3A_637, %get3A_638] : memref<64x1xf32, #tpu.memory_space<vmem>>, vector<64x1xf32>
    %dot_general3A_640 = arith.constant dense<0.000000e+00> : vector<56x1xf32>
    %dot_general3A_641 = tpu.matmul %tanh3A_636, %get3A_639, %dot_general3A_640 {dimension_numbers = #tpu.dot_dimension_numbers<[1], [0], [0], [1], [0, 0, 1, 1], [], []>, transpose_lhs_hint = false} : vector<56x64xf32>, vector<64x1xf32>, vector<56x1xf32> -> vector<56x1xf32>
    %jit3A_642 = arith.constant -1.000000e+30 : f32
    %broadcast_in_dim3A_643 = vector.broadcast %jit3A_642 : f32 to vector<56x1xf32>
    %select_n3A_644 = arith.select %lt3A_1, %dot_general3A_641, %broadcast_in_dim3A_643 : vector<56x1xi1>, vector<56x1xf32>
    %reduce_max3A_645 = arith.constant dense<0xFF800000> : vector<1xf32>
    %reduce_max3A_646 = vector.multi_reduction <maximumf>, %select_n3A_644, %reduce_max3A_645 [0] : vector<56x1xf32> to vector<1xf32>
    %broadcast_in_dim3A_647 = vector.shape_cast %reduce_max3A_646 : vector<1xf32> to vector<1x1xf32>
    %sub3A_648 = vector.broadcast %broadcast_in_dim3A_647 : vector<1x1xf32> to vector<56x1xf32>
    %sub3A_649 = arith.subf %select_n3A_644, %sub3A_648 : vector<56x1xf32>
    %exp3A_650 = math.exp %sub3A_649 : vector<56x1xf32>
    %jit3A_651 = arith.constant 0.000000e+00 : f32
    %broadcast_in_dim3A_652 = vector.broadcast %jit3A_651 : f32 to vector<56x1xf32>
    %select_n3A_653 = arith.select %lt3A_1, %exp3A_650, %broadcast_in_dim3A_652 : vector<56x1xi1>, vector<56x1xf32>
    %reduce_sum3A_654 = arith.constant dense<0.000000e+00> : vector<1xf32>
    %reduce_sum3A_655 = vector.multi_reduction <add>, %select_n3A_653, %reduce_sum3A_654 [0] : vector<56x1xf32> to vector<1xf32>
    %broadcast_in_dim3A_656 = vector.shape_cast %reduce_sum3A_655 : vector<1xf32> to vector<1x1xf32>
    %div3A_657 = vector.broadcast %broadcast_in_dim3A_656 : vector<1x1xf32> to vector<56x1xf32>
    %div3A_658 = arith.divf %select_n3A_653, %div3A_657 : vector<56x1xf32>
    %mul3A_659 = vector.broadcast %div3A_658 : vector<56x1xf32> to vector<56x256xf32>
    %mul3A_660 = arith.mulf %get3A_625, %mul3A_659 : vector<56x256xf32>
    %reduce_sum3A_661 = arith.constant dense<0.000000e+00> : vector<256xf32>
    %reduce_sum3A_662 = vector.multi_reduction <add>, %mul3A_660, %reduce_sum3A_661 [0] : vector<56x256xf32> to vector<256xf32>
    %broadcast_in_dim3A_663 = vector.shape_cast %reduce_sum3A_662 : vector<256xf32> to vector<1x256xf32>
    %reduce_sum3A_664 = arith.constant dense<0.000000e+00> : vector<1xf32>
    %reduce_sum3A_665 = vector.multi_reduction <add>, %broadcast_in_dim3A_663, %reduce_sum3A_664 [1] : vector<1x256xf32> to vector<1xf32>
    %broadcast_in_dim3A_666 = vector.shape_cast %reduce_sum3A_665 : vector<1xf32> to vector<1x1xf32>
    %div3A_667 = arith.constant 2.560000e+02 : f32
    %div3A_668 = vector.broadcast %div3A_667 : f32 to vector<1x1xf32>
    %div3A_669 = arith.divf %broadcast_in_dim3A_666, %div3A_668 : vector<1x1xf32>
    %sub3A_670 = vector.broadcast %div3A_669 : vector<1x1xf32> to vector<1x256xf32>
    %sub3A_671 = arith.subf %broadcast_in_dim3A_663, %sub3A_670 : vector<1x256xf32>
    %integer_pow3A_672 = arith.mulf %sub3A_671, %sub3A_671 : vector<1x256xf32>
    %reduce_sum3A_673 = arith.constant dense<0.000000e+00> : vector<1xf32>
    %reduce_sum3A_674 = vector.multi_reduction <add>, %integer_pow3A_672, %reduce_sum3A_673 [1] : vector<1x256xf32> to vector<1xf32>
    %broadcast_in_dim3A_675 = vector.shape_cast %reduce_sum3A_674 : vector<1xf32> to vector<1x1xf32>
    %div3A_676 = arith.constant 2.560000e+02 : f32
    %div3A_677 = vector.broadcast %div3A_676 : f32 to vector<1x1xf32>
    %div3A_678 = arith.divf %broadcast_in_dim3A_675, %div3A_677 : vector<1x1xf32>
    %sub3A_679 = vector.broadcast %div3A_669 : vector<1x1xf32> to vector<1x256xf32>
    %sub3A_680 = arith.subf %broadcast_in_dim3A_663, %sub3A_679 : vector<1x256xf32>
    %add3A_681 = arith.constant 9.99999974E-6 : f32
    %add3A_682 = vector.broadcast %add3A_681 : f32 to vector<1x1xf32>
    %add3A_683 = arith.addf %div3A_678, %add3A_682 : vector<1x1xf32>
    %rsqrt3A_684 = math.rsqrt %add3A_683 : vector<1x1xf32>
    %mul3A_685 = vector.broadcast %rsqrt3A_684 : vector<1x1xf32> to vector<1x256xf32>
    %mul3A_686 = arith.mulf %sub3A_680, %mul3A_685 : vector<1x256xf32>
    %get3A_687 = arith.constant 0 : index
    %get3A_688 = arith.constant 0 : index
    %get3A_689 = vector.load %arg5[%get3A_687, %get3A_688] : memref<1x256xf32, #tpu.memory_space<vmem>>, vector<1x256xf32>
    %mul3A_690 = arith.mulf %mul3A_686, %get3A_689 : vector<1x256xf32>
    %get3A_691 = arith.constant 0 : index
    %get3A_692 = arith.constant 0 : index
    %get3A_693 = vector.load %arg6[%get3A_691, %get3A_692] : memref<1x256xf32, #tpu.memory_space<vmem>>, vector<1x256xf32>
    %add3A_694 = arith.addf %mul3A_690, %get3A_693 : vector<1x256xf32>
    %get3A_695 = arith.constant 0 : index
    %get3A_696 = arith.constant 0 : index
    %get3A_697 = vector.load %arg7[%get3A_695, %get3A_696] : memref<256x256xf32, #tpu.memory_space<vmem>>, vector<256x256xf32>
    %dot_general3A_698 = arith.constant dense<0.000000e+00> : vector<1x256xf32>
    %dot_general3A_699 = tpu.matmul %add3A_694, %get3A_697, %dot_general3A_698 {dimension_numbers = #tpu.dot_dimension_numbers<[1], [0], [0], [1], [0, 0, 1, 1], [], []>, transpose_lhs_hint = false} : vector<1x256xf32>, vector<256x256xf32>, vector<1x256xf32> -> vector<1x256xf32>
    %get3A_700 = arith.constant 0 : index
    %get3A_701 = arith.constant 0 : index
    %get3A_702 = vector.load %arg8[%get3A_700, %get3A_701] : memref<1x256xf32, #tpu.memory_space<vmem>>, vector<1x256xf32>
    %add3A_703 = arith.addf %dot_general3A_699, %get3A_702 : vector<1x256xf32>
    %mul3A_704 = arith.constant 5.000000e-01 : f32
    %mul3A_705 = vector.broadcast %mul3A_704 : f32 to vector<1x256xf32>
    %mul3A_706 = arith.mulf %mul3A_705, %add3A_703 : vector<1x256xf32>
    %mul3A_707 = arith.constant 0.707106769 : f32
    %mul3A_708 = vector.broadcast %mul3A_707 : f32 to vector<1x256xf32>
    %mul3A_709 = arith.mulf %add3A_703, %mul3A_708 : vector<1x256xf32>
    %erf3A_710 = math.erf %mul3A_709 : vector<1x256xf32>
    %add3A_711 = arith.constant 1.000000e+00 : f32
    %add3A_712 = vector.broadcast %add3A_711 : f32 to vector<1x256xf32>
    %add3A_713 = arith.addf %add3A_712, %erf3A_710 : vector<1x256xf32>
    %mul3A_714 = arith.mulf %mul3A_706, %add3A_713 : vector<1x256xf32>
    %get3A_715 = arith.constant 0 : index
    %get3A_716 = arith.constant 0 : index
    %get3A_717 = vector.load %arg9[%get3A_715, %get3A_716] : memref<256x104xf32, #tpu.memory_space<vmem>>, vector<256x104xf32>
    %dot_general3A_718 = arith.constant dense<0.000000e+00> : vector<1x104xf32>
    %dot_general3A_719 = tpu.matmul %mul3A_714, %get3A_717, %dot_general3A_718 {dimension_numbers = #tpu.dot_dimension_numbers<[1], [0], [0], [1], [0, 0, 1, 1], [], []>, transpose_lhs_hint = false} : vector<1x256xf32>, vector<256x104xf32>, vector<1x104xf32> -> vector<1x104xf32>
    %get3A_720 = arith.constant 0 : index
    %get3A_721 = arith.constant 0 : index
    %get3A_722 = vector.load %arg10[%get3A_720, %get3A_721] : memref<1x104xf32, #tpu.memory_space<vmem>>, vector<1x104xf32>
    %add3A_723 = arith.addf %dot_general3A_719, %get3A_722 : vector<1x104xf32>
    %swap3A_724 = arith.constant 6 : index
    %swap3A_725 = arith.constant 0 : index
    %swap3A_726 = vector.load %arg11[%swap3A_724, %swap3A_725] : memref<16x104xf32, #tpu.memory_space<vmem>>, vector<1x104xf32>
    tpu.vector_store %arg11[%swap3A_724, %swap3A_725], %add3A_723 {strides = array<i32>} : memref<16x104xf32, #tpu.memory_space<vmem>>, vector<1x104xf32>,
    %get3A_727 = arith.constant 7 : index
    %get3A_728 = arith.constant 0 : index
    %get3A_729 = arith.constant 0 : index
    %get3A_730 = vector.load %arg1[%get3A_727, %get3A_728, %get3A_729] : memref<16x56x256xf32, #tpu.memory_space<vmem>>, vector<1x56x256xf32>
    %get3A_731 = vector.shape_cast %get3A_730 : vector<1x56x256xf32> to vector<56x256xf32>
    %get3A_732 = arith.constant 0 : index
    %get3A_733 = arith.constant 0 : index
    %get3A_734 = vector.load %arg2[%get3A_732, %get3A_733] : memref<256x64xf32, #tpu.memory_space<vmem>>, vector<256x64xf32>
    %dot_general3A_735 = arith.constant dense<0.000000e+00> : vector<56x64xf32>
    %dot_general3A_736 = tpu.matmul %get3A_731, %get3A_734, %dot_general3A_735 {dimension_numbers = #tpu.dot_dimension_numbers<[1], [0], [0], [1], [0, 0, 1, 1], [], []>, transpose_lhs_hint = false} : vector<56x256xf32>, vector<256x64xf32>, vector<56x64xf32> -> vector<56x64xf32>
    %get3A_737 = arith.constant 0 : index
    %get3A_738 = arith.constant 0 : index
    %get3A_739 = vector.load %arg3[%get3A_737, %get3A_738] : memref<1x64xf32, #tpu.memory_space<vmem>>, vector<1x64xf32>
    %add3A_740 = vector.broadcast %get3A_739 : vector<1x64xf32> to vector<56x64xf32>
    %add3A_741 = arith.addf %dot_general3A_736, %add3A_740 : vector<56x64xf32>
    %tanh3A_742 = math.tanh %add3A_741 : vector<56x64xf32>
    %get3A_743 = arith.constant 0 : index
    %get3A_744 = arith.constant 0 : index
    %get3A_745 = vector.load %arg4[%get3A_743, %get3A_744] : memref<64x1xf32, #tpu.memory_space<vmem>>, vector<64x1xf32>
    %dot_general3A_746 = arith.constant dense<0.000000e+00> : vector<56x1xf32>
    %dot_general3A_747 = tpu.matmul %tanh3A_742, %get3A_745, %dot_general3A_746 {dimension_numbers = #tpu.dot_dimension_numbers<[1], [0], [0], [1], [0, 0, 1, 1], [], []>, transpose_lhs_hint = false} : vector<56x64xf32>, vector<64x1xf32>, vector<56x1xf32> -> vector<56x1xf32>
    %jit3A_748 = arith.constant -1.000000e+30 : f32
    %broadcast_in_dim3A_749 = vector.broadcast %jit3A_748 : f32 to vector<56x1xf32>
    %select_n3A_750 = arith.select %lt3A_1, %dot_general3A_747, %broadcast_in_dim3A_749 : vector<56x1xi1>, vector<56x1xf32>
    %reduce_max3A_751 = arith.constant dense<0xFF800000> : vector<1xf32>
    %reduce_max3A_752 = vector.multi_reduction <maximumf>, %select_n3A_750, %reduce_max3A_751 [0] : vector<56x1xf32> to vector<1xf32>
    %broadcast_in_dim3A_753 = vector.shape_cast %reduce_max3A_752 : vector<1xf32> to vector<1x1xf32>
    %sub3A_754 = vector.broadcast %broadcast_in_dim3A_753 : vector<1x1xf32> to vector<56x1xf32>
    %sub3A_755 = arith.subf %select_n3A_750, %sub3A_754 : vector<56x1xf32>
    %exp3A_756 = math.exp %sub3A_755 : vector<56x1xf32>
    %jit3A_757 = arith.constant 0.000000e+00 : f32
    %broadcast_in_dim3A_758 = vector.broadcast %jit3A_757 : f32 to vector<56x1xf32>
    %select_n3A_759 = arith.select %lt3A_1, %exp3A_756, %broadcast_in_dim3A_758 : vector<56x1xi1>, vector<56x1xf32>
    %reduce_sum3A_760 = arith.constant dense<0.000000e+00> : vector<1xf32>
    %reduce_sum3A_761 = vector.multi_reduction <add>, %select_n3A_759, %reduce_sum3A_760 [0] : vector<56x1xf32> to vector<1xf32>
    %broadcast_in_dim3A_762 = vector.shape_cast %reduce_sum3A_761 : vector<1xf32> to vector<1x1xf32>
    %div3A_763 = vector.broadcast %broadcast_in_dim3A_762 : vector<1x1xf32> to vector<56x1xf32>
    %div3A_764 = arith.divf %select_n3A_759, %div3A_763 : vector<56x1xf32>
    %mul3A_765 = vector.broadcast %div3A_764 : vector<56x1xf32> to vector<56x256xf32>
    %mul3A_766 = arith.mulf %get3A_731, %mul3A_765 : vector<56x256xf32>
    %reduce_sum3A_767 = arith.constant dense<0.000000e+00> : vector<256xf32>
    %reduce_sum3A_768 = vector.multi_reduction <add>, %mul3A_766, %reduce_sum3A_767 [0] : vector<56x256xf32> to vector<256xf32>
    %broadcast_in_dim3A_769 = vector.shape_cast %reduce_sum3A_768 : vector<256xf32> to vector<1x256xf32>
    %reduce_sum3A_770 = arith.constant dense<0.000000e+00> : vector<1xf32>
    %reduce_sum3A_771 = vector.multi_reduction <add>, %broadcast_in_dim3A_769, %reduce_sum3A_770 [1] : vector<1x256xf32> to vector<1xf32>
    %broadcast_in_dim3A_772 = vector.shape_cast %reduce_sum3A_771 : vector<1xf32> to vector<1x1xf32>
    %div3A_773 = arith.constant 2.560000e+02 : f32
    %div3A_774 = vector.broadcast %div3A_773 : f32 to vector<1x1xf32>
    %div3A_775 = arith.divf %broadcast_in_dim3A_772, %div3A_774 : vector<1x1xf32>
    %sub3A_776 = vector.broadcast %div3A_775 : vector<1x1xf32> to vector<1x256xf32>
    %sub3A_777 = arith.subf %broadcast_in_dim3A_769, %sub3A_776 : vector<1x256xf32>
    %integer_pow3A_778 = arith.mulf %sub3A_777, %sub3A_777 : vector<1x256xf32>
    %reduce_sum3A_779 = arith.constant dense<0.000000e+00> : vector<1xf32>
    %reduce_sum3A_780 = vector.multi_reduction <add>, %integer_pow3A_778, %reduce_sum3A_779 [1] : vector<1x256xf32> to vector<1xf32>
    %broadcast_in_dim3A_781 = vector.shape_cast %reduce_sum3A_780 : vector<1xf32> to vector<1x1xf32>
    %div3A_782 = arith.constant 2.560000e+02 : f32
    %div3A_783 = vector.broadcast %div3A_782 : f32 to vector<1x1xf32>
    %div3A_784 = arith.divf %broadcast_in_dim3A_781, %div3A_783 : vector<1x1xf32>
    %sub3A_785 = vector.broadcast %div3A_775 : vector<1x1xf32> to vector<1x256xf32>
    %sub3A_786 = arith.subf %broadcast_in_dim3A_769, %sub3A_785 : vector<1x256xf32>
    %add3A_787 = arith.constant 9.99999974E-6 : f32
    %add3A_788 = vector.broadcast %add3A_787 : f32 to vector<1x1xf32>
    %add3A_789 = arith.addf %div3A_784, %add3A_788 : vector<1x1xf32>
    %rsqrt3A_790 = math.rsqrt %add3A_789 : vector<1x1xf32>
    %mul3A_791 = vector.broadcast %rsqrt3A_790 : vector<1x1xf32> to vector<1x256xf32>
    %mul3A_792 = arith.mulf %sub3A_786, %mul3A_791 : vector<1x256xf32>
    %get3A_793 = arith.constant 0 : index
    %get3A_794 = arith.constant 0 : index
    %get3A_795 = vector.load %arg5[%get3A_793, %get3A_794] : memref<1x256xf32, #tpu.memory_space<vmem>>, vector<1x256xf32>
    %mul3A_796 = arith.mulf %mul3A_792, %get3A_795 : vector<1x256xf32>
    %get3A_797 = arith.constant 0 : index
    %get3A_798 = arith.constant 0 : index
    %get3A_799 = vector.load %arg6[%get3A_797, %get3A_798] : memref<1x256xf32, #tpu.memory_space<vmem>>, vector<1x256xf32>
    %add3A_800 = arith.addf %mul3A_796, %get3A_799 : vector<1x256xf32>
    %get3A_801 = arith.constant 0 : index
    %get3A_802 = arith.constant 0 : index
    %get3A_803 = vector.load %arg7[%get3A_801, %get3A_802] : memref<256x256xf32, #tpu.memory_space<vmem>>, vector<256x256xf32>
    %dot_general3A_804 = arith.constant dense<0.000000e+00> : vector<1x256xf32>
    %dot_general3A_805 = tpu.matmul %add3A_800, %get3A_803, %dot_general3A_804 {dimension_numbers = #tpu.dot_dimension_numbers<[1], [0], [0], [1], [0, 0, 1, 1], [], []>, transpose_lhs_hint = false} : vector<1x256xf32>, vector<256x256xf32>, vector<1x256xf32> -> vector<1x256xf32>
    %get3A_806 = arith.constant 0 : index
    %get3A_807 = arith.constant 0 : index
    %get3A_808 = vector.load %arg8[%get3A_806, %get3A_807] : memref<1x256xf32, #tpu.memory_space<vmem>>, vector<1x256xf32>
    %add3A_809 = arith.addf %dot_general3A_805, %get3A_808 : vector<1x256xf32>
    %mul3A_810 = arith.constant 5.000000e-01 : f32
    %mul3A_811 = vector.broadcast %mul3A_810 : f32 to vector<1x256xf32>
    %mul3A_812 = arith.mulf %mul3A_811, %add3A_809 : vector<1x256xf32>
    %mul3A_813 = arith.constant 0.707106769 : f32
    %mul3A_814 = vector.broadcast %mul3A_813 : f32 to vector<1x256xf32>
    %mul3A_815 = arith.mulf %add3A_809, %mul3A_814 : vector<1x256xf32>
    %erf3A_816 = math.erf %mul3A_815 : vector<1x256xf32>
    %add3A_817 = arith.constant 1.000000e+00 : f32
    %add3A_818 = vector.broadcast %add3A_817 : f32 to vector<1x256xf32>
    %add3A_819 = arith.addf %add3A_818, %erf3A_816 : vector<1x256xf32>
    %mul3A_820 = arith.mulf %mul3A_812, %add3A_819 : vector<1x256xf32>
    %get3A_821 = arith.constant 0 : index
    %get3A_822 = arith.constant 0 : index
    %get3A_823 = vector.load %arg9[%get3A_821, %get3A_822] : memref<256x104xf32, #tpu.memory_space<vmem>>, vector<256x104xf32>
    %dot_general3A_824 = arith.constant dense<0.000000e+00> : vector<1x104xf32>
    %dot_general3A_825 = tpu.matmul %mul3A_820, %get3A_823, %dot_general3A_824 {dimension_numbers = #tpu.dot_dimension_numbers<[1], [0], [0], [1], [0, 0, 1, 1], [], []>, transpose_lhs_hint = false} : vector<1x256xf32>, vector<256x104xf32>, vector<1x104xf32> -> vector<1x104xf32>
    %get3A_826 = arith.constant 0 : index
    %get3A_827 = arith.constant 0 : index
    %get3A_828 = vector.load %arg10[%get3A_826, %get3A_827] : memref<1x104xf32, #tpu.memory_space<vmem>>, vector<1x104xf32>
    %add3A_829 = arith.addf %dot_general3A_825, %get3A_828 : vector<1x104xf32>
    %swap3A_830 = arith.constant 7 : index
    %swap3A_831 = arith.constant 0 : index
    %swap3A_832 = vector.load %arg11[%swap3A_830, %swap3A_831] : memref<16x104xf32, #tpu.memory_space<vmem>>, vector<1x104xf32>
    tpu.vector_store %arg11[%swap3A_830, %swap3A_831], %add3A_829 {strides = array<i32>} : memref<16x104xf32, #tpu.memory_space<vmem>>, vector<1x104xf32>,
    %get3A_833 = arith.constant 8 : index
    %get3A_834 = arith.constant 0 : index
    %get3A_835 = arith.constant 0 : index
    %get3A_836 = vector.load %arg1[%get3A_833, %get3A_834, %get3A_835] : memref<16x56x256xf32, #tpu.memory_space<vmem>>, vector<1x56x256xf32>
    %get3A_837 = vector.shape_cast %get3A_836 : vector<1x56x256xf32> to vector<56x256xf32>
    %get3A_838 = arith.constant 0 : index
    %get3A_839 = arith.constant 0 : index
    %get3A_840 = vector.load %arg2[%get3A_838, %get3A_839] : memref<256x64xf32, #tpu.memory_space<vmem>>, vector<256x64xf32>
    %dot_general3A_841 = arith.constant dense<0.000000e+00> : vector<56x64xf32>
    %dot_general3A_842 = tpu.matmul %get3A_837, %get3A_840, %dot_general3A_841 {dimension_numbers = #tpu.dot_dimension_numbers<[1], [0], [0], [1], [0, 0, 1, 1], [], []>, transpose_lhs_hint = false} : vector<56x256xf32>, vector<256x64xf32>, vector<56x64xf32> -> vector<56x64xf32>
    %get3A_843 = arith.constant 0 : index
    %get3A_844 = arith.constant 0 : index
    %get3A_845 = vector.load %arg3[%get3A_843, %get3A_844] : memref<1x64xf32, #tpu.memory_space<vmem>>, vector<1x64xf32>
    %add3A_846 = vector.broadcast %get3A_845 : vector<1x64xf32> to vector<56x64xf32>
    %add3A_847 = arith.addf %dot_general3A_842, %add3A_846 : vector<56x64xf32>
    %tanh3A_848 = math.tanh %add3A_847 : vector<56x64xf32>
    %get3A_849 = arith.constant 0 : index
    %get3A_850 = arith.constant 0 : index
    %get3A_851 = vector.load %arg4[%get3A_849, %get3A_850] : memref<64x1xf32, #tpu.memory_space<vmem>>, vector<64x1xf32>
    %dot_general3A_852 = arith.constant dense<0.000000e+00> : vector<56x1xf32>
    %dot_general3A_853 = tpu.matmul %tanh3A_848, %get3A_851, %dot_general3A_852 {dimension_numbers = #tpu.dot_dimension_numbers<[1], [0], [0], [1], [0, 0, 1, 1], [], []>, transpose_lhs_hint = false} : vector<56x64xf32>, vector<64x1xf32>, vector<56x1xf32> -> vector<56x1xf32>
    %jit3A_854 = arith.constant -1.000000e+30 : f32
    %broadcast_in_dim3A_855 = vector.broadcast %jit3A_854 : f32 to vector<56x1xf32>
    %select_n3A_856 = arith.select %lt3A_1, %dot_general3A_853, %broadcast_in_dim3A_855 : vector<56x1xi1>, vector<56x1xf32>
    %reduce_max3A_857 = arith.constant dense<0xFF800000> : vector<1xf32>
    %reduce_max3A_858 = vector.multi_reduction <maximumf>, %select_n3A_856, %reduce_max3A_857 [0] : vector<56x1xf32> to vector<1xf32>
    %broadcast_in_dim3A_859 = vector.shape_cast %reduce_max3A_858 : vector<1xf32> to vector<1x1xf32>
    %sub3A_860 = vector.broadcast %broadcast_in_dim3A_859 : vector<1x1xf32> to vector<56x1xf32>
    %sub3A_861 = arith.subf %select_n3A_856, %sub3A_860 : vector<56x1xf32>
    %exp3A_862 = math.exp %sub3A_861 : vector<56x1xf32>
    %jit3A_863 = arith.constant 0.000000e+00 : f32
    %broadcast_in_dim3A_864 = vector.broadcast %jit3A_863 : f32 to vector<56x1xf32>
    %select_n3A_865 = arith.select %lt3A_1, %exp3A_862, %broadcast_in_dim3A_864 : vector<56x1xi1>, vector<56x1xf32>
    %reduce_sum3A_866 = arith.constant dense<0.000000e+00> : vector<1xf32>
    %reduce_sum3A_867 = vector.multi_reduction <add>, %select_n3A_865, %reduce_sum3A_866 [0] : vector<56x1xf32> to vector<1xf32>
    %broadcast_in_dim3A_868 = vector.shape_cast %reduce_sum3A_867 : vector<1xf32> to vector<1x1xf32>
    %div3A_869 = vector.broadcast %broadcast_in_dim3A_868 : vector<1x1xf32> to vector<56x1xf32>
    %div3A_870 = arith.divf %select_n3A_865, %div3A_869 : vector<56x1xf32>
    %mul3A_871 = vector.broadcast %div3A_870 : vector<56x1xf32> to vector<56x256xf32>
    %mul3A_872 = arith.mulf %get3A_837, %mul3A_871 : vector<56x256xf32>
    %reduce_sum3A_873 = arith.constant dense<0.000000e+00> : vector<256xf32>
    %reduce_sum3A_874 = vector.multi_reduction <add>, %mul3A_872, %reduce_sum3A_873 [0] : vector<56x256xf32> to vector<256xf32>
    %broadcast_in_dim3A_875 = vector.shape_cast %reduce_sum3A_874 : vector<256xf32> to vector<1x256xf32>
    %reduce_sum3A_876 = arith.constant dense<0.000000e+00> : vector<1xf32>
    %reduce_sum3A_877 = vector.multi_reduction <add>, %broadcast_in_dim3A_875, %reduce_sum3A_876 [1] : vector<1x256xf32> to vector<1xf32>
    %broadcast_in_dim3A_878 = vector.shape_cast %reduce_sum3A_877 : vector<1xf32> to vector<1x1xf32>
    %div3A_879 = arith.constant 2.560000e+02 : f32
    %div3A_880 = vector.broadcast %div3A_879 : f32 to vector<1x1xf32>
    %div3A_881 = arith.divf %broadcast_in_dim3A_878, %div3A_880 : vector<1x1xf32>
    %sub3A_882 = vector.broadcast %div3A_881 : vector<1x1xf32> to vector<1x256xf32>
    %sub3A_883 = arith.subf %broadcast_in_dim3A_875, %sub3A_882 : vector<1x256xf32>
    %integer_pow3A_884 = arith.mulf %sub3A_883, %sub3A_883 : vector<1x256xf32>
    %reduce_sum3A_885 = arith.constant dense<0.000000e+00> : vector<1xf32>
    %reduce_sum3A_886 = vector.multi_reduction <add>, %integer_pow3A_884, %reduce_sum3A_885 [1] : vector<1x256xf32> to vector<1xf32>
    %broadcast_in_dim3A_887 = vector.shape_cast %reduce_sum3A_886 : vector<1xf32> to vector<1x1xf32>
    %div3A_888 = arith.constant 2.560000e+02 : f32
    %div3A_889 = vector.broadcast %div3A_888 : f32 to vector<1x1xf32>
    %div3A_890 = arith.divf %broadcast_in_dim3A_887, %div3A_889 : vector<1x1xf32>
    %sub3A_891 = vector.broadcast %div3A_881 : vector<1x1xf32> to vector<1x256xf32>
    %sub3A_892 = arith.subf %broadcast_in_dim3A_875, %sub3A_891 : vector<1x256xf32>
    %add3A_893 = arith.constant 9.99999974E-6 : f32
    %add3A_894 = vector.broadcast %add3A_893 : f32 to vector<1x1xf32>
    %add3A_895 = arith.addf %div3A_890, %add3A_894 : vector<1x1xf32>
    %rsqrt3A_896 = math.rsqrt %add3A_895 : vector<1x1xf32>
    %mul3A_897 = vector.broadcast %rsqrt3A_896 : vector<1x1xf32> to vector<1x256xf32>
    %mul3A_898 = arith.mulf %sub3A_892, %mul3A_897 : vector<1x256xf32>
    %get3A_899 = arith.constant 0 : index
    %get3A_900 = arith.constant 0 : index
    %get3A_901 = vector.load %arg5[%get3A_899, %get3A_900] : memref<1x256xf32, #tpu.memory_space<vmem>>, vector<1x256xf32>
    %mul3A_902 = arith.mulf %mul3A_898, %get3A_901 : vector<1x256xf32>
    %get3A_903 = arith.constant 0 : index
    %get3A_904 = arith.constant 0 : index
    %get3A_905 = vector.load %arg6[%get3A_903, %get3A_904] : memref<1x256xf32, #tpu.memory_space<vmem>>, vector<1x256xf32>
    %add3A_906 = arith.addf %mul3A_902, %get3A_905 : vector<1x256xf32>
    %get3A_907 = arith.constant 0 : index
    %get3A_908 = arith.constant 0 : index
    %get3A_909 = vector.load %arg7[%get3A_907, %get3A_908] : memref<256x256xf32, #tpu.memory_space<vmem>>, vector<256x256xf32>
    %dot_general3A_910 = arith.constant dense<0.000000e+00> : vector<1x256xf32>
    %dot_general3A_911 = tpu.matmul %add3A_906, %get3A_909, %dot_general3A_910 {dimension_numbers = #tpu.dot_dimension_numbers<[1], [0], [0], [1], [0, 0, 1, 1], [], []>, transpose_lhs_hint = false} : vector<1x256xf32>, vector<256x256xf32>, vector<1x256xf32> -> vector<1x256xf32>
    %get3A_912 = arith.constant 0 : index
    %get3A_913 = arith.constant 0 : index
    %get3A_914 = vector.load %arg8[%get3A_912, %get3A_913] : memref<1x256xf32, #tpu.memory_space<vmem>>, vector<1x256xf32>
    %add3A_915 = arith.addf %dot_general3A_911, %get3A_914 : vector<1x256xf32>
    %mul3A_916 = arith.constant 5.000000e-01 : f32
    %mul3A_917 = vector.broadcast %mul3A_916 : f32 to vector<1x256xf32>
    %mul3A_918 = arith.mulf %mul3A_917, %add3A_915 : vector<1x256xf32>
    %mul3A_919 = arith.constant 0.707106769 : f32
    %mul3A_920 = vector.broadcast %mul3A_919 : f32 to vector<1x256xf32>
    %mul3A_921 = arith.mulf %add3A_915, %mul3A_920 : vector<1x256xf32>
    %erf3A_922 = math.erf %mul3A_921 : vector<1x256xf32>
    %add3A_923 = arith.constant 1.000000e+00 : f32
    %add3A_924 = vector.broadcast %add3A_923 : f32 to vector<1x256xf32>
    %add3A_925 = arith.addf %add3A_924, %erf3A_922 : vector<1x256xf32>
    %mul3A_926 = arith.mulf %mul3A_918, %add3A_925 : vector<1x256xf32>
    %get3A_927 = arith.constant 0 : index
    %get3A_928 = arith.constant 0 : index
    %get3A_929 = vector.load %arg9[%get3A_927, %get3A_928] : memref<256x104xf32, #tpu.memory_space<vmem>>, vector<256x104xf32>
    %dot_general3A_930 = arith.constant dense<0.000000e+00> : vector<1x104xf32>
    %dot_general3A_931 = tpu.matmul %mul3A_926, %get3A_929, %dot_general3A_930 {dimension_numbers = #tpu.dot_dimension_numbers<[1], [0], [0], [1], [0, 0, 1, 1], [], []>, transpose_lhs_hint = false} : vector<1x256xf32>, vector<256x104xf32>, vector<1x104xf32> -> vector<1x104xf32>
    %get3A_932 = arith.constant 0 : index
    %get3A_933 = arith.constant 0 : index
    %get3A_934 = vector.load %arg10[%get3A_932, %get3A_933] : memref<1x104xf32, #tpu.memory_space<vmem>>, vector<1x104xf32>
    %add3A_935 = arith.addf %dot_general3A_931, %get3A_934 : vector<1x104xf32>
    %swap3A_936 = arith.constant 8 : index
    %swap3A_937 = arith.constant 0 : index
    %swap3A_938 = vector.load %arg11[%swap3A_936, %swap3A_937] : memref<16x104xf32, #tpu.memory_space<vmem>>, vector<1x104xf32>
    tpu.vector_store %arg11[%swap3A_936, %swap3A_937], %add3A_935 {strides = array<i32>} : memref<16x104xf32, #tpu.memory_space<vmem>>, vector<1x104xf32>,
    %get3A_939 = arith.constant 9 : index
    %get3A_940 = arith.constant 0 : index
    %get3A_941 = arith.constant 0 : index
    %get3A_942 = vector.load %arg1[%get3A_939, %get3A_940, %get3A_941] : memref<16x56x256xf32, #tpu.memory_space<vmem>>, vector<1x56x256xf32>
    %get3A_943 = vector.shape_cast %get3A_942 : vector<1x56x256xf32> to vector<56x256xf32>
    %get3A_944 = arith.constant 0 : index
    %get3A_945 = arith.constant 0 : index
    %get3A_946 = vector.load %arg2[%get3A_944, %get3A_945] : memref<256x64xf32, #tpu.memory_space<vmem>>, vector<256x64xf32>
    %dot_general3A_947 = arith.constant dense<0.000000e+00> : vector<56x64xf32>
    %dot_general3A_948 = tpu.matmul %get3A_943, %get3A_946, %dot_general3A_947 {dimension_numbers = #tpu.dot_dimension_numbers<[1], [0], [0], [1], [0, 0, 1, 1], [], []>, transpose_lhs_hint = false} : vector<56x256xf32>, vector<256x64xf32>, vector<56x64xf32> -> vector<56x64xf32>
    %get3A_949 = arith.constant 0 : index
    %get3A_950 = arith.constant 0 : index
    %get3A_951 = vector.load %arg3[%get3A_949, %get3A_950] : memref<1x64xf32, #tpu.memory_space<vmem>>, vector<1x64xf32>
    %add3A_952 = vector.broadcast %get3A_951 : vector<1x64xf32> to vector<56x64xf32>
    %add3A_953 = arith.addf %dot_general3A_948, %add3A_952 : vector<56x64xf32>
    %tanh3A_954 = math.tanh %add3A_953 : vector<56x64xf32>
    %get3A_955 = arith.constant 0 : index
    %get3A_956 = arith.constant 0 : index
    %get3A_957 = vector.load %arg4[%get3A_955, %get3A_956] : memref<64x1xf32, #tpu.memory_space<vmem>>, vector<64x1xf32>
    %dot_general3A_958 = arith.constant dense<0.000000e+00> : vector<56x1xf32>
    %dot_general3A_959 = tpu.matmul %tanh3A_954, %get3A_957, %dot_general3A_958 {dimension_numbers = #tpu.dot_dimension_numbers<[1], [0], [0], [1], [0, 0, 1, 1], [], []>, transpose_lhs_hint = false} : vector<56x64xf32>, vector<64x1xf32>, vector<56x1xf32> -> vector<56x1xf32>
    %jit3A_960 = arith.constant -1.000000e+30 : f32
    %broadcast_in_dim3A_961 = vector.broadcast %jit3A_960 : f32 to vector<56x1xf32>
    %select_n3A_962 = arith.select %lt3A_1, %dot_general3A_959, %broadcast_in_dim3A_961 : vector<56x1xi1>, vector<56x1xf32>
    %reduce_max3A_963 = arith.constant dense<0xFF800000> : vector<1xf32>
    %reduce_max3A_964 = vector.multi_reduction <maximumf>, %select_n3A_962, %reduce_max3A_963 [0] : vector<56x1xf32> to vector<1xf32>
    %broadcast_in_dim3A_965 = vector.shape_cast %reduce_max3A_964 : vector<1xf32> to vector<1x1xf32>
    %sub3A_966 = vector.broadcast %broadcast_in_dim3A_965 : vector<1x1xf32> to vector<56x1xf32>
    %sub3A_967 = arith.subf %select_n3A_962, %sub3A_966 : vector<56x1xf32>
    %exp3A_968 = math.exp %sub3A_967 : vector<56x1xf32>
    %jit3A_969 = arith.constant 0.000000e+00 : f32
    %broadcast_in_dim3A_970 = vector.broadcast %jit3A_969 : f32 to vector<56x1xf32>
    %select_n3A_971 = arith.select %lt3A_1, %exp3A_968, %broadcast_in_dim3A_970 : vector<56x1xi1>, vector<56x1xf32>
    %reduce_sum3A_972 = arith.constant dense<0.000000e+00> : vector<1xf32>
    %reduce_sum3A_973 = vector.multi_reduction <add>, %select_n3A_971, %reduce_sum3A_972 [0] : vector<56x1xf32> to vector<1xf32>
    %broadcast_in_dim3A_974 = vector.shape_cast %reduce_sum3A_973 : vector<1xf32> to vector<1x1xf32>
    %div3A_975 = vector.broadcast %broadcast_in_dim3A_974 : vector<1x1xf32> to vector<56x1xf32>
    %div3A_976 = arith.divf %select_n3A_971, %div3A_975 : vector<56x1xf32>
    %mul3A_977 = vector.broadcast %div3A_976 : vector<56x1xf32> to vector<56x256xf32>
    %mul3A_978 = arith.mulf %get3A_943, %mul3A_977 : vector<56x256xf32>
    %reduce_sum3A_979 = arith.constant dense<0.000000e+00> : vector<256xf32>
    %reduce_sum3A_980 = vector.multi_reduction <add>, %mul3A_978, %reduce_sum3A_979 [0] : vector<56x256xf32> to vector<256xf32>
    %broadcast_in_dim3A_981 = vector.shape_cast %reduce_sum3A_980 : vector<256xf32> to vector<1x256xf32>
    %reduce_sum3A_982 = arith.constant dense<0.000000e+00> : vector<1xf32>
    %reduce_sum3A_983 = vector.multi_reduction <add>, %broadcast_in_dim3A_981, %reduce_sum3A_982 [1] : vector<1x256xf32> to vector<1xf32>
    %broadcast_in_dim3A_984 = vector.shape_cast %reduce_sum3A_983 : vector<1xf32> to vector<1x1xf32>
    %div3A_985 = arith.constant 2.560000e+02 : f32
    %div3A_986 = vector.broadcast %div3A_985 : f32 to vector<1x1xf32>
    %div3A_987 = arith.divf %broadcast_in_dim3A_984, %div3A_986 : vector<1x1xf32>
    %sub3A_988 = vector.broadcast %div3A_987 : vector<1x1xf32> to vector<1x256xf32>
    %sub3A_989 = arith.subf %broadcast_in_dim3A_981, %sub3A_988 : vector<1x256xf32>
    %integer_pow3A_990 = arith.mulf %sub3A_989, %sub3A_989 : vector<1x256xf32>
    %reduce_sum3A_991 = arith.constant dense<0.000000e+00> : vector<1xf32>
    %reduce_sum3A_992 = vector.multi_reduction <add>, %integer_pow3A_990, %reduce_sum3A_991 [1] : vector<1x256xf32> to vector<1xf32>
    %broadcast_in_dim3A_993 = vector.shape_cast %reduce_sum3A_992 : vector<1xf32> to vector<1x1xf32>
    %div3A_994 = arith.constant 2.560000e+02 : f32
    %div3A_995 = vector.broadcast %div3A_994 : f32 to vector<1x1xf32>
    %div3A_996 = arith.divf %broadcast_in_dim3A_993, %div3A_995 : vector<1x1xf32>
    %sub3A_997 = vector.broadcast %div3A_987 : vector<1x1xf32> to vector<1x256xf32>
    %sub3A_998 = arith.subf %broadcast_in_dim3A_981, %sub3A_997 : vector<1x256xf32>
    %add3A_999 = arith.constant 9.99999974E-6 : f32
    %add3A_1000 = vector.broadcast %add3A_999 : f32 to vector<1x1xf32>
    %add3A_1001 = arith.addf %div3A_996, %add3A_1000 : vector<1x1xf32>
    %rsqrt3A_1002 = math.rsqrt %add3A_1001 : vector<1x1xf32>
    %mul3A_1003 = vector.broadcast %rsqrt3A_1002 : vector<1x1xf32> to vector<1x256xf32>
    %mul3A_1004 = arith.mulf %sub3A_998, %mul3A_1003 : vector<1x256xf32>
    %get3A_1005 = arith.constant 0 : index
    %get3A_1006 = arith.constant 0 : index
    %get3A_1007 = vector.load %arg5[%get3A_1005, %get3A_1006] : memref<1x256xf32, #tpu.memory_space<vmem>>, vector<1x256xf32>
    %mul3A_1008 = arith.mulf %mul3A_1004, %get3A_1007 : vector<1x256xf32>
    %get3A_1009 = arith.constant 0 : index
    %get3A_1010 = arith.constant 0 : index
    %get3A_1011 = vector.load %arg6[%get3A_1009, %get3A_1010] : memref<1x256xf32, #tpu.memory_space<vmem>>, vector<1x256xf32>
    %add3A_1012 = arith.addf %mul3A_1008, %get3A_1011 : vector<1x256xf32>
    %get3A_1013 = arith.constant 0 : index
    %get3A_1014 = arith.constant 0 : index
    %get3A_1015 = vector.load %arg7[%get3A_1013, %get3A_1014] : memref<256x256xf32, #tpu.memory_space<vmem>>, vector<256x256xf32>
    %dot_general3A_1016 = arith.constant dense<0.000000e+00> : vector<1x256xf32>
    %dot_general3A_1017 = tpu.matmul %add3A_1012, %get3A_1015, %dot_general3A_1016 {dimension_numbers = #tpu.dot_dimension_numbers<[1], [0], [0], [1], [0, 0, 1, 1], [], []>, transpose_lhs_hint = false} : vector<1x256xf32>, vector<256x256xf32>, vector<1x256xf32> -> vector<1x256xf32>
    %get3A_1018 = arith.constant 0 : index
    %get3A_1019 = arith.constant 0 : index
    %get3A_1020 = vector.load %arg8[%get3A_1018, %get3A_1019] : memref<1x256xf32, #tpu.memory_space<vmem>>, vector<1x256xf32>
    %add3A_1021 = arith.addf %dot_general3A_1017, %get3A_1020 : vector<1x256xf32>
    %mul3A_1022 = arith.constant 5.000000e-01 : f32
    %mul3A_1023 = vector.broadcast %mul3A_1022 : f32 to vector<1x256xf32>
    %mul3A_1024 = arith.mulf %mul3A_1023, %add3A_1021 : vector<1x256xf32>
    %mul3A_1025 = arith.constant 0.707106769 : f32
    %mul3A_1026 = vector.broadcast %mul3A_1025 : f32 to vector<1x256xf32>
    %mul3A_1027 = arith.mulf %add3A_1021, %mul3A_1026 : vector<1x256xf32>
    %erf3A_1028 = math.erf %mul3A_1027 : vector<1x256xf32>
    %add3A_1029 = arith.constant 1.000000e+00 : f32
    %add3A_1030 = vector.broadcast %add3A_1029 : f32 to vector<1x256xf32>
    %add3A_1031 = arith.addf %add3A_1030, %erf3A_1028 : vector<1x256xf32>
    %mul3A_1032 = arith.mulf %mul3A_1024, %add3A_1031 : vector<1x256xf32>
    %get3A_1033 = arith.constant 0 : index
    %get3A_1034 = arith.constant 0 : index
    %get3A_1035 = vector.load %arg9[%get3A_1033, %get3A_1034] : memref<256x104xf32, #tpu.memory_space<vmem>>, vector<256x104xf32>
    %dot_general3A_1036 = arith.constant dense<0.000000e+00> : vector<1x104xf32>
    %dot_general3A_1037 = tpu.matmul %mul3A_1032, %get3A_1035, %dot_general3A_1036 {dimension_numbers = #tpu.dot_dimension_numbers<[1], [0], [0], [1], [0, 0, 1, 1], [], []>, transpose_lhs_hint = false} : vector<1x256xf32>, vector<256x104xf32>, vector<1x104xf32> -> vector<1x104xf32>
    %get3A_1038 = arith.constant 0 : index
    %get3A_1039 = arith.constant 0 : index
    %get3A_1040 = vector.load %arg10[%get3A_1038, %get3A_1039] : memref<1x104xf32, #tpu.memory_space<vmem>>, vector<1x104xf32>
    %add3A_1041 = arith.addf %dot_general3A_1037, %get3A_1040 : vector<1x104xf32>
    %swap3A_1042 = arith.constant 9 : index
    %swap3A_1043 = arith.constant 0 : index
    %swap3A_1044 = vector.load %arg11[%swap3A_1042, %swap3A_1043] : memref<16x104xf32, #tpu.memory_space<vmem>>, vector<1x104xf32>
    tpu.vector_store %arg11[%swap3A_1042, %swap3A_1043], %add3A_1041 {strides = array<i32>} : memref<16x104xf32, #tpu.memory_space<vmem>>, vector<1x104xf32>,
    %get3A_1045 = arith.constant 10 : index
    %get3A_1046 = arith.constant 0 : index
    %get3A_1047 = arith.constant 0 : index
    %get3A_1048 = vector.load %arg1[%get3A_1045, %get3A_1046, %get3A_1047] : memref<16x56x256xf32, #tpu.memory_space<vmem>>, vector<1x56x256xf32>
    %get3A_1049 = vector.shape_cast %get3A_1048 : vector<1x56x256xf32> to vector<56x256xf32>
    %get3A_1050 = arith.constant 0 : index
    %get3A_1051 = arith.constant 0 : index
    %get3A_1052 = vector.load %arg2[%get3A_1050, %get3A_1051] : memref<256x64xf32, #tpu.memory_space<vmem>>, vector<256x64xf32>
    %dot_general3A_1053 = arith.constant dense<0.000000e+00> : vector<56x64xf32>
    %dot_general3A_1054 = tpu.matmul %get3A_1049, %get3A_1052, %dot_general3A_1053 {dimension_numbers = #tpu.dot_dimension_numbers<[1], [0], [0], [1], [0, 0, 1, 1], [], []>, transpose_lhs_hint = false} : vector<56x256xf32>, vector<256x64xf32>, vector<56x64xf32> -> vector<56x64xf32>
    %get3A_1055 = arith.constant 0 : index
    %get3A_1056 = arith.constant 0 : index
    %get3A_1057 = vector.load %arg3[%get3A_1055, %get3A_1056] : memref<1x64xf32, #tpu.memory_space<vmem>>, vector<1x64xf32>
    %add3A_1058 = vector.broadcast %get3A_1057 : vector<1x64xf32> to vector<56x64xf32>
    %add3A_1059 = arith.addf %dot_general3A_1054, %add3A_1058 : vector<56x64xf32>
    %tanh3A_1060 = math.tanh %add3A_1059 : vector<56x64xf32>
    %get3A_1061 = arith.constant 0 : index
    %get3A_1062 = arith.constant 0 : index
    %get3A_1063 = vector.load %arg4[%get3A_1061, %get3A_1062] : memref<64x1xf32, #tpu.memory_space<vmem>>, vector<64x1xf32>
    %dot_general3A_1064 = arith.constant dense<0.000000e+00> : vector<56x1xf32>
    %dot_general3A_1065 = tpu.matmul %tanh3A_1060, %get3A_1063, %dot_general3A_1064 {dimension_numbers = #tpu.dot_dimension_numbers<[1], [0], [0], [1], [0, 0, 1, 1], [], []>, transpose_lhs_hint = false} : vector<56x64xf32>, vector<64x1xf32>, vector<56x1xf32> -> vector<56x1xf32>
    %jit3A_1066 = arith.constant -1.000000e+30 : f32
    %broadcast_in_dim3A_1067 = vector.broadcast %jit3A_1066 : f32 to vector<56x1xf32>
    %select_n3A_1068 = arith.select %lt3A_1, %dot_general3A_1065, %broadcast_in_dim3A_1067 : vector<56x1xi1>, vector<56x1xf32>
    %reduce_max3A_1069 = arith.constant dense<0xFF800000> : vector<1xf32>
    %reduce_max3A_1070 = vector.multi_reduction <maximumf>, %select_n3A_1068, %reduce_max3A_1069 [0] : vector<56x1xf32> to vector<1xf32>
    %broadcast_in_dim3A_1071 = vector.shape_cast %reduce_max3A_1070 : vector<1xf32> to vector<1x1xf32>
    %sub3A_1072 = vector.broadcast %broadcast_in_dim3A_1071 : vector<1x1xf32> to vector<56x1xf32>
    %sub3A_1073 = arith.subf %select_n3A_1068, %sub3A_1072 : vector<56x1xf32>
    %exp3A_1074 = math.exp %sub3A_1073 : vector<56x1xf32>
    %jit3A_1075 = arith.constant 0.000000e+00 : f32
    %broadcast_in_dim3A_1076 = vector.broadcast %jit3A_1075 : f32 to vector<56x1xf32>
    %select_n3A_1077 = arith.select %lt3A_1, %exp3A_1074, %broadcast_in_dim3A_1076 : vector<56x1xi1>, vector<56x1xf32>
    %reduce_sum3A_1078 = arith.constant dense<0.000000e+00> : vector<1xf32>
    %reduce_sum3A_1079 = vector.multi_reduction <add>, %select_n3A_1077, %reduce_sum3A_1078 [0] : vector<56x1xf32> to vector<1xf32>
    %broadcast_in_dim3A_1080 = vector.shape_cast %reduce_sum3A_1079 : vector<1xf32> to vector<1x1xf32>
    %div3A_1081 = vector.broadcast %broadcast_in_dim3A_1080 : vector<1x1xf32> to vector<56x1xf32>
    %div3A_1082 = arith.divf %select_n3A_1077, %div3A_1081 : vector<56x1xf32>
    %mul3A_1083 = vector.broadcast %div3A_1082 : vector<56x1xf32> to vector<56x256xf32>
    %mul3A_1084 = arith.mulf %get3A_1049, %mul3A_1083 : vector<56x256xf32>
    %reduce_sum3A_1085 = arith.constant dense<0.000000e+00> : vector<256xf32>
    %reduce_sum3A_1086 = vector.multi_reduction <add>, %mul3A_1084, %reduce_sum3A_1085 [0] : vector<56x256xf32> to vector<256xf32>
    %broadcast_in_dim3A_1087 = vector.shape_cast %reduce_sum3A_1086 : vector<256xf32> to vector<1x256xf32>
    %reduce_sum3A_1088 = arith.constant dense<0.000000e+00> : vector<1xf32>
    %reduce_sum3A_1089 = vector.multi_reduction <add>, %broadcast_in_dim3A_1087, %reduce_sum3A_1088 [1] : vector<1x256xf32> to vector<1xf32>
    %broadcast_in_dim3A_1090 = vector.shape_cast %reduce_sum3A_1089 : vector<1xf32> to vector<1x1xf32>
    %div3A_1091 = arith.constant 2.560000e+02 : f32
    %div3A_1092 = vector.broadcast %div3A_1091 : f32 to vector<1x1xf32>
    %div3A_1093 = arith.divf %broadcast_in_dim3A_1090, %div3A_1092 : vector<1x1xf32>
    %sub3A_1094 = vector.broadcast %div3A_1093 : vector<1x1xf32> to vector<1x256xf32>
    %sub3A_1095 = arith.subf %broadcast_in_dim3A_1087, %sub3A_1094 : vector<1x256xf32>
    %integer_pow3A_1096 = arith.mulf %sub3A_1095, %sub3A_1095 : vector<1x256xf32>
    %reduce_sum3A_1097 = arith.constant dense<0.000000e+00> : vector<1xf32>
    %reduce_sum3A_1098 = vector.multi_reduction <add>, %integer_pow3A_1096, %reduce_sum3A_1097 [1] : vector<1x256xf32> to vector<1xf32>
    %broadcast_in_dim3A_1099 = vector.shape_cast %reduce_sum3A_1098 : vector<1xf32> to vector<1x1xf32>
    %div3A_1100 = arith.constant 2.560000e+02 : f32
    %div3A_1101 = vector.broadcast %div3A_1100 : f32 to vector<1x1xf32>
    %div3A_1102 = arith.divf %broadcast_in_dim3A_1099, %div3A_1101 : vector<1x1xf32>
    %sub3A_1103 = vector.broadcast %div3A_1093 : vector<1x1xf32> to vector<1x256xf32>
    %sub3A_1104 = arith.subf %broadcast_in_dim3A_1087, %sub3A_1103 : vector<1x256xf32>
    %add3A_1105 = arith.constant 9.99999974E-6 : f32
    %add3A_1106 = vector.broadcast %add3A_1105 : f32 to vector<1x1xf32>
    %add3A_1107 = arith.addf %div3A_1102, %add3A_1106 : vector<1x1xf32>
    %rsqrt3A_1108 = math.rsqrt %add3A_1107 : vector<1x1xf32>
    %mul3A_1109 = vector.broadcast %rsqrt3A_1108 : vector<1x1xf32> to vector<1x256xf32>
    %mul3A_1110 = arith.mulf %sub3A_1104, %mul3A_1109 : vector<1x256xf32>
    %get3A_1111 = arith.constant 0 : index
    %get3A_1112 = arith.constant 0 : index
    %get3A_1113 = vector.load %arg5[%get3A_1111, %get3A_1112] : memref<1x256xf32, #tpu.memory_space<vmem>>, vector<1x256xf32>
    %mul3A_1114 = arith.mulf %mul3A_1110, %get3A_1113 : vector<1x256xf32>
    %get3A_1115 = arith.constant 0 : index
    %get3A_1116 = arith.constant 0 : index
    %get3A_1117 = vector.load %arg6[%get3A_1115, %get3A_1116] : memref<1x256xf32, #tpu.memory_space<vmem>>, vector<1x256xf32>
    %add3A_1118 = arith.addf %mul3A_1114, %get3A_1117 : vector<1x256xf32>
    %get3A_1119 = arith.constant 0 : index
    %get3A_1120 = arith.constant 0 : index
    %get3A_1121 = vector.load %arg7[%get3A_1119, %get3A_1120] : memref<256x256xf32, #tpu.memory_space<vmem>>, vector<256x256xf32>
    %dot_general3A_1122 = arith.constant dense<0.000000e+00> : vector<1x256xf32>
    %dot_general3A_1123 = tpu.matmul %add3A_1118, %get3A_1121, %dot_general3A_1122 {dimension_numbers = #tpu.dot_dimension_numbers<[1], [0], [0], [1], [0, 0, 1, 1], [], []>, transpose_lhs_hint = false} : vector<1x256xf32>, vector<256x256xf32>, vector<1x256xf32> -> vector<1x256xf32>
    %get3A_1124 = arith.constant 0 : index
    %get3A_1125 = arith.constant 0 : index
    %get3A_1126 = vector.load %arg8[%get3A_1124, %get3A_1125] : memref<1x256xf32, #tpu.memory_space<vmem>>, vector<1x256xf32>
    %add3A_1127 = arith.addf %dot_general3A_1123, %get3A_1126 : vector<1x256xf32>
    %mul3A_1128 = arith.constant 5.000000e-01 : f32
    %mul3A_1129 = vector.broadcast %mul3A_1128 : f32 to vector<1x256xf32>
    %mul3A_1130 = arith.mulf %mul3A_1129, %add3A_1127 : vector<1x256xf32>
    %mul3A_1131 = arith.constant 0.707106769 : f32
    %mul3A_1132 = vector.broadcast %mul3A_1131 : f32 to vector<1x256xf32>
    %mul3A_1133 = arith.mulf %add3A_1127, %mul3A_1132 : vector<1x256xf32>
    %erf3A_1134 = math.erf %mul3A_1133 : vector<1x256xf32>
    %add3A_1135 = arith.constant 1.000000e+00 : f32
    %add3A_1136 = vector.broadcast %add3A_1135 : f32 to vector<1x256xf32>
    %add3A_1137 = arith.addf %add3A_1136, %erf3A_1134 : vector<1x256xf32>
    %mul3A_1138 = arith.mulf %mul3A_1130, %add3A_1137 : vector<1x256xf32>
    %get3A_1139 = arith.constant 0 : index
    %get3A_1140 = arith.constant 0 : index
    %get3A_1141 = vector.load %arg9[%get3A_1139, %get3A_1140] : memref<256x104xf32, #tpu.memory_space<vmem>>, vector<256x104xf32>
    %dot_general3A_1142 = arith.constant dense<0.000000e+00> : vector<1x104xf32>
    %dot_general3A_1143 = tpu.matmul %mul3A_1138, %get3A_1141, %dot_general3A_1142 {dimension_numbers = #tpu.dot_dimension_numbers<[1], [0], [0], [1], [0, 0, 1, 1], [], []>, transpose_lhs_hint = false} : vector<1x256xf32>, vector<256x104xf32>, vector<1x104xf32> -> vector<1x104xf32>
    %get3A_1144 = arith.constant 0 : index
    %get3A_1145 = arith.constant 0 : index
    %get3A_1146 = vector.load %arg10[%get3A_1144, %get3A_1145] : memref<1x104xf32, #tpu.memory_space<vmem>>, vector<1x104xf32>
    %add3A_1147 = arith.addf %dot_general3A_1143, %get3A_1146 : vector<1x104xf32>
    %swap3A_1148 = arith.constant 10 : index
    %swap3A_1149 = arith.constant 0 : index
    %swap3A_1150 = vector.load %arg11[%swap3A_1148, %swap3A_1149] : memref<16x104xf32, #tpu.memory_space<vmem>>, vector<1x104xf32>
    tpu.vector_store %arg11[%swap3A_1148, %swap3A_1149], %add3A_1147 {strides = array<i32>} : memref<16x104xf32, #tpu.memory_space<vmem>>, vector<1x104xf32>,
    %get3A_1151 = arith.constant 11 : index
    %get3A_1152 = arith.constant 0 : index
    %get3A_1153 = arith.constant 0 : index
    %get3A_1154 = vector.load %arg1[%get3A_1151, %get3A_1152, %get3A_1153] : memref<16x56x256xf32, #tpu.memory_space<vmem>>, vector<1x56x256xf32>
    %get3A_1155 = vector.shape_cast %get3A_1154 : vector<1x56x256xf32> to vector<56x256xf32>
    %get3A_1156 = arith.constant 0 : index
    %get3A_1157 = arith.constant 0 : index
    %get3A_1158 = vector.load %arg2[%get3A_1156, %get3A_1157] : memref<256x64xf32, #tpu.memory_space<vmem>>, vector<256x64xf32>
    %dot_general3A_1159 = arith.constant dense<0.000000e+00> : vector<56x64xf32>
    %dot_general3A_1160 = tpu.matmul %get3A_1155, %get3A_1158, %dot_general3A_1159 {dimension_numbers = #tpu.dot_dimension_numbers<[1], [0], [0], [1], [0, 0, 1, 1], [], []>, transpose_lhs_hint = false} : vector<56x256xf32>, vector<256x64xf32>, vector<56x64xf32> -> vector<56x64xf32>
    %get3A_1161 = arith.constant 0 : index
    %get3A_1162 = arith.constant 0 : index
    %get3A_1163 = vector.load %arg3[%get3A_1161, %get3A_1162] : memref<1x64xf32, #tpu.memory_space<vmem>>, vector<1x64xf32>
    %add3A_1164 = vector.broadcast %get3A_1163 : vector<1x64xf32> to vector<56x64xf32>
    %add3A_1165 = arith.addf %dot_general3A_1160, %add3A_1164 : vector<56x64xf32>
    %tanh3A_1166 = math.tanh %add3A_1165 : vector<56x64xf32>
    %get3A_1167 = arith.constant 0 : index
    %get3A_1168 = arith.constant 0 : index
    %get3A_1169 = vector.load %arg4[%get3A_1167, %get3A_1168] : memref<64x1xf32, #tpu.memory_space<vmem>>, vector<64x1xf32>
    %dot_general3A_1170 = arith.constant dense<0.000000e+00> : vector<56x1xf32>
    %dot_general3A_1171 = tpu.matmul %tanh3A_1166, %get3A_1169, %dot_general3A_1170 {dimension_numbers = #tpu.dot_dimension_numbers<[1], [0], [0], [1], [0, 0, 1, 1], [], []>, transpose_lhs_hint = false} : vector<56x64xf32>, vector<64x1xf32>, vector<56x1xf32> -> vector<56x1xf32>
    %jit3A_1172 = arith.constant -1.000000e+30 : f32
    %broadcast_in_dim3A_1173 = vector.broadcast %jit3A_1172 : f32 to vector<56x1xf32>
    %select_n3A_1174 = arith.select %lt3A_1, %dot_general3A_1171, %broadcast_in_dim3A_1173 : vector<56x1xi1>, vector<56x1xf32>
    %reduce_max3A_1175 = arith.constant dense<0xFF800000> : vector<1xf32>
    %reduce_max3A_1176 = vector.multi_reduction <maximumf>, %select_n3A_1174, %reduce_max3A_1175 [0] : vector<56x1xf32> to vector<1xf32>
    %broadcast_in_dim3A_1177 = vector.shape_cast %reduce_max3A_1176 : vector<1xf32> to vector<1x1xf32>
    %sub3A_1178 = vector.broadcast %broadcast_in_dim3A_1177 : vector<1x1xf32> to vector<56x1xf32>
    %sub3A_1179 = arith.subf %select_n3A_1174, %sub3A_1178 : vector<56x1xf32>
    %exp3A_1180 = math.exp %sub3A_1179 : vector<56x1xf32>
    %jit3A_1181 = arith.constant 0.000000e+00 : f32
    %broadcast_in_dim3A_1182 = vector.broadcast %jit3A_1181 : f32 to vector<56x1xf32>
    %select_n3A_1183 = arith.select %lt3A_1, %exp3A_1180, %broadcast_in_dim3A_1182 : vector<56x1xi1>, vector<56x1xf32>
    %reduce_sum3A_1184 = arith.constant dense<0.000000e+00> : vector<1xf32>
    %reduce_sum3A_1185 = vector.multi_reduction <add>, %select_n3A_1183, %reduce_sum3A_1184 [0] : vector<56x1xf32> to vector<1xf32>
    %broadcast_in_dim3A_1186 = vector.shape_cast %reduce_sum3A_1185 : vector<1xf32> to vector<1x1xf32>
    %div3A_1187 = vector.broadcast %broadcast_in_dim3A_1186 : vector<1x1xf32> to vector<56x1xf32>
    %div3A_1188 = arith.divf %select_n3A_1183, %div3A_1187 : vector<56x1xf32>
    %mul3A_1189 = vector.broadcast %div3A_1188 : vector<56x1xf32> to vector<56x256xf32>
    %mul3A_1190 = arith.mulf %get3A_1155, %mul3A_1189 : vector<56x256xf32>
    %reduce_sum3A_1191 = arith.constant dense<0.000000e+00> : vector<256xf32>
    %reduce_sum3A_1192 = vector.multi_reduction <add>, %mul3A_1190, %reduce_sum3A_1191 [0] : vector<56x256xf32> to vector<256xf32>
    %broadcast_in_dim3A_1193 = vector.shape_cast %reduce_sum3A_1192 : vector<256xf32> to vector<1x256xf32>
    %reduce_sum3A_1194 = arith.constant dense<0.000000e+00> : vector<1xf32>
    %reduce_sum3A_1195 = vector.multi_reduction <add>, %broadcast_in_dim3A_1193, %reduce_sum3A_1194 [1] : vector<1x256xf32> to vector<1xf32>
    %broadcast_in_dim3A_1196 = vector.shape_cast %reduce_sum3A_1195 : vector<1xf32> to vector<1x1xf32>
    %div3A_1197 = arith.constant 2.560000e+02 : f32
    %div3A_1198 = vector.broadcast %div3A_1197 : f32 to vector<1x1xf32>
    %div3A_1199 = arith.divf %broadcast_in_dim3A_1196, %div3A_1198 : vector<1x1xf32>
    %sub3A_1200 = vector.broadcast %div3A_1199 : vector<1x1xf32> to vector<1x256xf32>
    %sub3A_1201 = arith.subf %broadcast_in_dim3A_1193, %sub3A_1200 : vector<1x256xf32>
    %integer_pow3A_1202 = arith.mulf %sub3A_1201, %sub3A_1201 : vector<1x256xf32>
    %reduce_sum3A_1203 = arith.constant dense<0.000000e+00> : vector<1xf32>
    %reduce_sum3A_1204 = vector.multi_reduction <add>, %integer_pow3A_1202, %reduce_sum3A_1203 [1] : vector<1x256xf32> to vector<1xf32>
    %broadcast_in_dim3A_1205 = vector.shape_cast %reduce_sum3A_1204 : vector<1xf32> to vector<1x1xf32>
    %div3A_1206 = arith.constant 2.560000e+02 : f32
    %div3A_1207 = vector.broadcast %div3A_1206 : f32 to vector<1x1xf32>
    %div3A_1208 = arith.divf %broadcast_in_dim3A_1205, %div3A_1207 : vector<1x1xf32>
    %sub3A_1209 = vector.broadcast %div3A_1199 : vector<1x1xf32> to vector<1x256xf32>
    %sub3A_1210 = arith.subf %broadcast_in_dim3A_1193, %sub3A_1209 : vector<1x256xf32>
    %add3A_1211 = arith.constant 9.99999974E-6 : f32
    %add3A_1212 = vector.broadcast %add3A_1211 : f32 to vector<1x1xf32>
    %add3A_1213 = arith.addf %div3A_1208, %add3A_1212 : vector<1x1xf32>
    %rsqrt3A_1214 = math.rsqrt %add3A_1213 : vector<1x1xf32>
    %mul3A_1215 = vector.broadcast %rsqrt3A_1214 : vector<1x1xf32> to vector<1x256xf32>
    %mul3A_1216 = arith.mulf %sub3A_1210, %mul3A_1215 : vector<1x256xf32>
    %get3A_1217 = arith.constant 0 : index
    %get3A_1218 = arith.constant 0 : index
    %get3A_1219 = vector.load %arg5[%get3A_1217, %get3A_1218] : memref<1x256xf32, #tpu.memory_space<vmem>>, vector<1x256xf32>
    %mul3A_1220 = arith.mulf %mul3A_1216, %get3A_1219 : vector<1x256xf32>
    %get3A_1221 = arith.constant 0 : index
    %get3A_1222 = arith.constant 0 : index
    %get3A_1223 = vector.load %arg6[%get3A_1221, %get3A_1222] : memref<1x256xf32, #tpu.memory_space<vmem>>, vector<1x256xf32>
    %add3A_1224 = arith.addf %mul3A_1220, %get3A_1223 : vector<1x256xf32>
    %get3A_1225 = arith.constant 0 : index
    %get3A_1226 = arith.constant 0 : index
    %get3A_1227 = vector.load %arg7[%get3A_1225, %get3A_1226] : memref<256x256xf32, #tpu.memory_space<vmem>>, vector<256x256xf32>
    %dot_general3A_1228 = arith.constant dense<0.000000e+00> : vector<1x256xf32>
    %dot_general3A_1229 = tpu.matmul %add3A_1224, %get3A_1227, %dot_general3A_1228 {dimension_numbers = #tpu.dot_dimension_numbers<[1], [0], [0], [1], [0, 0, 1, 1], [], []>, transpose_lhs_hint = false} : vector<1x256xf32>, vector<256x256xf32>, vector<1x256xf32> -> vector<1x256xf32>
    %get3A_1230 = arith.constant 0 : index
    %get3A_1231 = arith.constant 0 : index
    %get3A_1232 = vector.load %arg8[%get3A_1230, %get3A_1231] : memref<1x256xf32, #tpu.memory_space<vmem>>, vector<1x256xf32>
    %add3A_1233 = arith.addf %dot_general3A_1229, %get3A_1232 : vector<1x256xf32>
    %mul3A_1234 = arith.constant 5.000000e-01 : f32
    %mul3A_1235 = vector.broadcast %mul3A_1234 : f32 to vector<1x256xf32>
    %mul3A_1236 = arith.mulf %mul3A_1235, %add3A_1233 : vector<1x256xf32>
    %mul3A_1237 = arith.constant 0.707106769 : f32
    %mul3A_1238 = vector.broadcast %mul3A_1237 : f32 to vector<1x256xf32>
    %mul3A_1239 = arith.mulf %add3A_1233, %mul3A_1238 : vector<1x256xf32>
    %erf3A_1240 = math.erf %mul3A_1239 : vector<1x256xf32>
    %add3A_1241 = arith.constant 1.000000e+00 : f32
    %add3A_1242 = vector.broadcast %add3A_1241 : f32 to vector<1x256xf32>
    %add3A_1243 = arith.addf %add3A_1242, %erf3A_1240 : vector<1x256xf32>
    %mul3A_1244 = arith.mulf %mul3A_1236, %add3A_1243 : vector<1x256xf32>
    %get3A_1245 = arith.constant 0 : index
    %get3A_1246 = arith.constant 0 : index
    %get3A_1247 = vector.load %arg9[%get3A_1245, %get3A_1246] : memref<256x104xf32, #tpu.memory_space<vmem>>, vector<256x104xf32>
    %dot_general3A_1248 = arith.constant dense<0.000000e+00> : vector<1x104xf32>
    %dot_general3A_1249 = tpu.matmul %mul3A_1244, %get3A_1247, %dot_general3A_1248 {dimension_numbers = #tpu.dot_dimension_numbers<[1], [0], [0], [1], [0, 0, 1, 1], [], []>, transpose_lhs_hint = false} : vector<1x256xf32>, vector<256x104xf32>, vector<1x104xf32> -> vector<1x104xf32>
    %get3A_1250 = arith.constant 0 : index
    %get3A_1251 = arith.constant 0 : index
    %get3A_1252 = vector.load %arg10[%get3A_1250, %get3A_1251] : memref<1x104xf32, #tpu.memory_space<vmem>>, vector<1x104xf32>
    %add3A_1253 = arith.addf %dot_general3A_1249, %get3A_1252 : vector<1x104xf32>
    %swap3A_1254 = arith.constant 11 : index
    %swap3A_1255 = arith.constant 0 : index
    %swap3A_1256 = vector.load %arg11[%swap3A_1254, %swap3A_1255] : memref<16x104xf32, #tpu.memory_space<vmem>>, vector<1x104xf32>
    tpu.vector_store %arg11[%swap3A_1254, %swap3A_1255], %add3A_1253 {strides = array<i32>} : memref<16x104xf32, #tpu.memory_space<vmem>>, vector<1x104xf32>,
    %get3A_1257 = arith.constant 12 : index
    %get3A_1258 = arith.constant 0 : index
    %get3A_1259 = arith.constant 0 : index
    %get3A_1260 = vector.load %arg1[%get3A_1257, %get3A_1258, %get3A_1259] : memref<16x56x256xf32, #tpu.memory_space<vmem>>, vector<1x56x256xf32>
    %get3A_1261 = vector.shape_cast %get3A_1260 : vector<1x56x256xf32> to vector<56x256xf32>
    %get3A_1262 = arith.constant 0 : index
    %get3A_1263 = arith.constant 0 : index
    %get3A_1264 = vector.load %arg2[%get3A_1262, %get3A_1263] : memref<256x64xf32, #tpu.memory_space<vmem>>, vector<256x64xf32>
    %dot_general3A_1265 = arith.constant dense<0.000000e+00> : vector<56x64xf32>
    %dot_general3A_1266 = tpu.matmul %get3A_1261, %get3A_1264, %dot_general3A_1265 {dimension_numbers = #tpu.dot_dimension_numbers<[1], [0], [0], [1], [0, 0, 1, 1], [], []>, transpose_lhs_hint = false} : vector<56x256xf32>, vector<256x64xf32>, vector<56x64xf32> -> vector<56x64xf32>
    %get3A_1267 = arith.constant 0 : index
    %get3A_1268 = arith.constant 0 : index
    %get3A_1269 = vector.load %arg3[%get3A_1267, %get3A_1268] : memref<1x64xf32, #tpu.memory_space<vmem>>, vector<1x64xf32>
    %add3A_1270 = vector.broadcast %get3A_1269 : vector<1x64xf32> to vector<56x64xf32>
    %add3A_1271 = arith.addf %dot_general3A_1266, %add3A_1270 : vector<56x64xf32>
    %tanh3A_1272 = math.tanh %add3A_1271 : vector<56x64xf32>
    %get3A_1273 = arith.constant 0 : index
    %get3A_1274 = arith.constant 0 : index
    %get3A_1275 = vector.load %arg4[%get3A_1273, %get3A_1274] : memref<64x1xf32, #tpu.memory_space<vmem>>, vector<64x1xf32>
    %dot_general3A_1276 = arith.constant dense<0.000000e+00> : vector<56x1xf32>
    %dot_general3A_1277 = tpu.matmul %tanh3A_1272, %get3A_1275, %dot_general3A_1276 {dimension_numbers = #tpu.dot_dimension_numbers<[1], [0], [0], [1], [0, 0, 1, 1], [], []>, transpose_lhs_hint = false} : vector<56x64xf32>, vector<64x1xf32>, vector<56x1xf32> -> vector<56x1xf32>
    %jit3A_1278 = arith.constant -1.000000e+30 : f32
    %broadcast_in_dim3A_1279 = vector.broadcast %jit3A_1278 : f32 to vector<56x1xf32>
    %select_n3A_1280 = arith.select %lt3A_1, %dot_general3A_1277, %broadcast_in_dim3A_1279 : vector<56x1xi1>, vector<56x1xf32>
    %reduce_max3A_1281 = arith.constant dense<0xFF800000> : vector<1xf32>
    %reduce_max3A_1282 = vector.multi_reduction <maximumf>, %select_n3A_1280, %reduce_max3A_1281 [0] : vector<56x1xf32> to vector<1xf32>
    %broadcast_in_dim3A_1283 = vector.shape_cast %reduce_max3A_1282 : vector<1xf32> to vector<1x1xf32>
    %sub3A_1284 = vector.broadcast %broadcast_in_dim3A_1283 : vector<1x1xf32> to vector<56x1xf32>
    %sub3A_1285 = arith.subf %select_n3A_1280, %sub3A_1284 : vector<56x1xf32>
    %exp3A_1286 = math.exp %sub3A_1285 : vector<56x1xf32>
    %jit3A_1287 = arith.constant 0.000000e+00 : f32
    %broadcast_in_dim3A_1288 = vector.broadcast %jit3A_1287 : f32 to vector<56x1xf32>
    %select_n3A_1289 = arith.select %lt3A_1, %exp3A_1286, %broadcast_in_dim3A_1288 : vector<56x1xi1>, vector<56x1xf32>
    %reduce_sum3A_1290 = arith.constant dense<0.000000e+00> : vector<1xf32>
    %reduce_sum3A_1291 = vector.multi_reduction <add>, %select_n3A_1289, %reduce_sum3A_1290 [0] : vector<56x1xf32> to vector<1xf32>
    %broadcast_in_dim3A_1292 = vector.shape_cast %reduce_sum3A_1291 : vector<1xf32> to vector<1x1xf32>
    %div3A_1293 = vector.broadcast %broadcast_in_dim3A_1292 : vector<1x1xf32> to vector<56x1xf32>
    %div3A_1294 = arith.divf %select_n3A_1289, %div3A_1293 : vector<56x1xf32>
    %mul3A_1295 = vector.broadcast %div3A_1294 : vector<56x1xf32> to vector<56x256xf32>
    %mul3A_1296 = arith.mulf %get3A_1261, %mul3A_1295 : vector<56x256xf32>
    %reduce_sum3A_1297 = arith.constant dense<0.000000e+00> : vector<256xf32>
    %reduce_sum3A_1298 = vector.multi_reduction <add>, %mul3A_1296, %reduce_sum3A_1297 [0] : vector<56x256xf32> to vector<256xf32>
    %broadcast_in_dim3A_1299 = vector.shape_cast %reduce_sum3A_1298 : vector<256xf32> to vector<1x256xf32>
    %reduce_sum3A_1300 = arith.constant dense<0.000000e+00> : vector<1xf32>
    %reduce_sum3A_1301 = vector.multi_reduction <add>, %broadcast_in_dim3A_1299, %reduce_sum3A_1300 [1] : vector<1x256xf32> to vector<1xf32>
    %broadcast_in_dim3A_1302 = vector.shape_cast %reduce_sum3A_1301 : vector<1xf32> to vector<1x1xf32>
    %div3A_1303 = arith.constant 2.560000e+02 : f32
    %div3A_1304 = vector.broadcast %div3A_1303 : f32 to vector<1x1xf32>
    %div3A_1305 = arith.divf %broadcast_in_dim3A_1302, %div3A_1304 : vector<1x1xf32>
    %sub3A_1306 = vector.broadcast %div3A_1305 : vector<1x1xf32> to vector<1x256xf32>
    %sub3A_1307 = arith.subf %broadcast_in_dim3A_1299, %sub3A_1306 : vector<1x256xf32>
    %integer_pow3A_1308 = arith.mulf %sub3A_1307, %sub3A_1307 : vector<1x256xf32>
    %reduce_sum3A_1309 = arith.constant dense<0.000000e+00> : vector<1xf32>
    %reduce_sum3A_1310 = vector.multi_reduction <add>, %integer_pow3A_1308, %reduce_sum3A_1309 [1] : vector<1x256xf32> to vector<1xf32>
    %broadcast_in_dim3A_1311 = vector.shape_cast %reduce_sum3A_1310 : vector<1xf32> to vector<1x1xf32>
    %div3A_1312 = arith.constant 2.560000e+02 : f32
    %div3A_1313 = vector.broadcast %div3A_1312 : f32 to vector<1x1xf32>
    %div3A_1314 = arith.divf %broadcast_in_dim3A_1311, %div3A_1313 : vector<1x1xf32>
    %sub3A_1315 = vector.broadcast %div3A_1305 : vector<1x1xf32> to vector<1x256xf32>
    %sub3A_1316 = arith.subf %broadcast_in_dim3A_1299, %sub3A_1315 : vector<1x256xf32>
    %add3A_1317 = arith.constant 9.99999974E-6 : f32
    %add3A_1318 = vector.broadcast %add3A_1317 : f32 to vector<1x1xf32>
    %add3A_1319 = arith.addf %div3A_1314, %add3A_1318 : vector<1x1xf32>
    %rsqrt3A_1320 = math.rsqrt %add3A_1319 : vector<1x1xf32>
    %mul3A_1321 = vector.broadcast %rsqrt3A_1320 : vector<1x1xf32> to vector<1x256xf32>
    %mul3A_1322 = arith.mulf %sub3A_1316, %mul3A_1321 : vector<1x256xf32>
    %get3A_1323 = arith.constant 0 : index
    %get3A_1324 = arith.constant 0 : index
    %get3A_1325 = vector.load %arg5[%get3A_1323, %get3A_1324] : memref<1x256xf32, #tpu.memory_space<vmem>>, vector<1x256xf32>
    %mul3A_1326 = arith.mulf %mul3A_1322, %get3A_1325 : vector<1x256xf32>
    %get3A_1327 = arith.constant 0 : index
    %get3A_1328 = arith.constant 0 : index
    %get3A_1329 = vector.load %arg6[%get3A_1327, %get3A_1328] : memref<1x256xf32, #tpu.memory_space<vmem>>, vector<1x256xf32>
    %add3A_1330 = arith.addf %mul3A_1326, %get3A_1329 : vector<1x256xf32>
    %get3A_1331 = arith.constant 0 : index
    %get3A_1332 = arith.constant 0 : index
    %get3A_1333 = vector.load %arg7[%get3A_1331, %get3A_1332] : memref<256x256xf32, #tpu.memory_space<vmem>>, vector<256x256xf32>
    %dot_general3A_1334 = arith.constant dense<0.000000e+00> : vector<1x256xf32>
    %dot_general3A_1335 = tpu.matmul %add3A_1330, %get3A_1333, %dot_general3A_1334 {dimension_numbers = #tpu.dot_dimension_numbers<[1], [0], [0], [1], [0, 0, 1, 1], [], []>, transpose_lhs_hint = false} : vector<1x256xf32>, vector<256x256xf32>, vector<1x256xf32> -> vector<1x256xf32>
    %get3A_1336 = arith.constant 0 : index
    %get3A_1337 = arith.constant 0 : index
    %get3A_1338 = vector.load %arg8[%get3A_1336, %get3A_1337] : memref<1x256xf32, #tpu.memory_space<vmem>>, vector<1x256xf32>
    %add3A_1339 = arith.addf %dot_general3A_1335, %get3A_1338 : vector<1x256xf32>
    %mul3A_1340 = arith.constant 5.000000e-01 : f32
    %mul3A_1341 = vector.broadcast %mul3A_1340 : f32 to vector<1x256xf32>
    %mul3A_1342 = arith.mulf %mul3A_1341, %add3A_1339 : vector<1x256xf32>
    %mul3A_1343 = arith.constant 0.707106769 : f32
    %mul3A_1344 = vector.broadcast %mul3A_1343 : f32 to vector<1x256xf32>
    %mul3A_1345 = arith.mulf %add3A_1339, %mul3A_1344 : vector<1x256xf32>
    %erf3A_1346 = math.erf %mul3A_1345 : vector<1x256xf32>
    %add3A_1347 = arith.constant 1.000000e+00 : f32
    %add3A_1348 = vector.broadcast %add3A_1347 : f32 to vector<1x256xf32>
    %add3A_1349 = arith.addf %add3A_1348, %erf3A_1346 : vector<1x256xf32>
    %mul3A_1350 = arith.mulf %mul3A_1342, %add3A_1349 : vector<1x256xf32>
    %get3A_1351 = arith.constant 0 : index
    %get3A_1352 = arith.constant 0 : index
    %get3A_1353 = vector.load %arg9[%get3A_1351, %get3A_1352] : memref<256x104xf32, #tpu.memory_space<vmem>>, vector<256x104xf32>
    %dot_general3A_1354 = arith.constant dense<0.000000e+00> : vector<1x104xf32>
    %dot_general3A_1355 = tpu.matmul %mul3A_1350, %get3A_1353, %dot_general3A_1354 {dimension_numbers = #tpu.dot_dimension_numbers<[1], [0], [0], [1], [0, 0, 1, 1], [], []>, transpose_lhs_hint = false} : vector<1x256xf32>, vector<256x104xf32>, vector<1x104xf32> -> vector<1x104xf32>
    %get3A_1356 = arith.constant 0 : index
    %get3A_1357 = arith.constant 0 : index
    %get3A_1358 = vector.load %arg10[%get3A_1356, %get3A_1357] : memref<1x104xf32, #tpu.memory_space<vmem>>, vector<1x104xf32>
    %add3A_1359 = arith.addf %dot_general3A_1355, %get3A_1358 : vector<1x104xf32>
    %swap3A_1360 = arith.constant 12 : index
    %swap3A_1361 = arith.constant 0 : index
    %swap3A_1362 = vector.load %arg11[%swap3A_1360, %swap3A_1361] : memref<16x104xf32, #tpu.memory_space<vmem>>, vector<1x104xf32>
    tpu.vector_store %arg11[%swap3A_1360, %swap3A_1361], %add3A_1359 {strides = array<i32>} : memref<16x104xf32, #tpu.memory_space<vmem>>, vector<1x104xf32>,
    %get3A_1363 = arith.constant 13 : index
    %get3A_1364 = arith.constant 0 : index
    %get3A_1365 = arith.constant 0 : index
    %get3A_1366 = vector.load %arg1[%get3A_1363, %get3A_1364, %get3A_1365] : memref<16x56x256xf32, #tpu.memory_space<vmem>>, vector<1x56x256xf32>
    %get3A_1367 = vector.shape_cast %get3A_1366 : vector<1x56x256xf32> to vector<56x256xf32>
    %get3A_1368 = arith.constant 0 : index
    %get3A_1369 = arith.constant 0 : index
    %get3A_1370 = vector.load %arg2[%get3A_1368, %get3A_1369] : memref<256x64xf32, #tpu.memory_space<vmem>>, vector<256x64xf32>
    %dot_general3A_1371 = arith.constant dense<0.000000e+00> : vector<56x64xf32>
    %dot_general3A_1372 = tpu.matmul %get3A_1367, %get3A_1370, %dot_general3A_1371 {dimension_numbers = #tpu.dot_dimension_numbers<[1], [0], [0], [1], [0, 0, 1, 1], [], []>, transpose_lhs_hint = false} : vector<56x256xf32>, vector<256x64xf32>, vector<56x64xf32> -> vector<56x64xf32>
    %get3A_1373 = arith.constant 0 : index
    %get3A_1374 = arith.constant 0 : index
    %get3A_1375 = vector.load %arg3[%get3A_1373, %get3A_1374] : memref<1x64xf32, #tpu.memory_space<vmem>>, vector<1x64xf32>
    %add3A_1376 = vector.broadcast %get3A_1375 : vector<1x64xf32> to vector<56x64xf32>
    %add3A_1377 = arith.addf %dot_general3A_1372, %add3A_1376 : vector<56x64xf32>
    %tanh3A_1378 = math.tanh %add3A_1377 : vector<56x64xf32>
    %get3A_1379 = arith.constant 0 : index
    %get3A_1380 = arith.constant 0 : index
    %get3A_1381 = vector.load %arg4[%get3A_1379, %get3A_1380] : memref<64x1xf32, #tpu.memory_space<vmem>>, vector<64x1xf32>
    %dot_general3A_1382 = arith.constant dense<0.000000e+00> : vector<56x1xf32>
    %dot_general3A_1383 = tpu.matmul %tanh3A_1378, %get3A_1381, %dot_general3A_1382 {dimension_numbers = #tpu.dot_dimension_numbers<[1], [0], [0], [1], [0, 0, 1, 1], [], []>, transpose_lhs_hint = false} : vector<56x64xf32>, vector<64x1xf32>, vector<56x1xf32> -> vector<56x1xf32>
    %jit3A_1384 = arith.constant -1.000000e+30 : f32
    %broadcast_in_dim3A_1385 = vector.broadcast %jit3A_1384 : f32 to vector<56x1xf32>
    %select_n3A_1386 = arith.select %lt3A_1, %dot_general3A_1383, %broadcast_in_dim3A_1385 : vector<56x1xi1>, vector<56x1xf32>
    %reduce_max3A_1387 = arith.constant dense<0xFF800000> : vector<1xf32>
    %reduce_max3A_1388 = vector.multi_reduction <maximumf>, %select_n3A_1386, %reduce_max3A_1387 [0] : vector<56x1xf32> to vector<1xf32>
    %broadcast_in_dim3A_1389 = vector.shape_cast %reduce_max3A_1388 : vector<1xf32> to vector<1x1xf32>
    %sub3A_1390 = vector.broadcast %broadcast_in_dim3A_1389 : vector<1x1xf32> to vector<56x1xf32>
    %sub3A_1391 = arith.subf %select_n3A_1386, %sub3A_1390 : vector<56x1xf32>
    %exp3A_1392 = math.exp %sub3A_1391 : vector<56x1xf32>
    %jit3A_1393 = arith.constant 0.000000e+00 : f32
    %broadcast_in_dim3A_1394 = vector.broadcast %jit3A_1393 : f32 to vector<56x1xf32>
    %select_n3A_1395 = arith.select %lt3A_1, %exp3A_1392, %broadcast_in_dim3A_1394 : vector<56x1xi1>, vector<56x1xf32>
    %reduce_sum3A_1396 = arith.constant dense<0.000000e+00> : vector<1xf32>
    %reduce_sum3A_1397 = vector.multi_reduction <add>, %select_n3A_1395, %reduce_sum3A_1396 [0] : vector<56x1xf32> to vector<1xf32>
    %broadcast_in_dim3A_1398 = vector.shape_cast %reduce_sum3A_1397 : vector<1xf32> to vector<1x1xf32>
    %div3A_1399 = vector.broadcast %broadcast_in_dim3A_1398 : vector<1x1xf32> to vector<56x1xf32>
    %div3A_1400 = arith.divf %select_n3A_1395, %div3A_1399 : vector<56x1xf32>
    %mul3A_1401 = vector.broadcast %div3A_1400 : vector<56x1xf32> to vector<56x256xf32>
    %mul3A_1402 = arith.mulf %get3A_1367, %mul3A_1401 : vector<56x256xf32>
    %reduce_sum3A_1403 = arith.constant dense<0.000000e+00> : vector<256xf32>
    %reduce_sum3A_1404 = vector.multi_reduction <add>, %mul3A_1402, %reduce_sum3A_1403 [0] : vector<56x256xf32> to vector<256xf32>
    %broadcast_in_dim3A_1405 = vector.shape_cast %reduce_sum3A_1404 : vector<256xf32> to vector<1x256xf32>
    %reduce_sum3A_1406 = arith.constant dense<0.000000e+00> : vector<1xf32>
    %reduce_sum3A_1407 = vector.multi_reduction <add>, %broadcast_in_dim3A_1405, %reduce_sum3A_1406 [1] : vector<1x256xf32> to vector<1xf32>
    %broadcast_in_dim3A_1408 = vector.shape_cast %reduce_sum3A_1407 : vector<1xf32> to vector<1x1xf32>
    %div3A_1409 = arith.constant 2.560000e+02 : f32
    %div3A_1410 = vector.broadcast %div3A_1409 : f32 to vector<1x1xf32>
    %div3A_1411 = arith.divf %broadcast_in_dim3A_1408, %div3A_1410 : vector<1x1xf32>
    %sub3A_1412 = vector.broadcast %div3A_1411 : vector<1x1xf32> to vector<1x256xf32>
    %sub3A_1413 = arith.subf %broadcast_in_dim3A_1405, %sub3A_1412 : vector<1x256xf32>
    %integer_pow3A_1414 = arith.mulf %sub3A_1413, %sub3A_1413 : vector<1x256xf32>
    %reduce_sum3A_1415 = arith.constant dense<0.000000e+00> : vector<1xf32>
    %reduce_sum3A_1416 = vector.multi_reduction <add>, %integer_pow3A_1414, %reduce_sum3A_1415 [1] : vector<1x256xf32> to vector<1xf32>
    %broadcast_in_dim3A_1417 = vector.shape_cast %reduce_sum3A_1416 : vector<1xf32> to vector<1x1xf32>
    %div3A_1418 = arith.constant 2.560000e+02 : f32
    %div3A_1419 = vector.broadcast %div3A_1418 : f32 to vector<1x1xf32>
    %div3A_1420 = arith.divf %broadcast_in_dim3A_1417, %div3A_1419 : vector<1x1xf32>
    %sub3A_1421 = vector.broadcast %div3A_1411 : vector<1x1xf32> to vector<1x256xf32>
    %sub3A_1422 = arith.subf %broadcast_in_dim3A_1405, %sub3A_1421 : vector<1x256xf32>
    %add3A_1423 = arith.constant 9.99999974E-6 : f32
    %add3A_1424 = vector.broadcast %add3A_1423 : f32 to vector<1x1xf32>
    %add3A_1425 = arith.addf %div3A_1420, %add3A_1424 : vector<1x1xf32>
    %rsqrt3A_1426 = math.rsqrt %add3A_1425 : vector<1x1xf32>
    %mul3A_1427 = vector.broadcast %rsqrt3A_1426 : vector<1x1xf32> to vector<1x256xf32>
    %mul3A_1428 = arith.mulf %sub3A_1422, %mul3A_1427 : vector<1x256xf32>
    %get3A_1429 = arith.constant 0 : index
    %get3A_1430 = arith.constant 0 : index
    %get3A_1431 = vector.load %arg5[%get3A_1429, %get3A_1430] : memref<1x256xf32, #tpu.memory_space<vmem>>, vector<1x256xf32>
    %mul3A_1432 = arith.mulf %mul3A_1428, %get3A_1431 : vector<1x256xf32>
    %get3A_1433 = arith.constant 0 : index
    %get3A_1434 = arith.constant 0 : index
    %get3A_1435 = vector.load %arg6[%get3A_1433, %get3A_1434] : memref<1x256xf32, #tpu.memory_space<vmem>>, vector<1x256xf32>
    %add3A_1436 = arith.addf %mul3A_1432, %get3A_1435 : vector<1x256xf32>
    %get3A_1437 = arith.constant 0 : index
    %get3A_1438 = arith.constant 0 : index
    %get3A_1439 = vector.load %arg7[%get3A_1437, %get3A_1438] : memref<256x256xf32, #tpu.memory_space<vmem>>, vector<256x256xf32>
    %dot_general3A_1440 = arith.constant dense<0.000000e+00> : vector<1x256xf32>
    %dot_general3A_1441 = tpu.matmul %add3A_1436, %get3A_1439, %dot_general3A_1440 {dimension_numbers = #tpu.dot_dimension_numbers<[1], [0], [0], [1], [0, 0, 1, 1], [], []>, transpose_lhs_hint = false} : vector<1x256xf32>, vector<256x256xf32>, vector<1x256xf32> -> vector<1x256xf32>
    %get3A_1442 = arith.constant 0 : index
    %get3A_1443 = arith.constant 0 : index
    %get3A_1444 = vector.load %arg8[%get3A_1442, %get3A_1443] : memref<1x256xf32, #tpu.memory_space<vmem>>, vector<1x256xf32>
    %add3A_1445 = arith.addf %dot_general3A_1441, %get3A_1444 : vector<1x256xf32>
    %mul3A_1446 = arith.constant 5.000000e-01 : f32
    %mul3A_1447 = vector.broadcast %mul3A_1446 : f32 to vector<1x256xf32>
    %mul3A_1448 = arith.mulf %mul3A_1447, %add3A_1445 : vector<1x256xf32>
    %mul3A_1449 = arith.constant 0.707106769 : f32
    %mul3A_1450 = vector.broadcast %mul3A_1449 : f32 to vector<1x256xf32>
    %mul3A_1451 = arith.mulf %add3A_1445, %mul3A_1450 : vector<1x256xf32>
    %erf3A_1452 = math.erf %mul3A_1451 : vector<1x256xf32>
    %add3A_1453 = arith.constant 1.000000e+00 : f32
    %add3A_1454 = vector.broadcast %add3A_1453 : f32 to vector<1x256xf32>
    %add3A_1455 = arith.addf %add3A_1454, %erf3A_1452 : vector<1x256xf32>
    %mul3A_1456 = arith.mulf %mul3A_1448, %add3A_1455 : vector<1x256xf32>
    %get3A_1457 = arith.constant 0 : index
    %get3A_1458 = arith.constant 0 : index
    %get3A_1459 = vector.load %arg9[%get3A_1457, %get3A_1458] : memref<256x104xf32, #tpu.memory_space<vmem>>, vector<256x104xf32>
    %dot_general3A_1460 = arith.constant dense<0.000000e+00> : vector<1x104xf32>
    %dot_general3A_1461 = tpu.matmul %mul3A_1456, %get3A_1459, %dot_general3A_1460 {dimension_numbers = #tpu.dot_dimension_numbers<[1], [0], [0], [1], [0, 0, 1, 1], [], []>, transpose_lhs_hint = false} : vector<1x256xf32>, vector<256x104xf32>, vector<1x104xf32> -> vector<1x104xf32>
    %get3A_1462 = arith.constant 0 : index
    %get3A_1463 = arith.constant 0 : index
    %get3A_1464 = vector.load %arg10[%get3A_1462, %get3A_1463] : memref<1x104xf32, #tpu.memory_space<vmem>>, vector<1x104xf32>
    %add3A_1465 = arith.addf %dot_general3A_1461, %get3A_1464 : vector<1x104xf32>
    %swap3A_1466 = arith.constant 13 : index
    %swap3A_1467 = arith.constant 0 : index
    %swap3A_1468 = vector.load %arg11[%swap3A_1466, %swap3A_1467] : memref<16x104xf32, #tpu.memory_space<vmem>>, vector<1x104xf32>
    tpu.vector_store %arg11[%swap3A_1466, %swap3A_1467], %add3A_1465 {strides = array<i32>} : memref<16x104xf32, #tpu.memory_space<vmem>>, vector<1x104xf32>,
    %get3A_1469 = arith.constant 14 : index
    %get3A_1470 = arith.constant 0 : index
    %get3A_1471 = arith.constant 0 : index
    %get3A_1472 = vector.load %arg1[%get3A_1469, %get3A_1470, %get3A_1471] : memref<16x56x256xf32, #tpu.memory_space<vmem>>, vector<1x56x256xf32>
    %get3A_1473 = vector.shape_cast %get3A_1472 : vector<1x56x256xf32> to vector<56x256xf32>
    %get3A_1474 = arith.constant 0 : index
    %get3A_1475 = arith.constant 0 : index
    %get3A_1476 = vector.load %arg2[%get3A_1474, %get3A_1475] : memref<256x64xf32, #tpu.memory_space<vmem>>, vector<256x64xf32>
    %dot_general3A_1477 = arith.constant dense<0.000000e+00> : vector<56x64xf32>
    %dot_general3A_1478 = tpu.matmul %get3A_1473, %get3A_1476, %dot_general3A_1477 {dimension_numbers = #tpu.dot_dimension_numbers<[1], [0], [0], [1], [0, 0, 1, 1], [], []>, transpose_lhs_hint = false} : vector<56x256xf32>, vector<256x64xf32>, vector<56x64xf32> -> vector<56x64xf32>
    %get3A_1479 = arith.constant 0 : index
    %get3A_1480 = arith.constant 0 : index
    %get3A_1481 = vector.load %arg3[%get3A_1479, %get3A_1480] : memref<1x64xf32, #tpu.memory_space<vmem>>, vector<1x64xf32>
    %add3A_1482 = vector.broadcast %get3A_1481 : vector<1x64xf32> to vector<56x64xf32>
    %add3A_1483 = arith.addf %dot_general3A_1478, %add3A_1482 : vector<56x64xf32>
    %tanh3A_1484 = math.tanh %add3A_1483 : vector<56x64xf32>
    %get3A_1485 = arith.constant 0 : index
    %get3A_1486 = arith.constant 0 : index
    %get3A_1487 = vector.load %arg4[%get3A_1485, %get3A_1486] : memref<64x1xf32, #tpu.memory_space<vmem>>, vector<64x1xf32>
    %dot_general3A_1488 = arith.constant dense<0.000000e+00> : vector<56x1xf32>
    %dot_general3A_1489 = tpu.matmul %tanh3A_1484, %get3A_1487, %dot_general3A_1488 {dimension_numbers = #tpu.dot_dimension_numbers<[1], [0], [0], [1], [0, 0, 1, 1], [], []>, transpose_lhs_hint = false} : vector<56x64xf32>, vector<64x1xf32>, vector<56x1xf32> -> vector<56x1xf32>
    %jit3A_1490 = arith.constant -1.000000e+30 : f32
    %broadcast_in_dim3A_1491 = vector.broadcast %jit3A_1490 : f32 to vector<56x1xf32>
    %select_n3A_1492 = arith.select %lt3A_1, %dot_general3A_1489, %broadcast_in_dim3A_1491 : vector<56x1xi1>, vector<56x1xf32>
    %reduce_max3A_1493 = arith.constant dense<0xFF800000> : vector<1xf32>
    %reduce_max3A_1494 = vector.multi_reduction <maximumf>, %select_n3A_1492, %reduce_max3A_1493 [0] : vector<56x1xf32> to vector<1xf32>
    %broadcast_in_dim3A_1495 = vector.shape_cast %reduce_max3A_1494 : vector<1xf32> to vector<1x1xf32>
    %sub3A_1496 = vector.broadcast %broadcast_in_dim3A_1495 : vector<1x1xf32> to vector<56x1xf32>
    %sub3A_1497 = arith.subf %select_n3A_1492, %sub3A_1496 : vector<56x1xf32>
    %exp3A_1498 = math.exp %sub3A_1497 : vector<56x1xf32>
    %jit3A_1499 = arith.constant 0.000000e+00 : f32
    %broadcast_in_dim3A_1500 = vector.broadcast %jit3A_1499 : f32 to vector<56x1xf32>
    %select_n3A_1501 = arith.select %lt3A_1, %exp3A_1498, %broadcast_in_dim3A_1500 : vector<56x1xi1>, vector<56x1xf32>
    %reduce_sum3A_1502 = arith.constant dense<0.000000e+00> : vector<1xf32>
    %reduce_sum3A_1503 = vector.multi_reduction <add>, %select_n3A_1501, %reduce_sum3A_1502 [0] : vector<56x1xf32> to vector<1xf32>
    %broadcast_in_dim3A_1504 = vector.shape_cast %reduce_sum3A_1503 : vector<1xf32> to vector<1x1xf32>
    %div3A_1505 = vector.broadcast %broadcast_in_dim3A_1504 : vector<1x1xf32> to vector<56x1xf32>
    %div3A_1506 = arith.divf %select_n3A_1501, %div3A_1505 : vector<56x1xf32>
    %mul3A_1507 = vector.broadcast %div3A_1506 : vector<56x1xf32> to vector<56x256xf32>
    %mul3A_1508 = arith.mulf %get3A_1473, %mul3A_1507 : vector<56x256xf32>
    %reduce_sum3A_1509 = arith.constant dense<0.000000e+00> : vector<256xf32>
    %reduce_sum3A_1510 = vector.multi_reduction <add>, %mul3A_1508, %reduce_sum3A_1509 [0] : vector<56x256xf32> to vector<256xf32>
    %broadcast_in_dim3A_1511 = vector.shape_cast %reduce_sum3A_1510 : vector<256xf32> to vector<1x256xf32>
    %reduce_sum3A_1512 = arith.constant dense<0.000000e+00> : vector<1xf32>
    %reduce_sum3A_1513 = vector.multi_reduction <add>, %broadcast_in_dim3A_1511, %reduce_sum3A_1512 [1] : vector<1x256xf32> to vector<1xf32>
    %broadcast_in_dim3A_1514 = vector.shape_cast %reduce_sum3A_1513 : vector<1xf32> to vector<1x1xf32>
    %div3A_1515 = arith.constant 2.560000e+02 : f32
    %div3A_1516 = vector.broadcast %div3A_1515 : f32 to vector<1x1xf32>
    %div3A_1517 = arith.divf %broadcast_in_dim3A_1514, %div3A_1516 : vector<1x1xf32>
    %sub3A_1518 = vector.broadcast %div3A_1517 : vector<1x1xf32> to vector<1x256xf32>
    %sub3A_1519 = arith.subf %broadcast_in_dim3A_1511, %sub3A_1518 : vector<1x256xf32>
    %integer_pow3A_1520 = arith.mulf %sub3A_1519, %sub3A_1519 : vector<1x256xf32>
    %reduce_sum3A_1521 = arith.constant dense<0.000000e+00> : vector<1xf32>
    %reduce_sum3A_1522 = vector.multi_reduction <add>, %integer_pow3A_1520, %reduce_sum3A_1521 [1] : vector<1x256xf32> to vector<1xf32>
    %broadcast_in_dim3A_1523 = vector.shape_cast %reduce_sum3A_1522 : vector<1xf32> to vector<1x1xf32>
    %div3A_1524 = arith.constant 2.560000e+02 : f32
    %div3A_1525 = vector.broadcast %div3A_1524 : f32 to vector<1x1xf32>
    %div3A_1526 = arith.divf %broadcast_in_dim3A_1523, %div3A_1525 : vector<1x1xf32>
    %sub3A_1527 = vector.broadcast %div3A_1517 : vector<1x1xf32> to vector<1x256xf32>
    %sub3A_1528 = arith.subf %broadcast_in_dim3A_1511, %sub3A_1527 : vector<1x256xf32>
    %add3A_1529 = arith.constant 9.99999974E-6 : f32
    %add3A_1530 = vector.broadcast %add3A_1529 : f32 to vector<1x1xf32>
    %add3A_1531 = arith.addf %div3A_1526, %add3A_1530 : vector<1x1xf32>
    %rsqrt3A_1532 = math.rsqrt %add3A_1531 : vector<1x1xf32>
    %mul3A_1533 = vector.broadcast %rsqrt3A_1532 : vector<1x1xf32> to vector<1x256xf32>
    %mul3A_1534 = arith.mulf %sub3A_1528, %mul3A_1533 : vector<1x256xf32>
    %get3A_1535 = arith.constant 0 : index
    %get3A_1536 = arith.constant 0 : index
    %get3A_1537 = vector.load %arg5[%get3A_1535, %get3A_1536] : memref<1x256xf32, #tpu.memory_space<vmem>>, vector<1x256xf32>
    %mul3A_1538 = arith.mulf %mul3A_1534, %get3A_1537 : vector<1x256xf32>
    %get3A_1539 = arith.constant 0 : index
    %get3A_1540 = arith.constant 0 : index
    %get3A_1541 = vector.load %arg6[%get3A_1539, %get3A_1540] : memref<1x256xf32, #tpu.memory_space<vmem>>, vector<1x256xf32>
    %add3A_1542 = arith.addf %mul3A_1538, %get3A_1541 : vector<1x256xf32>
    %get3A_1543 = arith.constant 0 : index
    %get3A_1544 = arith.constant 0 : index
    %get3A_1545 = vector.load %arg7[%get3A_1543, %get3A_1544] : memref<256x256xf32, #tpu.memory_space<vmem>>, vector<256x256xf32>
    %dot_general3A_1546 = arith.constant dense<0.000000e+00> : vector<1x256xf32>
    %dot_general3A_1547 = tpu.matmul %add3A_1542, %get3A_1545, %dot_general3A_1546 {dimension_numbers = #tpu.dot_dimension_numbers<[1], [0], [0], [1], [0, 0, 1, 1], [], []>, transpose_lhs_hint = false} : vector<1x256xf32>, vector<256x256xf32>, vector<1x256xf32> -> vector<1x256xf32>
    %get3A_1548 = arith.constant 0 : index
    %get3A_1549 = arith.constant 0 : index
    %get3A_1550 = vector.load %arg8[%get3A_1548, %get3A_1549] : memref<1x256xf32, #tpu.memory_space<vmem>>, vector<1x256xf32>
    %add3A_1551 = arith.addf %dot_general3A_1547, %get3A_1550 : vector<1x256xf32>
    %mul3A_1552 = arith.constant 5.000000e-01 : f32
    %mul3A_1553 = vector.broadcast %mul3A_1552 : f32 to vector<1x256xf32>
    %mul3A_1554 = arith.mulf %mul3A_1553, %add3A_1551 : vector<1x256xf32>
    %mul3A_1555 = arith.constant 0.707106769 : f32
    %mul3A_1556 = vector.broadcast %mul3A_1555 : f32 to vector<1x256xf32>
    %mul3A_1557 = arith.mulf %add3A_1551, %mul3A_1556 : vector<1x256xf32>
    %erf3A_1558 = math.erf %mul3A_1557 : vector<1x256xf32>
    %add3A_1559 = arith.constant 1.000000e+00 : f32
    %add3A_1560 = vector.broadcast %add3A_1559 : f32 to vector<1x256xf32>
    %add3A_1561 = arith.addf %add3A_1560, %erf3A_1558 : vector<1x256xf32>
    %mul3A_1562 = arith.mulf %mul3A_1554, %add3A_1561 : vector<1x256xf32>
    %get3A_1563 = arith.constant 0 : index
    %get3A_1564 = arith.constant 0 : index
    %get3A_1565 = vector.load %arg9[%get3A_1563, %get3A_1564] : memref<256x104xf32, #tpu.memory_space<vmem>>, vector<256x104xf32>
    %dot_general3A_1566 = arith.constant dense<0.000000e+00> : vector<1x104xf32>
    %dot_general3A_1567 = tpu.matmul %mul3A_1562, %get3A_1565, %dot_general3A_1566 {dimension_numbers = #tpu.dot_dimension_numbers<[1], [0], [0], [1], [0, 0, 1, 1], [], []>, transpose_lhs_hint = false} : vector<1x256xf32>, vector<256x104xf32>, vector<1x104xf32> -> vector<1x104xf32>
    %get3A_1568 = arith.constant 0 : index
    %get3A_1569 = arith.constant 0 : index
    %get3A_1570 = vector.load %arg10[%get3A_1568, %get3A_1569] : memref<1x104xf32, #tpu.memory_space<vmem>>, vector<1x104xf32>
    %add3A_1571 = arith.addf %dot_general3A_1567, %get3A_1570 : vector<1x104xf32>
    %swap3A_1572 = arith.constant 14 : index
    %swap3A_1573 = arith.constant 0 : index
    %swap3A_1574 = vector.load %arg11[%swap3A_1572, %swap3A_1573] : memref<16x104xf32, #tpu.memory_space<vmem>>, vector<1x104xf32>
    tpu.vector_store %arg11[%swap3A_1572, %swap3A_1573], %add3A_1571 {strides = array<i32>} : memref<16x104xf32, #tpu.memory_space<vmem>>, vector<1x104xf32>,
    %get3A_1575 = arith.constant 15 : index
    %get3A_1576 = arith.constant 0 : index
    %get3A_1577 = arith.constant 0 : index
    %get3A_1578 = vector.load %arg1[%get3A_1575, %get3A_1576, %get3A_1577] : memref<16x56x256xf32, #tpu.memory_space<vmem>>, vector<1x56x256xf32>
    %get3A_1579 = vector.shape_cast %get3A_1578 : vector<1x56x256xf32> to vector<56x256xf32>
    %get3A_1580 = arith.constant 0 : index
    %get3A_1581 = arith.constant 0 : index
    %get3A_1582 = vector.load %arg2[%get3A_1580, %get3A_1581] : memref<256x64xf32, #tpu.memory_space<vmem>>, vector<256x64xf32>
    %dot_general3A_1583 = arith.constant dense<0.000000e+00> : vector<56x64xf32>
    %dot_general3A_1584 = tpu.matmul %get3A_1579, %get3A_1582, %dot_general3A_1583 {dimension_numbers = #tpu.dot_dimension_numbers<[1], [0], [0], [1], [0, 0, 1, 1], [], []>, transpose_lhs_hint = false} : vector<56x256xf32>, vector<256x64xf32>, vector<56x64xf32> -> vector<56x64xf32>
    %get3A_1585 = arith.constant 0 : index
    %get3A_1586 = arith.constant 0 : index
    %get3A_1587 = vector.load %arg3[%get3A_1585, %get3A_1586] : memref<1x64xf32, #tpu.memory_space<vmem>>, vector<1x64xf32>
    %add3A_1588 = vector.broadcast %get3A_1587 : vector<1x64xf32> to vector<56x64xf32>
    %add3A_1589 = arith.addf %dot_general3A_1584, %add3A_1588 : vector<56x64xf32>
    %tanh3A_1590 = math.tanh %add3A_1589 : vector<56x64xf32>
    %get3A_1591 = arith.constant 0 : index
    %get3A_1592 = arith.constant 0 : index
    %get3A_1593 = vector.load %arg4[%get3A_1591, %get3A_1592] : memref<64x1xf32, #tpu.memory_space<vmem>>, vector<64x1xf32>
    %dot_general3A_1594 = arith.constant dense<0.000000e+00> : vector<56x1xf32>
    %dot_general3A_1595 = tpu.matmul %tanh3A_1590, %get3A_1593, %dot_general3A_1594 {dimension_numbers = #tpu.dot_dimension_numbers<[1], [0], [0], [1], [0, 0, 1, 1], [], []>, transpose_lhs_hint = false} : vector<56x64xf32>, vector<64x1xf32>, vector<56x1xf32> -> vector<56x1xf32>
    %jit3A_1596 = arith.constant -1.000000e+30 : f32
    %broadcast_in_dim3A_1597 = vector.broadcast %jit3A_1596 : f32 to vector<56x1xf32>
    %select_n3A_1598 = arith.select %lt3A_1, %dot_general3A_1595, %broadcast_in_dim3A_1597 : vector<56x1xi1>, vector<56x1xf32>
    %reduce_max3A_1599 = arith.constant dense<0xFF800000> : vector<1xf32>
    %reduce_max3A_1600 = vector.multi_reduction <maximumf>, %select_n3A_1598, %reduce_max3A_1599 [0] : vector<56x1xf32> to vector<1xf32>
    %broadcast_in_dim3A_1601 = vector.shape_cast %reduce_max3A_1600 : vector<1xf32> to vector<1x1xf32>
    %sub3A_1602 = vector.broadcast %broadcast_in_dim3A_1601 : vector<1x1xf32> to vector<56x1xf32>
    %sub3A_1603 = arith.subf %select_n3A_1598, %sub3A_1602 : vector<56x1xf32>
    %exp3A_1604 = math.exp %sub3A_1603 : vector<56x1xf32>
    %jit3A_1605 = arith.constant 0.000000e+00 : f32
    %broadcast_in_dim3A_1606 = vector.broadcast %jit3A_1605 : f32 to vector<56x1xf32>
    %select_n3A_1607 = arith.select %lt3A_1, %exp3A_1604, %broadcast_in_dim3A_1606 : vector<56x1xi1>, vector<56x1xf32>
    %reduce_sum3A_1608 = arith.constant dense<0.000000e+00> : vector<1xf32>
    %reduce_sum3A_1609 = vector.multi_reduction <add>, %select_n3A_1607, %reduce_sum3A_1608 [0] : vector<56x1xf32> to vector<1xf32>
    %broadcast_in_dim3A_1610 = vector.shape_cast %reduce_sum3A_1609 : vector<1xf32> to vector<1x1xf32>
    %div3A_1611 = vector.broadcast %broadcast_in_dim3A_1610 : vector<1x1xf32> to vector<56x1xf32>
    %div3A_1612 = arith.divf %select_n3A_1607, %div3A_1611 : vector<56x1xf32>
    %mul3A_1613 = vector.broadcast %div3A_1612 : vector<56x1xf32> to vector<56x256xf32>
    %mul3A_1614 = arith.mulf %get3A_1579, %mul3A_1613 : vector<56x256xf32>
    %reduce_sum3A_1615 = arith.constant dense<0.000000e+00> : vector<256xf32>
    %reduce_sum3A_1616 = vector.multi_reduction <add>, %mul3A_1614, %reduce_sum3A_1615 [0] : vector<56x256xf32> to vector<256xf32>
    %broadcast_in_dim3A_1617 = vector.shape_cast %reduce_sum3A_1616 : vector<256xf32> to vector<1x256xf32>
    %reduce_sum3A_1618 = arith.constant dense<0.000000e+00> : vector<1xf32>
    %reduce_sum3A_1619 = vector.multi_reduction <add>, %broadcast_in_dim3A_1617, %reduce_sum3A_1618 [1] : vector<1x256xf32> to vector<1xf32>
    %broadcast_in_dim3A_1620 = vector.shape_cast %reduce_sum3A_1619 : vector<1xf32> to vector<1x1xf32>
    %div3A_1621 = arith.constant 2.560000e+02 : f32
    %div3A_1622 = vector.broadcast %div3A_1621 : f32 to vector<1x1xf32>
    %div3A_1623 = arith.divf %broadcast_in_dim3A_1620, %div3A_1622 : vector<1x1xf32>
    %sub3A_1624 = vector.broadcast %div3A_1623 : vector<1x1xf32> to vector<1x256xf32>
    %sub3A_1625 = arith.subf %broadcast_in_dim3A_1617, %sub3A_1624 : vector<1x256xf32>
    %integer_pow3A_1626 = arith.mulf %sub3A_1625, %sub3A_1625 : vector<1x256xf32>
    %reduce_sum3A_1627 = arith.constant dense<0.000000e+00> : vector<1xf32>
    %reduce_sum3A_1628 = vector.multi_reduction <add>, %integer_pow3A_1626, %reduce_sum3A_1627 [1] : vector<1x256xf32> to vector<1xf32>
    %broadcast_in_dim3A_1629 = vector.shape_cast %reduce_sum3A_1628 : vector<1xf32> to vector<1x1xf32>
    %div3A_1630 = arith.constant 2.560000e+02 : f32
    %div3A_1631 = vector.broadcast %div3A_1630 : f32 to vector<1x1xf32>
    %div3A_1632 = arith.divf %broadcast_in_dim3A_1629, %div3A_1631 : vector<1x1xf32>
    %sub3A_1633 = vector.broadcast %div3A_1623 : vector<1x1xf32> to vector<1x256xf32>
    %sub3A_1634 = arith.subf %broadcast_in_dim3A_1617, %sub3A_1633 : vector<1x256xf32>
    %add3A_1635 = arith.constant 9.99999974E-6 : f32
    %add3A_1636 = vector.broadcast %add3A_1635 : f32 to vector<1x1xf32>
    %add3A_1637 = arith.addf %div3A_1632, %add3A_1636 : vector<1x1xf32>
    %rsqrt3A_1638 = math.rsqrt %add3A_1637 : vector<1x1xf32>
    %mul3A_1639 = vector.broadcast %rsqrt3A_1638 : vector<1x1xf32> to vector<1x256xf32>
    %mul3A_1640 = arith.mulf %sub3A_1634, %mul3A_1639 : vector<1x256xf32>
    %get3A_1641 = arith.constant 0 : index
    %get3A_1642 = arith.constant 0 : index
    %get3A_1643 = vector.load %arg5[%get3A_1641, %get3A_1642] : memref<1x256xf32, #tpu.memory_space<vmem>>, vector<1x256xf32>
    %mul3A_1644 = arith.mulf %mul3A_1640, %get3A_1643 : vector<1x256xf32>
    %get3A_1645 = arith.constant 0 : index
    %get3A_1646 = arith.constant 0 : index
    %get3A_1647 = vector.load %arg6[%get3A_1645, %get3A_1646] : memref<1x256xf32, #tpu.memory_space<vmem>>, vector<1x256xf32>
    %add3A_1648 = arith.addf %mul3A_1644, %get3A_1647 : vector<1x256xf32>
    %get3A_1649 = arith.constant 0 : index
    %get3A_1650 = arith.constant 0 : index
    %get3A_1651 = vector.load %arg7[%get3A_1649, %get3A_1650] : memref<256x256xf32, #tpu.memory_space<vmem>>, vector<256x256xf32>
    %dot_general3A_1652 = arith.constant dense<0.000000e+00> : vector<1x256xf32>
    %dot_general3A_1653 = tpu.matmul %add3A_1648, %get3A_1651, %dot_general3A_1652 {dimension_numbers = #tpu.dot_dimension_numbers<[1], [0], [0], [1], [0, 0, 1, 1], [], []>, transpose_lhs_hint = false} : vector<1x256xf32>, vector<256x256xf32>, vector<1x256xf32> -> vector<1x256xf32>
    %get3A_1654 = arith.constant 0 : index
    %get3A_1655 = arith.constant 0 : index
    %get3A_1656 = vector.load %arg8[%get3A_1654, %get3A_1655] : memref<1x256xf32, #tpu.memory_space<vmem>>, vector<1x256xf32>
    %add3A_1657 = arith.addf %dot_general3A_1653, %get3A_1656 : vector<1x256xf32>
    %mul3A_1658 = arith.constant 5.000000e-01 : f32
    %mul3A_1659 = vector.broadcast %mul3A_1658 : f32 to vector<1x256xf32>
    %mul3A_1660 = arith.mulf %mul3A_1659, %add3A_1657 : vector<1x256xf32>
    %mul3A_1661 = arith.constant 0.707106769 : f32
    %mul3A_1662 = vector.broadcast %mul3A_1661 : f32 to vector<1x256xf32>
    %mul3A_1663 = arith.mulf %add3A_1657, %mul3A_1662 : vector<1x256xf32>
    %erf3A_1664 = math.erf %mul3A_1663 : vector<1x256xf32>
    %add3A_1665 = arith.constant 1.000000e+00 : f32
    %add3A_1666 = vector.broadcast %add3A_1665 : f32 to vector<1x256xf32>
    %add3A_1667 = arith.addf %add3A_1666, %erf3A_1664 : vector<1x256xf32>
    %mul3A_1668 = arith.mulf %mul3A_1660, %add3A_1667 : vector<1x256xf32>
    %get3A_1669 = arith.constant 0 : index
    %get3A_1670 = arith.constant 0 : index
    %get3A_1671 = vector.load %arg9[%get3A_1669, %get3A_1670] : memref<256x104xf32, #tpu.memory_space<vmem>>, vector<256x104xf32>
    %dot_general3A_1672 = arith.constant dense<0.000000e+00> : vector<1x104xf32>
    %dot_general3A_1673 = tpu.matmul %mul3A_1668, %get3A_1671, %dot_general3A_1672 {dimension_numbers = #tpu.dot_dimension_numbers<[1], [0], [0], [1], [0, 0, 1, 1], [], []>, transpose_lhs_hint = false} : vector<1x256xf32>, vector<256x104xf32>, vector<1x104xf32> -> vector<1x104xf32>
    %get3A_1674 = arith.constant 0 : index
    %get3A_1675 = arith.constant 0 : index
    %get3A_1676 = vector.load %arg10[%get3A_1674, %get3A_1675] : memref<1x104xf32, #tpu.memory_space<vmem>>, vector<1x104xf32>
    %add3A_1677 = arith.addf %dot_general3A_1673, %get3A_1676 : vector<1x104xf32>
    %swap3A_1678 = arith.constant 15 : index
    %swap3A_1679 = arith.constant 0 : index
    %swap3A_1680 = vector.load %arg11[%swap3A_1678, %swap3A_1679] : memref<16x104xf32, #tpu.memory_space<vmem>>, vector<1x104xf32>
    tpu.vector_store %arg11[%swap3A_1678, %swap3A_1679], %add3A_1677 {strides = array<i32>} : memref<16x104xf32, #tpu.memory_space<vmem>>, vector<1x104xf32>,
    return
  }
  func.func @transform_0(%arg0: i32) -> (i32, i32, i32) {
    %c0_i32 = arith.constant 0 : i32
    %c0_i32_0 = arith.constant 0 : i32
    %c0_i32_1 = arith.constant 0 : i32
    %c0_i32_2 = arith.constant 0 : i32
    return %c0_i32, %c0_i32_0, %c0_i32_1 : i32, i32, i32
  }
  func.func @transform_1(%arg0: i32) -> (i32, i32) {
    %c0_i32 = arith.constant 0 : i32
    %c0_i32_0 = arith.constant 0 : i32
    %c0_i32_1 = arith.constant 0 : i32
    return %c0_i32, %c0_i32_0 : i32, i32
  }
  func.func @transform_2(%arg0: i32) -> (i32, i32) {
    %c0_i32 = arith.constant 0 : i32
    %c0_i32_0 = arith.constant 0 : i32
    %c0_i32_1 = arith.constant 0 : i32
    return %c0_i32, %c0_i32_0 : i32, i32
  }
  func.func @transform_3(%arg0: i32) -> (i32, i32) {
    %c0_i32 = arith.constant 0 : i32
    %c0_i32_0 = arith.constant 0 : i32
    %c0_i32_1 = arith.constant 0 : i32
    return %c0_i32, %c0_i32_0 : i32, i32
  }
  func.func @transform_4(%arg0: i32) -> (i32, i32) {
    %c0_i32 = arith.constant 0 : i32
    %c0_i32_0 = arith.constant 0 : i32
    %c0_i32_1 = arith.constant 0 : i32
    return %c0_i32, %c0_i32_0 : i32, i32
  }
  func.func @transform_5(%arg0: i32) -> (i32, i32) {
    %c0_i32 = arith.constant 0 : i32
    %c0_i32_0 = arith.constant 0 : i32
    %c0_i32_1 = arith.constant 0 : i32
    return %c0_i32, %c0_i32_0 : i32, i32
  }
  func.func @transform_6(%arg0: i32) -> (i32, i32) {
    %c0_i32 = arith.constant 0 : i32
    %c0_i32_0 = arith.constant 0 : i32
    %c0_i32_1 = arith.constant 0 : i32
    return %c0_i32, %c0_i32_0 : i32, i32
  }
  func.func @transform_7(%arg0: i32) -> (i32, i32) {
    %c0_i32 = arith.constant 0 : i32
    %c0_i32_0 = arith.constant 0 : i32
    %c0_i32_1 = arith.constant 0 : i32
    return %c0_i32, %c0_i32_0 : i32, i32
  }
  func.func @transform_8(%arg0: i32) -> (i32, i32) {
    %c0_i32 = arith.constant 0 : i32
    %c0_i32_0 = arith.constant 0 : i32
    %c0_i32_1 = arith.constant 0 : i32
    return %c0_i32, %c0_i32_0 : i32, i32
  }
  func.func @transform_9(%arg0: i32) -> (i32, i32) {
    %c0_i32 = arith.constant 0 : i32
    %c0_i32_0 = arith.constant 0 : i32
    %c0_i32_1 = arith.constant 0 : i32
    return %c0_i32, %c0_i32_0 : i32, i32
  }
  func.func @transform_10(%arg0: i32) -> (i32, i32) {
    %c0_i32 = arith.constant 0 : i32
    %c0_i32_0 = arith.constant 0 : i32
    %c0_i32_1 = arith.constant 0 : i32
    return %c0_i32, %c0_i32_0 : i32, i32
  }
}

</mosaic_0001>

<sc_bundles>
// kernel: gather_offload_async_start.1
scs
__scs_entry_jumppad:
0x0: {  	(pc) =	sbr.rel $0x88, $3  }
0x1: {  	(tag) =	ssettag $0x0;
	lr =	simm.s32 $0x1  }
0x2: {  	[smem:$0x3F7F] =	sst lr;
	_ =	strace $0xD0000000  }
0x3: {  	_ = 	snop  }
0x4: {  	_ = 	snop  }
0x5: {  	_ = 	snop  }
0x6: {  	_ = 	snop  }
0x7: {  	_ = 	snop  }
__scs_overlays_trampoline_lowered:
0x8: {  	[smem:$0x3F8E] =	sst s0  }
0x9: {  	[smem:$0x3F8F] =	sst s1  }
0xa: {  	[smem:$0x3F90] =	sst s2  }
0xb: {  	[smem:$0x3F91] =	sst s3  }
0xc: {  	[smem:$0x3F92] =	sst s4  }
0xd: {  	[smem:$0x3F93] =	sst s5  }
0xe: {  	[smem:$0x3F94] =	sst s6  }
0xf: {  	[smem:$0x3F95] =	sst s7  }
0x10: {  	[smem:$0x3F96] =	sst s8  }
0x11: {  	[smem:$0x3F97] =	sst s9;
	s0 =	simm.s32 @!p0 $0x0  }
0x12: {  	s1 =	sld [smem:$0x3F7D];
	s0 =	simm.s32 @p0 $0x1  }
0x13: {  	[smem:$0x3F98] =	sst s0;
	s0 =	simm.s32 @!p1 $0x0  }
0x14: {  	s2 =	sld [smem:$0x3F7C];
	s0 =	simm.s32 @p1 $0x1  }
0x15: {  	[smem:$0x3F99] =	sst s0;
	s0 =	simm.s32 @!p2 $0x0  }
0x16: {  	s3 =	sld [smem:$0x3FDB];
	s0 =	simm.s32 @p2 $0x1  }
0x17: {  	s4 =	simm.s32 $0x1BF5;
	[smem:$0x3F9B] =	sst s0  }
0x18: {  	s0 =	sld [smem:$0x3F7E];
	_ =	swait.ge [sflag:s4], $0x0  }
0x19: {  	s7 =	sld [smem:$0x3F7F]  }
0x1a: {  	s8 =	sadd.s32 $0xFFFFE003, lr  }
0x1b: {  	s9 =	sadd.s32 $0xFFFFFEF7, lr;
	s5 =	simm.s32 $0xFFFFFFFF;
	p2 =	slt.u32 s8, $0xFFFFF086  }
0x1c: {  	p1 =	slt.u32 s9, $0xF7A;
	s5 =	simm.s32 @!p2 $0x0  }
0x1d: {  	s5 =	simm.s32 @p1 $0x1;
	p0 =	seq.s32 s7, s2  }
0x1e: {  	s7 =	smul.u32 @!p0 $0xF7A, s2;
	p2 =	seq.s32 @!p0 s5, $0x0  }
0x1f: {  	s9 =	smul.u32 $0xF7A, s1;
	s8 =	simm.s32 @!p0 $0x1BF5;
	p2 =	por !p2, p0  }
0x20: {  	[sflag:s8] =	ssyncset.s32 @!p0 $0xFFFFF086;
	s6 =	sadd.s32 @!p0 s3, s7;
	s7 =	simm.s32 @!p0 $0x108  }
0x21: {  	s3 =	sadd.s32 s3, s9;
	s6 =	sadd.s32 @!p0 $0x88, s6;
	s7 =	simm.s32 @p2 $0x1082  }
0x22: {  	[simem:s7], [sflag:s8] =	dma.local @!p0 [hbm:s6], $0xF7A  }
0x23: {  	s9 =	sor.u32 $0xD0000000, s2;
	s6 =	simm.s32 $0x108;
	_ =	swait.ge @!p0 [sflag:s8], $0x0  }
0x24: {  	s3 =	sadd.s32 $0x88, s3;
	s6 =	simm.s32 @!p1 $0x1082;
	[sflag:s4] =	ssyncset.s32 $0xFFFFF086  }
0x25: {  	[simem:s6], [sflag:s4] =	dma.local [hbm:s3], $0xF7A  }
0x26: {  	[smem:$0x3F7F] =	sst s1;
	(tag) =	ssettag s2;
	_ =	strace s9  }
0x27: {  	s1 =	sld [smem:$0x3F8F]  }
0x28: {  	s2 =	sld [smem:$0x3F90]  }
0x29: {  	s4 =	sld [smem:$0x3F92]  }
0x2a: {  	p0 =	seq.s32 s5, $0x0;
	s5 =	sld [smem:$0x3F93]  }
0x2b: {  	s6 =	sld [smem:$0x3F94]  }
0x2c: {  	s7 =	sld [smem:$0x3F95]  }
0x2d: {  	s3 =	simm.s32 $0x108;
	s8 =	sld [smem:$0x3F96]  }
0x2e: {  	s3 =	simm.s32 @!p0 $0x1082;
	s9 =	sld [smem:$0x3F97]  }
0x2f: {  	lr =	sadd.s32 s0, s3;
	s0 =	sld [smem:$0x3F8E]  }
0x30: {  	s3 =	sld [smem:$0x3F91]  }
0x31: {  	[smem:$0x3F9A] =	sst s10  }
0x32: {  	s10 =	sld [smem:$0x3F98];
	_ =	sdelay $0x3  }
0x33: {  	p0 =	seq.s32 s10, $0x1;
	s10 =	sld [smem:$0x3F9A];
	_ =	sdelay $0x3  }
0x34: {  	[smem:$0x3F9A] =	sst s10  }
0x35: {  	s10 =	sld [smem:$0x3F99];
	_ =	sdelay $0x3  }
0x36: {  	p1 =	seq.s32 s10, $0x1;
	s10 =	sld [smem:$0x3F9A];
	_ =	sdelay $0x3  }
0x37: {  	[smem:$0x3F9A] =	sst s10  }
0x38: {  	s10 =	sld [smem:$0x3F9B]  }
0x39: {  	_ = 	snop;
	(pc) =	sbr.ind lr, $3  }
0x3a: {  	_ = 	snop  }
0x3b: {  	_ = 	snop  }
0x3c: {  	p2 =	seq.s32 s10, $0x1;
	s10 =	sld [smem:$0x3F9A]  }
0x3d: {  	_ =	shalt  }
0x3e: {  	_ =	shalt  }
0x3f: {  	_ =	shalt  }
0x40: {  	_ =	shalt  }
0x41: {  	_ =	shalt  }
0x42: {  	_ =	shalt  }
0x43: {  	_ =	shalt  }
0x44: {  	_ =	shalt  }
0x45: {  	_ =	shalt  }
0x46: {  	_ =	shalt  }
0x47: {  	_ =	shalt  }
0x48: {  	_ =	shalt  }
0x49: {  	_ =	shalt  }
0x4a: {  	_ =	shalt  }
0x4b: {  	_ =	shalt  }
0x4c: {  	_ =	shalt  }
0x4d: {  	_ =	shalt  }
0x4e: {  	_ =	shalt  }
0x4f: {  	_ =	shalt  }
0x50: {  	_ =	shalt  }
0x51: {  	_ =	shalt  }
0x52: {  	_ =	shalt  }
0x53: {  	_ =	shalt  }
0x54: {  	_ =	shalt  }
0x55: {  	_ =	shalt  }
0x56: {  	_ =	shalt  }
0x57: {  	_ =	shalt  }
0x58: {  	_ =	shalt  }
0x59: {  	_ =	shalt  }
0x5a: {  	_ =	shalt  }
0x5b: {  	_ =	shalt  }
0x5c: {  	_ =	shalt  }
0x5d: {  	_ =	shalt  }
0x5e: {  	_ =	shalt  }
0x5f: {  	_ =	shalt  }
0x60: {  	_ =	shalt  }
0x61: {  	_ =	shalt  }
0x62: {  	_ =	shalt  }
0x63: {  	_ =	shalt  }
0x64: {  	_ =	shalt  }
0x65: {  	_ =	shalt  }
0x66: {  	_ =	shalt  }
0x67: {  	_ =	shalt  }
0x68: {  	_ =	shalt  }
0x69: {  	_ =	shalt  }
0x6a: {  	_ =	shalt  }
0x6b: {  	_ =	shalt  }
0x6c: {  	_ =	shalt  }
0x6d: {  	_ =	shalt  }
0x6e: {  	_ =	shalt  }
0x6f: {  	_ =	shalt  }
0x70: {  	_ =	shalt  }
0x71: {  	_ =	shalt  }
0x72: {  	_ =	shalt  }
0x73: {  	_ =	shalt  }
0x74: {  	_ =	shalt  }
0x75: {  	_ =	shalt  }
0x76: {  	_ =	shalt  }
0x77: {  	_ =	shalt  }
0x78: {  	_ =	shalt  }
0x79: {  	_ =	shalt  }
0x7a: {  	_ =	shalt  }
0x7b: {  	_ =	shalt  }
0x7c: {  	_ =	shalt  }
0x7d: {  	_ =	shalt  }
0x7e: {  	_ =	shalt  }
0x7f: {  	_ =	shalt  }
0x80: {  	_ =	shalt  }
0x81: {  	_ =	shalt  }
0x82: {  	_ =	shalt  }
0x83: {  	_ =	shalt  }
0x84: {  	_ =	shalt  }
0x85: {  	_ =	shalt  }
0x86: {  	_ =	shalt  }
0x87: {  	_ =	shalt  }
.Lfunc_end0:
.L_simem_size_0:
called_computation.3_lowered:
.L_overlay_start_0:
0x88: {  	s2 =	sld [smem:$0x3FD9]  }
0x89: {  	s3 =	sld [smem:$0x3FFE];
	_ =	sdelay $0x1  }
0x8a: {  	s1 =	srdreg.scid  }
0x8b: {  	s0 =	sand.u32 $0x1, s1  }
0x8c: {  	s16 =	sshll.u32 s0, $0xA;
	s2 =	sadd.s32 s3, s2  }
0x8d: {  	s2 =	sadd.s32 s2, s16  }
0x8e: {  	[smem:$0x3FA6] =	sst s2  }
0x8f: {  	_ = 	snop  }
0x90: {  	(tm) =	ssettm $0x1  }
0x91: {  	s17 =	sld [smem:$0x3FFB];
	_ =	sdelay $0x3  }
0x92: {  	_ =	strace s17  }
0x93: {  	s2 =	sld [smem:$0x3FFC];
	_ =	sdelay $0x3  }
0x94: {  	_ =	strace s2  }
0x95: {  	s2 =	sld [smem:$0x3FFD];
	_ =	sdelay $0x3  }
0x96: {  	_ =	strace s2  }
0x97: {  	_ =	strace $0x8FFFFFFF  }
0x98: {  	s18 =	sld [smem:$0x3FDB];
	_ =	sdelay $0x1  }
0x99: {  	s19 =	simm.s32 $_scs_section_size  }
0x9a: {  	s4 =	simm.s32 $_size__tile_overlayer_lowered;
	s5 =	simm.s32 $_tile_overlayer_lowered  }
0x9b: {  	s22 =	simm.s32 $0x1BFF;
	s21 =	sshll.u32 s5, $0x1;
	s2 =	sadd.s32 s19, s18  }
0x9c: {  	s6 =	simm.s32 $0x0;
	s20 =	sshll.u32 s4, $0x1;
	s4 =	sadd.s32 s21, s2  }
0x9d: {  	[timem:s6], [sflag:s22] =	dma.local [hbm:s4], s20  }
0x9e: {  	_ =	swait.ge [sflag:s22], s20  }
0x9f: {  	s3 =	ssub.s32 $0x0, s20;
	[sflag:s22] =	ssyncset.done $0x0  }
0xa0: {  	[sflag:s22] =	ssyncadd.s32 s3;
	_ =	sdelay $0x1  }
0xa1: {  	s23 =	simm.s32 $0x1B8B  }
0xa2: {  	_ =	swait.ge [sflag:s23], $0x1  }
0xa3: {  	[sflag:s23] =	ssyncset.done $0x0  }
0xa4: {  	s25 =	simm.s32 $0x1B8E;
	s24 =	sld [smem:$0x3FFE];
	[sflag:s23] =	ssyncadd.s32 $0xFFFFFFFF  }
0xa5: {  	s26 =	simm.s32 $execute0_lowered;
	[smem:$0x3FD2] =	sst s25  }
0xa6: {  	s4 =	sshll.u32 s26, $0x1;
	_ =	strace $0x8000004F;
	[dreg:$0x1] =	wrdreg $0xFFFFFFFF  }
0xa7: {  	s28 =	simm.s32 $_size_execute0_lowered;
	s2 =	sadd.s32 s2, s4;
	[dreg:$0x0] =	wrdreg $0x0  }
0xa8: {  	s4 =	sshll.u32 s28, $0x1;
	[dreg:$0x2] =	wrdreg s2  }
0xa9: {  	[dreg:$0x3] =	wrdreg s4  }
0xaa: {  	[dreg:$0x4] =	wrdreg $0xC0  }
0xab: {  	_ =	task [dreg:s6], $0x5FFFF  }
0xac: {  	[dreg:$0x1] =	wrdreg $0xFFFFFFFF  }
0xad: {  	[dreg:$0x0] =	wrdreg $0x60  }
0xae: {  	[dreg:$0x2] =	wrdreg s24  }
0xaf: {  	[dreg:$0x3] =	wrdreg $0x9  }
0xb0: {  	_ =	task.clear_ibuf [dreg:s6], $0x4FFFF;
	_ =	strace $0x9000004F  }
0xb1: {  	s29 =	simm.s32 $0x9;
	_ =	strace $0x80000051  }
0xb2: {  	_ =	swait.ge [sflag:s29], $0x1  }
0xb3: {  	[sflag:s29] =	ssyncadd.s32 $0xFFFFFFFF  }
0xb4: {  	_ =	strace $0x90000051  }
0xb5: {  	_ =	sfence  }
0xb6: {  	s30 =	sld [smem:$0x0];
	_ =	sdelay $0x2  }
0xb7: {  	s31 =	sshll.u32 s1, $0xD;
	s1 =	sshrl.u32 s1, $0x2  }
0xb8: {  	s3 =	sand.u32 $0x4000, s31;
	s1 =	sadd.s32 s1, s30  }
0xb9: {  	s0 =	sor.u32 s3, s0;
	s1 =	sshll.u32 s1, $0x11  }
0xba: {  	s0 =	sor.u32 s1, s0  }
0xbb: {  	s0 =	sadd.s32 $0x8F2B, s0  }
0xbc: {  	[sflag:s0] =	ssyncadd.remote.s32 $0x1  }
0xbd: {  	_ =	sfence.sel $0xFFFF  }
0xbe: {  	[dreg:$0x0] =	wrdreg $0xFFFFFFFF;
	(pc) =	sbr.abs _section_cstart, $3  }
0xbf: {  	[dreg:$0x1] =	wrdreg $0xFFFFFFFF  }
0xc0: {  	_ =	task.clear_ibuf [dreg:s6], $0x2FFFF;
	_ =	strace $0x9FFFFFFF  }
0xc1: {  	(tm) =	ssettm $0x7FFFFFFF  }
tec
execute0_lowered:
.L_overlay_start_1:
0x0: {  	(tag) =	ssettag $0x1  }
0x1: {  	s0 =	srdreg.scid  }
0x2: {  	s1 =	sshll.u32 s0, $0x4  }
0x3: {  	s0 =	stileid.u32;
	s1 =	sand.u32 $0x10, s1  }
0x4: {  	s1 =	sor.u32 s0, s1  }
0x5: {  	s2 =	smul.u32 $0x7, s1  }
0x6: {  	s3 =	smin.u32 s1, $0x1A  }
0x7: {  	s2 =	sadd.s32 s3, s2  }
0x8: {  	p0 =	slt.u32 s1, $0x1A;
	s1 =	simm.s32 $0xB00;
	s2 =	smul.u32 $0x160, s2  }
0x9: {  	s1 =	simm.s32 @!p0 $0x9A0  }
0xa: {  	s1 =	sadd.s32 s1, s2  }
0xb: {  	s3 =	smin.u32 s1, $0x157C0  }
0xc: {  	s7 =	ssub.s32 s3, s2  }
0xd: {  	p0 =	sgt.s32 s7, $0x0  }
0xe: {  	s7 =	simm.s32 @!p0 $0x0  }
0xf: {  	s31 =	smulhi.u32 $0x2E8BA2E9, s7  }
0x10: {  	s9 =	rddreg [dreg:$0x0];
	s6 =	simm.s32 $0x1;
	s11 =	simm.s32 $0x3  }
0x11: {  	s13 =	simm.s32 $0x0;
	s12 =	simm.s32 $0x0;
	s8 =	sshrl.u32 s31, $0x6  }
0x12: {  	s4 =	sadd.s32 $0x20D000, s9;
	s5 =	sadd.s32 $0x3800, s9;
	s10 =	smul.u32 $0x160, s8  }
.Ltmp0:
0x13: {  	s9 =	sadd.s32 $0x413800, s9;
	s1 =	rddreg [dreg:$0x1];
	(pc) =	sbr.rel .LBB2_1-.Ltmp0, $4  }
0x14: {  	_ =	strace $0x80000050;
	p0 =	sne.s32 s7, s10;
	s10 =	simm.s32 $0x1  }
0x15: {  	[sflag:s6] =	ssyncpa.u1 $0x0;
	s7 =	simm.s32 $0x2;
	s10 =	simm.s32 @!p0 $0x0  }
0x16: {  	[sflag:s7] =	ssyncpa.u1 $0x0;
	p0 =	por $0x0, $0x0;
	s8 =	sadd.s32 s10, s8  }
0x17: {  	vm0 =	vmmov $0xff;
	vm1 =	vcmask $0x3F20;
	[sflag:s11] =	ssyncpa.u1 $0x0;
	s11 =	smov.u32 s2;
	s10 =	sadd.s32 $0x1, s8  }
.LBB2_6:
0x18: {  	[hbm:s17] =	stream.linear.scatter [tilespmem:s14], [sflag:$0x3], $0x400, $0x38;
	[tilespmem:$0x162C0] =	vst v63  }
.LBB2_7:
0x19: {  	s13 =	sadd.s32 $0x160, s11  }
0x1a: {  	s15 =	smov.u32 s2;
	p2 =	slt.s32 s13, s3  }
0x1b: {  	s15 =	smov.u32 @p2 s13;
	p2 =	sne.s32 s12, s10  }
.Ltmp1:
0x1c: {  	p1 =	slt.u32 s12, $0x2;
	(pc) =	sbr.rel @!p2 .LBB2_8-.Ltmp1, $4  }
0x1d: {  	s14 =	simm.s32 @!p1 $0x3  }
0x1e: {  	s16 =	sadd.s32 $0x1, s12;
	_ =	swait.ge @!p1 [sflag:s14], $0xB000  }
0x1f: {  	p0 =	por !p0, !p0;
	s13 =	smov.u32 s11;
	[sflag:s14] =	ssyncset.done @!p1 $0x0  }
0x20: {  	s12 =	smov.u32 s16;
	s11 =	smov.u32 s15;
	[sflag:s14] =	ssyncadd.s32 @!p1 $0xFFFF5000  }
.LBB2_1:
0x21: {  	p1 =	sge.u32 s12, s8  }
0x22: {  	s14 =	sxor.u32 @!p1 $0xFFFFFFFF, s12  }
0x23: {  	s14 =	sand.u32 @!p1 $0x1, s14  }
0x24: {  	s14 =	smul.u32 @!p1 $0x580, s14  }
0x25: {  	s31 =	sadd.s32 $0xFFFFFFFF, s12;
	s15 =	sshrl.u32 @!p1 s11, $0x3  }
0x26: {  	s16 =	sand.u32 @!p1 $0x7, s11;
	s15 =	sadd.s32 @!p1 s5, s15;
	s14 =	sshrl.u32 @!p1 s14, $0x2  }
0x27: {  	[tilespmem:s14], [sflag:$0x2] =	stream.linear.gather @!p1 [hbm4b:s15+s16], $0x160, $0x38;
	[tilespmem:$0x162C0] =	vst v63  }
0x28: {  	p1 =	sge.u32 s31, s8  }
.Ltmp2:
0x29: {  	_ = 	snop;
	(pc) =	sbr.rel @p1 .LBB2_7-.Ltmp2, $1  }
0x2a: {  	_ =	sdelay $0x3  }
0x2b: {  	s14 =	simm.s32 $0x1  }
0x2c: {  	s14 =	simm.s32 @!p0 $0x0  }
0x2d: {  	s15 =	smul.u32 $0x580, s14  }
0x2e: {  	_ =	swait.ge [sflag:s7], $0x160  }
0x2f: {  	[sflag:s7] =	ssyncset.done $0x0;
	s16 =	sshrl.u32 s15, $0x2  }
0x30: {  	[sflag:s7] =	ssyncadd.s32 $0xFFFFFEA0;
	s15 =	sadd.s32 $0x0, s16  }
0x31: {  	v0 =	vld.msk [tilespmem:s15+$0x0 ss:$0x1], $0xffff;
	_ =	sdelay $0x4  }
0x32: {  	vm2 =	vgt.s32 v0, $0x0  }
0x33: {  	v0 =	vnsel vm2, $0x0, v0  }
0x34: {  	v0 =	vmin.u32 v0, $0xABFF  }
0x35: {  	v0 =	vshll.u32 v0, $0x4  }
0x36: {  	s14 =	smul.u32 $0x2C000, s14;
	_ =	sdelay $0x1  }
0x37: {  	s14 =	sshrl.u32 s14, $0x2  }
0x38: {  	s14 =	sor.u32 $0x2C0, s14  }
0x39: {  	[tilespmem:s14], [sflag:$0x1] =	stream.indirect_vreg.gather [hbm:s4], $0x80, v0, vm0, $0x38;
	[tilespmem:$0x162C0] =	vst v63  }
0x3a: {  	s17 =	sadd.s32 $0x10, s16;
	s15 =	sadd.s32 $0x400, s14  }
0x3b: {  	[tilespmem:s15], [sflag:$0x1] =	stream.indirect_vreg.gather [hbm:s4], $0x80, v0, vm1, $0x38;
	[tilespmem:$0x162C0] =	vst v63  }
0x3c: {  	s18 =	simm.s32 $0x80;
	v0 =	vld.msk [tilespmem:s17+$0x0 ss:$0x1], $0xffff;
	s17 =	smov.u32 s14  }
.LBB2_3:
0x3d: {  	p1 =	sne.s32 s18, $0x540;
	_ =	sdelay $0x4  }
0x3e: {  	vm2 =	vgt.s32 v0, $0x0  }
0x3f: {  	v0 =	vnsel vm2, $0x0, v0  }
0x40: {  	v0 =	vmin.u32 v0, $0xABFF  }
0x41: {  	v0 =	vshll.u32 v0, $0x4;
	_ =	sdelay $0x3  }
.Ltmp3:
0x42: {  	s19 =	sshra.s32 s18, $0x2;
	s17 =	sadd.s32 $0x800, s17;
	(pc) =	sbr.rel @p1 .LBB2_3-.Ltmp3, $4  }
0x43: {  	[tilespmem:s17], [sflag:$0x1] =	stream.indirect_vreg.gather [hbm:s4], $0x80, v0, vm0, $0x38;
	[tilespmem:$0x162C0] =	vst v63  }
0x44: {  	s19 =	sadd.s32 s19, s16;
	s20 =	sadd.s32 $0x400, s17  }
0x45: {  	[tilespmem:s20], [sflag:$0x1] =	stream.indirect_vreg.gather [hbm:s4], $0x80, v0, vm1, $0x38;
	[tilespmem:$0x162C0] =	vst v63  }
0x46: {  	s18 =	sadd.s32 $0x40, s18;
	v0 =	vld.msk [tilespmem:s19+$0x0 ss:$0x1], $0xffff  }
0x47: {  	_ =	sdelay $0x3  }
0x48: {  	vm2 =	vgt.s32 v0, $0x0  }
0x49: {  	v0 =	vnsel vm2, $0x0, v0  }
0x4a: {  	v0 =	vmin.u32 v0, $0xABFF  }
0x4b: {  	v0 =	vshll.u32 v0, $0x4;
	_ =	sdelay $0x3  }
0x4c: {  	s16 =	sadd.s32 $0x800, s17  }
0x4d: {  	[tilespmem:s16], [sflag:$0x1] =	stream.indirect_vreg.gather [hbm:s4], $0x80, v0, vm0, $0x38;
	[tilespmem:$0x162C0] =	vst v63  }
0x4e: {  	s16 =	sadd.s32 $0x400, s16  }
0x4f: {  	[tilespmem:s16], [sflag:$0x1] =	stream.indirect_vreg.gather [hbm:s4], $0x80, v0, vm1, $0x38;
	[tilespmem:$0x162C0] =	vst v63  }
0x50: {  	s13 =	sshll.u32 s13, $0x4;
	_ =	swait.ge [sflag:s6], $0xB000  }
0x51: {  	s13 =	sadd.s32 s13, s9;
	[sflag:s6] =	ssyncset.done $0x0  }
0x52: {  	s17 =	sadd.s32 $0x0, s13;
	s16 =	simm.s32 $0x80;
	[sflag:s6] =	ssyncadd.s32 $0xFFFF5000  }
.LBB2_5:
0x53: {  	[hbm:s17] =	stream.linear.scatter [tilespmem:s14], [sflag:$0x3], $0x400, $0x38;
	[tilespmem:$0x162C0] =	vst v63  }
0x54: {  	s17 =	smov.u32 s16;
	s14 =	smov.u32 s15;
	p1 =	sne.s32 s16, $0x1580  }
.Ltmp4:
0x55: {  	s16 =	sadd.s32 $0x80, s16;
	(pc) =	sbr.rel @p1 .LBB2_5-.Ltmp4, $2  }
0x56: {  	_ =	sdelay $0x2  }
0x57: {  	s15 =	sadd.s32 $0x400, s15;
	s17 =	sadd.s32 s17, s13  }
.Ltmp5:
0x58: {  	_ = 	snop;
	(pc) =	sbr.rel .LBB2_6-.Ltmp5, $1  }
0x59: {  	_ =	sdelay $0x3  }
.LBB2_8:
0x5a: {  	_ =	sfence.sel $0x180000  }
0x5b: {  	s2 =	simm.s32 $0x2;
	[bflag:$0x0] =	sbarrier.arrive $0xFFFF  }
0x5c: {  	s30 =	simm.s32 $0x3;
	[sflag:s2] =	ssyncpa.u1 $0x1  }
0x5d: {  	s31 =	simm.s32 $0x1;
	[sflag:s30] =	ssyncpa.u1 $0x1  }
0x5e: {  	[sflag:s31] =	ssyncpa.u1 $0x1  }
0x5f: {  	p0 =	sne.s32 s0, $0x0;
	_ =	strace $0x90000050  }
0x60: {  	s0 =	sadd.s32 @!p0 $0x100000, s1;
	[bflag:$0x2] =	sbarrier.arrive $0xFFFF  }
0x61: {  	[sflag:s0] =	ssyncadd.tile.s32 @!p0 $0x1;
	_ =	shalt  }
.Lfunc_end2:
_tile_overlayer_lowered:
.L_overlay_start_2:
0x62: {  	(tag) =	ssettag $0x2  }
0x63: {  	s0 =	rddreg [dreg:$0x0];
	s2 =	stileid.u32  }
0x64: {  	s1 =	rddreg [dreg:$0x1];
	p0 =	sne.s32 s2, $0x0  }
0x65: {  	s3 =	rddreg [dreg:$0x2];
	[bflag:$0x3] =	sbarrier.arrive $0xFFFF;
	s2 =	simm.s32 @!p0 $0x1C01  }
0x66: {  	[timem:s3], [sflag:s2] =	dma.local @!p0 [hbm:s0], s1  }
0x67: {  	s0 =	simm.s32 @!p0 $0x1  }
0x68: {  	_ =	swait.ge @!p0 [sflag:s0], s1  }
0x69: {  	s1 =	ssub.s32 @!p0 $0x0, s1;
	[sflag:s0] =	ssyncset.done @!p0 $0x0  }
0x6a: {  	[sflag:s0] =	ssyncadd.s32 @!p0 s1  }
0x6b: {  	[bflag:$0x3] =	sbarrier.arrive $0xFFFF  }
0x6c: {  	_ =	shalt  }

// kernel: gather_offload_async_start
scs
__scs_entry_jumppad:
0x0: {  	(pc) =	sbr.rel $0x88, $3  }
0x1: {  	(tag) =	ssettag $0x0;
	lr =	simm.s32 $0x1  }
0x2: {  	[smem:$0x3F7F] =	sst lr;
	_ =	strace $0xD0000000  }
0x3: {  	_ = 	snop  }
0x4: {  	_ = 	snop  }
0x5: {  	_ = 	snop  }
0x6: {  	_ = 	snop  }
0x7: {  	_ = 	snop  }
__scs_overlays_trampoline_lowered:
0x8: {  	[smem:$0x3F8E] =	sst s0  }
0x9: {  	[smem:$0x3F8F] =	sst s1  }
0xa: {  	[smem:$0x3F90] =	sst s2  }
0xb: {  	[smem:$0x3F91] =	sst s3  }
0xc: {  	[smem:$0x3F92] =	sst s4  }
0xd: {  	[smem:$0x3F93] =	sst s5  }
0xe: {  	[smem:$0x3F94] =	sst s6  }
0xf: {  	[smem:$0x3F95] =	sst s7  }
0x10: {  	[smem:$0x3F96] =	sst s8  }
0x11: {  	[smem:$0x3F97] =	sst s9;
	s0 =	simm.s32 @!p0 $0x0  }
0x12: {  	s1 =	sld [smem:$0x3F7D];
	s0 =	simm.s32 @p0 $0x1  }
0x13: {  	[smem:$0x3F98] =	sst s0;
	s0 =	simm.s32 @!p1 $0x0  }
0x14: {  	s2 =	sld [smem:$0x3F7C];
	s0 =	simm.s32 @p1 $0x1  }
0x15: {  	[smem:$0x3F99] =	sst s0;
	s0 =	simm.s32 @!p2 $0x0  }
0x16: {  	s3 =	sld [smem:$0x3FDB];
	s0 =	simm.s32 @p2 $0x1  }
0x17: {  	s4 =	simm.s32 $0x1BF5;
	[smem:$0x3F9B] =	sst s0  }
0x18: {  	s0 =	sld [smem:$0x3F7E];
	_ =	swait.ge [sflag:s4], $0x0  }
0x19: {  	s7 =	sld [smem:$0x3F7F]  }
0x1a: {  	s8 =	sadd.s32 $0xFFFFE003, lr  }
0x1b: {  	s9 =	sadd.s32 $0xFFFFFEF7, lr;
	s5 =	simm.s32 $0xFFFFFFFF;
	p2 =	slt.u32 s8, $0xFFFFF086  }
0x1c: {  	p1 =	slt.u32 s9, $0xF7A;
	s5 =	simm.s32 @!p2 $0x0  }
0x1d: {  	s5 =	simm.s32 @p1 $0x1;
	p0 =	seq.s32 s7, s2  }
0x1e: {  	s7 =	smul.u32 @!p0 $0xF7A, s2;
	p2 =	seq.s32 @!p0 s5, $0x0  }
0x1f: {  	s9 =	smul.u32 $0xF7A, s1;
	s8 =	simm.s32 @!p0 $0x1BF5;
	p2 =	por !p2, p0  }
0x20: {  	[sflag:s8] =	ssyncset.s32 @!p0 $0xFFFFF086;
	s6 =	sadd.s32 @!p0 s3, s7;
	s7 =	simm.s32 @!p0 $0x108  }
0x21: {  	s3 =	sadd.s32 s3, s9;
	s6 =	sadd.s32 @!p0 $0x88, s6;
	s7 =	simm.s32 @p2 $0x1082  }
0x22: {  	[simem:s7], [sflag:s8] =	dma.local @!p0 [hbm:s6], $0xF7A  }
0x23: {  	s9 =	sor.u32 $0xD0000000, s2;
	s6 =	simm.s32 $0x108;
	_ =	swait.ge @!p0 [sflag:s8], $0x0  }
0x24: {  	s3 =	sadd.s32 $0x88, s3;
	s6 =	simm.s32 @!p1 $0x1082;
	[sflag:s4] =	ssyncset.s32 $0xFFFFF086  }
0x25: {  	[simem:s6], [sflag:s4] =	dma.local [hbm:s3], $0xF7A  }
0x26: {  	[smem:$0x3F7F] =	sst s1;
	(tag) =	ssettag s2;
	_ =	strace s9  }
0x27: {  	s1 =	sld [smem:$0x3F8F]  }
0x28: {  	s2 =	sld [smem:$0x3F90]  }
0x29: {  	s4 =	sld [smem:$0x3F92]  }
0x2a: {  	p0 =	seq.s32 s5, $0x0;
	s5 =	sld [smem:$0x3F93]  }
0x2b: {  	s6 =	sld [smem:$0x3F94]  }
0x2c: {  	s7 =	sld [smem:$0x3F95]  }
0x2d: {  	s3 =	simm.s32 $0x108;
	s8 =	sld [smem:$0x3F96]  }
0x2e: {  	s3 =	simm.s32 @!p0 $0x1082;
	s9 =	sld [smem:$0x3F97]  }
0x2f: {  	lr =	sadd.s32 s0, s3;
	s0 =	sld [smem:$0x3F8E]  }
0x30: {  	s3 =	sld [smem:$0x3F91]  }
0x31: {  	[smem:$0x3F9A] =	sst s10  }
0x32: {  	s10 =	sld [smem:$0x3F98];
	_ =	sdelay $0x3  }
0x33: {  	p0 =	seq.s32 s10, $0x1;
	s10 =	sld [smem:$0x3F9A];
	_ =	sdelay $0x3  }
0x34: {  	[smem:$0x3F9A] =	sst s10  }
0x35: {  	s10 =	sld [smem:$0x3F99];
	_ =	sdelay $0x3  }
0x36: {  	p1 =	seq.s32 s10, $0x1;
	s10 =	sld [smem:$0x3F9A];
	_ =	sdelay $0x3  }
0x37: {  	[smem:$0x3F9A] =	sst s10  }
0x38: {  	s10 =	sld [smem:$0x3F9B]  }
0x39: {  	_ = 	snop;
	(pc) =	sbr.ind lr, $3  }
0x3a: {  	_ = 	snop  }
0x3b: {  	_ = 	snop  }
0x3c: {  	p2 =	seq.s32 s10, $0x1;
	s10 =	sld [smem:$0x3F9A]  }
0x3d: {  	_ =	shalt  }
0x3e: {  	_ =	shalt  }
0x3f: {  	_ =	shalt  }
0x40: {  	_ =	shalt  }
0x41: {  	_ =	shalt  }
0x42: {  	_ =	shalt  }
0x43: {  	_ =	shalt  }
0x44: {  	_ =	shalt  }
0x45: {  	_ =	shalt  }
0x46: {  	_ =	shalt  }
0x47: {  	_ =	shalt  }
0x48: {  	_ =	shalt  }
0x49: {  	_ =	shalt  }
0x4a: {  	_ =	shalt  }
0x4b: {  	_ =	shalt  }
0x4c: {  	_ =	shalt  }
0x4d: {  	_ =	shalt  }
0x4e: {  	_ =	shalt  }
0x4f: {  	_ =	shalt  }
0x50: {  	_ =	shalt  }
0x51: {  	_ =	shalt  }
0x52: {  	_ =	shalt  }
0x53: {  	_ =	shalt  }
0x54: {  	_ =	shalt  }
0x55: {  	_ =	shalt  }
0x56: {  	_ =	shalt  }
0x57: {  	_ =	shalt  }
0x58: {  	_ =	shalt  }
0x59: {  	_ =	shalt  }
0x5a: {  	_ =	shalt  }
0x5b: {  	_ =	shalt  }
0x5c: {  	_ =	shalt  }
0x5d: {  	_ =	shalt  }
0x5e: {  	_ =	shalt  }
0x5f: {  	_ =	shalt  }
0x60: {  	_ =	shalt  }
0x61: {  	_ =	shalt  }
0x62: {  	_ =	shalt  }
0x63: {  	_ =	shalt  }
0x64: {  	_ =	shalt  }
0x65: {  	_ =	shalt  }
0x66: {  	_ =	shalt  }
0x67: {  	_ =	shalt  }
0x68: {  	_ =	shalt  }
0x69: {  	_ =	shalt  }
0x6a: {  	_ =	shalt  }
0x6b: {  	_ =	shalt  }
0x6c: {  	_ =	shalt  }
0x6d: {  	_ =	shalt  }
0x6e: {  	_ =	shalt  }
0x6f: {  	_ =	shalt  }
0x70: {  	_ =	shalt  }
0x71: {  	_ =	shalt  }
0x72: {  	_ =	shalt  }
0x73: {  	_ =	shalt  }
0x74: {  	_ =	shalt  }
0x75: {  	_ =	shalt  }
0x76: {  	_ =	shalt  }
0x77: {  	_ =	shalt  }
0x78: {  	_ =	shalt  }
0x79: {  	_ =	shalt  }
0x7a: {  	_ =	shalt  }
0x7b: {  	_ =	shalt  }
0x7c: {  	_ =	shalt  }
0x7d: {  	_ =	shalt  }
0x7e: {  	_ =	shalt  }
0x7f: {  	_ =	shalt  }
0x80: {  	_ =	shalt  }
0x81: {  	_ =	shalt  }
0x82: {  	_ =	shalt  }
0x83: {  	_ =	shalt  }
0x84: {  	_ =	shalt  }
0x85: {  	_ =	shalt  }
0x86: {  	_ =	shalt  }
0x87: {  	_ =	shalt  }
.Lfunc_end0:
.L_simem_size_0:
called_computation.2_lowered:
.L_overlay_start_0:
0x88: {  	s2 =	sld [smem:$0x3FD9]  }
0x89: {  	s3 =	sld [smem:$0x3FFE];
	_ =	sdelay $0x1  }
0x8a: {  	s1 =	srdreg.scid  }
0x8b: {  	s0 =	sand.u32 $0x1, s1  }
0x8c: {  	s16 =	sshll.u32 s0, $0xA;
	s2 =	sadd.s32 s3, s2  }
0x8d: {  	s2 =	sadd.s32 s2, s16  }
0x8e: {  	[smem:$0x3FA6] =	sst s2  }
0x8f: {  	_ = 	snop  }
0x90: {  	(tm) =	ssettm $0x1  }
0x91: {  	s17 =	sld [smem:$0x3FFB];
	_ =	sdelay $0x3  }
0x92: {  	_ =	strace s17  }
0x93: {  	s2 =	sld [smem:$0x3FFC];
	_ =	sdelay $0x3  }
0x94: {  	_ =	strace s2  }
0x95: {  	s2 =	sld [smem:$0x3FFD];
	_ =	sdelay $0x3  }
0x96: {  	_ =	strace s2  }
0x97: {  	_ =	strace $0x8FFFFFFF  }
0x98: {  	s18 =	sld [smem:$0x3FDB];
	_ =	sdelay $0x1  }
0x99: {  	s19 =	simm.s32 $_scs_section_size  }
0x9a: {  	s4 =	simm.s32 $_size__tile_overlayer_lowered;
	s5 =	simm.s32 $_tile_overlayer_lowered  }
0x9b: {  	s22 =	simm.s32 $0x1BFF;
	s21 =	sshll.u32 s5, $0x1;
	s2 =	sadd.s32 s19, s18  }
0x9c: {  	s6 =	simm.s32 $0x0;
	s20 =	sshll.u32 s4, $0x1;
	s4 =	sadd.s32 s21, s2  }
0x9d: {  	[timem:s6], [sflag:s22] =	dma.local [hbm:s4], s20  }
0x9e: {  	_ =	swait.ge [sflag:s22], s20  }
0x9f: {  	s3 =	ssub.s32 $0x0, s20;
	[sflag:s22] =	ssyncset.done $0x0  }
0xa0: {  	[sflag:s22] =	ssyncadd.s32 s3;
	_ =	sdelay $0x1  }
0xa1: {  	s23 =	simm.s32 $0x1B8B  }
0xa2: {  	_ =	swait.ge [sflag:s23], $0x1  }
0xa3: {  	[sflag:s23] =	ssyncset.done $0x0  }
0xa4: {  	s25 =	simm.s32 $0x1B8E;
	s24 =	sld [smem:$0x3FFE];
	[sflag:s23] =	ssyncadd.s32 $0xFFFFFFFF  }
0xa5: {  	s26 =	simm.s32 $execute0_lowered;
	[smem:$0x3FD2] =	sst s25  }
0xa6: {  	s4 =	sshll.u32 s26, $0x1;
	_ =	strace $0x80000046;
	[dreg:$0x1] =	wrdreg $0xFFFFFFFF  }
0xa7: {  	s28 =	simm.s32 $_size_execute0_lowered;
	s2 =	sadd.s32 s2, s4;
	[dreg:$0x0] =	wrdreg $0x0  }
0xa8: {  	s4 =	sshll.u32 s28, $0x1;
	[dreg:$0x2] =	wrdreg s2  }
0xa9: {  	[dreg:$0x3] =	wrdreg s4  }
0xaa: {  	[dreg:$0x4] =	wrdreg $0xC0  }
0xab: {  	_ =	task [dreg:s6], $0x5FFFF  }
0xac: {  	[dreg:$0x1] =	wrdreg $0xFFFFFFFF  }
0xad: {  	[dreg:$0x0] =	wrdreg $0x60  }
0xae: {  	[dreg:$0x2] =	wrdreg s24  }
0xaf: {  	[dreg:$0x3] =	wrdreg $0x9  }
0xb0: {  	_ =	task.clear_ibuf [dreg:s6], $0x4FFFF;
	_ =	strace $0x90000046  }
0xb1: {  	s29 =	simm.s32 $0x9;
	_ =	strace $0x80000048  }
0xb2: {  	_ =	swait.ge [sflag:s29], $0x1  }
0xb3: {  	[sflag:s29] =	ssyncadd.s32 $0xFFFFFFFF  }
0xb4: {  	_ =	strace $0x90000048  }
0xb5: {  	_ =	sfence  }
0xb6: {  	s30 =	sld [smem:$0x0];
	_ =	sdelay $0x2  }
0xb7: {  	s31 =	sshll.u32 s1, $0xD;
	s1 =	sshrl.u32 s1, $0x2  }
0xb8: {  	s3 =	sand.u32 $0x4000, s31;
	s1 =	sadd.s32 s1, s30  }
0xb9: {  	s0 =	sor.u32 s3, s0;
	s1 =	sshll.u32 s1, $0x11  }
0xba: {  	s0 =	sor.u32 s1, s0  }
0xbb: {  	s0 =	sadd.s32 $0x8F2B, s0  }
0xbc: {  	[sflag:s0] =	ssyncadd.remote.s32 $0x1  }
0xbd: {  	_ =	sfence.sel $0xFFFF  }
0xbe: {  	[dreg:$0x0] =	wrdreg $0xFFFFFFFF;
	(pc) =	sbr.abs _section_cstart, $3  }
0xbf: {  	[dreg:$0x1] =	wrdreg $0xFFFFFFFF  }
0xc0: {  	_ =	task.clear_ibuf [dreg:s6], $0x2FFFF;
	_ =	strace $0x9FFFFFFF  }
0xc1: {  	(tm) =	ssettm $0x7FFFFFFF  }
tec
execute0_lowered:
.L_overlay_start_1:
0x0: {  	(tag) =	ssettag $0x1  }
0x1: {  	s0 =	srdreg.scid  }
0x2: {  	s1 =	sshll.u32 s0, $0x4  }
0x3: {  	s0 =	stileid.u32;
	s1 =	sand.u32 $0x10, s1  }
0x4: {  	s1 =	sor.u32 s0, s1  }
0x5: {  	s2 =	smul.u32 $0x7, s1  }
0x6: {  	s3 =	smin.u32 s1, $0x1A  }
0x7: {  	s2 =	sadd.s32 s3, s2  }
0x8: {  	p0 =	slt.u32 s1, $0x1A;
	s1 =	simm.s32 $0xB00;
	s2 =	smul.u32 $0x160, s2  }
0x9: {  	s1 =	simm.s32 @!p0 $0x9A0  }
0xa: {  	s1 =	sadd.s32 s1, s2  }
0xb: {  	s3 =	smin.u32 s1, $0x157C0  }
0xc: {  	s7 =	ssub.s32 s3, s2  }
0xd: {  	p0 =	sgt.s32 s7, $0x0  }
0xe: {  	s7 =	simm.s32 @!p0 $0x0  }
0xf: {  	s31 =	smulhi.u32 $0x2E8BA2E9, s7  }
0x10: {  	s9 =	rddreg [dreg:$0x0];
	s6 =	simm.s32 $0x1;
	s11 =	simm.s32 $0x3  }
0x11: {  	s13 =	simm.s32 $0x0;
	s12 =	simm.s32 $0x0;
	s8 =	sshrl.u32 s31, $0x6  }
0x12: {  	s4 =	sadd.s32 $0xB2400, s9;
	s5 =	sadd.s32 $0x3800, s9;
	s10 =	smul.u32 $0x160, s8  }
.Ltmp0:
0x13: {  	s9 =	sadd.s32 $0x20D000, s9;
	s1 =	rddreg [dreg:$0x1];
	(pc) =	sbr.rel .LBB2_1-.Ltmp0, $4  }
0x14: {  	_ =	strace $0x80000047;
	p0 =	sne.s32 s7, s10;
	s10 =	simm.s32 $0x1  }
0x15: {  	[sflag:s6] =	ssyncpa.u1 $0x0;
	s7 =	simm.s32 $0x2;
	s10 =	simm.s32 @!p0 $0x0  }
0x16: {  	[sflag:s7] =	ssyncpa.u1 $0x0;
	p0 =	por $0x0, $0x0;
	s8 =	sadd.s32 s10, s8  }
0x17: {  	vm0 =	vmmov $0xff;
	vm1 =	vcmask $0x3F20;
	[sflag:s11] =	ssyncpa.u1 $0x0;
	s11 =	smov.u32 s2;
	s10 =	sadd.s32 $0x1, s8  }
.LBB2_6:
0x18: {  	[hbm:s17] =	stream.linear.scatter [tilespmem:s14], [sflag:$0x3], $0x400, $0x38;
	[tilespmem:$0x162C0] =	vst v63  }
.LBB2_7:
0x19: {  	s13 =	sadd.s32 $0x160, s11  }
0x1a: {  	s15 =	smov.u32 s2;
	p2 =	slt.s32 s13, s3  }
0x1b: {  	s15 =	smov.u32 @p2 s13;
	p2 =	sne.s32 s12, s10  }
.Ltmp1:
0x1c: {  	p1 =	slt.u32 s12, $0x2;
	(pc) =	sbr.rel @!p2 .LBB2_8-.Ltmp1, $4  }
0x1d: {  	s14 =	simm.s32 @!p1 $0x3  }
0x1e: {  	s16 =	sadd.s32 $0x1, s12;
	_ =	swait.ge @!p1 [sflag:s14], $0xB000  }
0x1f: {  	p0 =	por !p0, !p0;
	s13 =	smov.u32 s11;
	[sflag:s14] =	ssyncset.done @!p1 $0x0  }
0x20: {  	s12 =	smov.u32 s16;
	s11 =	smov.u32 s15;
	[sflag:s14] =	ssyncadd.s32 @!p1 $0xFFFF5000  }
.LBB2_1:
0x21: {  	p1 =	sge.u32 s12, s8  }
0x22: {  	s14 =	sxor.u32 @!p1 $0xFFFFFFFF, s12  }
0x23: {  	s14 =	sand.u32 @!p1 $0x1, s14  }
0x24: {  	s14 =	smul.u32 @!p1 $0x580, s14  }
0x25: {  	s31 =	sadd.s32 $0xFFFFFFFF, s12;
	s15 =	sshrl.u32 @!p1 s11, $0x3  }
0x26: {  	s16 =	sand.u32 @!p1 $0x7, s11;
	s15 =	sadd.s32 @!p1 s5, s15;
	s14 =	sshrl.u32 @!p1 s14, $0x2  }
0x27: {  	[tilespmem:s14], [sflag:$0x2] =	stream.linear.gather @!p1 [hbm4b:s15+s16], $0x160, $0x38;
	[tilespmem:$0x162C0] =	vst v63  }
0x28: {  	p1 =	sge.u32 s31, s8  }
.Ltmp2:
0x29: {  	_ = 	snop;
	(pc) =	sbr.rel @p1 .LBB2_7-.Ltmp2, $1  }
0x2a: {  	_ =	sdelay $0x3  }
0x2b: {  	s14 =	simm.s32 $0x1  }
0x2c: {  	s14 =	simm.s32 @!p0 $0x0  }
0x2d: {  	s15 =	smul.u32 $0x580, s14  }
0x2e: {  	_ =	swait.ge [sflag:s7], $0x160  }
0x2f: {  	[sflag:s7] =	ssyncset.done $0x0;
	s16 =	sshrl.u32 s15, $0x2  }
0x30: {  	[sflag:s7] =	ssyncadd.s32 $0xFFFFFEA0;
	s15 =	sadd.s32 $0x0, s16  }
0x31: {  	v0 =	vld.msk [tilespmem:s15+$0x0 ss:$0x1], $0xffff;
	_ =	sdelay $0x4  }
0x32: {  	vm2 =	vgt.s32 v0, $0x0  }
0x33: {  	v0 =	vnsel vm2, $0x0, v0  }
0x34: {  	v0 =	vmin.u32 v0, $0xABFF  }
0x35: {  	v0 =	vshll.u32 v0, $0x4  }
0x36: {  	s14 =	smul.u32 $0x2C000, s14;
	_ =	sdelay $0x1  }
0x37: {  	s14 =	sshrl.u32 s14, $0x2  }
0x38: {  	s14 =	sor.u32 $0x2C0, s14  }
0x39: {  	[tilespmem:s14], [sflag:$0x1] =	stream.indirect_vreg.gather [hbm:s4], $0x80, v0, vm0, $0x38;
	[tilespmem:$0x162C0] =	vst v63  }
0x3a: {  	s17 =	sadd.s32 $0x10, s16;
	s15 =	sadd.s32 $0x400, s14  }
0x3b: {  	[tilespmem:s15], [sflag:$0x1] =	stream.indirect_vreg.gather [hbm:s4], $0x80, v0, vm1, $0x38;
	[tilespmem:$0x162C0] =	vst v63  }
0x3c: {  	s18 =	simm.s32 $0x80;
	v0 =	vld.msk [tilespmem:s17+$0x0 ss:$0x1], $0xffff;
	s17 =	smov.u32 s14  }
.LBB2_3:
0x3d: {  	p1 =	sne.s32 s18, $0x540;
	_ =	sdelay $0x4  }
0x3e: {  	vm2 =	vgt.s32 v0, $0x0  }
0x3f: {  	v0 =	vnsel vm2, $0x0, v0  }
0x40: {  	v0 =	vmin.u32 v0, $0xABFF  }
0x41: {  	v0 =	vshll.u32 v0, $0x4;
	_ =	sdelay $0x3  }
.Ltmp3:
0x42: {  	s19 =	sshra.s32 s18, $0x2;
	s17 =	sadd.s32 $0x800, s17;
	(pc) =	sbr.rel @p1 .LBB2_3-.Ltmp3, $4  }
0x43: {  	[tilespmem:s17], [sflag:$0x1] =	stream.indirect_vreg.gather [hbm:s4], $0x80, v0, vm0, $0x38;
	[tilespmem:$0x162C0] =	vst v63  }
0x44: {  	s19 =	sadd.s32 s19, s16;
	s20 =	sadd.s32 $0x400, s17  }
0x45: {  	[tilespmem:s20], [sflag:$0x1] =	stream.indirect_vreg.gather [hbm:s4], $0x80, v0, vm1, $0x38;
	[tilespmem:$0x162C0] =	vst v63  }
0x46: {  	s18 =	sadd.s32 $0x40, s18;
	v0 =	vld.msk [tilespmem:s19+$0x0 ss:$0x1], $0xffff  }
0x47: {  	_ =	sdelay $0x3  }
0x48: {  	vm2 =	vgt.s32 v0, $0x0  }
0x49: {  	v0 =	vnsel vm2, $0x0, v0  }
0x4a: {  	v0 =	vmin.u32 v0, $0xABFF  }
0x4b: {  	v0 =	vshll.u32 v0, $0x4;
	_ =	sdelay $0x3  }
0x4c: {  	s16 =	sadd.s32 $0x800, s17  }
0x4d: {  	[tilespmem:s16], [sflag:$0x1] =	stream.indirect_vreg.gather [hbm:s4], $0x80, v0, vm0, $0x38;
	[tilespmem:$0x162C0] =	vst v63  }
0x4e: {  	s16 =	sadd.s32 $0x400, s16  }
0x4f: {  	[tilespmem:s16], [sflag:$0x1] =	stream.indirect_vreg.gather [hbm:s4], $0x80, v0, vm1, $0x38;
	[tilespmem:$0x162C0] =	vst v63  }
0x50: {  	s13 =	sshll.u32 s13, $0x4;
	_ =	swait.ge [sflag:s6], $0xB000  }
0x51: {  	s13 =	sadd.s32 s13, s9;
	[sflag:s6] =	ssyncset.done $0x0  }
0x52: {  	s17 =	sadd.s32 $0x0, s13;
	s16 =	simm.s32 $0x80;
	[sflag:s6] =	ssyncadd.s32 $0xFFFF5000  }
.LBB2_5:
0x53: {  	[hbm:s17] =	stream.linear.scatter [tilespmem:s14], [sflag:$0x3], $0x400, $0x38;
	[tilespmem:$0x162C0] =	vst v63  }
0x54: {  	s17 =	smov.u32 s16;
	s14 =	smov.u32 s15;
	p1 =	sne.s32 s16, $0x1580  }
.Ltmp4:
0x55: {  	s16 =	sadd.s32 $0x80, s16;
	(pc) =	sbr.rel @p1 .LBB2_5-.Ltmp4, $2  }
0x56: {  	_ =	sdelay $0x2  }
0x57: {  	s15 =	sadd.s32 $0x400, s15;
	s17 =	sadd.s32 s17, s13  }
.Ltmp5:
0x58: {  	_ = 	snop;
	(pc) =	sbr.rel .LBB2_6-.Ltmp5, $1  }
0x59: {  	_ =	sdelay $0x3  }
.LBB2_8:
0x5a: {  	_ =	sfence.sel $0x180000  }
0x5b: {  	s2 =	simm.s32 $0x2;
	[bflag:$0x0] =	sbarrier.arrive $0xFFFF  }
0x5c: {  	s30 =	simm.s32 $0x3;
	[sflag:s2] =	ssyncpa.u1 $0x1  }
0x5d: {  	s31 =	simm.s32 $0x1;
	[sflag:s30] =	ssyncpa.u1 $0x1  }
0x5e: {  	[sflag:s31] =	ssyncpa.u1 $0x1  }
0x5f: {  	p0 =	sne.s32 s0, $0x0;
	_ =	strace $0x90000047  }
0x60: {  	s0 =	sadd.s32 @!p0 $0x100000, s1;
	[bflag:$0x2] =	sbarrier.arrive $0xFFFF  }
0x61: {  	[sflag:s0] =	ssyncadd.tile.s32 @!p0 $0x1;
	_ =	shalt  }
.Lfunc_end2:
_tile_overlayer_lowered:
.L_overlay_start_2:
0x62: {  	(tag) =	ssettag $0x2  }
0x63: {  	s0 =	rddreg [dreg:$0x0];
	s2 =	stileid.u32  }
0x64: {  	s1 =	rddreg [dreg:$0x1];
	p0 =	sne.s32 s2, $0x0  }
0x65: {  	s3 =	rddreg [dreg:$0x2];
	[bflag:$0x3] =	sbarrier.arrive $0xFFFF;
	s2 =	simm.s32 @!p0 $0x1C01  }
0x66: {  	[timem:s3], [sflag:s2] =	dma.local @!p0 [hbm:s0], s1  }
0x67: {  	s0 =	simm.s32 @!p0 $0x1  }
0x68: {  	_ =	swait.ge @!p0 [sflag:s0], s1  }
0x69: {  	s1 =	ssub.s32 @!p0 $0x0, s1;
	[sflag:s0] =	ssyncset.done @!p0 $0x0  }
0x6a: {  	[sflag:s0] =	ssyncadd.s32 @!p0 s1  }
0x6b: {  	[bflag:$0x3] =	sbarrier.arrive $0xFFFF  }
0x6c: {  	_ =	shalt  }

// kernel: scatter_offload_async_start.1
scs
__scs_entry_jumppad:
0x0: {  	(pc) =	sbr.rel $0x88, $3  }
0x1: {  	(tag) =	ssettag $0x0;
	lr =	simm.s32 $0x1  }
0x2: {  	[smem:$0x3F7F] =	sst lr;
	_ =	strace $0xD0000000  }
0x3: {  	_ = 	snop  }
0x4: {  	_ = 	snop  }
0x5: {  	_ = 	snop  }
0x6: {  	_ = 	snop  }
0x7: {  	_ = 	snop  }
__scs_overlays_trampoline_lowered:
0x8: {  	[smem:$0x3F8E] =	sst s0  }
0x9: {  	[smem:$0x3F8F] =	sst s1  }
0xa: {  	[smem:$0x3F90] =	sst s2  }
0xb: {  	[smem:$0x3F91] =	sst s3  }
0xc: {  	[smem:$0x3F92] =	sst s4  }
0xd: {  	[smem:$0x3F93] =	sst s5  }
0xe: {  	[smem:$0x3F94] =	sst s6  }
0xf: {  	[smem:$0x3F95] =	sst s7  }
0x10: {  	[smem:$0x3F96] =	sst s8  }
0x11: {  	[smem:$0x3F97] =	sst s9;
	s0 =	simm.s32 @!p0 $0x0  }
0x12: {  	s1 =	sld [smem:$0x3F7D];
	s0 =	simm.s32 @p0 $0x1  }
0x13: {  	[smem:$0x3F98] =	sst s0;
	s0 =	simm.s32 @!p1 $0x0  }
0x14: {  	s2 =	sld [smem:$0x3F7C];
	s0 =	simm.s32 @p1 $0x1  }
0x15: {  	[smem:$0x3F99] =	sst s0;
	s0 =	simm.s32 @!p2 $0x0  }
0x16: {  	s3 =	sld [smem:$0x3FDB];
	s0 =	simm.s32 @p2 $0x1  }
0x17: {  	s4 =	simm.s32 $0x1BF5;
	[smem:$0x3F9B] =	sst s0  }
0x18: {  	s0 =	sld [smem:$0x3F7E];
	_ =	swait.ge [sflag:s4], $0x0  }
0x19: {  	s7 =	sld [smem:$0x3F7F]  }
0x1a: {  	s8 =	sadd.s32 $0xFFFFE003, lr  }
0x1b: {  	s9 =	sadd.s32 $0xFFFFFEF7, lr;
	s5 =	simm.s32 $0xFFFFFFFF;
	p2 =	slt.u32 s8, $0xFFFFF086  }
0x1c: {  	p1 =	slt.u32 s9, $0xF7A;
	s5 =	simm.s32 @!p2 $0x0  }
0x1d: {  	s5 =	simm.s32 @p1 $0x1;
	p0 =	seq.s32 s7, s2  }
0x1e: {  	s7 =	smul.u32 @!p0 $0xF7A, s2;
	p2 =	seq.s32 @!p0 s5, $0x0  }
0x1f: {  	s9 =	smul.u32 $0xF7A, s1;
	s8 =	simm.s32 @!p0 $0x1BF5;
	p2 =	por !p2, p0  }
0x20: {  	[sflag:s8] =	ssyncset.s32 @!p0 $0xFFFFF086;
	s6 =	sadd.s32 @!p0 s3, s7;
	s7 =	simm.s32 @!p0 $0x108  }
0x21: {  	s3 =	sadd.s32 s3, s9;
	s6 =	sadd.s32 @!p0 $0x88, s6;
	s7 =	simm.s32 @p2 $0x1082  }
0x22: {  	[simem:s7], [sflag:s8] =	dma.local @!p0 [hbm:s6], $0xF7A  }
0x23: {  	s9 =	sor.u32 $0xD0000000, s2;
	s6 =	simm.s32 $0x108;
	_ =	swait.ge @!p0 [sflag:s8], $0x0  }
0x24: {  	s3 =	sadd.s32 $0x88, s3;
	s6 =	simm.s32 @!p1 $0x1082;
	[sflag:s4] =	ssyncset.s32 $0xFFFFF086  }
0x25: {  	[simem:s6], [sflag:s4] =	dma.local [hbm:s3], $0xF7A  }
0x26: {  	[smem:$0x3F7F] =	sst s1;
	(tag) =	ssettag s2;
	_ =	strace s9  }
0x27: {  	s1 =	sld [smem:$0x3F8F]  }
0x28: {  	s2 =	sld [smem:$0x3F90]  }
0x29: {  	s4 =	sld [smem:$0x3F92]  }
0x2a: {  	p0 =	seq.s32 s5, $0x0;
	s5 =	sld [smem:$0x3F93]  }
0x2b: {  	s6 =	sld [smem:$0x3F94]  }
0x2c: {  	s7 =	sld [smem:$0x3F95]  }
0x2d: {  	s3 =	simm.s32 $0x108;
	s8 =	sld [smem:$0x3F96]  }
0x2e: {  	s3 =	simm.s32 @!p0 $0x1082;
	s9 =	sld [smem:$0x3F97]  }
0x2f: {  	lr =	sadd.s32 s0, s3;
	s0 =	sld [smem:$0x3F8E]  }
0x30: {  	s3 =	sld [smem:$0x3F91]  }
0x31: {  	[smem:$0x3F9A] =	sst s10  }
0x32: {  	s10 =	sld [smem:$0x3F98];
	_ =	sdelay $0x3  }
0x33: {  	p0 =	seq.s32 s10, $0x1;
	s10 =	sld [smem:$0x3F9A];
	_ =	sdelay $0x3  }
0x34: {  	[smem:$0x3F9A] =	sst s10  }
0x35: {  	s10 =	sld [smem:$0x3F99];
	_ =	sdelay $0x3  }
0x36: {  	p1 =	seq.s32 s10, $0x1;
	s10 =	sld [smem:$0x3F9A];
	_ =	sdelay $0x3  }
0x37: {  	[smem:$0x3F9A] =	sst s10  }
0x38: {  	s10 =	sld [smem:$0x3F9B]  }
0x39: {  	_ = 	snop;
	(pc) =	sbr.ind lr, $3  }
0x3a: {  	_ = 	snop  }
0x3b: {  	_ = 	snop  }
0x3c: {  	p2 =	seq.s32 s10, $0x1;
	s10 =	sld [smem:$0x3F9A]  }
0x3d: {  	_ =	shalt  }
0x3e: {  	_ =	shalt  }
0x3f: {  	_ =	shalt  }
0x40: {  	_ =	shalt  }
0x41: {  	_ =	shalt  }
0x42: {  	_ =	shalt  }
0x43: {  	_ =	shalt  }
0x44: {  	_ =	shalt  }
0x45: {  	_ =	shalt  }
0x46: {  	_ =	shalt  }
0x47: {  	_ =	shalt  }
0x48: {  	_ =	shalt  }
0x49: {  	_ =	shalt  }
0x4a: {  	_ =	shalt  }
0x4b: {  	_ =	shalt  }
0x4c: {  	_ =	shalt  }
0x4d: {  	_ =	shalt  }
0x4e: {  	_ =	shalt  }
0x4f: {  	_ =	shalt  }
0x50: {  	_ =	shalt  }
0x51: {  	_ =	shalt  }
0x52: {  	_ =	shalt  }
0x53: {  	_ =	shalt  }
0x54: {  	_ =	shalt  }
0x55: {  	_ =	shalt  }
0x56: {  	_ =	shalt  }
0x57: {  	_ =	shalt  }
0x58: {  	_ =	shalt  }
0x59: {  	_ =	shalt  }
0x5a: {  	_ =	shalt  }
0x5b: {  	_ =	shalt  }
0x5c: {  	_ =	shalt  }
0x5d: {  	_ =	shalt  }
0x5e: {  	_ =	shalt  }
0x5f: {  	_ =	shalt  }
0x60: {  	_ =	shalt  }
0x61: {  	_ =	shalt  }
0x62: {  	_ =	shalt  }
0x63: {  	_ =	shalt  }
0x64: {  	_ =	shalt  }
0x65: {  	_ =	shalt  }
0x66: {  	_ =	shalt  }
0x67: {  	_ =	shalt  }
0x68: {  	_ =	shalt  }
0x69: {  	_ =	shalt  }
0x6a: {  	_ =	shalt  }
0x6b: {  	_ =	shalt  }
0x6c: {  	_ =	shalt  }
0x6d: {  	_ =	shalt  }
0x6e: {  	_ =	shalt  }
0x6f: {  	_ =	shalt  }
0x70: {  	_ =	shalt  }
0x71: {  	_ =	shalt  }
0x72: {  	_ =	shalt  }
0x73: {  	_ =	shalt  }
0x74: {  	_ =	shalt  }
0x75: {  	_ =	shalt  }
0x76: {  	_ =	shalt  }
0x77: {  	_ =	shalt  }
0x78: {  	_ =	shalt  }
0x79: {  	_ =	shalt  }
0x7a: {  	_ =	shalt  }
0x7b: {  	_ =	shalt  }
0x7c: {  	_ =	shalt  }
0x7d: {  	_ =	shalt  }
0x7e: {  	_ =	shalt  }
0x7f: {  	_ =	shalt  }
0x80: {  	_ =	shalt  }
0x81: {  	_ =	shalt  }
0x82: {  	_ =	shalt  }
0x83: {  	_ =	shalt  }
0x84: {  	_ =	shalt  }
0x85: {  	_ =	shalt  }
0x86: {  	_ =	shalt  }
0x87: {  	_ =	shalt  }
.Lfunc_end0:
.L_simem_size_0:
called_computation.1_lowered:
.L_overlay_start_0:
0x88: {  	s2 =	sld [smem:$0x3FD9]  }
0x89: {  	s3 =	sld [smem:$0x3FFE];
	_ =	sdelay $0x1  }
0x8a: {  	s1 =	srdreg.scid  }
0x8b: {  	s0 =	sand.u32 $0x1, s1  }
0x8c: {  	s15 =	sshll.u32 s0, $0xA;
	s2 =	sadd.s32 s3, s2  }
0x8d: {  	s2 =	sadd.s32 s2, s15  }
0x8e: {  	[smem:$0x3FA6] =	sst s2  }
0x8f: {  	_ = 	snop  }
0x90: {  	(tm) =	ssettm $0x1  }
0x91: {  	s16 =	sld [smem:$0x3FFB];
	_ =	sdelay $0x3  }
0x92: {  	_ =	strace s16  }
0x93: {  	s2 =	sld [smem:$0x3FFC];
	_ =	sdelay $0x3  }
0x94: {  	_ =	strace s2  }
0x95: {  	s2 =	sld [smem:$0x3FFD];
	_ =	sdelay $0x3  }
0x96: {  	_ =	strace s2  }
0x97: {  	_ =	strace $0x8FFFFFFF  }
0x98: {  	s17 =	sld [smem:$0x3FDB];
	_ =	sdelay $0x1  }
0x99: {  	s18 =	simm.s32 $_scs_section_size  }
0x9a: {  	s4 =	simm.s32 $_size__tile_overlayer_lowered;
	s5 =	simm.s32 $_tile_overlayer_lowered  }
0x9b: {  	s21 =	simm.s32 $0x1BFF;
	s20 =	sshll.u32 s5, $0x1;
	s2 =	sadd.s32 s18, s17  }
0x9c: {  	s6 =	simm.s32 $0x0;
	s19 =	sshll.u32 s4, $0x1;
	s4 =	sadd.s32 s20, s2  }
0x9d: {  	[timem:s6], [sflag:s21] =	dma.local [hbm:s4], s19  }
0x9e: {  	_ =	swait.ge [sflag:s21], s19  }
0x9f: {  	s3 =	ssub.s32 $0x0, s19;
	[sflag:s21] =	ssyncset.done $0x0  }
0xa0: {  	[sflag:s21] =	ssyncadd.s32 s3;
	_ =	sdelay $0x1  }
0xa1: {  	s22 =	simm.s32 $0x1B8B  }
0xa2: {  	_ =	swait.ge [sflag:s22], $0x1  }
0xa3: {  	[sflag:s22] =	ssyncset.done $0x0  }
0xa4: {  	s23 =	sld [smem:$0x3FFE];
	[sflag:s22] =	ssyncadd.s32 $0xFFFFFFFF  }
0xa5: {  	s25 =	simm.s32 $0x1B8E;
	s24 =	sld [smem:$0x0]  }
0xa6: {  	s26 =	simm.s32 $execute0_lowered;
	[smem:$0x3FD2] =	sst s25  }
0xa7: {  	s5 =	sshll.u32 s26, $0x1;
	_ =	strace $0x80000052;
	[dreg:$0x1] =	wrdreg $0xFFFFFFFF  }
0xa8: {  	s28 =	simm.s32 $_size_execute0_lowered;
	s2 =	sadd.s32 s2, s5;
	[dreg:$0x0] =	wrdreg $0x0  }
0xa9: {  	s5 =	sshll.u32 s28, $0x1;
	[dreg:$0x2] =	wrdreg s2  }
0xaa: {  	[dreg:$0x3] =	wrdreg s5  }
0xab: {  	[dreg:$0x4] =	wrdreg $0xC0  }
0xac: {  	_ =	task [dreg:s6], $0x5FFFF  }
0xad: {  	[dreg:$0x1] =	wrdreg $0xFFFFFFFF  }
0xae: {  	[dreg:$0x0] =	wrdreg $0x60  }
0xaf: {  	[dreg:$0x2] =	wrdreg s23  }
0xb0: {  	[dreg:$0x3] =	wrdreg s1  }
0xb1: {  	[dreg:$0x4] =	wrdreg s24  }
0xb2: {  	[dreg:$0x5] =	wrdreg $0x9  }
0xb3: {  	_ =	task.clear_ibuf [dreg:s6], $0x6FFFF;
	_ =	strace $0x90000052  }
0xb4: {  	s29 =	simm.s32 $0x9;
	_ =	strace $0x80000054  }
0xb5: {  	_ =	swait.ge [sflag:s29], $0x1  }
0xb6: {  	[sflag:s29] =	ssyncadd.s32 $0xFFFFFFFF  }
0xb7: {  	_ =	strace $0x90000054  }
0xb8: {  	_ =	sfence  }
0xb9: {  	s30 =	sld [smem:$0x0];
	_ =	sdelay $0x2  }
0xba: {  	s31 =	sshll.u32 s1, $0xD;
	s1 =	sshrl.u32 s1, $0x2  }
0xbb: {  	s3 =	sand.u32 $0x4000, s31;
	s1 =	sadd.s32 s1, s30  }
0xbc: {  	s0 =	sor.u32 s3, s0;
	s1 =	sshll.u32 s1, $0x11  }
0xbd: {  	s0 =	sor.u32 s1, s0  }
0xbe: {  	s0 =	sadd.s32 $0x8F2B, s0  }
0xbf: {  	[sflag:s0] =	ssyncadd.remote.s32 $0x1  }
0xc0: {  	_ =	sfence.sel $0xFFFF  }
0xc1: {  	[dreg:$0x0] =	wrdreg $0xFFFFFFFF;
	(pc) =	sbr.abs _section_cstart, $3  }
0xc2: {  	[dreg:$0x1] =	wrdreg $0xFFFFFFFF  }
0xc3: {  	_ =	task.clear_ibuf [dreg:s6], $0x2FFFF;
	_ =	strace $0x9FFFFFFF  }
0xc4: {  	(tm) =	ssettm $0x7FFFFFFF  }
0xc5: {  	_ =	shalt  }
tec
execute0_lowered:
.L_overlay_start_1:
0x0: {  	(tag) =	ssettag $0x1  }
0x1: {  	s2 =	rddreg [dreg:$0x0]  }
0x2: {  	s3 =	rddreg [dreg:$0x1];
	_ =	strace $0x80000053;
	s0 =	simm.s32 $0x1  }
0x3: {  	v0 =	vimm.s32 $0x0;
	[sflag:s0] =	ssyncpa.u1 $0x0;
	s0 =	simm.s32 $0x108  }
0x4: {  	[tilespmem:s0+$0x70] =	vst v0  }
0x5: {  	[tilespmem:s0+$0x60] =	vst v0  }
0x6: {  	[tilespmem:s0+$0x50] =	vst v0  }
0x7: {  	[tilespmem:s0+$0x40] =	vst v0  }
0x8: {  	s1 =	sadd.s32 $0x367800, s2;
	[tilespmem:s0+$0x30] =	vst v0  }
0x9: {  	s15 =	sadd.s32 $0x15E400, s2;
	s6 =	sadd.s32 $0x413800, s2;
	[tilespmem:s0+$0x20] =	vst v0  }
0xa: {  	s14 =	sadd.s32 $0x364C00, s2;
	s5 =	sand.u32 $0x1, s3;
	s3 =	simm.s32 $0x40;
	[tilespmem:s0+$0x10] =	vst v0  }
.LBB2_1:
0xb: {  	s3 =	sadd.s32 $0x40, s3;
	[tilespmem:s0+$0x0] =	vst v0;
	s0 =	sadd.s32 $0x80, s0  }
0xc: {  	p0 =	slt.u32 s3, $0x3C40;
	[tilespmem:s0+$0x70] =	vst v0  }
0xd: {  	[tilespmem:s0+$0x60] =	vst v0  }
.Ltmp0:
0xe: {  	[tilespmem:s0+$0x50] =	vst v0;
	(pc) =	sbr.rel @p0 .LBB2_1-.Ltmp0, $4  }
0xf: {  	[tilespmem:s0+$0x40] =	vst v0  }
0x10: {  	[tilespmem:s0+$0x30] =	vst v0  }
0x11: {  	[tilespmem:s0+$0x20] =	vst v0  }
0x12: {  	[tilespmem:s0+$0x10] =	vst v0  }
0x13: {  	s9 =	stileid.u32  }
0x14: {  	s2 =	smul.u32 $0xB, s9  }
0x15: {  	s3 =	smin.u32 s9, $0x8  }
0x16: {  	s2 =	sadd.s32 s3, s2  }
0x17: {  	p0 =	slt.u32 s9, $0x8;
	s7 =	smul.u32 $0xF0, s2;
	s2 =	simm.s32 $0xB40  }
0x18: {  	s2 =	simm.s32 @!p0 $0xA50  }
0x19: {  	s2 =	sadd.s32 s2, s7  }
0x1a: {  	s8 =	smin.u32 s2, $0xABE0  }
0x1b: {  	s2 =	ssub.s32 s8, s7  }
0x1c: {  	p0 =	sgt.s32 s2, $0x0  }
0x1d: {  	s29 =	simm.s32 $0x2;
	s10 =	simm.s32 $0x9;
	s2 =	simm.s32 @!p0 $0x0  }
0x1e: {  	s4 =	simm.s32 $0xA;
	s11 =	simm.s32 $0xB;
	s28 =	smul.u32 $0x8889, s2  }
0x1f: {  	[dreg:$0x4] =	wrdreg s5;
	s31 =	smul.u32 $0x157C, s5;
	s12 =	simm.s32 $0x1  }
0x20: {  	s22 =	simm.s32 $0x0;
	s18 =	simm.s32 $0xC;
	s30 =	sshrl.u32 s28, $0x17  }
0x21: {  	s20 =	simm.s32 $0x0;
	s21 =	simm.s32 $0x0;
	s3 =	smul.u32 $0xF0, s30  }
.Ltmp1:
0x22: {  	[tilespmem:s0+$0x0] =	vst v0;
	v0 =	vimm.s32 $0xFFFFFFFF;
	[sflag:s29] =	ssyncpa.u1 $0x0;
	s16 =	sshll.u32 s9, $0x8;
	(pc) =	sbr.rel .LBB2_3-.Ltmp1, $4  }
0x23: {  	[tilespmem:$0xF208] =	vst v0;
	[sflag:s10] =	ssyncpa.u1 $0x0;
	p0 =	sne.s32 s2, s3;
	s2 =	simm.s32 $0x1  }
0x24: {  	s14 =	sadd.s32 s31, s14;
	[sflag:s4] =	ssyncpa.u1 $0x0;
	s2 =	simm.s32 @!p0 $0x0  }
0x25: {  	s15 =	sadd.s32 s31, s15;
	[sflag:s11] =	ssyncpa.u1 $0x0;
	s13 =	sadd.s32 s30, s2  }
0x26: {  	v0 =	vlaneseq.u32;
	s19 =	smov.u32 s7;
	p0 =	por $0x0, $0x0;
	s17 =	sadd.s32 $0x1, s13  }
.LBB2_18:
0x27: {  	s0 =	sshrl.u32 s31, $0x2  }
.LBB2_20:
0x28: {  	_ =	swait.ge [sflag:s18], s0  }
0x29: {  	s31 =	ssub.s32 $0x0, s0;
	v1 =	vmov s24;
	vm0 =	veq.s32 v0, $0x0;
	[sflag:s18] =	ssyncset.done $0x0  }
0x2a: {  	vm15 =	veq.s32 v0, $0x2;
	v1 =	vsel vm0, s30, v1;
	[sflag:s18] =	ssyncadd.s32 s31  }
0x2b: {  	v1 =	vsel vm15, s22, v1;
	[sflag:s18] =	ssyncpa.u1 $0x1  }
0x2c: {  	[tilespmem:$0xF208] =	vst v1  }
.LBB2_21:
0x2d: {  	s0 =	sadd.s32 $0xF0, s19  }
0x2e: {  	s2 =	smov.u32 s7;
	p1 =	slt.s32 s0, s8  }
0x2f: {  	s2 =	smov.u32 @p1 s0;
	p1 =	sne.s32 s21, s17  }
.Ltmp2:
0x30: {  	_ = 	snop;
	(pc) =	sbr.rel @!p1 .LBB2_22-.Ltmp2, $3  }
0x31: {  	_ =	sdelay $0x1  }
0x32: {  	s22 =	smov.u32 s20;
	s31 =	sadd.s32 $0x1, s21;
	s20 =	smov.u32 s19  }
0x33: {  	p0 =	por !p0, !p0;
	s21 =	smov.u32 s31;
	s19 =	smov.u32 s2  }
.LBB2_3:
0x34: {  	p1 =	sge.u32 s21, s13  }
0x35: {  	s0 =	smulhi.u32 @!p1 $0xAAAAAAAB, s21  }
0x36: {  	s2 =	smov.u32 s19;
	p2 =	sgt.s32 @!p1 s19, $0xAAF0  }
0x37: {  	s3 =	sshra.s32 @!p1 s19, $0x1F;
	p2 =	por !p2, p1;
	s0 =	sshrl.u32 @!p1 s0, $0x1  }
0x38: {  	s3 =	sand.u32 @!p1 s3, s19;
	s2 =	simm.s32 @p2 $0xAAF0;
	s0 =	smul.u32 @!p1 $0x3, s0  }
0x39: {  	s2 =	ssub.s32 @!p1 s2, s3  }
0x3a: {  	s2 =	sadd.s32 @!p1 $0xFFFF5510, s2;
	s0 =	ssub.s32 @!p1 s21, s0  }
0x3b: {  	s3 =	sshll.u32 @!p1 s2, $0x2;
	p2 =	sgt.s32 @!p1 s2, $0xEF;
	s0 =	smul.u32 @!p1 $0x3C0, s0  }
0x3c: {  	s4 =	sand.u32 @!p1 $0x7, s19;
	s2 =	ssub.s32 @!p1 $0x3C0, s3;
	p2 =	por !p2, p1  }
0x3d: {  	s3 =	sshrl.u32 @!p1 s19, $0x3;
	s2 =	sshrl.u32 @!p1 s2, $0x2;
	s0 =	sshrl.u32 @!p1 s0, $0x2  }
0x3e: {  	s3 =	sadd.s32 @!p1 s3, s14;
	s2 =	simm.s32 @!p2 $0x0;
	s0 =	sadd.s32 @!p1 $0x10248, s0  }
0x3f: {  	[tilespmem:s0], [sflag:$0xA] =	stream.linear.gather @!p1 [hbm4b:s3+s4], s2, $0x38;
	[tilespmem:$0x1F6F8] =	vst v63  }
0x40: {  	s0 =	sadd.s32 $0xFFFFFFFF, s21  }
0x41: {  	p1 =	sge.u32 s0, s13  }
0x42: {  	p2 =	sgt.s32 @!p1 s20, $0xAAF0  }
0x43: {  	s2 =	smov.u32 s20;
	s3 =	sshra.s32 @!p1 s20, $0x1F;
	p2 =	por !p2, p1  }
0x44: {  	s3 =	sand.u32 @!p1 s3, s20;
	s2 =	simm.s32 @p2 $0xAAF0  }
0x45: {  	s2 =	ssub.s32 @!p1 s2, s3  }
0x46: {  	s2 =	sadd.s32 @!p1 $0xFFFF5510, s2  }
0x47: {  	s4 =	sand.u32 @!p1 $0x1, s0;
	s3 =	sshll.u32 @!p1 s2, $0x2  }
0x48: {  	p2 =	sgt.s32 @!p1 s2, $0xEF;
	s2 =	ssub.s32 @!p1 $0x3C0, s3;
	s3 =	smulhi.u32 @!p1 $0xAAAAAAAB, s0  }
0x49: {  	s23 =	smul.u32 @!p1 $0x3C0, s4;
	p2 =	por !p2, p1;
	s2 =	sshrl.u32 @!p1 s2, $0x2  }
0x4a: {  	s5 =	simm.s32 @!p1 $0xA;
	s2 =	simm.s32 @!p2 $0x0;
	s3 =	sshrl.u32 @!p1 s3, $0x1  }
0x4b: {  	s23 =	sshrl.u32 @!p1 s23, $0x2;
	_ =	swait.ge @!p1 [sflag:s5], s2;
	s3 =	smul.u32 @!p1 $0x3, s3  }
0x4c: {  	s23 =	sadd.s32 @!p1 $0x10518, s23;
	s24 =	ssub.s32 @!p1 $0x0, s2;
	[sflag:s5] =	ssyncset.done @!p1 $0x0  }
0x4d: {  	[sflag:s5] =	ssyncadd.s32 @!p1 s24;
	s5 =	sshrl.u32 @!p1 s20, $0x3;
	s0 =	ssub.s32 @!p1 s0, s3  }
0x4e: {  	s24 =	sand.u32 @!p1 $0x7, s20;
	s5 =	sadd.s32 @!p1 s5, s15;
	s0 =	smul.u32 @!p1 $0x3C0, s0  }
0x4f: {  	[tilespmem:s23], [sflag:$0xB] =	stream.linear.gather @!p1 [hbm4b:s5+s24], s2, $0x38;
	[tilespmem:$0x1F6F8] =	vst v63  }
0x50: {  	s3 =	ssub.s32 @!p1 $0xABE0, s20;
	s2 =	smul.u32 @!p1 $0x1E000, s4  }
0x51: {  	p2 =	slt.s32 @!p1 s3, $0xF0  }
0x52: {  	p2 =	por !p2, p1;
	s0 =	sshrl.u32 @!p1 s0, $0x2;
	s2 =	sshrl.u32 @!p1 s2, $0x2  }
0x53: {  	s3 =	simm.s32 @p2 $0xF0;
	s0 =	sadd.s32 @!p1 $0x10248, s0;
	s2 =	sor.u32 @!p1 $0x106F8, s2  }
0x54: {  	[tilespmem:s2], [sflag:$0x9] =	stream.indirect.gather @!p1 [hbm4b:s6+s3], $0x80, s0, s3, $0xb8;
	[tilespmem:$0x1F6F8] =	vst v63  }
0x55: {  	p1 =	slt.u32 s21, $0x2  }
.Ltmp3:
0x56: {  	_ = 	snop;
	(pc) =	sbr.rel @p1 .LBB2_21-.Ltmp3, $1  }
0x57: {  	_ =	sdelay $0x3  }
0x58: {  	p1 =	sgt.s32 s22, $0xAAF0  }
0x59: {  	s0 =	smov.u32 s22;
	s2 =	sshra.s32 s22, $0x1F;
	s3 =	ssub.s32 $0xABE0, s22  }
0x5a: {  	s0 =	simm.s32 @!p1 $0xAAF0;
	s2 =	sand.u32 s2, s22;
	p1 =	slt.s32 s3, $0xF0  }
0x5b: {  	s0 =	ssub.s32 s0, s2;
	s3 =	simm.s32 @!p1 $0xF0  }
0x5c: {  	s0 =	sadd.s32 $0xFFFF5510, s0;
	s25 =	sshll.u32 s3, $0x7  }
0x5d: {  	s26 =	sshll.u32 s0, $0x2;
	s2 =	sand.u32 $0x3FFFFF80, s25  }
0x5e: {  	p1 =	sgt.s32 s0, $0xEF;
	s29 =	ssub.s32 $0x3C0, s26;
	_ =	swait.ge [sflag:s10], s2  }
0x5f: {  	s2 =	ssub.s32 $0x0, s2;
	[sflag:s10] =	ssyncset.done $0x0;
	s0 =	sshrl.u32 s29, $0x2  }
0x60: {  	[sflag:s10] =	ssyncadd.s32 s2;
	s0 =	simm.s32 @p1 $0x0  }
0x61: {  	_ =	swait.ge [sflag:s11], s0  }
0x62: {  	s0 =	ssub.s32 $0x0, s0;
	[sflag:s11] =	ssyncset.done $0x0  }
0x63: {  	[sflag:s11] =	ssyncadd.s32 s0  }
0x64: {  	v1 =	vld [tilespmem:$0xF208];
	_ =	sdelay $0x4  }
0x65: {  	(v2sf) =	vpush v1, $0x0  }
0x66: {  	(v2sf) =	vpush v1, $0x1  }
0x67: {  	(v2sf) =	vpush v1, $0x2;
	_ =	sdelay $0x3  }
0x68: {  	s0 =	sadd.s32 $0xF0, s22  }
0x69: {  	s2 =	ssub.s32 $0x157C0, s22;
	p1 =	slt.s32 s8, s0  }
0x6a: {  	s0 =	smov.u32 @p1 s8;
	p1 =	sgt.s32 s2, $0x0  }
0x6b: {  	s26 =	ssub.s32 s0, s22;
	s2 =	simm.s32 @!p1 $0x0  }
0x6c: {  	p1 =	slt.s32 s2, s26  }
0x6d: {  	s26 =	smov.u32 @p1 s2  }
0x6e: {  	s25 =	simm.s32 $0x1;
	p1 =	slt.s32 s26, $0x1  }
.Ltmp4:
0x6f: {  	s25 =	simm.s32 @!p0 $0x0;
	(pc) =	sbr.rel @p1 .LBB2_8-.Ltmp4, $4  }
0x70: {  	s31 =	smul.u32 $0x3C0, s25  }
0x71: {  	s28 =	spop (v2sf)  }
0x72: {  	s0 =	sshrl.u32 s31, $0x2;
	s30 =	spop (v2sf)  }
0x73: {  	s23 =	sadd.s32 $0x10518, s0;
	s22 =	spop (v2sf)  }
0x74: {  	s0 =	smin.u32 s26, $0x10  }
0x75: {  	v1 =	vmov s0  }
0x76: {  	p2 =	sgt.s32 s26, $0x10;
	vm1 =	vgt.u32 v1, v0  }
.Ltmp5:
0x77: {  	_ = 	snop;
	(pc) =	sbr.rel @!p2 .LBB2_7-.Ltmp5, $2  }
0x78: {  	_ =	sdelay $0x2  }
0x79: {  	s4 =	simm.s32 $0x10;
	s24 =	sadd.s32 $0xFFFFFFF0, s26;
	s0 =	smov.u32 s23;
	vm0 =	vmmov vm1  }
.LBB2_6:
0x7a: {  	s2 =	smin.u32 s24, $0x10;
	s4 =	sadd.s32 $0x10, s4;
	v1 =	vld.msk [tilespmem:s0+$0x0 ss:$0x1], vm1  }
0x7b: {  	v2 =	vmov s2;
	p2 =	slt.s32 s4, s26  }
0x7c: {  	vm1 =	vgt.u32 v2, v0  }
.Ltmp6:
0x7d: {  	(pc) =	sbr.rel @p2 .LBB2_6-.Ltmp6, $3  }
0x7e: {  	_ =	sdelay $0x1  }
0x7f: {  	v1 =	vshll.u32 v1, $0x4  }
0x80: {  	s24 =	sadd.s32 $0xFFFFFFF0, s24;
	[tilespmem:s0+$0x0] =	vst.msk vm0, v1;
	s0 =	sadd.s32 $0x10, s0;
	vm0 =	vmmov vm1  }
.LBB2_7:
0x81: {  	_ =	sdelay $0x4  }
0x82: {  	v1 =	vld.msk [tilespmem:s0+$0x0 ss:$0x1], vm1;
	_ =	sdelay $0x4  }
0x83: {  	v1 =	vshll.u32 v1, $0x4  }
0x84: {  	[tilespmem:s0+$0x0] =	vst.msk vm0, v1  }
.LBB2_8:
0x85: {  	s0 =	sand.u32 $0x1, s21  }
0x86: {  	s0 =	smul.u32 $0xF0, s0  }
0x87: {  	p2 =	sne.s32 s30, $0xFFFFFFFF  }
0x88: {  	v1 =	vld.msk @!p2 [tilespmem:s0+$0x10518], $0x1;
	_ =	sdelay $0x4  }
0x89: {  	(v2sf) =	vpush @!p2 v1, $0x0;
	_ =	sdelay $0xc  }
.Ltmp7:
0x8a: {  	_ = 	snop;
	(pc) =	sbr.rel @p1 .LBB2_19-.Ltmp7, $4  }
0x8b: {  	_ = 	snop  }
0x8c: {  	s29 =	spop @!p2 (v2sf)  }
0x8d: {  	s22 =	simm.s32 @!p2 $0x0;
	s24 =	smov.u32 s29  }
0x8e: {  	[sflag:s18] =	ssyncpa.u1 $0x0;
	s29 =	smov.u32 @p2 s28;
	s24 =	smov.u32 @p2 s30  }
0x8f: {  	v1 =	vld.msk [tilespmem:s23+$0x0], $0x1;
	_ =	sdelay $0x4  }
0x90: {  	(v2sf) =	vpush v1, $0x0;
	_ =	sdelay $0xe  }
0x91: {  	s2 =	smul.u32 $0x1E000, s25;
	s0 =	spop (v2sf)  }
0x92: {  	s26 =	ssub.s32 $0x0, s26;
	p1 =	seq.s32 s29, s0  }
0x93: {  	s30 =	sadd.s32 $0x1, s26;
	s2 =	sshrl.u32 s2, $0x2;
	p2 =	sgt.s32 @!p1 s29, $0x0  }
0x94: {  	s25 =	sor.u32 $0x10738, s2;
	s2 =	smov.u32 s29;
	p2 =	por !p2, p1  }
0x95: {  	s2 =	simm.s32 @p2 $0x0;
	p2 =	seq.s32 s30, $0x0  }
.Ltmp8:
0x96: {  	_ = 	snop;
	(pc) =	sbr.rel @p2 .LBB2_11-.Ltmp8, $4  }
0x97: {  	_ = 	snop  }
0x98: {  	s28 =	simm.s32 $0x0;
	s31 =	sadd.s32 $0x1, s23;
	s2 =	smin.u32 @!p1 s2, $0xABFF0  }
0x99: {  	s4 =	simm.s32 @!p1 $0x1;
	s5 =	simm.s32 @!p1 $0x7988;
	s3 =	sand.u32 @!p1 $0xFFFF8, s2  }
0x9a: {  	s4 =	smov.u32 @p1 s28;
	s2 =	sand.u32 @!p1 $0x7, s2;
	s3 =	sadd.s32 @!p1 s1, s3  }
.LBB2_10:
0x9b: {  	s9 =	smov.u32 s4  }
0x9c: {  	[tilespmem:s5], [sflag:$0x2] =	stream.linear.gather @!p1 [hbm4b:s3+s2], $0x80, $0x38;
	[tilespmem:$0x1F6F8] =	vst v63  }
0x9d: {  	s30 =	sadd.s32 $0x1, s30;
	s2 =	smov.u32 s0;
	v1 =	vld.msk [tilespmem:s31+$0x0], $0x1  }
0x9e: {  	p2 =	seq.s32 s30, $0x0;
	_ =	sdelay $0x3  }
0x9f: {  	(v2sf) =	vpush v1, $0x0;
	_ =	sdelay $0xe  }
0xa0: {  	s0 =	spop (v2sf)  }
0xa1: {  	p1 =	seq.s32 s2, s0  }
0xa2: {  	p3 =	sgt.s32 @!p1 s2, $0x0;
	s3 =	sshll.u32 @!p1 s4, $0x9;
	s4 =	sadd.s32 @!p1 $0x1, s4  }
.Ltmp9:
0xa3: {  	p3 =	por !p3, p1;
	s3 =	sshra.s32 @!p1 s3, $0x2;
	(pc) =	sbr.rel @!p2 .LBB2_10-.Ltmp9, $4  }
0xa4: {  	s4 =	smov.u32 @p1 s9;
	s2 =	simm.s32 @p3 $0x0;
	s5 =	sadd.s32 @!p1 $0x7988, s3  }
0xa5: {  	s2 =	smin.u32 @!p1 s2, $0xABFF0  }
0xa6: {  	s3 =	sand.u32 @!p1 $0xFFFF8, s2;
	s2 =	sand.u32 @!p1 $0x7, s2  }
0xa7: {  	s31 =	sadd.s32 $0x1, s31;
	s3 =	sadd.s32 @!p1 s1, s3  }
.LBB2_11:
0xa8: {  	[tilespmem:s5], [sflag:$0x2] =	stream.linear.gather @!p1 [hbm4b:s3+s2], $0x80, $0x38;
	[tilespmem:$0x1F6F8] =	vst v63  }
.Ltmp10:
0xa9: {  	s0 =	sshll.u32 s4, $0x7;
	(pc) =	sbr.rel .LBB2_12-.Ltmp10, $4  }
0xaa: {  	s30 =	simm.s32 $0x2;
	s0 =	sand.u32 $0x3FFFFF80, s0  }
0xab: {  	_ =	swait.ge [sflag:s30], s0  }
0xac: {  	s0 =	ssub.s32 $0x0, s0;
	[sflag:s30] =	ssyncset.done $0x0  }
0xad: {  	s31 =	simm.s32 $0x0;
	[sflag:s30] =	ssyncadd.s32 s0  }
.LBB2_13:
0xae: {  	v1 =	vld [tilespmem:s25+$0xFFFFFFC0];
	_ =	sdelay $0x3  }
0xaf: {  	s0 =	sshra.s32 s0, $0x2  }
0xb0: {  	[tilespmem:s0+$0x108] =	vst.add.f32.msk $0xffff, v1  }
0xb1: {  	v1 =	vld [tilespmem:s25+$0xFFFFFFD0];
	_ =	sdelay $0x4  }
0xb2: {  	[tilespmem:s0+$0x118] =	vst.add.f32.msk $0xffff, v1  }
0xb3: {  	v1 =	vld [tilespmem:s25+$0xFFFFFFE0];
	_ =	sdelay $0x4  }
0xb4: {  	[tilespmem:s0+$0x128] =	vst.add.f32.msk $0xffff, v1  }
0xb5: {  	v1 =	vld [tilespmem:s25+$0xFFFFFFF0];
	_ =	sdelay $0x4  }
0xb6: {  	[tilespmem:s0+$0x138] =	vst.add.f32.msk $0xffff, v1  }
0xb7: {  	v1 =	vld [tilespmem:s25+$0x0];
	_ =	sdelay $0x4  }
0xb8: {  	[tilespmem:s0+$0x148] =	vst.add.f32.msk $0xffff, v1  }
0xb9: {  	v1 =	vld [tilespmem:s25+$0x10];
	_ =	sdelay $0x4  }
0xba: {  	[tilespmem:s0+$0x158] =	vst.add.f32.msk $0xffff, v1  }
0xbb: {  	v1 =	vld [tilespmem:s25+$0x20];
	_ =	sdelay $0x4  }
0xbc: {  	[tilespmem:s0+$0x168] =	vst.add.f32.msk $0xffff, v1  }
0xbd: {  	v1 =	vld [tilespmem:s25+$0x30];
	_ =	sdelay $0x4  }
0xbe: {  	[tilespmem:s0+$0x178] =	vst.add.f32.msk $0xffff, v1  }
.LBB2_17:
0xbf: {  	s26 =	sadd.s32 $0x1, s26  }
0xc0: {  	p1 =	seq.s32 s26, $0x0  }
.Ltmp11:
0xc1: {  	_ = 	snop;
	(pc) =	sbr.rel @p1 .LBB2_18-.Ltmp11, $2  }
0xc2: {  	_ =	sdelay $0x2  }
0xc3: {  	s23 =	sadd.s32 $0x1, s23;
	s25 =	sadd.s32 $0x80, s25;
	s29 =	smov.u32 s30  }
.LBB2_12:
0xc4: {  	v1 =	vld.msk [tilespmem:s23+$0x0], $0x1;
	_ =	sdelay $0x4  }
0xc5: {  	(v2sf) =	vpush v1, $0x0;
	_ =	sdelay $0xe  }
0xc6: {  	s30 =	spop (v2sf)  }
0xc7: {  	p1 =	sne.s32 s29, s30  }
.Ltmp12:
0xc8: {  	_ = 	snop;
	(pc) =	sbr.rel @!p1 .LBB2_13-.Ltmp12, $2  }
0xc9: {  	_ =	sdelay $0x2  }
0xca: {  	s0 =	sshll.u32 s22, $0x9  }
0xcb: {  	p1 =	seq.s32 s29, s24  }
.Ltmp13:
0xcc: {  	_ = 	snop;
	(pc) =	sbr.rel @!p1 .LBB2_15-.Ltmp13, $1  }
0xcd: {  	_ =	sdelay $0x3  }
0xce: {  	s0 =	sshra.s32 s0, $0x2  }
.Ltmp14:
0xcf: {  	s0 =	sadd.s32 $0x108, s0;
	(pc) =	sbr.rel .LBB2_16-.Ltmp14, $4  }
0xd0: {  	[spmem:s16] =	stream.linear.scatter [tilespmem:s0], [sflag:$0x1], $0x80, $0x38;
	[tilespmem:$0x1F6F8] =	vst v63  }
0xd1: {  	_ =	swait.ge [sflag:s12], $0x80  }
0xd2: {  	[sflag:s12] =	ssyncset.done $0x0  }
0xd3: {  	[sflag:s12] =	ssyncadd.s32 $0xFFFFFF80  }
.LBB2_15:
0xd4: {  	s2 =	sshll.u32 s28, $0x9  }
0xd5: {  	s2 =	sshra.s32 s2, $0x2  }
0xd6: {  	v1 =	vld [tilespmem:s2+$0x7988];
	_ =	sdelay $0x3  }
0xd7: {  	s0 =	sshra.s32 s0, $0x2  }
0xd8: {  	[tilespmem:s0+$0x108] =	vst.add.f32.msk $0xffff, v1  }
0xd9: {  	v1 =	vld [tilespmem:s2+$0x7998];
	_ =	sdelay $0x4  }
0xda: {  	[tilespmem:s0+$0x118] =	vst.add.f32.msk $0xffff, v1  }
0xdb: {  	v1 =	vld [tilespmem:s2+$0x79A8];
	_ =	sdelay $0x4  }
0xdc: {  	[tilespmem:s0+$0x128] =	vst.add.f32.msk $0xffff, v1  }
0xdd: {  	v1 =	vld [tilespmem:s2+$0x79B8];
	_ =	sdelay $0x4  }
0xde: {  	[tilespmem:s0+$0x138] =	vst.add.f32.msk $0xffff, v1  }
0xdf: {  	v1 =	vld [tilespmem:s2+$0x79C8];
	_ =	sdelay $0x4  }
0xe0: {  	[tilespmem:s0+$0x148] =	vst.add.f32.msk $0xffff, v1  }
0xe1: {  	v1 =	vld [tilespmem:s2+$0x79D8];
	_ =	sdelay $0x4  }
0xe2: {  	[tilespmem:s0+$0x158] =	vst.add.f32.msk $0xffff, v1  }
0xe3: {  	v1 =	vld [tilespmem:s2+$0x79E8];
	_ =	sdelay $0x4  }
0xe4: {  	[tilespmem:s0+$0x168] =	vst.add.f32.msk $0xffff, v1  }
0xe5: {  	v1 =	vld [tilespmem:s2+$0x79F8];
	_ =	sdelay $0x2  }
0xe6: {  	p1 =	sgt.u32 s29, $0xABFF0  }
0xe7: {  	s2 =	sand.u32 @!p1 $0xFFFF8, s29  }
0xe8: {  	s3 =	sadd.s32 $0x108, s0;
	[tilespmem:s0+$0x178] =	vst.add.f32.msk $0xffff, v1;
	s0 =	sadd.s32 @!p1 s1, s2;
	s2 =	sand.u32 @!p1 $0x7, s29  }
0xe9: {  	[hbm4b:s0+s2] =	stream.linear.scatter @!p1 [tilespmem:s3], [sflag:$0xC], $0x80, $0x38;
	[tilespmem:$0x1F6F8] =	vst v63  }
0xea: {  	s0 =	simm.s32 $0x0  }
0xeb: {  	s0 =	simm.s32 @!p1 $0x200  }
0xec: {  	s31 =	sadd.s32 s0, s31  }
.LBB2_16:
0xed: {  	s0 =	sadd.s32 $0x1, s22  }
0xee: {  	s2 =	smulhi.u32 $0x88888889, s0;
	_ =	sdelay $0x1  }
0xef: {  	v1 =	vld [tilespmem:s25+$0xFFFFFFC0];
	s2 =	sshrl.u32 s2, $0x7  }
0xf0: {  	s2 =	smul.u32 $0xF0, s2;
	_ =	sdelay $0x1  }
0xf1: {  	s22 =	ssub.s32 s0, s2  }
0xf2: {  	s0 =	sshll.u32 s22, $0x7  }
0xf3: {  	[tilespmem:s0+$0x108] =	vst v1  }
0xf4: {  	v1 =	vld [tilespmem:s25+$0xFFFFFFD0];
	_ =	sdelay $0x4  }
0xf5: {  	[tilespmem:s0+$0x118] =	vst v1  }
0xf6: {  	v1 =	vld [tilespmem:s25+$0xFFFFFFE0];
	_ =	sdelay $0x4  }
0xf7: {  	[tilespmem:s0+$0x128] =	vst v1  }
0xf8: {  	v1 =	vld [tilespmem:s25+$0xFFFFFFF0];
	_ =	sdelay $0x4  }
0xf9: {  	[tilespmem:s0+$0x138] =	vst v1  }
0xfa: {  	v1 =	vld [tilespmem:s25+$0x0];
	_ =	sdelay $0x4  }
0xfb: {  	[tilespmem:s0+$0x148] =	vst v1  }
0xfc: {  	v1 =	vld [tilespmem:s25+$0x10];
	_ =	sdelay $0x4  }
0xfd: {  	[tilespmem:s0+$0x158] =	vst v1  }
0xfe: {  	v1 =	vld [tilespmem:s25+$0x20];
	_ =	sdelay $0x4  }
0xff: {  	[tilespmem:s0+$0x168] =	vst v1  }
0x100: {  	v1 =	vld [tilespmem:s25+$0x30]  }
.Ltmp15:
0x101: {  	_ = 	snop;
	(pc) =	sbr.rel .LBB2_17-.Ltmp15, $2  }
0x102: {  	_ =	sdelay $0x2  }
0x103: {  	s28 =	sadd.s32 $0x1, s28;
	[tilespmem:s0+$0x178] =	vst v1  }
.LBB2_19:
.Ltmp16:
0x104: {  	(pc) =	sbr.rel .LBB2_20-.Ltmp16, $4  }
0x105: {  	_ = 	snop  }
0x106: {  	s0 =	simm.s32 $0x2  }
0x107: {  	_ =	swait.ge [sflag:s0], $0x0  }
0x108: {  	s30 =	smov.u32 s29;
	[sflag:s0] =	ssyncset.done $0x0;
	s0 =	simm.s32 $0x0  }
.LBB2_22:
0x109: {  	_ =	sfence.sel $0x180000  }
0x10a: {  	s0 =	simm.s32 $0x9;
	[bflag:$0x0] =	sbarrier.arrive $0xFFFF  }
0x10b: {  	s24 =	simm.s32 $0xA;
	[sflag:s0] =	ssyncpa.u1 $0x1  }
0x10c: {  	s25 =	simm.s32 $0xB;
	[sflag:s24] =	ssyncpa.u1 $0x1  }
0x10d: {  	s26 =	simm.s32 $0x2;
	[sflag:s25] =	ssyncpa.u1 $0x1  }
0x10e: {  	[sflag:s26] =	ssyncpa.u1 $0x1  }
0x10f: {  	v0 =	vld [tilespmem:$0xF208];
	_ =	sdelay $0x4  }
0x110: {  	(v2sf) =	vpush v0, $0x0  }
0x111: {  	(v2sf) =	vpush v0, $0x1;
	_ =	sdelay $0x1  }
0x112: {  	(v2sf) =	vpush v0, $0x2;
	_ =	sdelay $0xb  }
0x113: {  	s0 =	spop (v2sf)  }
0x114: {  	s2 =	spop (v2sf)  }
0x115: {  	s3 =	smov.u32 s0;
	p0 =	sne.s32 s0, s2  }
0x116: {  	s4 =	spop (v2sf);
	s3 =	simm.s32 @!p0 $0xFFFFFFFF  }
0x117: {  	v2 =	vimm.s32 $0x1;
	v3 =	vlaneseq.u32;
	p0 =	seq.s32 s4, $0xFFFFFFFF;
	v1 =	vmov s3  }
0x118: {  	s16 =	stileid.u32;
	v0 =	vperm.xlane v0, v2;
	p1 =	sne.s32 @!p0 s0, s2;
	v1 =	vperm.xlane v1, v3  }
0x119: {  	vm0 =	vcmask $0x3F04;
	s6 =	simm.s32 $0xF208;
	s0 =	simm.s32 @!p0 $0x1;
	p1 =	por !p1, p0  }
0x11a: {  	s3 =	sshll.u32 s16, $0x1;
	s2 =	sshll.u32 @!p0 s4, $0x9;
	s0 =	simm.s32 @p1 $0x0;
	v0 =	vsel vm0, v1, v0  }
0x11b: {  	s5 =	sor.u32 $0x1000, s3;
	s2 =	sshra.s32 @!p0 s2, $0x2;
	s0 =	sor.u32 @!p0 s0, s3;
	[tilespmem:$0xF208] =	vst v0  }
0x11c: {  	[spmem:s5] =	stream.linear.scatter [tilespmem:s6], [sflag:$0x1], $0x2, $0x38;
	[tilespmem:$0x1F6F8] =	vst v63  }
0x11d: {  	s2 =	sadd.s32 @!p0 $0x108, s2;
	s0 =	sshll.u32 @!p0 s0, $0x7  }
0x11e: {  	[spmem:s0] =	stream.linear.scatter @!p0 [tilespmem:s2], [sflag:$0x1], $0x80, $0x38;
	[tilespmem:$0x1F6F8] =	vst v63  }
0x11f: {  	s0 =	simm.s32 @!p0 $0x82  }
0x120: {  	s28 =	simm.s32 $0x1;
	s0 =	simm.s32 @p0 $0x2  }
0x121: {  	_ =	swait.ge [sflag:s28], s0  }
0x122: {  	s0 =	ssub.s32 $0x0, s0;
	[sflag:s28] =	ssyncset.done $0x0  }
0x123: {  	p0 =	sne.s32 s16, $0x0;
	[sflag:s28] =	ssyncadd.s32 s0  }
.Ltmp17:
0x124: {  	_ =	sfence.stream.spmem;
	(pc) =	sbr.rel @p0 .LBB2_39-.Ltmp17, $4  }
0x125: {  	s29 =	simm.s32 $0x3;
	[bflag:$0x0] =	sbarrier.arrive $0xFFFF  }
0x126: {  	s30 =	simm.s32 $0x4;
	[sflag:s29] =	ssyncpa.u1 $0x1  }
0x127: {  	s31 =	simm.s32 $0x3C;
	[sflag:s30] =	ssyncpa.u1 $0x1  }
0x128: {  	s15 =	rddreg [dreg:$0x4];
	[sflag:s31] =	ssyncpa.u1 $0x1  }
0x129: {  	_ =	sfence.stream.spmem;
	s0 =	simm.s32 $0x5  }
0x12a: {  	s2 =	simm.s32 $0x1000;
	s3 =	simm.s32 $0xF218;
	[sflag:s0] =	ssyncpa.u1 $0x0  }
0x12b: {  	[tilespmem:s3], [sflag:$0x5] =	stream.linear.gather [spmem:s2], $0x20, $0x38;
	[tilespmem:$0x1F6F8] =	vst v63  }
0x12c: {  	s26 =	simm.s32 $0x0;
	s28 =	simm.s32 $0xF238  }
0x12d: {  	[tilespmem:s28], [sflag:$0x5] =	stream.linear.gather [spmem:s26], $0x1000, $0x38;
	[tilespmem:$0x1F6F8] =	vst v63  }
0x12e: {  	_ =	swait.ge [sflag:s0], $0x1020  }
0x12f: {  	[sflag:s0] =	ssyncset.done $0x0  }
0x130: {  	s29 =	simm.s32 $0x0;
	[sflag:s0] =	ssyncadd.s32 $0xFFFFEFE0  }
0x131: {  	v0 =	vld.msk [tilespmem:s29+$0xF218], $0x1;
	_ =	sdelay $0x1  }
0x132: {  	s30 =	simm.s32 $0x1  }
0x133: {  	v1 =	vld.msk [tilespmem:s30+$0xF218], $0x1;
	_ =	sdelay $0x1  }
0x134: {  	(v2sf) =	vpush v0, $0x0;
	_ =	sdelay $0x2  }
0x135: {  	(v2sf) =	vpush v1, $0x0;
	_ =	sdelay $0x2  }
0x136: {  	s31 =	simm.s32 $0x2  }
0x137: {  	v0 =	vld.msk [tilespmem:s31+$0xF218], $0x1;
	_ =	sdelay $0x2  }
0x138: {  	s4 =	simm.s32 $0xFFFFFFFF;
	s5 =	simm.s32 $0xFFFFFFFF;
	s0 =	simm.s32 $0xC  }
.LBB2_24:
0x139: {  	s2 =	smov.u32 s5;
	s3 =	smov.u32 s4  }
0x13a: {  	s4 =	sshra.s32 s0, $0x2;
	p1 =	sne.s32 s0, $0x7C;
	s0 =	sadd.s32 $0x4, s0;
	(v2sf) =	vpush v0, $0x0  }
0x13b: {  	v0 =	vld.msk [tilespmem:s4+$0xF218], $0x1  }
.Ltmp18:
0x13c: {  	(pc) =	sbr.rel @p1 .LBB2_24-.Ltmp18, $4  }
0x13d: {  	s5 =	spop (v2sf)  }
0x13e: {  	p2 =	sne.s32 s3, $0xFFFFFFFF;
	s4 =	smov.u32 s5  }
0x13f: {  	p3 =	seq.s32 s5, $0xFFFFFFFF;
	s4 =	smov.u32 @p2 s3  }
0x140: {  	s5 =	smov.u32 @p3 s2;
	s4 =	smov.u32 @p3 s3  }
0x141: {  	(v2sf) =	vpush v0, $0x0;
	_ =	sdelay $0x8  }
0x142: {  	s0 =	spop (v2sf)  }
0x143: {  	p1 =	sne.s32 s4, $0xFFFFFFFF;
	s2 =	smov.u32 s0  }
0x144: {  	s9 =	simm.s32 $0x6;
	p2 =	seq.s32 s0, $0xFFFFFFFF;
	s2 =	smov.u32 @p1 s4  }
0x145: {  	s6 =	simm.s32 $0x0;
	s2 =	smov.u32 @p2 s4;
	s3 =	spop (v2sf)  }
0x146: {  	s0 =	smov.u32 @p2 s5;
	p1 =	sne.s32 s2, $0xFFFFFFFF;
	s4 =	smov.u32 s3  }
.Ltmp19:
0x147: {  	p2 =	seq.s32 s3, $0xFFFFFFFF;
	s4 =	smov.u32 @p1 s2;
	(pc) =	sbr.rel .LBB2_26-.Ltmp19, $4  }
0x148: {  	s10 =	simm.s32 $0xF188;
	s4 =	smov.u32 @p2 s2;
	s7 =	spop (v2sf)  }
0x149: {  	s11 =	simm.s32 $0x0;
	p1 =	sne.s32 s4, $0xFFFFFFFF;
	s8 =	smov.u32 s7  }
0x14a: {  	s3 =	smov.u32 @p2 s0;
	p2 =	seq.s32 s7, $0xFFFFFFFF;
	s8 =	smov.u32 @p1 s4  }
0x14b: {  	[sflag:s9] =	ssyncpa.u1 $0x0;
	s7 =	smov.u32 @p2 s3;
	s8 =	smov.u32 @p2 s4  }
.LBB2_32:
0x14c: {  	p1 =	sgt.u32 s12, $0xABFF0  }
0x14d: {  	p2 =	seq.s32 @!p1 s12, s8  }
0x14e: {  	p1 =	por p1, p2  }
0x14f: {  	p2 =	sne.s32 @!p1 s12, s7  }
0x150: {  	p1 =	por p1, !p2  }
0x151: {  	s0 =	sshll.u32 @p1 s11, $0x9  }
0x152: {  	s0 =	sand.u32 @!p1 $0xFFFF8, s12  }
0x153: {  	s2 =	sand.u32 @!p1 $0x7, s12;
	s0 =	sadd.s32 @!p1 s1, s0  }
0x154: {  	[tilespmem:s10], [sflag:$0x6] =	stream.linear.gather @!p1 [hbm4b:s0+s2], $0x80, $0x38;
	[tilespmem:$0x1F6F8] =	vst v63  }
0x155: {  	_ =	swait.ge @!p1 [sflag:s9], $0x80  }
0x156: {  	[sflag:s9] =	ssyncset.done @!p1 $0x0  }
0x157: {  	[sflag:s9] =	ssyncadd.s32 @!p1 $0xFFFFFF80  }
0x158: {  	v1 =	vld @!p1 [tilespmem:$0xF188];
	_ =	sdelay $0x2  }
0x159: {  	s0 =	sshll.u32 @!p1 s11, $0x9  }
0x15a: {  	s2 =	sshrl.u32 @!p1 s0, $0x2  }
0x15b: {  	[tilespmem:s2+$0xF238] =	vst.add.f32.msk @!p1 $0xffff, v1  }
0x15c: {  	v1 =	vld @!p1 [tilespmem:$0xF198];
	_ =	sdelay $0x4  }
0x15d: {  	[tilespmem:s2+$0xF248] =	vst.add.f32.msk @!p1 $0xffff, v1  }
0x15e: {  	v1 =	vld @!p1 [tilespmem:$0xF1A8];
	_ =	sdelay $0x4  }
0x15f: {  	[tilespmem:s2+$0xF258] =	vst.add.f32.msk @!p1 $0xffff, v1  }
0x160: {  	v1 =	vld @!p1 [tilespmem:$0xF1B8];
	_ =	sdelay $0x4  }
0x161: {  	[tilespmem:s2+$0xF268] =	vst.add.f32.msk @!p1 $0xffff, v1  }
0x162: {  	v1 =	vld @!p1 [tilespmem:$0xF1C8];
	_ =	sdelay $0x4  }
0x163: {  	[tilespmem:s2+$0xF278] =	vst.add.f32.msk @!p1 $0xffff, v1  }
0x164: {  	v1 =	vld @!p1 [tilespmem:$0xF1D8];
	_ =	sdelay $0x4  }
0x165: {  	[tilespmem:s2+$0xF288] =	vst.add.f32.msk @!p1 $0xffff, v1  }
0x166: {  	v1 =	vld @!p1 [tilespmem:$0xF1E8];
	_ =	sdelay $0x4  }
0x167: {  	[tilespmem:s2+$0xF298] =	vst.add.f32.msk @!p1 $0xffff, v1  }
0x168: {  	v1 =	vld @!p1 [tilespmem:$0xF1F8];
	_ =	sdelay $0x4  }
0x169: {  	[tilespmem:s2+$0xF2A8] =	vst.add.f32.msk @!p1 $0xffff, v1  }
0x16a: {  	s0 =	sshrl.u32 s0, $0x2;
	[tilespmem:s6+$0xF218] =	vst.msk $0x1, v0  }
0x16b: {  	v0 =	vld [tilespmem:s0+$0xF238];
	_ =	sdelay $0x2  }
0x16c: {  	s31 =	sshll.u32 s6, $0x9  }
0x16d: {  	s2 =	sshra.s32 s31, $0x2  }
0x16e: {  	[tilespmem:s2+$0xF238] =	vst v0  }
0x16f: {  	v0 =	vld [tilespmem:s0+$0xF248];
	_ =	sdelay $0x4  }
0x170: {  	[tilespmem:s2+$0xF248] =	vst v0  }
0x171: {  	v0 =	vld [tilespmem:s0+$0xF258];
	_ =	sdelay $0x4  }
0x172: {  	[tilespmem:s2+$0xF258] =	vst v0  }
0x173: {  	v0 =	vld [tilespmem:s0+$0xF268];
	_ =	sdelay $0x4  }
0x174: {  	[tilespmem:s2+$0xF268] =	vst v0  }
0x175: {  	v0 =	vld [tilespmem:s0+$0xF278];
	_ =	sdelay $0x4  }
0x176: {  	[tilespmem:s2+$0xF278] =	vst v0  }
0x177: {  	v0 =	vld [tilespmem:s0+$0xF288];
	_ =	sdelay $0x4  }
0x178: {  	[tilespmem:s2+$0xF288] =	vst v0  }
0x179: {  	v0 =	vld [tilespmem:s0+$0xF298];
	_ =	sdelay $0x4  }
0x17a: {  	[tilespmem:s2+$0xF298] =	vst v0  }
0x17b: {  	v0 =	vld [tilespmem:s0+$0xF2A8];
	_ =	sdelay $0x4  }
0x17c: {  	s6 =	sadd.s32 $0x1, s6;
	[tilespmem:s2+$0xF2A8] =	vst v0  }
.LBB2_33:
0x17d: {  	s11 =	sadd.s32 $0x1, s11  }
0x17e: {  	p1 =	sne.s32 s11, $0x20  }
.Ltmp20:
0x17f: {  	_ = 	snop;
	(pc) =	sbr.rel @!p1 .LBB2_34-.Ltmp20, $1  }
0x180: {  	_ =	sdelay $0x3  }
.LBB2_26:
0x181: {  	v0 =	vld.msk [tilespmem:s11+$0xF218], $0x1;
	_ =	sdelay $0x4  }
0x182: {  	(v2sf) =	vpush v0, $0x0;
	_ =	sdelay $0xe  }
0x183: {  	s12 =	spop (v2sf)  }
0x184: {  	p1 =	seq.s32 s12, $0xFFFFFFFF  }
.Ltmp21:
0x185: {  	_ = 	snop;
	(pc) =	sbr.rel @p1 .LBB2_33-.Ltmp21, $1  }
0x186: {  	_ =	sdelay $0x3  }
0x187: {  	p1 =	slt.s32 s6, $0x1  }
.Ltmp22:
0x188: {  	_ = 	snop;
	(pc) =	sbr.rel @p1 .LBB2_32-.Ltmp22, $1  }
0x189: {  	_ =	sdelay $0x3  }
0x18a: {  	s13 =	simm.s32 $0xF218;
	p1 =	por $0x0, $0x0  }
0x18b: {  	v1 =	vld.msk @!p1 [tilespmem:s13+$0x0], $0x1;
	_ =	sdelay $0x4  }
0x18c: {  	(v2sf) =	vpush @!p1 v1, $0x0;
	_ =	sdelay $0xd  }
0x18d: {  	p3 =	sne.s32 s6, $0x1  }
.Ltmp23:
0x18e: {  	s0 =	spop @!p1 (v2sf);
	(pc) =	sbr.rel @!p3 .LBB2_30-.Ltmp23, $4  }
0x18f: {  	p2 =	seq.s32 @!p1 s12, s0  }
0x190: {  	s14 =	simm.s32 $0x0;
	p2 =	por !p2, p1  }
0x191: {  	s2 =	simm.s32 $0xFFFFFFFF;
	s14 =	simm.s32 @p2 $0xFFFFFFFF  }
0x192: {  	s0 =	simm.s32 $0x1;
	s14 =	smov.u32 @p1 s2  }
.LBB2_29:
0x193: {  	s2 =	smov.u32 s14;
	p1 =	sne.s32 s14, $0xFFFFFFFF  }
0x194: {  	s13 =	sadd.s32 $0x1, s13;
	s14 =	smov.u32 s0;
	s0 =	sadd.s32 $0x1, s0  }
0x195: {  	p2 =	sne.s32 s6, s0;
	v1 =	vld.msk @!p1 [tilespmem:s13+$0x0], $0x1;
	_ =	sdelay $0x4  }
0x196: {  	(v2sf) =	vpush @!p1 v1, $0x0;
	_ =	sdelay $0xe  }
.Ltmp24:
0x197: {  	s3 =	spop @!p1 (v2sf);
	(pc) =	sbr.rel @p2 .LBB2_29-.Ltmp24, $4  }
0x198: {  	p3 =	seq.s32 @!p1 s12, s3  }
0x199: {  	p3 =	por !p3, p1  }
0x19a: {  	s14 =	simm.s32 @p3 $0xFFFFFFFF  }
0x19b: {  	s14 =	smov.u32 @p1 s2  }
.LBB2_30:
0x19c: {  	p1 =	seq.s32 s14, $0xFFFFFFFF  }
.Ltmp25:
0x19d: {  	_ = 	snop;
	(pc) =	sbr.rel @p1 .LBB2_32-.Ltmp25, $1  }
0x19e: {  	_ =	sdelay $0x3  }
0x19f: {  	s0 =	sshll.u32 s11, $0x7  }
0x1a0: {  	s0 =	sand.u32 $0x3FFFFF80, s0  }
0x1a1: {  	v0 =	vld [tilespmem:s0+$0xF238];
	_ =	sdelay $0x2  }
0x1a2: {  	s2 =	sshll.u32 s14, $0x9  }
0x1a3: {  	s2 =	sshra.s32 s2, $0x2  }
0x1a4: {  	[tilespmem:s2+$0xF238] =	vst.add.f32.msk $0xffff, v0  }
0x1a5: {  	v0 =	vld [tilespmem:s0+$0xF248];
	_ =	sdelay $0x4  }
0x1a6: {  	[tilespmem:s2+$0xF248] =	vst.add.f32.msk $0xffff, v0  }
0x1a7: {  	v0 =	vld [tilespmem:s0+$0xF258];
	_ =	sdelay $0x4  }
0x1a8: {  	[tilespmem:s2+$0xF258] =	vst.add.f32.msk $0xffff, v0  }
0x1a9: {  	v0 =	vld [tilespmem:s0+$0xF268];
	_ =	sdelay $0x4  }
0x1aa: {  	[tilespmem:s2+$0xF268] =	vst.add.f32.msk $0xffff, v0  }
0x1ab: {  	v0 =	vld [tilespmem:s0+$0xF278];
	_ =	sdelay $0x4  }
0x1ac: {  	[tilespmem:s2+$0xF278] =	vst.add.f32.msk $0xffff, v0  }
0x1ad: {  	v0 =	vld [tilespmem:s0+$0xF288];
	_ =	sdelay $0x4  }
0x1ae: {  	[tilespmem:s2+$0xF288] =	vst.add.f32.msk $0xffff, v0  }
0x1af: {  	v0 =	vld [tilespmem:s0+$0xF298];
	_ =	sdelay $0x4  }
0x1b0: {  	[tilespmem:s2+$0xF298] =	vst.add.f32.msk $0xffff, v0  }
0x1b1: {  	v0 =	vld [tilespmem:s0+$0xF2A8]  }
.Ltmp26:
0x1b2: {  	_ = 	snop;
	(pc) =	sbr.rel .LBB2_33-.Ltmp26, $2  }
0x1b3: {  	_ =	sdelay $0x2  }
0x1b4: {  	[tilespmem:s2+$0xF2A8] =	vst.add.f32.msk $0xffff, v0  }
.LBB2_34:
0x1b5: {  	s0 =	simm.s32 $0x6;
	p1 =	seq.s32 s6, $0x0  }
0x1b6: {  	[sflag:s0] =	ssyncpa.u1 $0x1;
	v0 =	vimm.s32 @p1 $0xFFFFFFFF  }
0x1b7: {  	s9 =	sadd.s32 $0xFFFFFFFF, s6;
	[tilespmem:$0x10238] =	vst @p1 v0  }
0x1b8: {  	v0 =	vld.msk @!p1 [tilespmem:s9+$0xF218], $0x1;
	_ =	sdelay $0x1  }
0x1b9: {  	v1 =	vld.msk @!p1 [tilespmem:$0xF218], $0x1;
	_ =	sdelay $0x2  }
0x1ba: {  	p2 =	seq.s32 @!p1 s9, $0x0;
	v0 =	vbroadcast @!p1 v0, $0x0  }
0x1bb: {  	vm0 =	vmmov @!p1 $0x1;
	p2 =	por !p2, p1  }
0x1bc: {  	v1 =	vnsel @!p1 vm0, $0xFFFFFFFF, v1;
	vm0 =	vcmask @!p1 $0x308;
	v0 =	vpsel !p2, $0xFFFFFFFF, v0  }
0x1bd: {  	p2 =	sne.s32 @!p1 s8, s7;
	v0 =	vsel @!p1 vm0, v1, v0  }
0x1be: {  	s0 =	simm.s32 @!p1 $0xF238;
	s2 =	simm.s32 @!p1 $0x0;
	p3 =	por !p2, p1;
	[tilespmem:$0x10238] =	vst @!p1 v0  }
0x1bf: {  	[spmem:s2] =	stream.linear.scatter @!p1 [tilespmem:s0], [sflag:$0x1], $0x80, $0x38;
	[tilespmem:$0x1F6F8] =	vst v63  }
0x1c0: {  	s0 =	sshll.u32 @!p3 s9, $0x9  }
0x1c1: {  	s0 =	sshra.s32 @!p3 s0, $0x2  }
0x1c2: {  	s2 =	simm.s32 @!p3 $0x80;
	s0 =	sadd.s32 @!p3 $0xF238, s0  }
0x1c3: {  	[spmem:s2] =	stream.linear.scatter @!p3 [tilespmem:s0], [sflag:$0x1], $0x80, $0x38;
	[tilespmem:$0x1F6F8] =	vst v63  }
0x1c4: {  	s0 =	simm.s32 @!p3 $0x1  }
0x1c5: {  	_ =	swait.ge @!p3 [sflag:s0], $0x100  }
0x1c6: {  	p1 =	por p2, p1;
	[sflag:s0] =	ssyncset.done @!p3 $0x0  }
0x1c7: {  	[sflag:s0] =	ssyncadd.s32 @!p3 $0xFFFFFF00;
	s0 =	simm.s32 @!p1 $0x1  }
0x1c8: {  	_ =	swait.ge @!p1 [sflag:s0], $0x80  }
0x1c9: {  	s29 =	simm.s32 $0x10238;
	[sflag:s0] =	ssyncset.done @!p1 $0x0  }
0x1ca: {  	s30 =	simm.s32 $0x1000;
	s31 =	simm.s32 $0x1;
	[sflag:s0] =	ssyncadd.s32 @!p1 $0xFFFFFF80  }
0x1cb: {  	[spmem:s30] =	stream.linear.scatter [tilespmem:s29], [sflag:$0x1], $0x10, $0x38;
	[tilespmem:$0x1F6F8] =	vst v63  }
0x1cc: {  	_ =	swait.ge [sflag:s31], $0x10  }
0x1cd: {  	[sflag:s31] =	ssyncset.done $0x0  }
0x1ce: {  	p1 =	seq.s32 s15, $0x0;
	s8 =	rddreg [dreg:$0x1];
	[sflag:s31] =	ssyncadd.s32 $0xFFFFFFF0  }
0x1cf: {  	s2 =	sshll.u32 @p1 s8, $0xE;
	s7 =	rddreg [dreg:$0x2]  }
0x1d0: {  	s0 =	sadd.s32 @p1 $0x15C3C, s2;
	s2 =	sshll.u32 @p1 s7, $0x11  }
0x1d1: {  	_ =	sfence.stream.spmem;
	s0 =	sor.u32 @p1 s2, s0  }
0x1d2: {  	[sflag:s0] =	ssyncadd.remote.s32 @p1 $0x1;
	s0 =	simm.s32 @p1 $0x4  }
0x1d3: {  	s3 =	simm.s32 @!p1 $0x3C;
	s2 =	sand.u32 $0xFFFFFFFE, s8;
	_ =	swait.ge @p1 [sflag:s0], $0x22  }
0x1d4: {  	s4 =	simm.s32 @!p1 $0x0;
	s2 =	sadd.s32 @!p1 $0x4, s2;
	[sflag:s0] =	ssyncset.done @p1 $0x0  }
0x1d5: {  	s5 =	simm.s32 @!p1 $0x100;
	[sflag:s0] =	ssyncadd.s32 @p1 $0xFFFFFFDE;
	s0 =	sshll.u32 @!p1 s2, $0x1A  }
0x1d6: {  	s2 =	sshll.u32 @!p1 s2, $0xD;
	s0 =	sor.u32 @!p1 s0, s7;
	_ =	swait.eq @!p1 [sflag:s3], $0x1  }
0x1d7: {  	s2 =	sor.u32 @!p1 $0x1C04, s2;
	s3 =	simm.s32 @!p1 $0x1C03;
	s0 =	sor.u32 @!p1 $0x80004000, s0  }
0x1d8: {  	[spmem:s5], [sflag:s2] =	dma.general @!p1 [spmem:s4], [sflag:s3], length:$0x20, [dreg:$0x0], stride_count:$0x0, ici_dest:s0, dma_misc:DstOpCode:WRITE  }
0x1d9: {  	p2 =	slt.s32 s9, $0x2;
	s4 =	simm.s32 @!p1 $0x200;
	s5 =	simm.s32 @!p1 $0x202  }
0x1da: {  	[spmem:s5], [sflag:s2] =	dma.general @!p1 [spmem:s4], [sflag:s3], length:$0x2, [dreg:$0x0], stride_count:$0x0, ici_dest:s0, dma_misc:DstOpCode:WRITE  }
.Ltmp27:
0x1db: {  	s0 =	simm.s32 @!p1 $0x3;
	(pc) =	sbr.rel @p2 .LBB2_38-.Ltmp27, $4  }
0x1dc: {  	s2 =	sshll.u32 @!p1 s8, $0xE;
	_ =	swait.ge @!p1 [sflag:s0], $0x22  }
0x1dd: {  	s3 =	sshll.u32 @!p1 s7, $0x11;
	s2 =	sadd.s32 @!p1 $0x11C3C, s2;
	[sflag:s0] =	ssyncset.done @!p1 $0x0  }
0x1de: {  	[sflag:s0] =	ssyncadd.s32 @!p1 $0xFFFFFFDE;
	s0 =	sor.u32 @!p1 s3, s2  }
0x1df: {  	[sflag:s0] =	ssyncadd.remote.s32 @!p1 $0xFFFFFFFF;
	s0 =	simm.s32 $0x0  }
0x1e0: {  	s0 =	simm.s32 $0xF219  }
0x1e1: {  	v0 =	vld.msk [tilespmem:s0+$0x0], $0x1;
	_ =	sdelay $0x4  }
0x1e2: {  	(v2sf) =	vpush v0, $0x0;
	_ =	sdelay $0xb  }
0x1e3: {  	s31 =	sadd.s32 $0xFFFFFFFE, s6  }
0x1e4: {  	s0 =	sadd.s32 $0xFFFFFFFF, s31  }
0x1e5: {  	p2 =	sne.s32 s0, $0x0  }
.Ltmp28:
0x1e6: {  	s2 =	spop (v2sf);
	(pc) =	sbr.rel @!p2 .LBB2_37-.Ltmp28, $4  }
0x1e7: {  	s4 =	simm.s32 $0xF2B8;
	s7 =	simm.s32 $0x0;
	p1 =	sgt.u32 s2, $0xABFF0  }
0x1e8: {  	s5 =	simm.s32 $0x0;
	s6 =	simm.s32 $0xF21A;
	s3 =	sand.u32 @!p1 $0xFFFF8, s2  }
0x1e9: {  	s2 =	sand.u32 @!p1 $0x7, s2;
	s7 =	simm.s32 @!p1 $0x200;
	s3 =	sadd.s32 @!p1 s1, s3  }
0x1ea: {  	[hbm4b:s3+s2] =	stream.linear.scatter @!p1 [tilespmem:s4], [sflag:$0x5], $0x80, $0x38;
	[tilespmem:$0x1F6F8] =	vst v63  }
.LBB2_36:
0x1eb: {  	v0 =	vld.msk [tilespmem:s6+$0x0], $0x1;
	s0 =	sadd.s32 $0xFFFFFFFF, s0;
	s5 =	sadd.s32 s5, s7  }
0x1ec: {  	p1 =	sne.s32 s0, $0x0;
	_ =	sdelay $0x3  }
0x1ed: {  	(v2sf) =	vpush v0, $0x0;
	_ =	sdelay $0xe  }
.Ltmp29:
0x1ee: {  	s2 =	spop (v2sf);
	(pc) =	sbr.rel @p1 .LBB2_36-.Ltmp29, $4  }
0x1ef: {  	s7 =	simm.s32 $0x0;
	p2 =	sgt.u32 s2, $0xABFF0  }
0x1f0: {  	s4 =	sadd.s32 $0x80, s4;
	s7 =	simm.s32 @!p2 $0x200;
	s3 =	sand.u32 @!p2 $0xFFFF8, s2  }
0x1f1: {  	s6 =	sadd.s32 $0x1, s6;
	s2 =	sand.u32 @!p2 $0x7, s2;
	s3 =	sadd.s32 @!p2 s1, s3  }
0x1f2: {  	[hbm4b:s3+s2] =	stream.linear.scatter @!p2 [tilespmem:s4], [sflag:$0x5], $0x80, $0x38;
	[tilespmem:$0x1F6F8] =	vst v63  }
.LBB2_37:
0x1f3: {  	s0 =	sadd.s32 s5, s7  }
0x1f4: {  	s0 =	sshrl.u32 s0, $0x2  }
.LBB2_38:
0x1f5: {  	s2 =	simm.s32 $0x5  }
0x1f6: {  	_ =	swait.ge [sflag:s2], s0  }
0x1f7: {  	s31 =	ssub.s32 $0x0, s0;
	[sflag:s2] =	ssyncset.done $0x0  }
0x1f8: {  	[sflag:s2] =	ssyncadd.s32 s31  }
0x1f9: {  	[sflag:s2] =	ssyncpa.u1 $0x1  }
.LBB2_39:
0x1fa: {  	s0 =	sor.u32 s15, s16  }
0x1fb: {  	p1 =	sne.s32 s0, $0x0  }
.Ltmp30:
0x1fc: {  	_ = 	snop;
	(pc) =	sbr.rel @p1 .LBB2_54-.Ltmp30, $3  }
0x1fd: {  	_ =	sdelay $0x1  }
0x1fe: {  	[bflag:$0x0] =	sbarrier.arrive $0xFFFF  }
0x1ff: {  	_ =	sfence  }
0x200: {  	s0 =	simm.s32 $0x7  }
0x201: {  	s2 =	simm.s32 $0x1000;
	s3 =	simm.s32 $0xF218;
	[sflag:s0] =	ssyncpa.u1 $0x0  }
0x202: {  	[tilespmem:s3], [sflag:$0x7] =	stream.linear.gather [spmem:s2], $0x20, $0x38;
	[tilespmem:$0x1F6F8] =	vst v63  }
0x203: {  	s30 =	simm.s32 $0xF238;
	s2 =	simm.s32 $0x0  }
0x204: {  	[tilespmem:s30], [sflag:$0x7] =	stream.linear.gather [spmem:s2], $0x1000, $0x38;
	[tilespmem:$0x1F6F8] =	vst v63  }
.Ltmp31:
0x205: {  	_ = 	snop;
	(pc) =	sbr.rel .LBB2_41-.Ltmp31, $4  }
0x206: {  	_ =	swait.ge [sflag:s0], $0x1020  }
0x207: {  	[sflag:s0] =	ssyncset.done $0x0  }
0x208: {  	s31 =	simm.s32 $0x8;
	[sflag:s0] =	ssyncadd.s32 $0xFFFFEFE0  }
0x209: {  	s3 =	simm.s32 $0x0;
	[sflag:s31] =	ssyncpa.u1 $0x0  }
.LBB2_47:
0x20a: {  	p1 =	slt.u32 s4, $0xABFF1  }
0x20b: {  	s0 =	sand.u32 @p1 $0xFFFF8, s4  }
0x20c: {  	s4 =	sand.u32 @p1 $0x7, s4;
	s5 =	simm.s32 @p1 $0xF188;
	s0 =	sadd.s32 @p1 s1, s0  }
0x20d: {  	[tilespmem:s5], [sflag:$0x8] =	stream.linear.gather @p1 [hbm4b:s0+s4], $0x80, $0x38;
	[tilespmem:$0x1F6F8] =	vst v63  }
0x20e: {  	s0 =	simm.s32 @p1 $0x8  }
0x20f: {  	_ =	swait.ge @p1 [sflag:s0], $0x80  }
0x210: {  	[sflag:s0] =	ssyncset.done @p1 $0x0  }
0x211: {  	[sflag:s0] =	ssyncadd.s32 @p1 $0xFFFFFF80  }
0x212: {  	v1 =	vld @p1 [tilespmem:$0xF188];
	_ =	sdelay $0x2  }
0x213: {  	s0 =	sshll.u32 @p1 s3, $0x9  }
0x214: {  	s4 =	sshrl.u32 @p1 s0, $0x2  }
0x215: {  	[tilespmem:s4+$0xF238] =	vst.add.f32.msk @p1 $0xffff, v1  }
0x216: {  	v1 =	vld @p1 [tilespmem:$0xF198];
	_ =	sdelay $0x4  }
0x217: {  	[tilespmem:s4+$0xF248] =	vst.add.f32.msk @p1 $0xffff, v1  }
0x218: {  	v1 =	vld @p1 [tilespmem:$0xF1A8];
	_ =	sdelay $0x4  }
0x219: {  	[tilespmem:s4+$0xF258] =	vst.add.f32.msk @p1 $0xffff, v1  }
0x21a: {  	v1 =	vld @p1 [tilespmem:$0xF1B8];
	_ =	sdelay $0x4  }
0x21b: {  	[tilespmem:s4+$0xF268] =	vst.add.f32.msk @p1 $0xffff, v1  }
0x21c: {  	v1 =	vld @p1 [tilespmem:$0xF1C8];
	_ =	sdelay $0x4  }
0x21d: {  	[tilespmem:s4+$0xF278] =	vst.add.f32.msk @p1 $0xffff, v1  }
0x21e: {  	v1 =	vld @p1 [tilespmem:$0xF1D8];
	_ =	sdelay $0x4  }
0x21f: {  	[tilespmem:s4+$0xF288] =	vst.add.f32.msk @p1 $0xffff, v1  }
0x220: {  	v1 =	vld @p1 [tilespmem:$0xF1E8];
	_ =	sdelay $0x4  }
0x221: {  	[tilespmem:s4+$0xF298] =	vst.add.f32.msk @p1 $0xffff, v1  }
0x222: {  	v1 =	vld @p1 [tilespmem:$0xF1F8];
	_ =	sdelay $0x3  }
0x223: {  	s5 =	sshll.u32 @!p1 s3, $0x9  }
0x224: {  	s5 =	smov.u32 @p1 s0;
	[tilespmem:s4+$0xF2A8] =	vst.add.f32.msk @p1 $0xffff, v1  }
0x225: {  	s0 =	sshrl.u32 s5, $0x2;
	[tilespmem:s2+$0xF218] =	vst.msk $0x1, v0  }
0x226: {  	v0 =	vld [tilespmem:s0+$0xF238];
	_ =	sdelay $0x2  }
0x227: {  	s31 =	sshll.u32 s2, $0x9  }
0x228: {  	s4 =	sshra.s32 s31, $0x2  }
0x229: {  	[tilespmem:s4+$0xF238] =	vst v0  }
0x22a: {  	v0 =	vld [tilespmem:s0+$0xF248];
	_ =	sdelay $0x4  }
0x22b: {  	[tilespmem:s4+$0xF248] =	vst v0  }
0x22c: {  	v0 =	vld [tilespmem:s0+$0xF258];
	_ =	sdelay $0x4  }
0x22d: {  	[tilespmem:s4+$0xF258] =	vst v0  }
0x22e: {  	v0 =	vld [tilespmem:s0+$0xF268];
	_ =	sdelay $0x4  }
0x22f: {  	[tilespmem:s4+$0xF268] =	vst v0  }
0x230: {  	v0 =	vld [tilespmem:s0+$0xF278];
	_ =	sdelay $0x4  }
0x231: {  	[tilespmem:s4+$0xF278] =	vst v0  }
0x232: {  	v0 =	vld [tilespmem:s0+$0xF288];
	_ =	sdelay $0x4  }
0x233: {  	[tilespmem:s4+$0xF288] =	vst v0  }
0x234: {  	v0 =	vld [tilespmem:s0+$0xF298];
	_ =	sdelay $0x4  }
0x235: {  	[tilespmem:s4+$0xF298] =	vst v0  }
0x236: {  	v0 =	vld [tilespmem:s0+$0xF2A8];
	_ =	sdelay $0x4  }
0x237: {  	s2 =	sadd.s32 $0x1, s2;
	[tilespmem:s4+$0xF2A8] =	vst v0  }
.LBB2_48:
0x238: {  	s3 =	sadd.s32 $0x1, s3  }
0x239: {  	p1 =	sne.s32 s3, $0x20  }
.Ltmp32:
0x23a: {  	_ = 	snop;
	(pc) =	sbr.rel @!p1 .LBB2_49-.Ltmp32, $1  }
0x23b: {  	_ =	sdelay $0x3  }
.LBB2_41:
0x23c: {  	v0 =	vld.msk [tilespmem:s3+$0xF218], $0x1;
	_ =	sdelay $0x4  }
0x23d: {  	(v2sf) =	vpush v0, $0x0;
	_ =	sdelay $0xe  }
0x23e: {  	s4 =	spop (v2sf)  }
0x23f: {  	p1 =	seq.s32 s4, $0xFFFFFFFF  }
.Ltmp33:
0x240: {  	_ = 	snop;
	(pc) =	sbr.rel @p1 .LBB2_48-.Ltmp33, $1  }
0x241: {  	_ =	sdelay $0x3  }
0x242: {  	p1 =	slt.s32 s2, $0x1  }
.Ltmp34:
0x243: {  	_ = 	snop;
	(pc) =	sbr.rel @p1 .LBB2_47-.Ltmp34, $1  }
0x244: {  	_ =	sdelay $0x3  }
0x245: {  	s5 =	simm.s32 $0xF218;
	p1 =	por $0x0, $0x0  }
0x246: {  	v1 =	vld.msk @!p1 [tilespmem:s5+$0x0], $0x1;
	_ =	sdelay $0x4  }
0x247: {  	(v2sf) =	vpush @!p1 v1, $0x0;
	_ =	sdelay $0xd  }
0x248: {  	p3 =	sne.s32 s2, $0x1  }
.Ltmp35:
0x249: {  	s0 =	spop @!p1 (v2sf);
	(pc) =	sbr.rel @!p3 .LBB2_45-.Ltmp35, $4  }
0x24a: {  	p2 =	seq.s32 @!p1 s4, s0  }
0x24b: {  	s6 =	simm.s32 $0x0;
	p2 =	por !p2, p1  }
0x24c: {  	s7 =	simm.s32 $0xFFFFFFFF;
	s6 =	simm.s32 @p2 $0xFFFFFFFF  }
0x24d: {  	s0 =	simm.s32 $0x1;
	s6 =	smov.u32 @p1 s7  }
.LBB2_44:
0x24e: {  	s7 =	smov.u32 s6;
	p1 =	sne.s32 s6, $0xFFFFFFFF  }
0x24f: {  	s5 =	sadd.s32 $0x1, s5;
	s6 =	smov.u32 s0;
	s0 =	sadd.s32 $0x1, s0  }
0x250: {  	p2 =	sne.s32 s2, s0;
	v1 =	vld.msk @!p1 [tilespmem:s5+$0x0], $0x1;
	_ =	sdelay $0x4  }
0x251: {  	(v2sf) =	vpush @!p1 v1, $0x0;
	_ =	sdelay $0xe  }
.Ltmp36:
0x252: {  	s8 =	spop @!p1 (v2sf);
	(pc) =	sbr.rel @p2 .LBB2_44-.Ltmp36, $4  }
0x253: {  	p3 =	seq.s32 @!p1 s4, s8  }
0x254: {  	p3 =	por !p3, p1  }
0x255: {  	s6 =	simm.s32 @p3 $0xFFFFFFFF  }
0x256: {  	s6 =	smov.u32 @p1 s7  }
.LBB2_45:
0x257: {  	p1 =	seq.s32 s6, $0xFFFFFFFF  }
.Ltmp37:
0x258: {  	_ = 	snop;
	(pc) =	sbr.rel @p1 .LBB2_47-.Ltmp37, $1  }
0x259: {  	_ =	sdelay $0x3  }
0x25a: {  	s0 =	sshll.u32 s3, $0x7  }
0x25b: {  	s0 =	sand.u32 $0x3FFFFF80, s0  }
0x25c: {  	v0 =	vld [tilespmem:s0+$0xF238];
	_ =	sdelay $0x2  }
0x25d: {  	s4 =	sshll.u32 s6, $0x9  }
0x25e: {  	s4 =	sshra.s32 s4, $0x2  }
0x25f: {  	[tilespmem:s4+$0xF238] =	vst.add.f32.msk $0xffff, v0  }
0x260: {  	v0 =	vld [tilespmem:s0+$0xF248];
	_ =	sdelay $0x4  }
0x261: {  	[tilespmem:s4+$0xF248] =	vst.add.f32.msk $0xffff, v0  }
0x262: {  	v0 =	vld [tilespmem:s0+$0xF258];
	_ =	sdelay $0x4  }
0x263: {  	[tilespmem:s4+$0xF258] =	vst.add.f32.msk $0xffff, v0  }
0x264: {  	v0 =	vld [tilespmem:s0+$0xF268];
	_ =	sdelay $0x4  }
0x265: {  	[tilespmem:s4+$0xF268] =	vst.add.f32.msk $0xffff, v0  }
0x266: {  	v0 =	vld [tilespmem:s0+$0xF278];
	_ =	sdelay $0x4  }
0x267: {  	[tilespmem:s4+$0xF278] =	vst.add.f32.msk $0xffff, v0  }
0x268: {  	v0 =	vld [tilespmem:s0+$0xF288];
	_ =	sdelay $0x4  }
0x269: {  	[tilespmem:s4+$0xF288] =	vst.add.f32.msk $0xffff, v0  }
0x26a: {  	v0 =	vld [tilespmem:s0+$0xF298];
	_ =	sdelay $0x4  }
0x26b: {  	[tilespmem:s4+$0xF298] =	vst.add.f32.msk $0xffff, v0  }
0x26c: {  	v0 =	vld [tilespmem:s0+$0xF2A8]  }
.Ltmp38:
0x26d: {  	_ = 	snop;
	(pc) =	sbr.rel .LBB2_48-.Ltmp38, $2  }
0x26e: {  	_ =	sdelay $0x2  }
0x26f: {  	[tilespmem:s4+$0xF2A8] =	vst.add.f32.msk $0xffff, v0  }
.LBB2_49:
0x270: {  	p1 =	slt.s32 s2, $0x1  }
.Ltmp39:
0x271: {  	_ = 	snop;
	(pc) =	sbr.rel @p1 .LBB2_53-.Ltmp39, $3  }
0x272: {  	_ =	sdelay $0x1  }
0x273: {  	s0 =	simm.s32 $0x8  }
0x274: {  	s3 =	simm.s32 $0x0;
	[sflag:s0] =	ssyncpa.u1 $0x1  }
0x275: {  	s0 =	simm.s32 $0xF218  }
0x276: {  	v0 =	vld.msk [tilespmem:s0+$0x0], $0x1;
	_ =	sdelay $0x4  }
0x277: {  	(v2sf) =	vpush v0, $0x0;
	_ =	sdelay $0xe  }
0x278: {  	s0 =	sadd.s32 $0xFFFFFFFF, s2;
	s5 =	spop (v2sf)  }
0x279: {  	p2 =	sne.s32 s0, $0x0;
	p1 =	sgt.u32 s5, $0xABFF0  }
.Ltmp40:
0x27a: {  	s6 =	sand.u32 @!p1 $0xFFFF8, s5;
	(pc) =	sbr.rel @!p2 .LBB2_52-.Ltmp40, $4  }
0x27b: {  	s4 =	simm.s32 $0xF238;
	s5 =	sand.u32 @!p1 $0x7, s5;
	s2 =	sadd.s32 @!p1 s1, s6  }
0x27c: {  	[hbm4b:s2+s5] =	stream.linear.scatter @!p1 [tilespmem:s4], [sflag:$0x7], $0x80, $0x38;
	[tilespmem:$0x1F6F8] =	vst v63  }
0x27d: {  	s5 =	simm.s32 $0x0  }
0x27e: {  	s2 =	simm.s32 $0xF219;
	s5 =	simm.s32 @!p1 $0x200  }
.LBB2_51:
0x27f: {  	v0 =	vld.msk [tilespmem:s2+$0x0], $0x1;
	s0 =	sadd.s32 $0xFFFFFFFF, s0;
	s3 =	sadd.s32 s3, s5  }
0x280: {  	p1 =	sne.s32 s0, $0x0;
	_ =	sdelay $0x3  }
0x281: {  	(v2sf) =	vpush v0, $0x0;
	_ =	sdelay $0xe  }
.Ltmp41:
0x282: {  	s6 =	spop (v2sf);
	(pc) =	sbr.rel @p1 .LBB2_51-.Ltmp41, $4  }
0x283: {  	s5 =	simm.s32 $0x0;
	p2 =	sgt.u32 s6, $0xABFF0  }
0x284: {  	s4 =	sadd.s32 $0x80, s4;
	s5 =	simm.s32 @!p2 $0x200;
	s7 =	sand.u32 @!p2 $0xFFFF8, s6  }
0x285: {  	s2 =	sadd.s32 $0x1, s2;
	s6 =	sand.u32 @!p2 $0x7, s6;
	s7 =	sadd.s32 @!p2 s1, s7  }
0x286: {  	[hbm4b:s7+s6] =	stream.linear.scatter @!p2 [tilespmem:s4], [sflag:$0x7], $0x80, $0x38;
	[tilespmem:$0x1F6F8] =	vst v63  }
.LBB2_52:
0x287: {  	s0 =	sadd.s32 s3, s5  }
0x288: {  	s3 =	sshrl.u32 s0, $0x2  }
.LBB2_53:
0x289: {  	s0 =	simm.s32 $0x7  }
0x28a: {  	_ =	swait.ge [sflag:s0], s3  }
0x28b: {  	s1 =	ssub.s32 $0x0, s3;
	[sflag:s0] =	ssyncset.done $0x0  }
0x28c: {  	[sflag:s0] =	ssyncadd.s32 s1  }
0x28d: {  	[sflag:s0] =	ssyncpa.u1 $0x1  }
.LBB2_54:
0x28e: {  	_ =	sfence;
	s0 =	simm.s32 $0x1  }
0x28f: {  	[sflag:s0] =	ssyncpa.u1 $0x1  }
0x290: {  	_ =	strace $0x90000053  }
0x291: {  	[bflag:$0x2] =	sbarrier.arrive $0xFFFF  }
0x292: {  	s0 =	rddreg [dreg:$0x3]  }
0x293: {  	s0 =	sadd.s32 @!p0 $0x100000, s0  }
0x294: {  	[sflag:s0] =	ssyncadd.tile.s32 @!p0 $0x1;
	_ =	shalt  }
.Lfunc_end2:
_tile_overlayer_lowered:
.L_overlay_start_2:
0x295: {  	(tag) =	ssettag $0x2  }
0x296: {  	s0 =	rddreg [dreg:$0x0];
	s2 =	stileid.u32  }
0x297: {  	s1 =	rddreg [dreg:$0x1];
	p0 =	sne.s32 s2, $0x0  }
0x298: {  	s3 =	rddreg [dreg:$0x2];
	[bflag:$0x3] =	sbarrier.arrive $0xFFFF;
	s2 =	simm.s32 @!p0 $0x1C01  }
0x299: {  	[timem:s3], [sflag:s2] =	dma.local @!p0 [hbm:s0], s1  }
0x29a: {  	s0 =	simm.s32 @!p0 $0x1  }
0x29b: {  	_ =	swait.ge @!p0 [sflag:s0], s1  }
0x29c: {  	s1 =	ssub.s32 @!p0 $0x0, s1;
	[sflag:s0] =	ssyncset.done @!p0 $0x0  }
0x29d: {  	[sflag:s0] =	ssyncadd.s32 @!p0 s1  }
0x29e: {  	[bflag:$0x3] =	sbarrier.arrive $0xFFFF  }
0x29f: {  	_ =	shalt  }

// kernel: scatter_offload_async_start
scs
__scs_entry_jumppad:
0x0: {  	(pc) =	sbr.rel $0x88, $3  }
0x1: {  	(tag) =	ssettag $0x0;
	lr =	simm.s32 $0x1  }
0x2: {  	[smem:$0x3F7F] =	sst lr;
	_ =	strace $0xD0000000  }
0x3: {  	_ = 	snop  }
0x4: {  	_ = 	snop  }
0x5: {  	_ = 	snop  }
0x6: {  	_ = 	snop  }
0x7: {  	_ = 	snop  }
__scs_overlays_trampoline_lowered:
0x8: {  	[smem:$0x3F8E] =	sst s0  }
0x9: {  	[smem:$0x3F8F] =	sst s1  }
0xa: {  	[smem:$0x3F90] =	sst s2  }
0xb: {  	[smem:$0x3F91] =	sst s3  }
0xc: {  	[smem:$0x3F92] =	sst s4  }
0xd: {  	[smem:$0x3F93] =	sst s5  }
0xe: {  	[smem:$0x3F94] =	sst s6  }
0xf: {  	[smem:$0x3F95] =	sst s7  }
0x10: {  	[smem:$0x3F96] =	sst s8  }
0x11: {  	[smem:$0x3F97] =	sst s9;
	s0 =	simm.s32 @!p0 $0x0  }
0x12: {  	s1 =	sld [smem:$0x3F7D];
	s0 =	simm.s32 @p0 $0x1  }
0x13: {  	[smem:$0x3F98] =	sst s0;
	s0 =	simm.s32 @!p1 $0x0  }
0x14: {  	s2 =	sld [smem:$0x3F7C];
	s0 =	simm.s32 @p1 $0x1  }
0x15: {  	[smem:$0x3F99] =	sst s0;
	s0 =	simm.s32 @!p2 $0x0  }
0x16: {  	s3 =	sld [smem:$0x3FDB];
	s0 =	simm.s32 @p2 $0x1  }
0x17: {  	s4 =	simm.s32 $0x1BF5;
	[smem:$0x3F9B] =	sst s0  }
0x18: {  	s0 =	sld [smem:$0x3F7E];
	_ =	swait.ge [sflag:s4], $0x0  }
0x19: {  	s7 =	sld [smem:$0x3F7F]  }
0x1a: {  	s8 =	sadd.s32 $0xFFFFE003, lr  }
0x1b: {  	s9 =	sadd.s32 $0xFFFFFEF7, lr;
	s5 =	simm.s32 $0xFFFFFFFF;
	p2 =	slt.u32 s8, $0xFFFFF086  }
0x1c: {  	p1 =	slt.u32 s9, $0xF7A;
	s5 =	simm.s32 @!p2 $0x0  }
0x1d: {  	s5 =	simm.s32 @p1 $0x1;
	p0 =	seq.s32 s7, s2  }
0x1e: {  	s7 =	smul.u32 @!p0 $0xF7A, s2;
	p2 =	seq.s32 @!p0 s5, $0x0  }
0x1f: {  	s9 =	smul.u32 $0xF7A, s1;
	s8 =	simm.s32 @!p0 $0x1BF5;
	p2 =	por !p2, p0  }
0x20: {  	[sflag:s8] =	ssyncset.s32 @!p0 $0xFFFFF086;
	s6 =	sadd.s32 @!p0 s3, s7;
	s7 =	simm.s32 @!p0 $0x108  }
0x21: {  	s3 =	sadd.s32 s3, s9;
	s6 =	sadd.s32 @!p0 $0x88, s6;
	s7 =	simm.s32 @p2 $0x1082  }
0x22: {  	[simem:s7], [sflag:s8] =	dma.local @!p0 [hbm:s6], $0xF7A  }
0x23: {  	s9 =	sor.u32 $0xD0000000, s2;
	s6 =	simm.s32 $0x108;
	_ =	swait.ge @!p0 [sflag:s8], $0x0  }
0x24: {  	s3 =	sadd.s32 $0x88, s3;
	s6 =	simm.s32 @!p1 $0x1082;
	[sflag:s4] =	ssyncset.s32 $0xFFFFF086  }
0x25: {  	[simem:s6], [sflag:s4] =	dma.local [hbm:s3], $0xF7A  }
0x26: {  	[smem:$0x3F7F] =	sst s1;
	(tag) =	ssettag s2;
	_ =	strace s9  }
0x27: {  	s1 =	sld [smem:$0x3F8F]  }
0x28: {  	s2 =	sld [smem:$0x3F90]  }
0x29: {  	s4 =	sld [smem:$0x3F92]  }
0x2a: {  	p0 =	seq.s32 s5, $0x0;
	s5 =	sld [smem:$0x3F93]  }
0x2b: {  	s6 =	sld [smem:$0x3F94]  }
0x2c: {  	s7 =	sld [smem:$0x3F95]  }
0x2d: {  	s3 =	simm.s32 $0x108;
	s8 =	sld [smem:$0x3F96]  }
0x2e: {  	s3 =	simm.s32 @!p0 $0x1082;
	s9 =	sld [smem:$0x3F97]  }
0x2f: {  	lr =	sadd.s32 s0, s3;
	s0 =	sld [smem:$0x3F8E]  }
0x30: {  	s3 =	sld [smem:$0x3F91]  }
0x31: {  	[smem:$0x3F9A] =	sst s10  }
0x32: {  	s10 =	sld [smem:$0x3F98];
	_ =	sdelay $0x3  }
0x33: {  	p0 =	seq.s32 s10, $0x1;
	s10 =	sld [smem:$0x3F9A];
	_ =	sdelay $0x3  }
0x34: {  	[smem:$0x3F9A] =	sst s10  }
0x35: {  	s10 =	sld [smem:$0x3F99];
	_ =	sdelay $0x3  }
0x36: {  	p1 =	seq.s32 s10, $0x1;
	s10 =	sld [smem:$0x3F9A];
	_ =	sdelay $0x3  }
0x37: {  	[smem:$0x3F9A] =	sst s10  }
0x38: {  	s10 =	sld [smem:$0x3F9B]  }
0x39: {  	_ = 	snop;
	(pc) =	sbr.ind lr, $3  }
0x3a: {  	_ = 	snop  }
0x3b: {  	_ = 	snop  }
0x3c: {  	p2 =	seq.s32 s10, $0x1;
	s10 =	sld [smem:$0x3F9A]  }
0x3d: {  	_ =	shalt  }
0x3e: {  	_ =	shalt  }
0x3f: {  	_ =	shalt  }
0x40: {  	_ =	shalt  }
0x41: {  	_ =	shalt  }
0x42: {  	_ =	shalt  }
0x43: {  	_ =	shalt  }
0x44: {  	_ =	shalt  }
0x45: {  	_ =	shalt  }
0x46: {  	_ =	shalt  }
0x47: {  	_ =	shalt  }
0x48: {  	_ =	shalt  }
0x49: {  	_ =	shalt  }
0x4a: {  	_ =	shalt  }
0x4b: {  	_ =	shalt  }
0x4c: {  	_ =	shalt  }
0x4d: {  	_ =	shalt  }
0x4e: {  	_ =	shalt  }
0x4f: {  	_ =	shalt  }
0x50: {  	_ =	shalt  }
0x51: {  	_ =	shalt  }
0x52: {  	_ =	shalt  }
0x53: {  	_ =	shalt  }
0x54: {  	_ =	shalt  }
0x55: {  	_ =	shalt  }
0x56: {  	_ =	shalt  }
0x57: {  	_ =	shalt  }
0x58: {  	_ =	shalt  }
0x59: {  	_ =	shalt  }
0x5a: {  	_ =	shalt  }
0x5b: {  	_ =	shalt  }
0x5c: {  	_ =	shalt  }
0x5d: {  	_ =	shalt  }
0x5e: {  	_ =	shalt  }
0x5f: {  	_ =	shalt  }
0x60: {  	_ =	shalt  }
0x61: {  	_ =	shalt  }
0x62: {  	_ =	shalt  }
0x63: {  	_ =	shalt  }
0x64: {  	_ =	shalt  }
0x65: {  	_ =	shalt  }
0x66: {  	_ =	shalt  }
0x67: {  	_ =	shalt  }
0x68: {  	_ =	shalt  }
0x69: {  	_ =	shalt  }
0x6a: {  	_ =	shalt  }
0x6b: {  	_ =	shalt  }
0x6c: {  	_ =	shalt  }
0x6d: {  	_ =	shalt  }
0x6e: {  	_ =	shalt  }
0x6f: {  	_ =	shalt  }
0x70: {  	_ =	shalt  }
0x71: {  	_ =	shalt  }
0x72: {  	_ =	shalt  }
0x73: {  	_ =	shalt  }
0x74: {  	_ =	shalt  }
0x75: {  	_ =	shalt  }
0x76: {  	_ =	shalt  }
0x77: {  	_ =	shalt  }
0x78: {  	_ =	shalt  }
0x79: {  	_ =	shalt  }
0x7a: {  	_ =	shalt  }
0x7b: {  	_ =	shalt  }
0x7c: {  	_ =	shalt  }
0x7d: {  	_ =	shalt  }
0x7e: {  	_ =	shalt  }
0x7f: {  	_ =	shalt  }
0x80: {  	_ =	shalt  }
0x81: {  	_ =	shalt  }
0x82: {  	_ =	shalt  }
0x83: {  	_ =	shalt  }
0x84: {  	_ =	shalt  }
0x85: {  	_ =	shalt  }
0x86: {  	_ =	shalt  }
0x87: {  	_ =	shalt  }
.Lfunc_end0:
.L_simem_size_0:
called_computation_lowered:
.L_overlay_start_0:
0x88: {  	s2 =	sld [smem:$0x3FD9]  }
0x89: {  	s3 =	sld [smem:$0x3FFE];
	_ =	sdelay $0x1  }
0x8a: {  	s1 =	srdreg.scid  }
0x8b: {  	s0 =	sand.u32 $0x1, s1  }
0x8c: {  	s15 =	sshll.u32 s0, $0xA;
	s2 =	sadd.s32 s3, s2  }
0x8d: {  	s2 =	sadd.s32 s2, s15  }
0x8e: {  	[smem:$0x3FA6] =	sst s2  }
0x8f: {  	_ = 	snop  }
0x90: {  	(tm) =	ssettm $0x1  }
0x91: {  	s16 =	sld [smem:$0x3FFB];
	_ =	sdelay $0x3  }
0x92: {  	_ =	strace s16  }
0x93: {  	s2 =	sld [smem:$0x3FFC];
	_ =	sdelay $0x3  }
0x94: {  	_ =	strace s2  }
0x95: {  	s2 =	sld [smem:$0x3FFD];
	_ =	sdelay $0x3  }
0x96: {  	_ =	strace s2  }
0x97: {  	_ =	strace $0x8FFFFFFF  }
0x98: {  	s17 =	sld [smem:$0x3FDB];
	_ =	sdelay $0x1  }
0x99: {  	s18 =	simm.s32 $_scs_section_size  }
0x9a: {  	s4 =	simm.s32 $_size__tile_overlayer_lowered;
	s5 =	simm.s32 $_tile_overlayer_lowered  }
0x9b: {  	s6 =	simm.s32 $0x1BFF;
	s19 =	sshll.u32 s5, $0x1;
	s3 =	sadd.s32 s18, s17  }
0x9c: {  	s20 =	simm.s32 $0x0;
	s4 =	sshll.u32 s4, $0x1;
	s5 =	sadd.s32 s19, s3  }
0x9d: {  	[timem:s20], [sflag:s6] =	dma.local [hbm:s5], s4  }
0x9e: {  	_ =	swait.ge [sflag:s6], s4  }
0x9f: {  	s4 =	ssub.s32 $0x0, s4;
	[sflag:s6] =	ssyncset.done $0x0  }
0xa0: {  	[sflag:s6] =	ssyncadd.s32 s4;
	_ =	sdelay $0x1  }
0xa1: {  	s21 =	simm.s32 $0x1B8B  }
0xa2: {  	_ =	swait.ge [sflag:s21], $0x1  }
0xa3: {  	[sflag:s21] =	ssyncset.done $0x0  }
0xa4: {  	s22 =	sld [smem:$0x3FFE];
	[sflag:s21] =	ssyncadd.s32 $0xFFFFFFFF  }
0xa5: {  	s24 =	simm.s32 $0x1B8E;
	s23 =	sld [smem:$0x0]  }
0xa6: {  	s25 =	simm.s32 $execute0_lowered;
	[smem:$0x3FD2] =	sst s24  }
0xa7: {  	s6 =	sshll.u32 s25, $0x1;
	_ =	strace $0x80000049;
	[dreg:$0x1] =	wrdreg $0xFFFFFFFF  }
0xa8: {  	s7 =	simm.s32 $_size_execute0_lowered;
	s6 =	sadd.s32 s3, s6;
	[dreg:$0x0] =	wrdreg $0x0  }
0xa9: {  	s7 =	sshll.u32 s7, $0x1;
	[dreg:$0x2] =	wrdreg s6  }
0xaa: {  	[dreg:$0x3] =	wrdreg s7  }
0xab: {  	[dreg:$0x4] =	wrdreg $0xC0  }
0xac: {  	s26 =	simm.s32 $execute1_lowered;
	_ =	task [dreg:s20], $0x5FFFF  }
0xad: {  	s6 =	sshll.u32 s26, $0x1;
	[dreg:$0x1] =	wrdreg $0xFFFFFFFF  }
0xae: {  	s3 =	sadd.s32 s3, s6;
	[dreg:$0x0] =	wrdreg $0x60  }
0xaf: {  	[dreg:$0x2] =	wrdreg s3  }
0xb0: {  	[dreg:$0x3] =	wrdreg s22  }
0xb1: {  	[dreg:$0x4] =	wrdreg $0x9  }
0xb2: {  	_ =	task.clear_ibuf [dreg:s20], $0x5FFFF;
	_ =	strace $0x90000049  }
0xb3: {  	s28 =	simm.s32 $0x9;
	_ =	strace $0x8000004B  }
0xb4: {  	_ =	swait.ge [sflag:s28], $0x1  }
0xb5: {  	[sflag:s28] =	ssyncadd.s32 $0xFFFFFFFF  }
0xb6: {  	_ =	strace $0x9000004B  }
0xb7: {  	s3 =	sld [smem:$0x0]  }
0xb8: {  	s6 =	sand.u32 $0xFFFFFFFE, s1  }
0xb9: {  	p0 =	sne.s32 s1, s6  }
0xba: {  	s6 =	sshll.u32 @p0 s6, $0xE  }
0xbb: {  	s6 =	sadd.s32 @p0 $0x11BF3, s6;
	s7 =	sshll.u32 @p0 s3, $0x11  }
0xbc: {  	s6 =	sor.u32 @p0 s7, s6  }
0xbd: {  	[sflag:s6] =	ssyncadd.remote.s32 @p0 $0x1;
	_ =	sdelay $0x1  }
0xbe: {  	s6 =	simm.s32 @p0 $0x1BF3  }
0xbf: {  	_ =	swait.eq @p0 [sflag:s6], $0x1  }
0xc0: {  	[sflag:s6] =	ssyncadd.s32 @p0 $0xFFFFFFFF  }
0xc1: {  	s7 =	sshll.u32 @!p0 s1, $0xE  }
0xc2: {  	s7 =	sor.u32 @!p0 $0x4000, s7;
	s6 =	simm.s32 @!p0 $0x1BF3  }
0xc3: {  	s3 =	sshll.u32 @!p0 s3, $0x11;
	s7 =	sadd.s32 @!p0 $0x11BF3, s7;
	_ =	swait.eq @!p0 [sflag:s6], $0x1  }
0xc4: {  	s3 =	sor.u32 @!p0 s3, s7;
	[sflag:s6] =	ssyncadd.s32 @!p0 $0xFFFFFFFF  }
0xc5: {  	[sflag:s3] =	ssyncadd.remote.s32 @!p0 $0x1  }
0xc6: {  	_ =	strace $0x8000004C;
	[dreg:$0x1] =	wrdreg $0xFFFFFFFF  }
0xc7: {  	[dreg:$0x0] =	wrdreg $0x2030  }
0xc8: {  	[dreg:$0x2] =	wrdreg s22  }
0xc9: {  	[dreg:$0x3] =	wrdreg s1  }
0xca: {  	[dreg:$0x4] =	wrdreg s23  }
0xcb: {  	[dreg:$0x5] =	wrdreg $0xA  }
0xcc: {  	_ =	task.clear_ibuf [dreg:s20], $0x6FFFF;
	_ =	strace $0x9000004C  }
0xcd: {  	s29 =	simm.s32 $0xA;
	_ =	strace $0x8000004E  }
0xce: {  	_ =	swait.ge [sflag:s29], $0x1  }
0xcf: {  	[sflag:s29] =	ssyncadd.s32 $0xFFFFFFFF  }
0xd0: {  	_ =	strace $0x9000004E  }
0xd1: {  	_ =	sfence  }
0xd2: {  	s30 =	sld [smem:$0x0];
	_ =	sdelay $0x2  }
0xd3: {  	s31 =	sshll.u32 s1, $0xD;
	s1 =	sshrl.u32 s1, $0x2  }
0xd4: {  	s4 =	sand.u32 $0x4000, s31;
	s1 =	sadd.s32 s1, s30  }
0xd5: {  	s0 =	sor.u32 s4, s0;
	s1 =	sshll.u32 s1, $0x11  }
0xd6: {  	s0 =	sor.u32 s1, s0  }
0xd7: {  	s0 =	sadd.s32 $0x8F2B, s0  }
0xd8: {  	[sflag:s0] =	ssyncadd.remote.s32 $0x1  }
0xd9: {  	_ =	sfence.sel $0xFFFF  }
0xda: {  	[dreg:$0x0] =	wrdreg $0xFFFFFFFF;
	(pc) =	sbr.abs _section_cstart, $3  }
0xdb: {  	[dreg:$0x1] =	wrdreg $0xFFFFFFFF  }
0xdc: {  	_ =	task.clear_ibuf [dreg:s20], $0x2FFFF;
	_ =	strace $0x9FFFFFFF  }
0xdd: {  	(tm) =	ssettm $0x7FFFFFFF  }
tec
execute0_lowered:
.L_overlay_start_1:
0x0: {  	(tag) =	ssettag $0x1  }
0x1: {  	s2 =	rddreg [dreg:$0x0]  }
0x2: {  	s4 =	rddreg [dreg:$0x1]  }
0x3: {  	s0 =	rddreg [dreg:$0x2];
	s3 =	stileid.u32;
	[bflag:$0x3] =	sbarrier.arrive $0xFFFF  }
0x4: {  	s1 =	simm.s32 $_size_execute1_lowered;
	s29 =	srdreg.scid;
	p0 =	sne.s32 s3, $0x0  }
0x5: {  	s1 =	sshll.u32 s1, $0x1;
	s5 =	simm.s32 @!p0 $0x1C3F;
	s6 =	simm.s32 @!p0 $0x4060  }
0x6: {  	[timem:s6], [sflag:s5] =	dma.local @!p0 [hbm:s2], s1  }
0x7: {  	s2 =	sshll.u32 s29, $0x7  }
0x8: {  	s7 =	simm.s32 $0x1;
	s3 =	sshll.u32 s3, $0x8;
	s2 =	sand.u32 $0x80, s2  }
0x9: {  	s8 =	simm.s32 $0x2;
	s9 =	simm.s32 $0x0;
	s2 =	sor.u32 s3, s2  }
0xa: {  	s12 =	simm.s32 $0x0;
	s11 =	simm.s32 $0x0;
	s30 =	ssub.s32 $0xAC00, s2  }
.Ltmp0:
0xb: {  	s5 =	simm.s32 $0x1;
	s31 =	sand.u32 $0xF80, s30;
	(pc) =	sbr.rel .LBB2_1-.Ltmp0, $4  }
0xc: {  	_ =	strace $0x8000004A;
	s3 =	sadd.s32 $0x367800, s4;
	p1 =	sne.s32 s31, $0x0  }
0xd: {  	[sflag:s5] =	ssyncpa.u1 $0x0;
	s6 =	sshrl.u32 s30, $0xC;
	s7 =	simm.s32 @!p1 $0x0  }
0xe: {  	s4 =	sadd.s32 $0x413800, s4;
	[sflag:s8] =	ssyncpa.u1 $0x0;
	s6 =	sadd.s32 s7, s6  }
0xf: {  	s8 =	simm.s32 $0x0;
	s10 =	smov.u32 s2;
	s7 =	sadd.s32 $0x1, s6  }
.LBB2_4:
0x10: {  	_ =	sdelay $0x3  }
0x11: {  	[tilespmem:v0+s14+$0xFFFFFFA0 ss:$0x1] =	vst.idx.msk $0xffff, v6  }
0x12: {  	v56 =	vld.idx.msk [tilespmem:v1+s15+$0x30 ss:$0x1], $0xffff;
	[tilespmem:v0+s14+$0xFFFFFFB0 ss:$0x1] =	vst.idx.msk $0xffff, v4  }
0x13: {  	v57 =	vld.idx.msk [tilespmem:v1+s15+$0xFFFFFFC0 ss:$0x1], $0xffff;
	[tilespmem:v0+s14+$0xFFFFFFC0 ss:$0x1] =	vst.idx.msk $0xffff, v2  }
0x14: {  	v58 =	vld.idx.msk [tilespmem:v1+s15+$0xFFFFFFD0 ss:$0x1], $0xffff;
	[tilespmem:v0+s14+$0xFFFFFFD0 ss:$0x1] =	vst.idx.msk $0xffff, v3  }
0x15: {  	v59 =	vld.idx.msk [tilespmem:v1+s15+$0xFFFFFFE0 ss:$0x1], $0xffff;
	[tilespmem:v0+s14+$0xFFFFFFE0 ss:$0x1] =	vst.idx.msk $0xffff, v5  }
0x16: {  	v60 =	vld.idx.msk [tilespmem:v1+s15+$0xFFFFFFF0 ss:$0x1], $0xffff;
	[tilespmem:v0+s14+$0xFFFFFFF0 ss:$0x1] =	vst.idx.msk $0xffff, v7;
	s12 =	sand.u32 $0x1FFFFFF, s12  }
0x17: {  	v61 =	vld.idx.msk [tilespmem:v1+s15+$0x0 ss:$0x1], $0xffff;
	s31 =	smulhi.u32 $0x2FA0BE9, s12;
	[tilespmem:v0+s15+$0x0 ss:$0x1] =	vst.idx.msk $0xffff, v56  }
0x18: {  	v62 =	vld.idx.msk [tilespmem:v1+s15+$0x10 ss:$0x1], $0xffff;
	[tilespmem:v0+s15+$0xFFFFFF90 ss:$0x1] =	vst.idx.msk $0xffff, v57  }
0x19: {  	v63 =	vld.idx.msk [tilespmem:v1+s15+$0x20 ss:$0x1], $0xffff;
	s14 =	sshrl.u32 s31, $0x9;
	[tilespmem:v0+s15+$0xFFFFFFA0 ss:$0x1] =	vst.idx.msk $0xffff, v58  }
0x1a: {  	s14 =	smul.u32 $0xAC00, s14;
	[tilespmem:v0+s15+$0xFFFFFFB0 ss:$0x1] =	vst.idx.msk $0xffff, v59  }
0x1b: {  	[tilespmem:v0+s15+$0xFFFFFFC0 ss:$0x1] =	vst.idx.msk $0xffff, v60  }
0x1c: {  	[tilespmem:v0+s15+$0xFFFFFFD0 ss:$0x1] =	vst.idx.msk $0xffff, v61;
	s12 =	ssub.s32 s12, s14  }
0x1d: {  	[tilespmem:v0+s15+$0xFFFFFFE0 ss:$0x1] =	vst.idx.msk $0xffff, v62;
	s12 =	sshll.u32 s12, $0x4  }
0x1e: {  	[tilespmem:v0+s15+$0xFFFFFFF0 ss:$0x1] =	vst.idx.msk $0xffff, v63;
	s12 =	sadd.s32 s4, s12  }
0x1f: {  	[hbm4b:s12+s8] =	stream.linear.scatter [tilespmem:s13], [sflag:$0x2], $0x4000, $0x38;
	[tilespmem:$0x10000] =	vst v63  }
.LBB2_5:
0x20: {  	s14 =	sadd.s32 $0x1000, s10  }
0x21: {  	p2 =	sgt.s32 s14, $0xABFF  }
0x22: {  	s14 =	smov.u32 @p2 s2;
	p2 =	sne.s32 s11, s7  }
.Ltmp1:
0x23: {  	p1 =	slt.u32 s11, $0x2;
	(pc) =	sbr.rel @!p2 .LBB2_6-.Ltmp1, $4  }
0x24: {  	s13 =	simm.s32 @!p1 $0x2  }
0x25: {  	s15 =	sadd.s32 $0x1, s11;
	_ =	swait.ge @!p1 [sflag:s13], $0x4000  }
0x26: {  	s12 =	smov.u32 s10;
	s9 =	sadd.s32 $0x4000, s9;
	[sflag:s13] =	ssyncset.done @!p1 $0x0  }
0x27: {  	s11 =	smov.u32 s15;
	s10 =	smov.u32 s14;
	[sflag:s13] =	ssyncadd.s32 @!p1 $0xFFFFC000  }
.LBB2_1:
0x28: {  	p1 =	sge.u32 s11, s6  }
0x29: {  	s13 =	sand.u32 @!p1 $0x1FFFFFF, s10  }
0x2a: {  	s14 =	smulhi.u32 @!p1 $0x2FA0BE9, s13;
	_ =	sdelay $0x1  }
0x2b: {  	s14 =	sshrl.u32 @!p1 s14, $0x9  }
0x2c: {  	s14 =	smul.u32 @!p1 $0xAC00, s14;
	_ =	sdelay $0x1  }
0x2d: {  	s15 =	sxor.u32 @!p1 $0xFFFFFFFF, s11;
	s13 =	ssub.s32 @!p1 s13, s14  }
0x2e: {  	s31 =	sadd.s32 $0xFFFFFFFF, s11;
	s14 =	sshll.u32 @!p1 s15, $0xE;
	s13 =	sshll.u32 @!p1 s13, $0x4  }
0x2f: {  	s15 =	simm.s32 @!p1 $0x0;
	s14 =	sand.u32 @!p1 $0x4000, s14;
	s13 =	sadd.s32 @!p1 s3, s13  }
0x30: {  	[tilespmem:s14], [sflag:$0x1] =	stream.linear.gather @!p1 [hbm4b:s13+s15], $0x4000, $0x38;
	[tilespmem:$0x10000] =	vst v63  }
0x31: {  	p1 =	sge.u32 s31, s6  }
.Ltmp2:
0x32: {  	_ = 	snop;
	(pc) =	sbr.rel @p1 .LBB2_5-.Ltmp2, $1  }
0x33: {  	_ =	sdelay $0x3  }
0x34: {  	s13 =	sand.u32 $0x4000, s9  }
0x35: {  	s14 =	sor.u32 $0x40, s13  }
0x36: {  	v1 =	vmov s14;
	_ =	sdelay $0x1  }
0x37: {  	_ =	swait.ge [sflag:s5], $0x4000  }
0x38: {  	[sflag:s5] =	ssyncset.done $0x0  }
0x39: {  	[sflag:s5] =	ssyncadd.s32 $0xFFFFC000;
	s14 =	simm.s32 $0x0  }
0x3a: {  	s13 =	sor.u32 $0x8070, s13;
	v7 =	vld.idx.msk [tilespmem:v1+s14+$0x30 ss:$0x1], $0xffff  }
0x3b: {  	v0 =	vmov s13;
	v8 =	vld.idx.msk [tilespmem:v1+s14+$0xFFFFFFC0 ss:$0x1], $0xffff  }
0x3c: {  	v6 =	vld.idx.msk [tilespmem:v1+s14+$0xFFFFFFD0 ss:$0x1], $0xffff  }
0x3d: {  	v4 =	vld.idx.msk [tilespmem:v1+s14+$0xFFFFFFE0 ss:$0x1], $0xffff  }
0x3e: {  	v2 =	vld.idx.msk [tilespmem:v1+s14+$0xFFFFFFF0 ss:$0x1], $0xffff  }
0x3f: {  	s31 =	sshll.u32 s11, $0xE;
	v3 =	vld.idx.msk [tilespmem:v1+s14+$0x0 ss:$0x1], $0xffff  }
0x40: {  	s13 =	sand.u32 $0x4000, s31;
	v5 =	vld.idx.msk [tilespmem:v1+s14+$0x10 ss:$0x1], $0xffff;
	[tilespmem:v0+s14+$0x0 ss:$0x1] =	vst.idx.msk $0xffff, v7  }
0x41: {  	s15 =	simm.s32 $0x80;
	s16 =	simm.s32 $0x400;
	s13 =	sor.u32 $0x8000, s13;
	[tilespmem:v0+s14+$0xFFFFFF90 ss:$0x1] =	vst.idx.msk $0xffff, v8;
	v7 =	vld.idx.msk [tilespmem:v1+s14+$0x20 ss:$0x1], $0xffff  }
.LBB2_3:
0x42: {  	p1 =	sne.s32 s16, $0xFE00;
	v8 =	vld.idx.msk [tilespmem:v1+s15+$0x30 ss:$0x1], $0xffff;
	[tilespmem:v0+s14+$0xFFFFFFA0 ss:$0x1] =	vst.idx.msk $0xffff, v6  }
0x43: {  	v9 =	vld.idx.msk [tilespmem:v1+s15+$0xFFFFFFC0 ss:$0x1], $0xffff;
	[tilespmem:v0+s14+$0xFFFFFFB0 ss:$0x1] =	vst.idx.msk $0xffff, v4  }
0x44: {  	v6 =	vld.idx.msk [tilespmem:v1+s15+$0xFFFFFFD0 ss:$0x1], $0xffff;
	[tilespmem:v0+s14+$0xFFFFFFC0 ss:$0x1] =	vst.idx.msk $0xffff, v2  }
.Ltmp3:
0x45: {  	v4 =	vld.idx.msk [tilespmem:v1+s15+$0xFFFFFFE0 ss:$0x1], $0xffff;
	[tilespmem:v0+s14+$0xFFFFFFD0 ss:$0x1] =	vst.idx.msk $0xffff, v3;
	(pc) =	sbr.rel @p1 .LBB2_3-.Ltmp3, $4  }
0x46: {  	v2 =	vld.idx.msk [tilespmem:v1+s15+$0xFFFFFFF0 ss:$0x1], $0xffff;
	[tilespmem:v0+s14+$0xFFFFFFE0 ss:$0x1] =	vst.idx.msk $0xffff, v5  }
0x47: {  	v3 =	vld.idx.msk [tilespmem:v1+s15+$0x0 ss:$0x1], $0xffff;
	[tilespmem:v0+s14+$0xFFFFFFF0 ss:$0x1] =	vst.idx.msk $0xffff, v7;
	s14 =	smov.u32 s15  }
0x48: {  	v5 =	vld.idx.msk [tilespmem:v1+s14+$0x10 ss:$0x1], $0xffff;
	[tilespmem:v0+s14+$0x0 ss:$0x1] =	vst.idx.msk $0xffff, v8  }
0x49: {  	s15 =	sshra.s32 s16, $0x2;
	s16 =	sadd.s32 $0x200, s16;
	[tilespmem:v0+s14+$0xFFFFFF90 ss:$0x1] =	vst.idx.msk $0xffff, v9;
	v7 =	vld.idx.msk [tilespmem:v1+s14+$0x20 ss:$0x1], $0xffff  }
.Ltmp4:
0x4a: {  	_ = 	snop;
	(pc) =	sbr.rel .LBB2_4-.Ltmp4, $1  }
0x4b: {  	_ =	sdelay $0x3  }
.LBB2_6:
0x4c: {  	_ =	sfence.sel $0x180000  }
0x4d: {  	s2 =	simm.s32 $0x1;
	[bflag:$0x0] =	sbarrier.arrive $0xFFFF  }
0x4e: {  	s31 =	simm.s32 $0x2;
	[sflag:s2] =	ssyncpa.u1 $0x1  }
0x4f: {  	[sflag:s31] =	ssyncpa.u1 $0x1  }
0x50: {  	_ =	strace $0x9000004A  }
0x51: {  	s0 =	sadd.s32 @!p0 $0x100000, s0;
	[bflag:$0x2] =	sbarrier.arrive $0xFFFF  }
0x52: {  	[sflag:s0] =	ssyncadd.tile.s32 @!p0 $0x1;
	s0 =	simm.s32 @!p0 $0x3F  }
0x53: {  	_ =	swait.ge @!p0 [sflag:s0], s1  }
0x54: {  	s1 =	ssub.s32 @!p0 $0x0, s1;
	[sflag:s0] =	ssyncset.done @!p0 $0x0  }
0x55: {  	[sflag:s0] =	ssyncadd.s32 @!p0 s1  }
0x56: {  	[bflag:$0x3] =	sbarrier.arrive $0xFFFF  }
0x57: {  	_ =	shalt  }
.Lfunc_end2:
execute1_lowered:
.L_overlay_start_2:
0x58: {  	(tag) =	ssettag $0x2  }
0x59: {  	s2 =	rddreg [dreg:$0x0]  }
0x5a: {  	s3 =	rddreg [dreg:$0x1];
	_ =	strace $0x8000004D;
	s0 =	simm.s32 $0x1  }
0x5b: {  	v0 =	vimm.s32 $0x0;
	[sflag:s0] =	ssyncpa.u1 $0x0;
	s0 =	simm.s32 $0x108  }
0x5c: {  	[tilespmem:s0+$0x70] =	vst v0  }
0x5d: {  	[tilespmem:s0+$0x60] =	vst v0  }
0x5e: {  	[tilespmem:s0+$0x50] =	vst v0  }
0x5f: {  	[tilespmem:s0+$0x40] =	vst v0  }
0x60: {  	s1 =	sadd.s32 $0x413800, s2;
	[tilespmem:s0+$0x30] =	vst v0  }
0x61: {  	s15 =	sadd.s32 $0x15E400, s2;
	s6 =	sadd.s32 $0x20D000, s2;
	[tilespmem:s0+$0x20] =	vst v0  }
0x62: {  	s14 =	sadd.s32 $0x364C00, s2;
	s5 =	sand.u32 $0x1, s3;
	s3 =	simm.s32 $0x40;
	[tilespmem:s0+$0x10] =	vst v0  }
.LBB3_1:
0x63: {  	s3 =	sadd.s32 $0x40, s3;
	[tilespmem:s0+$0x0] =	vst v0;
	s0 =	sadd.s32 $0x80, s0  }
0x64: {  	p0 =	slt.u32 s3, $0x3C40;
	[tilespmem:s0+$0x70] =	vst v0  }
0x65: {  	[tilespmem:s0+$0x60] =	vst v0  }
.Ltmp5:
0x66: {  	[tilespmem:s0+$0x50] =	vst v0;
	(pc) =	sbr.rel @p0 .LBB3_1-.Ltmp5, $4  }
0x67: {  	[tilespmem:s0+$0x40] =	vst v0  }
0x68: {  	[tilespmem:s0+$0x30] =	vst v0  }
0x69: {  	[tilespmem:s0+$0x20] =	vst v0  }
0x6a: {  	[tilespmem:s0+$0x10] =	vst v0  }
0x6b: {  	s9 =	stileid.u32  }
0x6c: {  	s2 =	smul.u32 $0xB, s9  }
0x6d: {  	s3 =	smin.u32 s9, $0x8  }
0x6e: {  	s2 =	sadd.s32 s3, s2  }
0x6f: {  	p0 =	slt.u32 s9, $0x8;
	s7 =	smul.u32 $0xF0, s2;
	s2 =	simm.s32 $0xB40  }
0x70: {  	s2 =	simm.s32 @!p0 $0xA50  }
0x71: {  	s2 =	sadd.s32 s2, s7  }
0x72: {  	s8 =	smin.u32 s2, $0xABE0  }
0x73: {  	s2 =	ssub.s32 s8, s7  }
0x74: {  	p0 =	sgt.s32 s2, $0x0  }
0x75: {  	s29 =	simm.s32 $0x2;
	s10 =	simm.s32 $0x9;
	s2 =	simm.s32 @!p0 $0x0  }
0x76: {  	s4 =	simm.s32 $0xA;
	s11 =	simm.s32 $0xB;
	s28 =	smul.u32 $0x8889, s2  }
0x77: {  	[dreg:$0x4] =	wrdreg s5;
	s31 =	smul.u32 $0x157C, s5;
	s12 =	simm.s32 $0x1  }
0x78: {  	s22 =	simm.s32 $0x0;
	s18 =	simm.s32 $0xC;
	s30 =	sshrl.u32 s28, $0x17  }
0x79: {  	s20 =	simm.s32 $0x0;
	s21 =	simm.s32 $0x0;
	s3 =	smul.u32 $0xF0, s30  }
.Ltmp6:
0x7a: {  	[tilespmem:s0+$0x0] =	vst v0;
	v0 =	vimm.s32 $0xFFFFFFFF;
	[sflag:s29] =	ssyncpa.u1 $0x0;
	s16 =	sshll.u32 s9, $0x8;
	(pc) =	sbr.rel .LBB3_3-.Ltmp6, $4  }
0x7b: {  	[tilespmem:$0xF208] =	vst v0;
	[sflag:s10] =	ssyncpa.u1 $0x0;
	p0 =	sne.s32 s2, s3;
	s2 =	simm.s32 $0x1  }
0x7c: {  	s14 =	sadd.s32 s31, s14;
	[sflag:s4] =	ssyncpa.u1 $0x0;
	s2 =	simm.s32 @!p0 $0x0  }
0x7d: {  	s15 =	sadd.s32 s31, s15;
	[sflag:s11] =	ssyncpa.u1 $0x0;
	s13 =	sadd.s32 s30, s2  }
0x7e: {  	v0 =	vlaneseq.u32;
	s19 =	smov.u32 s7;
	p0 =	por $0x0, $0x0;
	s17 =	sadd.s32 $0x1, s13  }
.LBB3_18:
0x7f: {  	s0 =	sshrl.u32 s31, $0x2  }
.LBB3_20:
0x80: {  	_ =	swait.ge [sflag:s18], s0  }
0x81: {  	s31 =	ssub.s32 $0x0, s0;
	v1 =	vmov s24;
	vm0 =	veq.s32 v0, $0x0;
	[sflag:s18] =	ssyncset.done $0x0  }
0x82: {  	vm15 =	veq.s32 v0, $0x2;
	v1 =	vsel vm0, s30, v1;
	[sflag:s18] =	ssyncadd.s32 s31  }
0x83: {  	v1 =	vsel vm15, s22, v1;
	[sflag:s18] =	ssyncpa.u1 $0x1  }
0x84: {  	[tilespmem:$0xF208] =	vst v1  }
.LBB3_21:
0x85: {  	s0 =	sadd.s32 $0xF0, s19  }
0x86: {  	s2 =	smov.u32 s7;
	p1 =	slt.s32 s0, s8  }
0x87: {  	s2 =	smov.u32 @p1 s0;
	p1 =	sne.s32 s21, s17  }
.Ltmp7:
0x88: {  	_ = 	snop;
	(pc) =	sbr.rel @!p1 .LBB3_22-.Ltmp7, $3  }
0x89: {  	_ =	sdelay $0x1  }
0x8a: {  	s22 =	smov.u32 s20;
	s31 =	sadd.s32 $0x1, s21;
	s20 =	smov.u32 s19  }
0x8b: {  	p0 =	por !p0, !p0;
	s21 =	smov.u32 s31;
	s19 =	smov.u32 s2  }
.LBB3_3:
0x8c: {  	p1 =	sge.u32 s21, s13  }
0x8d: {  	s0 =	smulhi.u32 @!p1 $0xAAAAAAAB, s21  }
0x8e: {  	s2 =	smov.u32 s19;
	p2 =	sgt.s32 @!p1 s19, $0xAAF0  }
0x8f: {  	s3 =	sshra.s32 @!p1 s19, $0x1F;
	p2 =	por !p2, p1;
	s0 =	sshrl.u32 @!p1 s0, $0x1  }
0x90: {  	s3 =	sand.u32 @!p1 s3, s19;
	s2 =	simm.s32 @p2 $0xAAF0;
	s0 =	smul.u32 @!p1 $0x3, s0  }
0x91: {  	s2 =	ssub.s32 @!p1 s2, s3  }
0x92: {  	s2 =	sadd.s32 @!p1 $0xFFFF5510, s2;
	s0 =	ssub.s32 @!p1 s21, s0  }
0x93: {  	s3 =	sshll.u32 @!p1 s2, $0x2;
	p2 =	sgt.s32 @!p1 s2, $0xEF;
	s0 =	smul.u32 @!p1 $0x3C0, s0  }
0x94: {  	s4 =	sand.u32 @!p1 $0x7, s19;
	s2 =	ssub.s32 @!p1 $0x3C0, s3;
	p2 =	por !p2, p1  }
0x95: {  	s3 =	sshrl.u32 @!p1 s19, $0x3;
	s2 =	sshrl.u32 @!p1 s2, $0x2;
	s0 =	sshrl.u32 @!p1 s0, $0x2  }
0x96: {  	s3 =	sadd.s32 @!p1 s3, s14;
	s2 =	simm.s32 @!p2 $0x0;
	s0 =	sadd.s32 @!p1 $0x10248, s0  }
0x97: {  	[tilespmem:s0], [sflag:$0xA] =	stream.linear.gather @!p1 [hbm4b:s3+s4], s2, $0x38;
	[tilespmem:$0x1F6F8] =	vst v63  }
0x98: {  	s0 =	sadd.s32 $0xFFFFFFFF, s21  }
0x99: {  	p1 =	sge.u32 s0, s13  }
0x9a: {  	p2 =	sgt.s32 @!p1 s20, $0xAAF0  }
0x9b: {  	s2 =	smov.u32 s20;
	s3 =	sshra.s32 @!p1 s20, $0x1F;
	p2 =	por !p2, p1  }
0x9c: {  	s3 =	sand.u32 @!p1 s3, s20;
	s2 =	simm.s32 @p2 $0xAAF0  }
0x9d: {  	s2 =	ssub.s32 @!p1 s2, s3  }
0x9e: {  	s2 =	sadd.s32 @!p1 $0xFFFF5510, s2  }
0x9f: {  	s4 =	sand.u32 @!p1 $0x1, s0;
	s3 =	sshll.u32 @!p1 s2, $0x2  }
0xa0: {  	p2 =	sgt.s32 @!p1 s2, $0xEF;
	s2 =	ssub.s32 @!p1 $0x3C0, s3;
	s3 =	smulhi.u32 @!p1 $0xAAAAAAAB, s0  }
0xa1: {  	s23 =	smul.u32 @!p1 $0x3C0, s4;
	p2 =	por !p2, p1;
	s2 =	sshrl.u32 @!p1 s2, $0x2  }
0xa2: {  	s5 =	simm.s32 @!p1 $0xA;
	s2 =	simm.s32 @!p2 $0x0;
	s3 =	sshrl.u32 @!p1 s3, $0x1  }
0xa3: {  	s23 =	sshrl.u32 @!p1 s23, $0x2;
	_ =	swait.ge @!p1 [sflag:s5], s2;
	s3 =	smul.u32 @!p1 $0x3, s3  }
0xa4: {  	s23 =	sadd.s32 @!p1 $0x10518, s23;
	s24 =	ssub.s32 @!p1 $0x0, s2;
	[sflag:s5] =	ssyncset.done @!p1 $0x0  }
0xa5: {  	[sflag:s5] =	ssyncadd.s32 @!p1 s24;
	s5 =	sshrl.u32 @!p1 s20, $0x3;
	s0 =	ssub.s32 @!p1 s0, s3  }
0xa6: {  	s24 =	sand.u32 @!p1 $0x7, s20;
	s5 =	sadd.s32 @!p1 s5, s15;
	s0 =	smul.u32 @!p1 $0x3C0, s0  }
0xa7: {  	[tilespmem:s23], [sflag:$0xB] =	stream.linear.gather @!p1 [hbm4b:s5+s24], s2, $0x38;
	[tilespmem:$0x1F6F8] =	vst v63  }
0xa8: {  	s3 =	ssub.s32 @!p1 $0xABE0, s20;
	s2 =	smul.u32 @!p1 $0x1E000, s4  }
0xa9: {  	p2 =	slt.s32 @!p1 s3, $0xF0  }
0xaa: {  	p2 =	por !p2, p1;
	s0 =	sshrl.u32 @!p1 s0, $0x2;
	s2 =	sshrl.u32 @!p1 s2, $0x2  }
0xab: {  	s3 =	simm.s32 @p2 $0xF0;
	s0 =	sadd.s32 @!p1 $0x10248, s0;
	s2 =	sor.u32 @!p1 $0x106F8, s2  }
0xac: {  	[tilespmem:s2], [sflag:$0x9] =	stream.indirect.gather @!p1 [hbm4b:s6+s3], $0x80, s0, s3, $0xb8;
	[tilespmem:$0x1F6F8] =	vst v63  }
0xad: {  	p1 =	slt.u32 s21, $0x2  }
.Ltmp8:
0xae: {  	_ = 	snop;
	(pc) =	sbr.rel @p1 .LBB3_21-.Ltmp8, $1  }
0xaf: {  	_ =	sdelay $0x3  }
0xb0: {  	p1 =	sgt.s32 s22, $0xAAF0  }
0xb1: {  	s0 =	smov.u32 s22;
	s2 =	sshra.s32 s22, $0x1F;
	s3 =	ssub.s32 $0xABE0, s22  }
0xb2: {  	s0 =	simm.s32 @!p1 $0xAAF0;
	s2 =	sand.u32 s2, s22;
	p1 =	slt.s32 s3, $0xF0  }
0xb3: {  	s0 =	ssub.s32 s0, s2;
	s3 =	simm.s32 @!p1 $0xF0  }
0xb4: {  	s0 =	sadd.s32 $0xFFFF5510, s0;
	s25 =	sshll.u32 s3, $0x7  }
0xb5: {  	s26 =	sshll.u32 s0, $0x2;
	s2 =	sand.u32 $0x3FFFFF80, s25  }
0xb6: {  	p1 =	sgt.s32 s0, $0xEF;
	s29 =	ssub.s32 $0x3C0, s26;
	_ =	swait.ge [sflag:s10], s2  }
0xb7: {  	s2 =	ssub.s32 $0x0, s2;
	[sflag:s10] =	ssyncset.done $0x0;
	s0 =	sshrl.u32 s29, $0x2  }
0xb8: {  	[sflag:s10] =	ssyncadd.s32 s2;
	s0 =	simm.s32 @p1 $0x0  }
0xb9: {  	_ =	swait.ge [sflag:s11], s0  }
0xba: {  	s0 =	ssub.s32 $0x0, s0;
	[sflag:s11] =	ssyncset.done $0x0  }
0xbb: {  	[sflag:s11] =	ssyncadd.s32 s0  }
0xbc: {  	v1 =	vld [tilespmem:$0xF208];
	_ =	sdelay $0x4  }
0xbd: {  	(v2sf) =	vpush v1, $0x0  }
0xbe: {  	(v2sf) =	vpush v1, $0x1  }
0xbf: {  	(v2sf) =	vpush v1, $0x2;
	_ =	sdelay $0x3  }
0xc0: {  	s0 =	sadd.s32 $0xF0, s22  }
0xc1: {  	s2 =	ssub.s32 $0x157C0, s22;
	p1 =	slt.s32 s8, s0  }
0xc2: {  	s0 =	smov.u32 @p1 s8;
	p1 =	sgt.s32 s2, $0x0  }
0xc3: {  	s26 =	ssub.s32 s0, s22;
	s2 =	simm.s32 @!p1 $0x0  }
0xc4: {  	p1 =	slt.s32 s2, s26  }
0xc5: {  	s26 =	smov.u32 @p1 s2  }
0xc6: {  	s25 =	simm.s32 $0x1;
	p1 =	slt.s32 s26, $0x1  }
.Ltmp9:
0xc7: {  	s25 =	simm.s32 @!p0 $0x0;
	(pc) =	sbr.rel @p1 .LBB3_8-.Ltmp9, $4  }
0xc8: {  	s31 =	smul.u32 $0x3C0, s25  }
0xc9: {  	s28 =	spop (v2sf)  }
0xca: {  	s0 =	sshrl.u32 s31, $0x2;
	s30 =	spop (v2sf)  }
0xcb: {  	s23 =	sadd.s32 $0x10518, s0;
	s22 =	spop (v2sf)  }
0xcc: {  	s0 =	smin.u32 s26, $0x10  }
0xcd: {  	v1 =	vmov s0  }
0xce: {  	p2 =	sgt.s32 s26, $0x10;
	vm1 =	vgt.u32 v1, v0  }
.Ltmp10:
0xcf: {  	_ = 	snop;
	(pc) =	sbr.rel @!p2 .LBB3_7-.Ltmp10, $2  }
0xd0: {  	_ =	sdelay $0x2  }
0xd1: {  	s4 =	simm.s32 $0x10;
	s24 =	sadd.s32 $0xFFFFFFF0, s26;
	s0 =	smov.u32 s23;
	vm0 =	vmmov vm1  }
.LBB3_6:
0xd2: {  	s2 =	smin.u32 s24, $0x10;
	s4 =	sadd.s32 $0x10, s4;
	v1 =	vld.msk [tilespmem:s0+$0x0 ss:$0x1], vm1  }
0xd3: {  	v2 =	vmov s2;
	p2 =	slt.s32 s4, s26  }
0xd4: {  	vm1 =	vgt.u32 v2, v0  }
.Ltmp11:
0xd5: {  	(pc) =	sbr.rel @p2 .LBB3_6-.Ltmp11, $3  }
0xd6: {  	_ =	sdelay $0x1  }
0xd7: {  	v1 =	vshll.u32 v1, $0x4  }
0xd8: {  	s24 =	sadd.s32 $0xFFFFFFF0, s24;
	[tilespmem:s0+$0x0] =	vst.msk vm0, v1;
	s0 =	sadd.s32 $0x10, s0;
	vm0 =	vmmov vm1  }
.LBB3_7:
0xd9: {  	_ =	sdelay $0x4  }
0xda: {  	v1 =	vld.msk [tilespmem:s0+$0x0 ss:$0x1], vm1;
	_ =	sdelay $0x4  }
0xdb: {  	v1 =	vshll.u32 v1, $0x4  }
0xdc: {  	[tilespmem:s0+$0x0] =	vst.msk vm0, v1  }
.LBB3_8:
0xdd: {  	s0 =	sand.u32 $0x1, s21  }
0xde: {  	s0 =	smul.u32 $0xF0, s0  }
0xdf: {  	p2 =	sne.s32 s30, $0xFFFFFFFF  }
0xe0: {  	v1 =	vld.msk @!p2 [tilespmem:s0+$0x10518], $0x1;
	_ =	sdelay $0x4  }
0xe1: {  	(v2sf) =	vpush @!p2 v1, $0x0;
	_ =	sdelay $0xc  }
.Ltmp12:
0xe2: {  	_ = 	snop;
	(pc) =	sbr.rel @p1 .LBB3_19-.Ltmp12, $4  }
0xe3: {  	_ = 	snop  }
0xe4: {  	s29 =	spop @!p2 (v2sf)  }
0xe5: {  	s22 =	simm.s32 @!p2 $0x0;
	s24 =	smov.u32 s29  }
0xe6: {  	[sflag:s18] =	ssyncpa.u1 $0x0;
	s29 =	smov.u32 @p2 s28;
	s24 =	smov.u32 @p2 s30  }
0xe7: {  	v1 =	vld.msk [tilespmem:s23+$0x0], $0x1;
	_ =	sdelay $0x4  }
0xe8: {  	(v2sf) =	vpush v1, $0x0;
	_ =	sdelay $0xe  }
0xe9: {  	s2 =	smul.u32 $0x1E000, s25;
	s0 =	spop (v2sf)  }
0xea: {  	s26 =	ssub.s32 $0x0, s26;
	p1 =	seq.s32 s29, s0  }
0xeb: {  	s30 =	sadd.s32 $0x1, s26;
	s2 =	sshrl.u32 s2, $0x2;
	p2 =	sgt.s32 @!p1 s29, $0x0  }
0xec: {  	s25 =	sor.u32 $0x10738, s2;
	s2 =	smov.u32 s29;
	p2 =	por !p2, p1  }
0xed: {  	s2 =	simm.s32 @p2 $0x0;
	p2 =	seq.s32 s30, $0x0  }
.Ltmp13:
0xee: {  	_ = 	snop;
	(pc) =	sbr.rel @p2 .LBB3_11-.Ltmp13, $4  }
0xef: {  	_ = 	snop  }
0xf0: {  	s28 =	simm.s32 $0x0;
	s31 =	sadd.s32 $0x1, s23;
	s2 =	smin.u32 @!p1 s2, $0xABFF0  }
0xf1: {  	s4 =	simm.s32 @!p1 $0x1;
	s5 =	simm.s32 @!p1 $0x7988;
	s3 =	sand.u32 @!p1 $0xFFFF8, s2  }
0xf2: {  	s4 =	smov.u32 @p1 s28;
	s2 =	sand.u32 @!p1 $0x7, s2;
	s3 =	sadd.s32 @!p1 s1, s3  }
.LBB3_10:
0xf3: {  	s9 =	smov.u32 s4  }
0xf4: {  	[tilespmem:s5], [sflag:$0x2] =	stream.linear.gather @!p1 [hbm4b:s3+s2], $0x80, $0x38;
	[tilespmem:$0x1F6F8] =	vst v63  }
0xf5: {  	s30 =	sadd.s32 $0x1, s30;
	s2 =	smov.u32 s0;
	v1 =	vld.msk [tilespmem:s31+$0x0], $0x1  }
0xf6: {  	p2 =	seq.s32 s30, $0x0;
	_ =	sdelay $0x3  }
0xf7: {  	(v2sf) =	vpush v1, $0x0;
	_ =	sdelay $0xe  }
0xf8: {  	s0 =	spop (v2sf)  }
0xf9: {  	p1 =	seq.s32 s2, s0  }
0xfa: {  	p3 =	sgt.s32 @!p1 s2, $0x0;
	s3 =	sshll.u32 @!p1 s4, $0x9;
	s4 =	sadd.s32 @!p1 $0x1, s4  }
.Ltmp14:
0xfb: {  	p3 =	por !p3, p1;
	s3 =	sshra.s32 @!p1 s3, $0x2;
	(pc) =	sbr.rel @!p2 .LBB3_10-.Ltmp14, $4  }
0xfc: {  	s4 =	smov.u32 @p1 s9;
	s2 =	simm.s32 @p3 $0x0;
	s5 =	sadd.s32 @!p1 $0x7988, s3  }
0xfd: {  	s2 =	smin.u32 @!p1 s2, $0xABFF0  }
0xfe: {  	s3 =	sand.u32 @!p1 $0xFFFF8, s2;
	s2 =	sand.u32 @!p1 $0x7, s2  }
0xff: {  	s31 =	sadd.s32 $0x1, s31;
	s3 =	sadd.s32 @!p1 s1, s3  }
.LBB3_11:
0x100: {  	[tilespmem:s5], [sflag:$0x2] =	stream.linear.gather @!p1 [hbm4b:s3+s2], $0x80, $0x38;
	[tilespmem:$0x1F6F8] =	vst v63  }
.Ltmp15:
0x101: {  	s0 =	sshll.u32 s4, $0x7;
	(pc) =	sbr.rel .LBB3_12-.Ltmp15, $4  }
0x102: {  	s30 =	simm.s32 $0x2;
	s0 =	sand.u32 $0x3FFFFF80, s0  }
0x103: {  	_ =	swait.ge [sflag:s30], s0  }
0x104: {  	s0 =	ssub.s32 $0x0, s0;
	[sflag:s30] =	ssyncset.done $0x0  }
0x105: {  	s31 =	simm.s32 $0x0;
	[sflag:s30] =	ssyncadd.s32 s0  }
.LBB3_13:
0x106: {  	v1 =	vld [tilespmem:s25+$0xFFFFFFC0];
	_ =	sdelay $0x3  }
0x107: {  	s0 =	sshra.s32 s0, $0x2  }
0x108: {  	[tilespmem:s0+$0x108] =	vst.add.f32.msk $0xffff, v1  }
0x109: {  	v1 =	vld [tilespmem:s25+$0xFFFFFFD0];
	_ =	sdelay $0x4  }
0x10a: {  	[tilespmem:s0+$0x118] =	vst.add.f32.msk $0xffff, v1  }
0x10b: {  	v1 =	vld [tilespmem:s25+$0xFFFFFFE0];
	_ =	sdelay $0x4  }
0x10c: {  	[tilespmem:s0+$0x128] =	vst.add.f32.msk $0xffff, v1  }
0x10d: {  	v1 =	vld [tilespmem:s25+$0xFFFFFFF0];
	_ =	sdelay $0x4  }
0x10e: {  	[tilespmem:s0+$0x138] =	vst.add.f32.msk $0xffff, v1  }
0x10f: {  	v1 =	vld [tilespmem:s25+$0x0];
	_ =	sdelay $0x4  }
0x110: {  	[tilespmem:s0+$0x148] =	vst.add.f32.msk $0xffff, v1  }
0x111: {  	v1 =	vld [tilespmem:s25+$0x10];
	_ =	sdelay $0x4  }
0x112: {  	[tilespmem:s0+$0x158] =	vst.add.f32.msk $0xffff, v1  }
0x113: {  	v1 =	vld [tilespmem:s25+$0x20];
	_ =	sdelay $0x4  }
0x114: {  	[tilespmem:s0+$0x168] =	vst.add.f32.msk $0xffff, v1  }
0x115: {  	v1 =	vld [tilespmem:s25+$0x30];
	_ =	sdelay $0x4  }
0x116: {  	[tilespmem:s0+$0x178] =	vst.add.f32.msk $0xffff, v1  }
.LBB3_17:
0x117: {  	s26 =	sadd.s32 $0x1, s26  }
0x118: {  	p1 =	seq.s32 s26, $0x0  }
.Ltmp16:
0x119: {  	_ = 	snop;
	(pc) =	sbr.rel @p1 .LBB3_18-.Ltmp16, $2  }
0x11a: {  	_ =	sdelay $0x2  }
0x11b: {  	s23 =	sadd.s32 $0x1, s23;
	s25 =	sadd.s32 $0x80, s25;
	s29 =	smov.u32 s30  }
.LBB3_12:
0x11c: {  	v1 =	vld.msk [tilespmem:s23+$0x0], $0x1;
	_ =	sdelay $0x4  }
0x11d: {  	(v2sf) =	vpush v1, $0x0;
	_ =	sdelay $0xe  }
0x11e: {  	s30 =	spop (v2sf)  }
0x11f: {  	p1 =	sne.s32 s29, s30  }
.Ltmp17:
0x120: {  	_ = 	snop;
	(pc) =	sbr.rel @!p1 .LBB3_13-.Ltmp17, $2  }
0x121: {  	_ =	sdelay $0x2  }
0x122: {  	s0 =	sshll.u32 s22, $0x9  }
0x123: {  	p1 =	seq.s32 s29, s24  }
.Ltmp18:
0x124: {  	_ = 	snop;
	(pc) =	sbr.rel @!p1 .LBB3_15-.Ltmp18, $1  }
0x125: {  	_ =	sdelay $0x3  }
0x126: {  	s0 =	sshra.s32 s0, $0x2  }
.Ltmp19:
0x127: {  	s0 =	sadd.s32 $0x108, s0;
	(pc) =	sbr.rel .LBB3_16-.Ltmp19, $4  }
0x128: {  	[spmem:s16] =	stream.linear.scatter [tilespmem:s0], [sflag:$0x1], $0x80, $0x38;
	[tilespmem:$0x1F6F8] =	vst v63  }
0x129: {  	_ =	swait.ge [sflag:s12], $0x80  }
0x12a: {  	[sflag:s12] =	ssyncset.done $0x0  }
0x12b: {  	[sflag:s12] =	ssyncadd.s32 $0xFFFFFF80  }
.LBB3_15:
0x12c: {  	s2 =	sshll.u32 s28, $0x9  }
0x12d: {  	s2 =	sshra.s32 s2, $0x2  }
0x12e: {  	v1 =	vld [tilespmem:s2+$0x7988];
	_ =	sdelay $0x3  }
0x12f: {  	s0 =	sshra.s32 s0, $0x2  }
0x130: {  	[tilespmem:s0+$0x108] =	vst.add.f32.msk $0xffff, v1  }
0x131: {  	v1 =	vld [tilespmem:s2+$0x7998];
	_ =	sdelay $0x4  }
0x132: {  	[tilespmem:s0+$0x118] =	vst.add.f32.msk $0xffff, v1  }
0x133: {  	v1 =	vld [tilespmem:s2+$0x79A8];
	_ =	sdelay $0x4  }
0x134: {  	[tilespmem:s0+$0x128] =	vst.add.f32.msk $0xffff, v1  }
0x135: {  	v1 =	vld [tilespmem:s2+$0x79B8];
	_ =	sdelay $0x4  }
0x136: {  	[tilespmem:s0+$0x138] =	vst.add.f32.msk $0xffff, v1  }
0x137: {  	v1 =	vld [tilespmem:s2+$0x79C8];
	_ =	sdelay $0x4  }
0x138: {  	[tilespmem:s0+$0x148] =	vst.add.f32.msk $0xffff, v1  }
0x139: {  	v1 =	vld [tilespmem:s2+$0x79D8];
	_ =	sdelay $0x4  }
0x13a: {  	[tilespmem:s0+$0x158] =	vst.add.f32.msk $0xffff, v1  }
0x13b: {  	v1 =	vld [tilespmem:s2+$0x79E8];
	_ =	sdelay $0x4  }
0x13c: {  	[tilespmem:s0+$0x168] =	vst.add.f32.msk $0xffff, v1  }
0x13d: {  	v1 =	vld [tilespmem:s2+$0x79F8];
	_ =	sdelay $0x2  }
0x13e: {  	p1 =	sgt.u32 s29, $0xABFF0  }
0x13f: {  	s2 =	sand.u32 @!p1 $0xFFFF8, s29  }
0x140: {  	s3 =	sadd.s32 $0x108, s0;
	[tilespmem:s0+$0x178] =	vst.add.f32.msk $0xffff, v1;
	s0 =	sadd.s32 @!p1 s1, s2;
	s2 =	sand.u32 @!p1 $0x7, s29  }
0x141: {  	[hbm4b:s0+s2] =	stream.linear.scatter @!p1 [tilespmem:s3], [sflag:$0xC], $0x80, $0x38;
	[tilespmem:$0x1F6F8] =	vst v63  }
0x142: {  	s0 =	simm.s32 $0x0  }
0x143: {  	s0 =	simm.s32 @!p1 $0x200  }
0x144: {  	s31 =	sadd.s32 s0, s31  }
.LBB3_16:
0x145: {  	s0 =	sadd.s32 $0x1, s22  }
0x146: {  	s2 =	smulhi.u32 $0x88888889, s0;
	_ =	sdelay $0x1  }
0x147: {  	v1 =	vld [tilespmem:s25+$0xFFFFFFC0];
	s2 =	sshrl.u32 s2, $0x7  }
0x148: {  	s2 =	smul.u32 $0xF0, s2;
	_ =	sdelay $0x1  }
0x149: {  	s22 =	ssub.s32 s0, s2  }
0x14a: {  	s0 =	sshll.u32 s22, $0x7  }
0x14b: {  	[tilespmem:s0+$0x108] =	vst v1  }
0x14c: {  	v1 =	vld [tilespmem:s25+$0xFFFFFFD0];
	_ =	sdelay $0x4  }
0x14d: {  	[tilespmem:s0+$0x118] =	vst v1  }
0x14e: {  	v1 =	vld [tilespmem:s25+$0xFFFFFFE0];
	_ =	sdelay $0x4  }
0x14f: {  	[tilespmem:s0+$0x128] =	vst v1  }
0x150: {  	v1 =	vld [tilespmem:s25+$0xFFFFFFF0];
	_ =	sdelay $0x4  }
0x151: {  	[tilespmem:s0+$0x138] =	vst v1  }
0x152: {  	v1 =	vld [tilespmem:s25+$0x0];
	_ =	sdelay $0x4  }
0x153: {  	[tilespmem:s0+$0x148] =	vst v1  }
0x154: {  	v1 =	vld [tilespmem:s25+$0x10];
	_ =	sdelay $0x4  }
0x155: {  	[tilespmem:s0+$0x158] =	vst v1  }
0x156: {  	v1 =	vld [tilespmem:s25+$0x20];
	_ =	sdelay $0x4  }
0x157: {  	[tilespmem:s0+$0x168] =	vst v1  }
0x158: {  	v1 =	vld [tilespmem:s25+$0x30]  }
.Ltmp20:
0x159: {  	_ = 	snop;
	(pc) =	sbr.rel .LBB3_17-.Ltmp20, $2  }
0x15a: {  	_ =	sdelay $0x2  }
0x15b: {  	s28 =	sadd.s32 $0x1, s28;
	[tilespmem:s0+$0x178] =	vst v1  }
.LBB3_19:
.Ltmp21:
0x15c: {  	(pc) =	sbr.rel .LBB3_20-.Ltmp21, $4  }
0x15d: {  	_ = 	snop  }
0x15e: {  	s0 =	simm.s32 $0x2  }
0x15f: {  	_ =	swait.ge [sflag:s0], $0x0  }
0x160: {  	s30 =	smov.u32 s29;
	[sflag:s0] =	ssyncset.done $0x0;
	s0 =	simm.s32 $0x0  }
.LBB3_22:
0x161: {  	_ =	sfence.sel $0x180000  }
0x162: {  	s0 =	simm.s32 $0x9;
	[bflag:$0x0] =	sbarrier.arrive $0xFFFF  }
0x163: {  	s24 =	simm.s32 $0xA;
	[sflag:s0] =	ssyncpa.u1 $0x1  }
0x164: {  	s25 =	simm.s32 $0xB;
	[sflag:s24] =	ssyncpa.u1 $0x1  }
0x165: {  	s26 =	simm.s32 $0x2;
	[sflag:s25] =	ssyncpa.u1 $0x1  }
0x166: {  	[sflag:s26] =	ssyncpa.u1 $0x1  }
0x167: {  	v0 =	vld [tilespmem:$0xF208];
	_ =	sdelay $0x4  }
0x168: {  	(v2sf) =	vpush v0, $0x0  }
0x169: {  	(v2sf) =	vpush v0, $0x1;
	_ =	sdelay $0x1  }
0x16a: {  	(v2sf) =	vpush v0, $0x2;
	_ =	sdelay $0xb  }
0x16b: {  	s0 =	spop (v2sf)  }
0x16c: {  	s2 =	spop (v2sf)  }
0x16d: {  	s3 =	smov.u32 s0;
	p0 =	sne.s32 s0, s2  }
0x16e: {  	s4 =	spop (v2sf);
	s3 =	simm.s32 @!p0 $0xFFFFFFFF  }
0x16f: {  	v2 =	vimm.s32 $0x1;
	v3 =	vlaneseq.u32;
	p0 =	seq.s32 s4, $0xFFFFFFFF;
	v1 =	vmov s3  }
0x170: {  	s16 =	stileid.u32;
	v0 =	vperm.xlane v0, v2;
	p1 =	sne.s32 @!p0 s0, s2;
	v1 =	vperm.xlane v1, v3  }
0x171: {  	vm0 =	vcmask $0x3F04;
	s6 =	simm.s32 $0xF208;
	s0 =	simm.s32 @!p0 $0x1;
	p1 =	por !p1, p0  }
0x172: {  	s3 =	sshll.u32 s16, $0x1;
	s2 =	sshll.u32 @!p0 s4, $0x9;
	s0 =	simm.s32 @p1 $0x0;
	v0 =	vsel vm0, v1, v0  }
0x173: {  	s5 =	sor.u32 $0x1000, s3;
	s2 =	sshra.s32 @!p0 s2, $0x2;
	s0 =	sor.u32 @!p0 s0, s3;
	[tilespmem:$0xF208] =	vst v0  }
0x174: {  	[spmem:s5] =	stream.linear.scatter [tilespmem:s6], [sflag:$0x1], $0x2, $0x38;
	[tilespmem:$0x1F6F8] =	vst v63  }
0x175: {  	s2 =	sadd.s32 @!p0 $0x108, s2;
	s0 =	sshll.u32 @!p0 s0, $0x7  }
0x176: {  	[spmem:s0] =	stream.linear.scatter @!p0 [tilespmem:s2], [sflag:$0x1], $0x80, $0x38;
	[tilespmem:$0x1F6F8] =	vst v63  }
0x177: {  	s0 =	simm.s32 @!p0 $0x82  }
0x178: {  	s28 =	simm.s32 $0x1;
	s0 =	simm.s32 @p0 $0x2  }
0x179: {  	_ =	swait.ge [sflag:s28], s0  }
0x17a: {  	s0 =	ssub.s32 $0x0, s0;
	[sflag:s28] =	ssyncset.done $0x0  }
0x17b: {  	p0 =	sne.s32 s16, $0x0;
	[sflag:s28] =	ssyncadd.s32 s0  }
.Ltmp22:
0x17c: {  	_ =	sfence.stream.spmem;
	(pc) =	sbr.rel @p0 .LBB3_39-.Ltmp22, $4  }
0x17d: {  	s29 =	simm.s32 $0x3;
	[bflag:$0x0] =	sbarrier.arrive $0xFFFF  }
0x17e: {  	s30 =	simm.s32 $0x4;
	[sflag:s29] =	ssyncpa.u1 $0x1  }
0x17f: {  	s31 =	simm.s32 $0x3C;
	[sflag:s30] =	ssyncpa.u1 $0x1  }
0x180: {  	s15 =	rddreg [dreg:$0x4];
	[sflag:s31] =	ssyncpa.u1 $0x1  }
0x181: {  	_ =	sfence.stream.spmem;
	s0 =	simm.s32 $0x5  }
0x182: {  	s2 =	simm.s32 $0x1000;
	s3 =	simm.s32 $0xF218;
	[sflag:s0] =	ssyncpa.u1 $0x0  }
0x183: {  	[tilespmem:s3], [sflag:$0x5] =	stream.linear.gather [spmem:s2], $0x20, $0x38;
	[tilespmem:$0x1F6F8] =	vst v63  }
0x184: {  	s26 =	simm.s32 $0x0;
	s28 =	simm.s32 $0xF238  }
0x185: {  	[tilespmem:s28], [sflag:$0x5] =	stream.linear.gather [spmem:s26], $0x1000, $0x38;
	[tilespmem:$0x1F6F8] =	vst v63  }
0x186: {  	_ =	swait.ge [sflag:s0], $0x1020  }
0x187: {  	[sflag:s0] =	ssyncset.done $0x0  }
0x188: {  	s29 =	simm.s32 $0x0;
	[sflag:s0] =	ssyncadd.s32 $0xFFFFEFE0  }
0x189: {  	v0 =	vld.msk [tilespmem:s29+$0xF218], $0x1;
	_ =	sdelay $0x1  }
0x18a: {  	s30 =	simm.s32 $0x1  }
0x18b: {  	v1 =	vld.msk [tilespmem:s30+$0xF218], $0x1;
	_ =	sdelay $0x1  }
0x18c: {  	(v2sf) =	vpush v0, $0x0;
	_ =	sdelay $0x2  }
0x18d: {  	(v2sf) =	vpush v1, $0x0;
	_ =	sdelay $0x2  }
0x18e: {  	s31 =	simm.s32 $0x2  }
0x18f: {  	v0 =	vld.msk [tilespmem:s31+$0xF218], $0x1;
	_ =	sdelay $0x2  }
0x190: {  	s4 =	simm.s32 $0xFFFFFFFF;
	s5 =	simm.s32 $0xFFFFFFFF;
	s0 =	simm.s32 $0xC  }
.LBB3_24:
0x191: {  	s2 =	smov.u32 s5;
	s3 =	smov.u32 s4  }
0x192: {  	s4 =	sshra.s32 s0, $0x2;
	p1 =	sne.s32 s0, $0x7C;
	s0 =	sadd.s32 $0x4, s0;
	(v2sf) =	vpush v0, $0x0  }
0x193: {  	v0 =	vld.msk [tilespmem:s4+$0xF218], $0x1  }
.Ltmp23:
0x194: {  	(pc) =	sbr.rel @p1 .LBB3_24-.Ltmp23, $4  }
0x195: {  	s5 =	spop (v2sf)  }
0x196: {  	p2 =	sne.s32 s3, $0xFFFFFFFF;
	s4 =	smov.u32 s5  }
0x197: {  	p3 =	seq.s32 s5, $0xFFFFFFFF;
	s4 =	smov.u32 @p2 s3  }
0x198: {  	s5 =	smov.u32 @p3 s2;
	s4 =	smov.u32 @p3 s3  }
0x199: {  	(v2sf) =	vpush v0, $0x0;
	_ =	sdelay $0x8  }
0x19a: {  	s0 =	spop (v2sf)  }
0x19b: {  	p1 =	sne.s32 s4, $0xFFFFFFFF;
	s2 =	smov.u32 s0  }
0x19c: {  	s9 =	simm.s32 $0x6;
	p2 =	seq.s32 s0, $0xFFFFFFFF;
	s2 =	smov.u32 @p1 s4  }
0x19d: {  	s6 =	simm.s32 $0x0;
	s2 =	smov.u32 @p2 s4;
	s3 =	spop (v2sf)  }
0x19e: {  	s0 =	smov.u32 @p2 s5;
	p1 =	sne.s32 s2, $0xFFFFFFFF;
	s4 =	smov.u32 s3  }
.Ltmp24:
0x19f: {  	p2 =	seq.s32 s3, $0xFFFFFFFF;
	s4 =	smov.u32 @p1 s2;
	(pc) =	sbr.rel .LBB3_26-.Ltmp24, $4  }
0x1a0: {  	s10 =	simm.s32 $0xF188;
	s4 =	smov.u32 @p2 s2;
	s7 =	spop (v2sf)  }
0x1a1: {  	s11 =	simm.s32 $0x0;
	p1 =	sne.s32 s4, $0xFFFFFFFF;
	s8 =	smov.u32 s7  }
0x1a2: {  	s3 =	smov.u32 @p2 s0;
	p2 =	seq.s32 s7, $0xFFFFFFFF;
	s8 =	smov.u32 @p1 s4  }
0x1a3: {  	[sflag:s9] =	ssyncpa.u1 $0x0;
	s7 =	smov.u32 @p2 s3;
	s8 =	smov.u32 @p2 s4  }
.LBB3_32:
0x1a4: {  	p1 =	sgt.u32 s12, $0xABFF0  }
0x1a5: {  	p2 =	seq.s32 @!p1 s12, s8  }
0x1a6: {  	p1 =	por p1, p2  }
0x1a7: {  	p2 =	sne.s32 @!p1 s12, s7  }
0x1a8: {  	p1 =	por p1, !p2  }
0x1a9: {  	s0 =	sshll.u32 @p1 s11, $0x9  }
0x1aa: {  	s0 =	sand.u32 @!p1 $0xFFFF8, s12  }
0x1ab: {  	s2 =	sand.u32 @!p1 $0x7, s12;
	s0 =	sadd.s32 @!p1 s1, s0  }
0x1ac: {  	[tilespmem:s10], [sflag:$0x6] =	stream.linear.gather @!p1 [hbm4b:s0+s2], $0x80, $0x38;
	[tilespmem:$0x1F6F8] =	vst v63  }
0x1ad: {  	_ =	swait.ge @!p1 [sflag:s9], $0x80  }
0x1ae: {  	[sflag:s9] =	ssyncset.done @!p1 $0x0  }
0x1af: {  	[sflag:s9] =	ssyncadd.s32 @!p1 $0xFFFFFF80  }
0x1b0: {  	v1 =	vld @!p1 [tilespmem:$0xF188];
	_ =	sdelay $0x2  }
0x1b1: {  	s0 =	sshll.u32 @!p1 s11, $0x9  }
0x1b2: {  	s2 =	sshrl.u32 @!p1 s0, $0x2  }
0x1b3: {  	[tilespmem:s2+$0xF238] =	vst.add.f32.msk @!p1 $0xffff, v1  }
0x1b4: {  	v1 =	vld @!p1 [tilespmem:$0xF198];
	_ =	sdelay $0x4  }
0x1b5: {  	[tilespmem:s2+$0xF248] =	vst.add.f32.msk @!p1 $0xffff, v1  }
0x1b6: {  	v1 =	vld @!p1 [tilespmem:$0xF1A8];
	_ =	sdelay $0x4  }
0x1b7: {  	[tilespmem:s2+$0xF258] =	vst.add.f32.msk @!p1 $0xffff, v1  }
0x1b8: {  	v1 =	vld @!p1 [tilespmem:$0xF1B8];
	_ =	sdelay $0x4  }
0x1b9: {  	[tilespmem:s2+$0xF268] =	vst.add.f32.msk @!p1 $0xffff, v1  }
0x1ba: {  	v1 =	vld @!p1 [tilespmem:$0xF1C8];
	_ =	sdelay $0x4  }
0x1bb: {  	[tilespmem:s2+$0xF278] =	vst.add.f32.msk @!p1 $0xffff, v1  }
0x1bc: {  	v1 =	vld @!p1 [tilespmem:$0xF1D8];
	_ =	sdelay $0x4  }
0x1bd: {  	[tilespmem:s2+$0xF288] =	vst.add.f32.msk @!p1 $0xffff, v1  }
0x1be: {  	v1 =	vld @!p1 [tilespmem:$0xF1E8];
	_ =	sdelay $0x4  }
0x1bf: {  	[tilespmem:s2+$0xF298] =	vst.add.f32.msk @!p1 $0xffff, v1  }
0x1c0: {  	v1 =	vld @!p1 [tilespmem:$0xF1F8];
	_ =	sdelay $0x4  }
0x1c1: {  	[tilespmem:s2+$0xF2A8] =	vst.add.f32.msk @!p1 $0xffff, v1  }
0x1c2: {  	s0 =	sshrl.u32 s0, $0x2;
	[tilespmem:s6+$0xF218] =	vst.msk $0x1, v0  }
0x1c3: {  	v0 =	vld [tilespmem:s0+$0xF238];
	_ =	sdelay $0x2  }
0x1c4: {  	s31 =	sshll.u32 s6, $0x9  }
0x1c5: {  	s2 =	sshra.s32 s31, $0x2  }
0x1c6: {  	[tilespmem:s2+$0xF238] =	vst v0  }
0x1c7: {  	v0 =	vld [tilespmem:s0+$0xF248];
	_ =	sdelay $0x4  }
0x1c8: {  	[tilespmem:s2+$0xF248] =	vst v0  }
0x1c9: {  	v0 =	vld [tilespmem:s0+$0xF258];
	_ =	sdelay $0x4  }
0x1ca: {  	[tilespmem:s2+$0xF258] =	vst v0  }
0x1cb: {  	v0 =	vld [tilespmem:s0+$0xF268];
	_ =	sdelay $0x4  }
0x1cc: {  	[tilespmem:s2+$0xF268] =	vst v0  }
0x1cd: {  	v0 =	vld [tilespmem:s0+$0xF278];
	_ =	sdelay $0x4  }
0x1ce: {  	[tilespmem:s2+$0xF278] =	vst v0  }
0x1cf: {  	v0 =	vld [tilespmem:s0+$0xF288];
	_ =	sdelay $0x4  }
0x1d0: {  	[tilespmem:s2+$0xF288] =	vst v0  }
0x1d1: {  	v0 =	vld [tilespmem:s0+$0xF298];
	_ =	sdelay $0x4  }
0x1d2: {  	[tilespmem:s2+$0xF298] =	vst v0  }
0x1d3: {  	v0 =	vld [tilespmem:s0+$0xF2A8];
	_ =	sdelay $0x4  }
0x1d4: {  	s6 =	sadd.s32 $0x1, s6;
	[tilespmem:s2+$0xF2A8] =	vst v0  }
.LBB3_33:
0x1d5: {  	s11 =	sadd.s32 $0x1, s11  }
0x1d6: {  	p1 =	sne.s32 s11, $0x20  }
.Ltmp25:
0x1d7: {  	_ = 	snop;
	(pc) =	sbr.rel @!p1 .LBB3_34-.Ltmp25, $1  }
0x1d8: {  	_ =	sdelay $0x3  }
.LBB3_26:
0x1d9: {  	v0 =	vld.msk [tilespmem:s11+$0xF218], $0x1;
	_ =	sdelay $0x4  }
0x1da: {  	(v2sf) =	vpush v0, $0x0;
	_ =	sdelay $0xe  }
0x1db: {  	s12 =	spop (v2sf)  }
0x1dc: {  	p1 =	seq.s32 s12, $0xFFFFFFFF  }
.Ltmp26:
0x1dd: {  	_ = 	snop;
	(pc) =	sbr.rel @p1 .LBB3_33-.Ltmp26, $1  }
0x1de: {  	_ =	sdelay $0x3  }
0x1df: {  	p1 =	slt.s32 s6, $0x1  }
.Ltmp27:
0x1e0: {  	_ = 	snop;
	(pc) =	sbr.rel @p1 .LBB3_32-.Ltmp27, $1  }
0x1e1: {  	_ =	sdelay $0x3  }
0x1e2: {  	s13 =	simm.s32 $0xF218;
	p1 =	por $0x0, $0x0  }
0x1e3: {  	v1 =	vld.msk @!p1 [tilespmem:s13+$0x0], $0x1;
	_ =	sdelay $0x4  }
0x1e4: {  	(v2sf) =	vpush @!p1 v1, $0x0;
	_ =	sdelay $0xd  }
0x1e5: {  	p3 =	sne.s32 s6, $0x1  }
.Ltmp28:
0x1e6: {  	s0 =	spop @!p1 (v2sf);
	(pc) =	sbr.rel @!p3 .LBB3_30-.Ltmp28, $4  }
0x1e7: {  	p2 =	seq.s32 @!p1 s12, s0  }
0x1e8: {  	s14 =	simm.s32 $0x0;
	p2 =	por !p2, p1  }
0x1e9: {  	s2 =	simm.s32 $0xFFFFFFFF;
	s14 =	simm.s32 @p2 $0xFFFFFFFF  }
0x1ea: {  	s0 =	simm.s32 $0x1;
	s14 =	smov.u32 @p1 s2  }
.LBB3_29:
0x1eb: {  	s2 =	smov.u32 s14;
	p1 =	sne.s32 s14, $0xFFFFFFFF  }
0x1ec: {  	s13 =	sadd.s32 $0x1, s13;
	s14 =	smov.u32 s0;
	s0 =	sadd.s32 $0x1, s0  }
0x1ed: {  	p2 =	sne.s32 s6, s0;
	v1 =	vld.msk @!p1 [tilespmem:s13+$0x0], $0x1;
	_ =	sdelay $0x4  }
0x1ee: {  	(v2sf) =	vpush @!p1 v1, $0x0;
	_ =	sdelay $0xe  }
.Ltmp29:
0x1ef: {  	s3 =	spop @!p1 (v2sf);
	(pc) =	sbr.rel @p2 .LBB3_29-.Ltmp29, $4  }
0x1f0: {  	p3 =	seq.s32 @!p1 s12, s3  }
0x1f1: {  	p3 =	por !p3, p1  }
0x1f2: {  	s14 =	simm.s32 @p3 $0xFFFFFFFF  }
0x1f3: {  	s14 =	smov.u32 @p1 s2  }
.LBB3_30:
0x1f4: {  	p1 =	seq.s32 s14, $0xFFFFFFFF  }
.Ltmp30:
0x1f5: {  	_ = 	snop;
	(pc) =	sbr.rel @p1 .LBB3_32-.Ltmp30, $1  }
0x1f6: {  	_ =	sdelay $0x3  }
0x1f7: {  	s0 =	sshll.u32 s11, $0x7  }
0x1f8: {  	s0 =	sand.u32 $0x3FFFFF80, s0  }
0x1f9: {  	v0 =	vld [tilespmem:s0+$0xF238];
	_ =	sdelay $0x2  }
0x1fa: {  	s2 =	sshll.u32 s14, $0x9  }
0x1fb: {  	s2 =	sshra.s32 s2, $0x2  }
0x1fc: {  	[tilespmem:s2+$0xF238] =	vst.add.f32.msk $0xffff, v0  }
0x1fd: {  	v0 =	vld [tilespmem:s0+$0xF248];
	_ =	sdelay $0x4  }
0x1fe: {  	[tilespmem:s2+$0xF248] =	vst.add.f32.msk $0xffff, v0  }
0x1ff: {  	v0 =	vld [tilespmem:s0+$0xF258];
	_ =	sdelay $0x4  }
0x200: {  	[tilespmem:s2+$0xF258] =	vst.add.f32.msk $0xffff, v0  }
0x201: {  	v0 =	vld [tilespmem:s0+$0xF268];
	_ =	sdelay $0x4  }
0x202: {  	[tilespmem:s2+$0xF268] =	vst.add.f32.msk $0xffff, v0  }
0x203: {  	v0 =	vld [tilespmem:s0+$0xF278];
	_ =	sdelay $0x4  }
0x204: {  	[tilespmem:s2+$0xF278] =	vst.add.f32.msk $0xffff, v0  }
0x205: {  	v0 =	vld [tilespmem:s0+$0xF288];
	_ =	sdelay $0x4  }
0x206: {  	[tilespmem:s2+$0xF288] =	vst.add.f32.msk $0xffff, v0  }
0x207: {  	v0 =	vld [tilespmem:s0+$0xF298];
	_ =	sdelay $0x4  }
0x208: {  	[tilespmem:s2+$0xF298] =	vst.add.f32.msk $0xffff, v0  }
0x209: {  	v0 =	vld [tilespmem:s0+$0xF2A8]  }
.Ltmp31:
0x20a: {  	_ = 	snop;
	(pc) =	sbr.rel .LBB3_33-.Ltmp31, $2  }
0x20b: {  	_ =	sdelay $0x2  }
0x20c: {  	[tilespmem:s2+$0xF2A8] =	vst.add.f32.msk $0xffff, v0  }
.LBB3_34:
0x20d: {  	s0 =	simm.s32 $0x6;
	p1 =	seq.s32 s6, $0x0  }
0x20e: {  	[sflag:s0] =	ssyncpa.u1 $0x1;
	v0 =	vimm.s32 @p1 $0xFFFFFFFF  }
0x20f: {  	s9 =	sadd.s32 $0xFFFFFFFF, s6;
	[tilespmem:$0x10238] =	vst @p1 v0  }
0x210: {  	v0 =	vld.msk @!p1 [tilespmem:s9+$0xF218], $0x1;
	_ =	sdelay $0x1  }
0x211: {  	v1 =	vld.msk @!p1 [tilespmem:$0xF218], $0x1;
	_ =	sdelay $0x2  }
0x212: {  	p2 =	seq.s32 @!p1 s9, $0x0;
	v0 =	vbroadcast @!p1 v0, $0x0  }
0x213: {  	vm0 =	vmmov @!p1 $0x1;
	p2 =	por !p2, p1  }
0x214: {  	v1 =	vnsel @!p1 vm0, $0xFFFFFFFF, v1;
	vm0 =	vcmask @!p1 $0x308;
	v0 =	vpsel !p2, $0xFFFFFFFF, v0  }
0x215: {  	p2 =	sne.s32 @!p1 s8, s7;
	v0 =	vsel @!p1 vm0, v1, v0  }
0x216: {  	s0 =	simm.s32 @!p1 $0xF238;
	s2 =	simm.s32 @!p1 $0x0;
	p3 =	por !p2, p1;
	[tilespmem:$0x10238] =	vst @!p1 v0  }
0x217: {  	[spmem:s2] =	stream.linear.scatter @!p1 [tilespmem:s0], [sflag:$0x1], $0x80, $0x38;
	[tilespmem:$0x1F6F8] =	vst v63  }
0x218: {  	s0 =	sshll.u32 @!p3 s9, $0x9  }
0x219: {  	s0 =	sshra.s32 @!p3 s0, $0x2  }
0x21a: {  	s2 =	simm.s32 @!p3 $0x80;
	s0 =	sadd.s32 @!p3 $0xF238, s0  }
0x21b: {  	[spmem:s2] =	stream.linear.scatter @!p3 [tilespmem:s0], [sflag:$0x1], $0x80, $0x38;
	[tilespmem:$0x1F6F8] =	vst v63  }
0x21c: {  	s0 =	simm.s32 @!p3 $0x1  }
0x21d: {  	_ =	swait.ge @!p3 [sflag:s0], $0x100  }
0x21e: {  	p1 =	por p2, p1;
	[sflag:s0] =	ssyncset.done @!p3 $0x0  }
0x21f: {  	[sflag:s0] =	ssyncadd.s32 @!p3 $0xFFFFFF00;
	s0 =	simm.s32 @!p1 $0x1  }
0x220: {  	_ =	swait.ge @!p1 [sflag:s0], $0x80  }
0x221: {  	s29 =	simm.s32 $0x10238;
	[sflag:s0] =	ssyncset.done @!p1 $0x0  }
0x222: {  	s30 =	simm.s32 $0x1000;
	s31 =	simm.s32 $0x1;
	[sflag:s0] =	ssyncadd.s32 @!p1 $0xFFFFFF80  }
0x223: {  	[spmem:s30] =	stream.linear.scatter [tilespmem:s29], [sflag:$0x1], $0x10, $0x38;
	[tilespmem:$0x1F6F8] =	vst v63  }
0x224: {  	_ =	swait.ge [sflag:s31], $0x10  }
0x225: {  	[sflag:s31] =	ssyncset.done $0x0  }
0x226: {  	p1 =	seq.s32 s15, $0x0;
	s8 =	rddreg [dreg:$0x1];
	[sflag:s31] =	ssyncadd.s32 $0xFFFFFFF0  }
0x227: {  	s2 =	sshll.u32 @p1 s8, $0xE;
	s7 =	rddreg [dreg:$0x2]  }
0x228: {  	s0 =	sadd.s32 @p1 $0x15C3C, s2;
	s2 =	sshll.u32 @p1 s7, $0x11  }
0x229: {  	_ =	sfence.stream.spmem;
	s0 =	sor.u32 @p1 s2, s0  }
0x22a: {  	[sflag:s0] =	ssyncadd.remote.s32 @p1 $0x1;
	s0 =	simm.s32 @p1 $0x4  }
0x22b: {  	s3 =	simm.s32 @!p1 $0x3C;
	s2 =	sand.u32 $0xFFFFFFFE, s8;
	_ =	swait.ge @p1 [sflag:s0], $0x22  }
0x22c: {  	s4 =	simm.s32 @!p1 $0x0;
	s2 =	sadd.s32 @!p1 $0x4, s2;
	[sflag:s0] =	ssyncset.done @p1 $0x0  }
0x22d: {  	s5 =	simm.s32 @!p1 $0x100;
	[sflag:s0] =	ssyncadd.s32 @p1 $0xFFFFFFDE;
	s0 =	sshll.u32 @!p1 s2, $0x1A  }
0x22e: {  	s2 =	sshll.u32 @!p1 s2, $0xD;
	s0 =	sor.u32 @!p1 s0, s7;
	_ =	swait.eq @!p1 [sflag:s3], $0x1  }
0x22f: {  	s2 =	sor.u32 @!p1 $0x1C04, s2;
	s3 =	simm.s32 @!p1 $0x1C03;
	s0 =	sor.u32 @!p1 $0x80004000, s0  }
0x230: {  	[spmem:s5], [sflag:s2] =	dma.general @!p1 [spmem:s4], [sflag:s3], length:$0x20, [dreg:$0x0], stride_count:$0x0, ici_dest:s0, dma_misc:DstOpCode:WRITE  }
0x231: {  	p2 =	slt.s32 s9, $0x2;
	s4 =	simm.s32 @!p1 $0x200;
	s5 =	simm.s32 @!p1 $0x202  }
0x232: {  	[spmem:s5], [sflag:s2] =	dma.general @!p1 [spmem:s4], [sflag:s3], length:$0x2, [dreg:$0x0], stride_count:$0x0, ici_dest:s0, dma_misc:DstOpCode:WRITE  }
.Ltmp32:
0x233: {  	s0 =	simm.s32 @!p1 $0x3;
	(pc) =	sbr.rel @p2 .LBB3_38-.Ltmp32, $4  }
0x234: {  	s2 =	sshll.u32 @!p1 s8, $0xE;
	_ =	swait.ge @!p1 [sflag:s0], $0x22  }
0x235: {  	s3 =	sshll.u32 @!p1 s7, $0x11;
	s2 =	sadd.s32 @!p1 $0x11C3C, s2;
	[sflag:s0] =	ssyncset.done @!p1 $0x0  }
0x236: {  	[sflag:s0] =	ssyncadd.s32 @!p1 $0xFFFFFFDE;
	s0 =	sor.u32 @!p1 s3, s2  }
0x237: {  	[sflag:s0] =	ssyncadd.remote.s32 @!p1 $0xFFFFFFFF;
	s0 =	simm.s32 $0x0  }
0x238: {  	s0 =	simm.s32 $0xF219  }
0x239: {  	v0 =	vld.msk [tilespmem:s0+$0x0], $0x1;
	_ =	sdelay $0x4  }
0x23a: {  	(v2sf) =	vpush v0, $0x0;
	_ =	sdelay $0xb  }
0x23b: {  	s31 =	sadd.s32 $0xFFFFFFFE, s6  }
0x23c: {  	s0 =	sadd.s32 $0xFFFFFFFF, s31  }
0x23d: {  	p2 =	sne.s32 s0, $0x0  }
.Ltmp33:
0x23e: {  	s2 =	spop (v2sf);
	(pc) =	sbr.rel @!p2 .LBB3_37-.Ltmp33, $4  }
0x23f: {  	s4 =	simm.s32 $0xF2B8;
	s7 =	simm.s32 $0x0;
	p1 =	sgt.u32 s2, $0xABFF0  }
0x240: {  	s5 =	simm.s32 $0x0;
	s6 =	simm.s32 $0xF21A;
	s3 =	sand.u32 @!p1 $0xFFFF8, s2  }
0x241: {  	s2 =	sand.u32 @!p1 $0x7, s2;
	s7 =	simm.s32 @!p1 $0x200;
	s3 =	sadd.s32 @!p1 s1, s3  }
0x242: {  	[hbm4b:s3+s2] =	stream.linear.scatter @!p1 [tilespmem:s4], [sflag:$0x5], $0x80, $0x38;
	[tilespmem:$0x1F6F8] =	vst v63  }
.LBB3_36:
0x243: {  	v0 =	vld.msk [tilespmem:s6+$0x0], $0x1;
	s0 =	sadd.s32 $0xFFFFFFFF, s0;
	s5 =	sadd.s32 s5, s7  }
0x244: {  	p1 =	sne.s32 s0, $0x0;
	_ =	sdelay $0x3  }
0x245: {  	(v2sf) =	vpush v0, $0x0;
	_ =	sdelay $0xe  }
.Ltmp34:
0x246: {  	s2 =	spop (v2sf);
	(pc) =	sbr.rel @p1 .LBB3_36-.Ltmp34, $4  }
0x247: {  	s7 =	simm.s32 $0x0;
	p2 =	sgt.u32 s2, $0xABFF0  }
0x248: {  	s4 =	sadd.s32 $0x80, s4;
	s7 =	simm.s32 @!p2 $0x200;
	s3 =	sand.u32 @!p2 $0xFFFF8, s2  }
0x249: {  	s6 =	sadd.s32 $0x1, s6;
	s2 =	sand.u32 @!p2 $0x7, s2;
	s3 =	sadd.s32 @!p2 s1, s3  }
0x24a: {  	[hbm4b:s3+s2] =	stream.linear.scatter @!p2 [tilespmem:s4], [sflag:$0x5], $0x80, $0x38;
	[tilespmem:$0x1F6F8] =	vst v63  }
.LBB3_37:
0x24b: {  	s0 =	sadd.s32 s5, s7  }
0x24c: {  	s0 =	sshrl.u32 s0, $0x2  }
.LBB3_38:
0x24d: {  	s2 =	simm.s32 $0x5  }
0x24e: {  	_ =	swait.ge [sflag:s2], s0  }
0x24f: {  	s31 =	ssub.s32 $0x0, s0;
	[sflag:s2] =	ssyncset.done $0x0  }
0x250: {  	[sflag:s2] =	ssyncadd.s32 s31  }
0x251: {  	[sflag:s2] =	ssyncpa.u1 $0x1  }
.LBB3_39:
0x252: {  	s0 =	sor.u32 s15, s16  }
0x253: {  	p1 =	sne.s32 s0, $0x0  }
.Ltmp35:
0x254: {  	_ = 	snop;
	(pc) =	sbr.rel @p1 .LBB3_54-.Ltmp35, $3  }
0x255: {  	_ =	sdelay $0x1  }
0x256: {  	[bflag:$0x0] =	sbarrier.arrive $0xFFFF  }
0x257: {  	_ =	sfence  }
0x258: {  	s0 =	simm.s32 $0x7  }
0x259: {  	s2 =	simm.s32 $0x1000;
	s3 =	simm.s32 $0xF218;
	[sflag:s0] =	ssyncpa.u1 $0x0  }
0x25a: {  	[tilespmem:s3], [sflag:$0x7] =	stream.linear.gather [spmem:s2], $0x20, $0x38;
	[tilespmem:$0x1F6F8] =	vst v63  }
0x25b: {  	s30 =	simm.s32 $0xF238;
	s2 =	simm.s32 $0x0  }
0x25c: {  	[tilespmem:s30], [sflag:$0x7] =	stream.linear.gather [spmem:s2], $0x1000, $0x38;
	[tilespmem:$0x1F6F8] =	vst v63  }
.Ltmp36:
0x25d: {  	_ = 	snop;
	(pc) =	sbr.rel .LBB3_41-.Ltmp36, $4  }
0x25e: {  	_ =	swait.ge [sflag:s0], $0x1020  }
0x25f: {  	[sflag:s0] =	ssyncset.done $0x0  }
0x260: {  	s31 =	simm.s32 $0x8;
	[sflag:s0] =	ssyncadd.s32 $0xFFFFEFE0  }
0x261: {  	s3 =	simm.s32 $0x0;
	[sflag:s31] =	ssyncpa.u1 $0x0  }
.LBB3_47:
0x262: {  	p1 =	slt.u32 s4, $0xABFF1  }
0x263: {  	s0 =	sand.u32 @p1 $0xFFFF8, s4  }
0x264: {  	s4 =	sand.u32 @p1 $0x7, s4;
	s5 =	simm.s32 @p1 $0xF188;
	s0 =	sadd.s32 @p1 s1, s0  }
0x265: {  	[tilespmem:s5], [sflag:$0x8] =	stream.linear.gather @p1 [hbm4b:s0+s4], $0x80, $0x38;
	[tilespmem:$0x1F6F8] =	vst v63  }
0x266: {  	s0 =	simm.s32 @p1 $0x8  }
0x267: {  	_ =	swait.ge @p1 [sflag:s0], $0x80  }
0x268: {  	[sflag:s0] =	ssyncset.done @p1 $0x0  }
0x269: {  	[sflag:s0] =	ssyncadd.s32 @p1 $0xFFFFFF80  }
0x26a: {  	v1 =	vld @p1 [tilespmem:$0xF188];
	_ =	sdelay $0x2  }
0x26b: {  	s0 =	sshll.u32 @p1 s3, $0x9  }
0x26c: {  	s4 =	sshrl.u32 @p1 s0, $0x2  }
0x26d: {  	[tilespmem:s4+$0xF238] =	vst.add.f32.msk @p1 $0xffff, v1  }
0x26e: {  	v1 =	vld @p1 [tilespmem:$0xF198];
	_ =	sdelay $0x4  }
0x26f: {  	[tilespmem:s4+$0xF248] =	vst.add.f32.msk @p1 $0xffff, v1  }
0x270: {  	v1 =	vld @p1 [tilespmem:$0xF1A8];
	_ =	sdelay $0x4  }
0x271: {  	[tilespmem:s4+$0xF258] =	vst.add.f32.msk @p1 $0xffff, v1  }
0x272: {  	v1 =	vld @p1 [tilespmem:$0xF1B8];
	_ =	sdelay $0x4  }
0x273: {  	[tilespmem:s4+$0xF268] =	vst.add.f32.msk @p1 $0xffff, v1  }
0x274: {  	v1 =	vld @p1 [tilespmem:$0xF1C8];
	_ =	sdelay $0x4  }
0x275: {  	[tilespmem:s4+$0xF278] =	vst.add.f32.msk @p1 $0xffff, v1  }
0x276: {  	v1 =	vld @p1 [tilespmem:$0xF1D8];
	_ =	sdelay $0x4  }
0x277: {  	[tilespmem:s4+$0xF288] =	vst.add.f32.msk @p1 $0xffff, v1  }
0x278: {  	v1 =	vld @p1 [tilespmem:$0xF1E8];
	_ =	sdelay $0x4  }
0x279: {  	[tilespmem:s4+$0xF298] =	vst.add.f32.msk @p1 $0xffff, v1  }
0x27a: {  	v1 =	vld @p1 [tilespmem:$0xF1F8];
	_ =	sdelay $0x3  }
0x27b: {  	s5 =	sshll.u32 @!p1 s3, $0x9  }
0x27c: {  	s5 =	smov.u32 @p1 s0;
	[tilespmem:s4+$0xF2A8] =	vst.add.f32.msk @p1 $0xffff, v1  }
0x27d: {  	s0 =	sshrl.u32 s5, $0x2;
	[tilespmem:s2+$0xF218] =	vst.msk $0x1, v0  }
0x27e: {  	v0 =	vld [tilespmem:s0+$0xF238];
	_ =	sdelay $0x2  }
0x27f: {  	s31 =	sshll.u32 s2, $0x9  }
0x280: {  	s4 =	sshra.s32 s31, $0x2  }
0x281: {  	[tilespmem:s4+$0xF238] =	vst v0  }
0x282: {  	v0 =	vld [tilespmem:s0+$0xF248];
	_ =	sdelay $0x4  }
0x283: {  	[tilespmem:s4+$0xF248] =	vst v0  }
0x284: {  	v0 =	vld [tilespmem:s0+$0xF258];
	_ =	sdelay $0x4  }
0x285: {  	[tilespmem:s4+$0xF258] =	vst v0  }
0x286: {  	v0 =	vld [tilespmem:s0+$0xF268];
	_ =	sdelay $0x4  }
0x287: {  	[tilespmem:s4+$0xF268] =	vst v0  }
0x288: {  	v0 =	vld [tilespmem:s0+$0xF278];
	_ =	sdelay $0x4  }
0x289: {  	[tilespmem:s4+$0xF278] =	vst v0  }
0x28a: {  	v0 =	vld [tilespmem:s0+$0xF288];
	_ =	sdelay $0x4  }
0x28b: {  	[tilespmem:s4+$0xF288] =	vst v0  }
0x28c: {  	v0 =	vld [tilespmem:s0+$0xF298];
	_ =	sdelay $0x4  }
0x28d: {  	[tilespmem:s4+$0xF298] =	vst v0  }
0x28e: {  	v0 =	vld [tilespmem:s0+$0xF2A8];
	_ =	sdelay $0x4  }
0x28f: {  	s2 =	sadd.s32 $0x1, s2;
	[tilespmem:s4+$0xF2A8] =	vst v0  }
.LBB3_48:
0x290: {  	s3 =	sadd.s32 $0x1, s3  }
0x291: {  	p1 =	sne.s32 s3, $0x20  }
.Ltmp37:
0x292: {  	_ = 	snop;
	(pc) =	sbr.rel @!p1 .LBB3_49-.Ltmp37, $1  }
0x293: {  	_ =	sdelay $0x3  }
.LBB3_41:
0x294: {  	v0 =	vld.msk [tilespmem:s3+$0xF218], $0x1;
	_ =	sdelay $0x4  }
0x295: {  	(v2sf) =	vpush v0, $0x0;
	_ =	sdelay $0xe  }
0x296: {  	s4 =	spop (v2sf)  }
0x297: {  	p1 =	seq.s32 s4, $0xFFFFFFFF  }
.Ltmp38:
0x298: {  	_ = 	snop;
	(pc) =	sbr.rel @p1 .LBB3_48-.Ltmp38, $1  }
0x299: {  	_ =	sdelay $0x3  }
0x29a: {  	p1 =	slt.s32 s2, $0x1  }
.Ltmp39:
0x29b: {  	_ = 	snop;
	(pc) =	sbr.rel @p1 .LBB3_47-.Ltmp39, $1  }
0x29c: {  	_ =	sdelay $0x3  }
0x29d: {  	s5 =	simm.s32 $0xF218;
	p1 =	por $0x0, $0x0  }
0x29e: {  	v1 =	vld.msk @!p1 [tilespmem:s5+$0x0], $0x1;
	_ =	sdelay $0x4  }
0x29f: {  	(v2sf) =	vpush @!p1 v1, $0x0;
	_ =	sdelay $0xd  }
0x2a0: {  	p3 =	sne.s32 s2, $0x1  }
.Ltmp40:
0x2a1: {  	s0 =	spop @!p1 (v2sf);
	(pc) =	sbr.rel @!p3 .LBB3_45-.Ltmp40, $4  }
0x2a2: {  	p2 =	seq.s32 @!p1 s4, s0  }
0x2a3: {  	s6 =	simm.s32 $0x0;
	p2 =	por !p2, p1  }
0x2a4: {  	s7 =	simm.s32 $0xFFFFFFFF;
	s6 =	simm.s32 @p2 $0xFFFFFFFF  }
0x2a5: {  	s0 =	simm.s32 $0x1;
	s6 =	smov.u32 @p1 s7  }
.LBB3_44:
0x2a6: {  	s7 =	smov.u32 s6;
	p1 =	sne.s32 s6, $0xFFFFFFFF  }
0x2a7: {  	s5 =	sadd.s32 $0x1, s5;
	s6 =	smov.u32 s0;
	s0 =	sadd.s32 $0x1, s0  }
0x2a8: {  	p2 =	sne.s32 s2, s0;
	v1 =	vld.msk @!p1 [tilespmem:s5+$0x0], $0x1;
	_ =	sdelay $0x4  }
0x2a9: {  	(v2sf) =	vpush @!p1 v1, $0x0;
	_ =	sdelay $0xe  }
.Ltmp41:
0x2aa: {  	s8 =	spop @!p1 (v2sf);
	(pc) =	sbr.rel @p2 .LBB3_44-.Ltmp41, $4  }
0x2ab: {  	p3 =	seq.s32 @!p1 s4, s8  }
0x2ac: {  	p3 =	por !p3, p1  }
0x2ad: {  	s6 =	simm.s32 @p3 $0xFFFFFFFF  }
0x2ae: {  	s6 =	smov.u32 @p1 s7  }
.LBB3_45:
0x2af: {  	p1 =	seq.s32 s6, $0xFFFFFFFF  }
.Ltmp42:
0x2b0: {  	_ = 	snop;
	(pc) =	sbr.rel @p1 .LBB3_47-.Ltmp42, $1  }
0x2b1: {  	_ =	sdelay $0x3  }
0x2b2: {  	s0 =	sshll.u32 s3, $0x7  }
0x2b3: {  	s0 =	sand.u32 $0x3FFFFF80, s0  }
0x2b4: {  	v0 =	vld [tilespmem:s0+$0xF238];
	_ =	sdelay $0x2  }
0x2b5: {  	s4 =	sshll.u32 s6, $0x9  }
0x2b6: {  	s4 =	sshra.s32 s4, $0x2  }
0x2b7: {  	[tilespmem:s4+$0xF238] =	vst.add.f32.msk $0xffff, v0  }
0x2b8: {  	v0 =	vld [tilespmem:s0+$0xF248];
	_ =	sdelay $0x4  }
0x2b9: {  	[tilespmem:s4+$0xF248] =	vst.add.f32.msk $0xffff, v0  }
0x2ba: {  	v0 =	vld [tilespmem:s0+$0xF258];
	_ =	sdelay $0x4  }
0x2bb: {  	[tilespmem:s4+$0xF258] =	vst.add.f32.msk $0xffff, v0  }
0x2bc: {  	v0 =	vld [tilespmem:s0+$0xF268];
	_ =	sdelay $0x4  }
0x2bd: {  	[tilespmem:s4+$0xF268] =	vst.add.f32.msk $0xffff, v0  }
0x2be: {  	v0 =	vld [tilespmem:s0+$0xF278];
	_ =	sdelay $0x4  }
0x2bf: {  	[tilespmem:s4+$0xF278] =	vst.add.f32.msk $0xffff, v0  }
0x2c0: {  	v0 =	vld [tilespmem:s0+$0xF288];
	_ =	sdelay $0x4  }
0x2c1: {  	[tilespmem:s4+$0xF288] =	vst.add.f32.msk $0xffff, v0  }
0x2c2: {  	v0 =	vld [tilespmem:s0+$0xF298];
	_ =	sdelay $0x4  }
0x2c3: {  	[tilespmem:s4+$0xF298] =	vst.add.f32.msk $0xffff, v0  }
0x2c4: {  	v0 =	vld [tilespmem:s0+$0xF2A8]  }
.Ltmp43:
0x2c5: {  	_ = 	snop;
	(pc) =	sbr.rel .LBB3_48-.Ltmp43, $2  }
0x2c6: {  	_ =	sdelay $0x2  }
0x2c7: {  	[tilespmem:s4+$0xF2A8] =	vst.add.f32.msk $0xffff, v0  }
.LBB3_49:
0x2c8: {  	p1 =	slt.s32 s2, $0x1  }
.Ltmp44:
0x2c9: {  	_ = 	snop;
	(pc) =	sbr.rel @p1 .LBB3_53-.Ltmp44, $3  }
0x2ca: {  	_ =	sdelay $0x1  }
0x2cb: {  	s0 =	simm.s32 $0x8  }
0x2cc: {  	s3 =	simm.s32 $0x0;
	[sflag:s0] =	ssyncpa.u1 $0x1  }
0x2cd: {  	s0 =	simm.s32 $0xF218  }
0x2ce: {  	v0 =	vld.msk [tilespmem:s0+$0x0], $0x1;
	_ =	sdelay $0x4  }
0x2cf: {  	(v2sf) =	vpush v0, $0x0;
	_ =	sdelay $0xe  }
0x2d0: {  	s0 =	sadd.s32 $0xFFFFFFFF, s2;
	s5 =	spop (v2sf)  }
0x2d1: {  	p2 =	sne.s32 s0, $0x0;
	p1 =	sgt.u32 s5, $0xABFF0  }
.Ltmp45:
0x2d2: {  	s6 =	sand.u32 @!p1 $0xFFFF8, s5;
	(pc) =	sbr.rel @!p2 .LBB3_52-.Ltmp45, $4  }
0x2d3: {  	s4 =	simm.s32 $0xF238;
	s5 =	sand.u32 @!p1 $0x7, s5;
	s2 =	sadd.s32 @!p1 s1, s6  }
0x2d4: {  	[hbm4b:s2+s5] =	stream.linear.scatter @!p1 [tilespmem:s4], [sflag:$0x7], $0x80, $0x38;
	[tilespmem:$0x1F6F8] =	vst v63  }
0x2d5: {  	s5 =	simm.s32 $0x0  }
0x2d6: {  	s2 =	simm.s32 $0xF219;
	s5 =	simm.s32 @!p1 $0x200  }
.LBB3_51:
0x2d7: {  	v0 =	vld.msk [tilespmem:s2+$0x0], $0x1;
	s0 =	sadd.s32 $0xFFFFFFFF, s0;
	s3 =	sadd.s32 s3, s5  }
0x2d8: {  	p1 =	sne.s32 s0, $0x0;
	_ =	sdelay $0x3  }
0x2d9: {  	(v2sf) =	vpush v0, $0x0;
	_ =	sdelay $0xe  }
.Ltmp46:
0x2da: {  	s6 =	spop (v2sf);
	(pc) =	sbr.rel @p1 .LBB3_51-.Ltmp46, $4  }
0x2db: {  	s5 =	simm.s32 $0x0;
	p2 =	sgt.u32 s6, $0xABFF0  }
0x2dc: {  	s4 =	sadd.s32 $0x80, s4;
	s5 =	simm.s32 @!p2 $0x200;
	s7 =	sand.u32 @!p2 $0xFFFF8, s6  }
0x2dd: {  	s2 =	sadd.s32 $0x1, s2;
	s6 =	sand.u32 @!p2 $0x7, s6;
	s7 =	sadd.s32 @!p2 s1, s7  }
0x2de: {  	[hbm4b:s7+s6] =	stream.linear.scatter @!p2 [tilespmem:s4], [sflag:$0x7], $0x80, $0x38;
	[tilespmem:$0x1F6F8] =	vst v63  }
.LBB3_52:
0x2df: {  	s0 =	sadd.s32 s3, s5  }
0x2e0: {  	s3 =	sshrl.u32 s0, $0x2  }
.LBB3_53:
0x2e1: {  	s0 =	simm.s32 $0x7  }
0x2e2: {  	_ =	swait.ge [sflag:s0], s3  }
0x2e3: {  	s1 =	ssub.s32 $0x0, s3;
	[sflag:s0] =	ssyncset.done $0x0  }
0x2e4: {  	[sflag:s0] =	ssyncadd.s32 s1  }
0x2e5: {  	[sflag:s0] =	ssyncpa.u1 $0x1  }
.LBB3_54:
0x2e6: {  	_ =	sfence;
	s0 =	simm.s32 $0x1  }
0x2e7: {  	[sflag:s0] =	ssyncpa.u1 $0x1  }
0x2e8: {  	_ =	strace $0x9000004D  }
0x2e9: {  	[bflag:$0x2] =	sbarrier.arrive $0xFFFF  }
0x2ea: {  	s0 =	rddreg [dreg:$0x3]  }
0x2eb: {  	s0 =	sadd.s32 @!p0 $0x100000, s0  }
0x2ec: {  	[sflag:s0] =	ssyncadd.tile.s32 @!p0 $0x1;
	_ =	shalt  }
.Lfunc_end3:
_tile_overlayer_lowered:
.L_overlay_start_3:
0x2ed: {  	(tag) =	ssettag $0x3  }
0x2ee: {  	s0 =	rddreg [dreg:$0x0];
	s2 =	stileid.u32  }
0x2ef: {  	s1 =	rddreg [dreg:$0x1];
	p0 =	sne.s32 s2, $0x0  }
0x2f0: {  	s3 =	rddreg [dreg:$0x2];
	[bflag:$0x3] =	sbarrier.arrive $0xFFFF;
	s2 =	simm.s32 @!p0 $0x1C01  }
0x2f1: {  	[timem:s3], [sflag:s2] =	dma.local @!p0 [hbm:s0], s1  }
0x2f2: {  	s0 =	simm.s32 @!p0 $0x1  }
0x2f3: {  	_ =	swait.ge @!p0 [sflag:s0], s1  }
0x2f4: {  	s1 =	ssub.s32 @!p0 $0x0, s1;
	[sflag:s0] =	ssyncset.done @!p0 $0x0  }
0x2f5: {  	[sflag:s0] =	ssyncadd.s32 @!p0 s1  }
0x2f6: {  	[bflag:$0x3] =	sbarrier.arrive $0xFFFF  }
0x2f7: {  	_ =	shalt  }

</sc_bundles>
